<compile_context>
chip_gen: v7x
topology: tpu7x:2x2x1
jax: 0.10.2.dev20260603
libtpu: 0.0.44.dev20260713+nightly
codegen_flags: <defaults>
</compile_context>

<pallas_src>
import functools

import jax
import jax.numpy as jnp
from jax import lax
from jax.experimental import pallas as pl
from jax.experimental.pallas import tpu as pltpu
from jax.experimental.pallas import tpu_sc as plsc

NC = 2
NS = 16
NW = NC * NS
L = 16


def _sc_pool(idx_w, emb_one_flat, emb_second_row, *, B, F, K, BPW):
    mesh = plsc.VectorSubcoreMesh(core_axis_name="c", subcore_axis_name="s")

    @functools.partial(
        pl.kernel,
        out_type=(
            jax.ShapeDtypeStruct((B, K), jnp.float32),
            jax.ShapeDtypeStruct((B, K), jnp.float32),
            jax.ShapeDtypeStruct((B,), jnp.float32),
        ),
        mesh=mesh,
        scratch_types=[
            pltpu.VMEM((F, BPW), jnp.int32),
            pltpu.VMEM((F, BPW, K), jnp.float32),
            pltpu.VMEM((F, BPW), jnp.float32),
            pltpu.VMEM((BPW, K), jnp.float32),
            pltpu.VMEM((BPW, K), jnp.float32),
            pltpu.VMEM((BPW,), jnp.float32),
            pltpu.SemaphoreType.DMA,
            pltpu.SemaphoreType.DMA,
        ],
        compiler_params=pltpu.CompilerParams(use_tc_tiling_on_sc=False),
    )
    def k(idx_hbm, emb1_hbm, emb2_hbm, sum_out, sq_out, one_out,
          idx_v, rows_v, one_v, sum_v, sq_v, ones_v, sem2, sem1):
        wid = lax.axis_index("s") * NC + lax.axis_index("c")
        base = wid * BPW
        pltpu.sync_copy(idx_hbm.at[wid], idx_v)
        cps = []
        for f in range(F):
            cps.append(pltpu.async_copy(emb2_hbm.at[idx_v.at[f]], rows_v.at[f], sem2))
            cps.append(pltpu.async_copy(emb1_hbm.at[idx_v.at[f]], one_v.at[f], sem1))
        for c in cps:
            c.wait()

        def body(j, carry):
            s = rows_v[0, j]
            q = s * s
            for f in range(1, F):
                v = rows_v[f, j]
                s = s + v
                q = q + v * v
            sum_v[j] = s
            sq_v[j] = q
            return carry

        lax.fori_loop(0, BPW, body, 0, unroll=False)

        for g in range(BPW // L):
            a = one_v[0, pl.ds(g * L, L)]
            for f in range(1, F):
                a = a + one_v[f, pl.ds(g * L, L)]
            ones_v[pl.ds(g * L, L)] = a

        pltpu.sync_copy(sum_v, sum_out.at[pl.ds(base, BPW)])
        pltpu.sync_copy(sq_v, sq_out.at[pl.ds(base, BPW)])
        pltpu.sync_copy(ones_v, one_out.at[pl.ds(base, BPW)])

    return k(idx_w, emb_one_flat, emb_second_row)


def _tc_combine(sum_vec, sq_vec, one_sum, dense_inputs, dense_one_row,
                dense_second_mat, zero_bias):
    B, K = sum_vec.shape

    def body(sum_ref, sq_ref, one_ref, dense_ref, d1_ref, ds2_ref, bias_ref,
             out_ref):
        dense = dense_ref[...]
        ds2 = ds2_ref[...]
        s = sum_ref[...] + jnp.dot(dense, ds2, preferred_element_type=jnp.float32)
        q = sq_ref[...] + jnp.dot(dense * dense, ds2 * ds2,
                                  preferred_element_type=jnp.float32)
        first = one_ref[...] + jnp.sum(dense * d1_ref[...], axis=1, keepdims=True)
        second = 0.5 * jnp.sum(s * s - q, axis=1, keepdims=True)
        out_ref[...] = jax.nn.sigmoid(first + second + bias_ref[0, 0])

    return pl.pallas_call(
        body,
        out_shape=jax.ShapeDtypeStruct((B, 1), jnp.float32),
    )(sum_vec, sq_vec, one_sum.reshape(B, 1), dense_inputs,
      dense_one_row, dense_second_mat, zero_bias.reshape(1, 1))


def kernel(sparse_inputs, dense_inputs, emb_one, emb_second, dense_one,
           dense_second, zero_bias):
    B, F = sparse_inputs.shape
    V, K = emb_second.shape
    BPW = B // NW
    idx_w = sparse_inputs.astype(jnp.int32).reshape(NW, BPW, F).transpose(0, 2, 1)
    sum_vec, sq_vec, one_sum = _sc_pool(
        idx_w, emb_one.reshape(V), emb_second, B=B, F=F, K=K, BPW=BPW)
    return _tc_combine(sum_vec, sq_vec, one_sum, dense_inputs,
                       dense_one.reshape(1, -1), dense_second.reshape(-1, K),
                       zero_bias)

# --- scband reference (transcript-rebuilt; emitter-appended) ---
"""Pipeline reference for scband-fmlayer-87041807221404 (READ-ONLY COPY).

The authoritative reference and input builder live on the scoring server;
editing this copy changes nothing except your own understanding.
"""

import jax, jax.numpy as jnp
import numpy as np

VOCAB = 1000000
EMB_DIM = 16
N_SPARSE = 26
N_DENSE = 13
BATCH = 4096


def setup_inputs(seed: int = 0) -> dict:
    key = jax.random.key(seed)
    k1, k2, k3, k4, k5, k6 = jax.random.split(key, 6)
    sparse_inputs = jax.random.randint(k1, (BATCH, N_SPARSE), 0, VOCAB, dtype=jnp.int64 if jax.config.jax_enable_x64 else jnp.int32)
    dense_inputs = jax.random.uniform(k2, (BATCH, N_DENSE), dtype=jnp.float32)
    std = 0.1 / np.sqrt(float(EMB_DIM))
    emb_one = jax.random.normal(k3, (VOCAB, 1), dtype=jnp.float32) * std
    emb_second = jax.random.normal(k4, (VOCAB, EMB_DIM), dtype=jnp.float32) * std
    dense_one = jnp.ones((N_DENSE,), dtype=jnp.float32)
    dense_second = jnp.ones((1, N_DENSE, EMB_DIM), dtype=jnp.float32)
    zero_bias = jnp.zeros((1,), dtype=jnp.float32)
    return {
        "sparse_inputs": sparse_inputs,
        "dense_inputs": dense_inputs,
        "emb_one": emb_one,
        "emb_second": emb_second,
        "dense_one": dense_one,
        "dense_second": dense_second,
        "zero_bias": zero_bias,
    }


def reference(sparse_inputs, dense_inputs, emb_one, emb_second, dense_one, dense_second, zero_bias):
    # first order
    sparse_emb_one = jnp.take(emb_one, sparse_inputs, axis=0)  # [B, F, 1]
    dense_emb_one = (dense_one * dense_inputs)[:, :, None]     # [B, D, 1]
    score_first_order = jnp.sum(sparse_emb_one, axis=1) + jnp.sum(dense_emb_one, axis=1)  # [B, 1]
    # second order
    sparse_embedding = jnp.take(emb_second, sparse_inputs, axis=0)  # [B, F, K]
    dense_inputs_re = dense_inputs[:, :, None]                      # [B, D, 1]
    dense_embedding = dense_second * dense_inputs_re                # [B, D, K]
    fea_embedding = jnp.concatenate([sparse_embedding, dense_embedding], axis=1)  # [B, F+D, K]
    summed = jnp.sum(fea_embedding, axis=1)
    summed_sq = jnp.square(summed)
    sq = jnp.square(fea_embedding)
    sq_sum = jnp.sum(sq, axis=1)
    score_second_order = 0.5 * jnp.sum(summed_sq - sq_sum, axis=1, keepdims=True)  # [B, 1]
    predict = jax.nn.sigmoid(score_first_order + score_second_order + zero_bias)
    return predict

if __name__ == "__main__":
    import jax
    _d = setup_inputs()
    print(jax.jit(kernel)(*tuple(_d.values())))

</pallas_src>

<mosaic_0001>
#map = affine_map<(d0, d1) -> (0, 0, 0)>
#map1 = affine_map<(d0, d1) -> (0)>
#map2 = affine_map<(d0, d1) -> (0, 0)>
module attributes {stable_mosaic.version = 14 : i64} {
  func.func @k(%arg0: i32, %arg1: i32, %arg2: memref<32x26x128xi32, #tpu.memory_space<hbm>>, %arg3: memref<1000000xf32, #tpu.memory_space<hbm>>, %arg4: memref<1000000x16xf32, #tpu.memory_space<hbm>>, %arg5: memref<4096x16xf32, #tpu.memory_space<hbm>>, %arg6: memref<4096x16xf32, #tpu.memory_space<hbm>>, %arg7: memref<4096xf32, #tpu.memory_space<hbm>>, %arg8: memref<26x128xi32, #tpu.memory_space<vmem>>, %arg9: memref<26x128x16xf32, #tpu.memory_space<vmem>>, %arg10: memref<26x128xf32, #tpu.memory_space<vmem>>, %arg11: memref<128x16xf32, #tpu.memory_space<vmem>>, %arg12: memref<128x16xf32, #tpu.memory_space<vmem>>, %arg13: memref<128xf32, #tpu.memory_space<vmem>>, %arg14: memref<!tpu.dma_semaphore, #tpu.memory_space<semaphore_mem>>, %arg15: memref<!tpu.dma_semaphore, #tpu.memory_space<semaphore_mem>>) attributes {dimension_semantics = [#tpu.dimension_semantics<core_parallel>, #tpu.dimension_semantics<subcore_parallel>], iteration_bounds = array<i64: 2, 16>, scalar_prefetch = 0 : i64, scratch_operands = 8 : i64, tpu.core_type = #tpu.core_type<sc_vector_subcore>, window_params = [{transform_indices = #map}, {transform_indices = #map1}, {transform_indices = #map2}, {transform_indices = #map2}, {transform_indices = #map2}, {transform_indices = #map1}]} {
    %mul3A = arith.constant 2 : i32
    %mul3A_0 = arith.muli %arg1, %mul3A : i32
    %add3A = arith.addi %mul3A_0, %arg0 : i32
    %mul3A_1 = arith.constant 128 : i32
    %mul3A_2 = arith.muli %add3A, %mul3A_1 : i32
    "tpu.region"() ({
      %run_scoped3A = tpu.sem_alloc : memref<!tpu.dma_semaphore, #tpu.memory_space<semaphore_mem>>
      %dma_start3A_2420 = arith.constant 0 : i32
      %dma_start3A_2421 = arith.constant 0 : i32
      %dma_start3A_2422 = tpu.memref_slice %arg2[%add3A, %dma_start3A_2420, %dma_start3A_2421] : memref<32x26x128xi32, #tpu.memory_space<hbm>> -> memref<1x26x128xi32, #tpu.memory_space<hbm>>
      %dma_start3A_2423 = tpu.memref_squeeze %dma_start3A_2422 : memref<1x26x128xi32, #tpu.memory_space<hbm>> -> memref<26x128xi32, #tpu.memory_space<hbm>>
      %dma_start3A_2424 = arith.constant 0 : i32
      %dma_start3A_2425 = arith.constant 0 : i32
      %dma_start3A_2426 = tpu.memref_slice %arg2[%add3A, %dma_start3A_2424, %dma_start3A_2425] : memref<32x26x128xi32, #tpu.memory_space<hbm>> -> memref<1x26x128xi32, #tpu.memory_space<hbm>>
      %dma_start3A_2427 = tpu.memref_squeeze %dma_start3A_2426 : memref<1x26x128xi32, #tpu.memory_space<hbm>> -> memref<26x128xi32, #tpu.memory_space<hbm>>
      tpu.enqueue_dma source(%dma_start3A_2427 : memref<26x128xi32, #tpu.memory_space<hbm>>) target(%arg8 : memref<26x128xi32, #tpu.memory_space<vmem>>) target_semaphore(%run_scoped3A : memref<!tpu.dma_semaphore, #tpu.memory_space<semaphore_mem>>)
      %dma_wait3A_2428 = arith.constant 0 : i32
      %dma_wait3A_2429 = arith.constant 0 : i32
      %dma_wait3A_2430 = tpu.memref_slice %arg2[%add3A, %dma_wait3A_2428, %dma_wait3A_2429] : memref<32x26x128xi32, #tpu.memory_space<hbm>> -> memref<1x26x128xi32, #tpu.memory_space<hbm>>
      %dma_wait3A_2431 = tpu.memref_squeeze %dma_wait3A_2430 : memref<1x26x128xi32, #tpu.memory_space<hbm>> -> memref<26x128xi32, #tpu.memory_space<hbm>>
      %dma_wait3A_2432 = arith.constant 0 : i32
      %dma_wait3A_2433 = arith.constant 0 : i32
      %dma_wait3A_2434 = tpu.memref_slice %arg2[%add3A, %dma_wait3A_2432, %dma_wait3A_2433] : memref<32x26x128xi32, #tpu.memory_space<hbm>> -> memref<1x26x128xi32, #tpu.memory_space<hbm>>
      %dma_wait3A_2435 = tpu.memref_squeeze %dma_wait3A_2434 : memref<1x26x128xi32, #tpu.memory_space<hbm>> -> memref<26x128xi32, #tpu.memory_space<hbm>>
      tpu.wait_dma2 semaphore(%run_scoped3A : memref<!tpu.dma_semaphore, #tpu.memory_space<semaphore_mem>>) src(%dma_wait3A_2435 : memref<26x128xi32, #tpu.memory_space<hbm>>) dst(%arg8 : memref<26x128xi32, #tpu.memory_space<vmem>>)
      tpu.yield
    }) : () -> ()
    %dma_start3A = arith.constant 0 : i32
    %dma_start3A_3 = arith.constant 0 : i32
    %dma_start3A_4 = arith.constant 0 : i32
    %dma_start3A_5 = arith.constant 0 : i32
    %dma_start3A_6 = tpu.memref_slice %arg9[%dma_start3A_3, %dma_start3A_4, %dma_start3A_5] : memref<26x128x16xf32, #tpu.memory_space<vmem>> -> memref<1x128x16xf32, #tpu.memory_space<vmem>>
    %dma_start3A_7 = tpu.memref_squeeze %dma_start3A_6 : memref<1x128x16xf32, #tpu.memory_space<vmem>> -> memref<128x16xf32, #tpu.memory_space<vmem>>
    %dma_start3A_8 = arith.constant 0 : i32
    %dma_start3A_9 = tpu.memref_slice %arg8[%dma_start3A, %dma_start3A_8] : memref<26x128xi32, #tpu.memory_space<vmem>> -> memref<1x128xi32, #tpu.memory_space<vmem>>
    %dma_start3A_10 = tpu.memref_squeeze %dma_start3A_9 : memref<1x128xi32, #tpu.memory_space<vmem>> -> memref<128xi32, #tpu.memory_space<vmem>>
    %dma_start3A_11 = arith.constant 0 : i32
    %dma_start3A_12 = arith.constant 0 : i32
    %dma_start3A_13 = tpu.memref_slice %arg4[%dma_start3A_11, %dma_start3A_12] : memref<1000000x16xf32, #tpu.memory_space<hbm>> -> memref<1000000x16xf32, #tpu.memory_space<hbm>>
    tpu.enqueue_indirect_dma source(%dma_start3A_13 : memref<1000000x16xf32, #tpu.memory_space<hbm>>) target(%dma_start3A_7 : memref<128x16xf32, #tpu.memory_space<vmem>>) offsets(%dma_start3A_10 : memref<128xi32, #tpu.memory_space<vmem>>) semaphore(%arg14 : memref<!tpu.dma_semaphore, #tpu.memory_space<semaphore_mem>>)
    %dma_start3A_14 = arith.constant 0 : i32
    %dma_start3A_15 = arith.constant 0 : i32
    %dma_start3A_16 = arith.constant 0 : i32
    %dma_start3A_17 = tpu.memref_slice %arg10[%dma_start3A_15, %dma_start3A_16] : memref<26x128xf32, #tpu.memory_space<vmem>> -> memref<1x128xf32, #tpu.memory_space<vmem>>
    %dma_start3A_18 = tpu.memref_squeeze %dma_start3A_17 : memref<1x128xf32, #tpu.memory_space<vmem>> -> memref<128xf32, #tpu.memory_space<vmem>>
    %dma_start3A_19 = arith.constant 0 : i32
    %dma_start3A_20 = tpu.memref_slice %arg8[%dma_start3A_14, %dma_start3A_19] : memref<26x128xi32, #tpu.memory_space<vmem>> -> memref<1x128xi32, #tpu.memory_space<vmem>>
    %dma_start3A_21 = tpu.memref_squeeze %dma_start3A_20 : memref<1x128xi32, #tpu.memory_space<vmem>> -> memref<128xi32, #tpu.memory_space<vmem>>
    %dma_start3A_22 = arith.constant 0 : i32
    %dma_start3A_23 = tpu.memref_slice %arg3[%dma_start3A_22] : memref<1000000xf32, #tpu.memory_space<hbm>> -> memref<1000000xf32, #tpu.memory_space<hbm>>
    tpu.enqueue_indirect_dma source(%dma_start3A_23 : memref<1000000xf32, #tpu.memory_space<hbm>>) target(%dma_start3A_18 : memref<128xf32, #tpu.memory_space<vmem>>) offsets(%dma_start3A_21 : memref<128xi32, #tpu.memory_space<vmem>>) semaphore(%arg15 : memref<!tpu.dma_semaphore, #tpu.memory_space<semaphore_mem>>)
    %dma_start3A_24 = arith.constant 1 : i32
    %dma_start3A_25 = arith.constant 1 : i32
    %dma_start3A_26 = arith.constant 0 : i32
    %dma_start3A_27 = arith.constant 0 : i32
    %dma_start3A_28 = tpu.memref_slice %arg9[%dma_start3A_25, %dma_start3A_26, %dma_start3A_27] : memref<26x128x16xf32, #tpu.memory_space<vmem>> -> memref<1x128x16xf32, #tpu.memory_space<vmem>>
    %dma_start3A_29 = tpu.memref_squeeze %dma_start3A_28 : memref<1x128x16xf32, #tpu.memory_space<vmem>> -> memref<128x16xf32, #tpu.memory_space<vmem>>
    %dma_start3A_30 = arith.constant 0 : i32
    %dma_start3A_31 = tpu.memref_slice %arg8[%dma_start3A_24, %dma_start3A_30] : memref<26x128xi32, #tpu.memory_space<vmem>> -> memref<1x128xi32, #tpu.memory_space<vmem>>
    %dma_start3A_32 = tpu.memref_squeeze %dma_start3A_31 : memref<1x128xi32, #tpu.memory_space<vmem>> -> memref<128xi32, #tpu.memory_space<vmem>>
    %dma_start3A_33 = arith.constant 0 : i32
    %dma_start3A_34 = arith.constant 0 : i32
    %dma_start3A_35 = tpu.memref_slice %arg4[%dma_start3A_33, %dma_start3A_34] : memref<1000000x16xf32, #tpu.memory_space<hbm>> -> memref<1000000x16xf32, #tpu.memory_space<hbm>>
    tpu.enqueue_indirect_dma source(%dma_start3A_35 : memref<1000000x16xf32, #tpu.memory_space<hbm>>) target(%dma_start3A_29 : memref<128x16xf32, #tpu.memory_space<vmem>>) offsets(%dma_start3A_32 : memref<128xi32, #tpu.memory_space<vmem>>) semaphore(%arg14 : memref<!tpu.dma_semaphore, #tpu.memory_space<semaphore_mem>>)
    %dma_start3A_36 = arith.constant 1 : i32
    %dma_start3A_37 = arith.constant 1 : i32
    %dma_start3A_38 = arith.constant 0 : i32
    %dma_start3A_39 = tpu.memref_slice %arg10[%dma_start3A_37, %dma_start3A_38] : memref<26x128xf32, #tpu.memory_space<vmem>> -> memref<1x128xf32, #tpu.memory_space<vmem>>
    %dma_start3A_40 = tpu.memref_squeeze %dma_start3A_39 : memref<1x128xf32, #tpu.memory_space<vmem>> -> memref<128xf32, #tpu.memory_space<vmem>>
    %dma_start3A_41 = arith.constant 0 : i32
    %dma_start3A_42 = tpu.memref_slice %arg8[%dma_start3A_36, %dma_start3A_41] : memref<26x128xi32, #tpu.memory_space<vmem>> -> memref<1x128xi32, #tpu.memory_space<vmem>>
    %dma_start3A_43 = tpu.memref_squeeze %dma_start3A_42 : memref<1x128xi32, #tpu.memory_space<vmem>> -> memref<128xi32, #tpu.memory_space<vmem>>
    %dma_start3A_44 = arith.constant 0 : i32
    %dma_start3A_45 = tpu.memref_slice %arg3[%dma_start3A_44] : memref<1000000xf32, #tpu.memory_space<hbm>> -> memref<1000000xf32, #tpu.memory_space<hbm>>
    tpu.enqueue_indirect_dma source(%dma_start3A_45 : memref<1000000xf32, #tpu.memory_space<hbm>>) target(%dma_start3A_40 : memref<128xf32, #tpu.memory_space<vmem>>) offsets(%dma_start3A_43 : memref<128xi32, #tpu.memory_space<vmem>>) semaphore(%arg15 : memref<!tpu.dma_semaphore, #tpu.memory_space<semaphore_mem>>)
    %dma_start3A_46 = arith.constant 2 : i32
    %dma_start3A_47 = arith.constant 2 : i32
    %dma_start3A_48 = arith.constant 0 : i32
    %dma_start3A_49 = arith.constant 0 : i32
    %dma_start3A_50 = tpu.memref_slice %arg9[%dma_start3A_47, %dma_start3A_48, %dma_start3A_49] : memref<26x128x16xf32, #tpu.memory_space<vmem>> -> memref<1x128x16xf32, #tpu.memory_space<vmem>>
    %dma_start3A_51 = tpu.memref_squeeze %dma_start3A_50 : memref<1x128x16xf32, #tpu.memory_space<vmem>> -> memref<128x16xf32, #tpu.memory_space<vmem>>
    %dma_start3A_52 = arith.constant 0 : i32
    %dma_start3A_53 = tpu.memref_slice %arg8[%dma_start3A_46, %dma_start3A_52] : memref<26x128xi32, #tpu.memory_space<vmem>> -> memref<1x128xi32, #tpu.memory_space<vmem>>
    %dma_start3A_54 = tpu.memref_squeeze %dma_start3A_53 : memref<1x128xi32, #tpu.memory_space<vmem>> -> memref<128xi32, #tpu.memory_space<vmem>>
    %dma_start3A_55 = arith.constant 0 : i32
    %dma_start3A_56 = arith.constant 0 : i32
    %dma_start3A_57 = tpu.memref_slice %arg4[%dma_start3A_55, %dma_start3A_56] : memref<1000000x16xf32, #tpu.memory_space<hbm>> -> memref<1000000x16xf32, #tpu.memory_space<hbm>>
    tpu.enqueue_indirect_dma source(%dma_start3A_57 : memref<1000000x16xf32, #tpu.memory_space<hbm>>) target(%dma_start3A_51 : memref<128x16xf32, #tpu.memory_space<vmem>>) offsets(%dma_start3A_54 : memref<128xi32, #tpu.memory_space<vmem>>) semaphore(%arg14 : memref<!tpu.dma_semaphore, #tpu.memory_space<semaphore_mem>>)
    %dma_start3A_58 = arith.constant 2 : i32
    %dma_start3A_59 = arith.constant 2 : i32
    %dma_start3A_60 = arith.constant 0 : i32
    %dma_start3A_61 = tpu.memref_slice %arg10[%dma_start3A_59, %dma_start3A_60] : memref<26x128xf32, #tpu.memory_space<vmem>> -> memref<1x128xf32, #tpu.memory_space<vmem>>
    %dma_start3A_62 = tpu.memref_squeeze %dma_start3A_61 : memref<1x128xf32, #tpu.memory_space<vmem>> -> memref<128xf32, #tpu.memory_space<vmem>>
    %dma_start3A_63 = arith.constant 0 : i32
    %dma_start3A_64 = tpu.memref_slice %arg8[%dma_start3A_58, %dma_start3A_63] : memref<26x128xi32, #tpu.memory_space<vmem>> -> memref<1x128xi32, #tpu.memory_space<vmem>>
    %dma_start3A_65 = tpu.memref_squeeze %dma_start3A_64 : memref<1x128xi32, #tpu.memory_space<vmem>> -> memref<128xi32, #tpu.memory_space<vmem>>
    %dma_start3A_66 = arith.constant 0 : i32
    %dma_start3A_67 = tpu.memref_slice %arg3[%dma_start3A_66] : memref<1000000xf32, #tpu.memory_space<hbm>> -> memref<1000000xf32, #tpu.memory_space<hbm>>
    tpu.enqueue_indirect_dma source(%dma_start3A_67 : memref<1000000xf32, #tpu.memory_space<hbm>>) target(%dma_start3A_62 : memref<128xf32, #tpu.memory_space<vmem>>) offsets(%dma_start3A_65 : memref<128xi32, #tpu.memory_space<vmem>>) semaphore(%arg15 : memref<!tpu.dma_semaphore, #tpu.memory_space<semaphore_mem>>)
    %dma_start3A_68 = arith.constant 3 : i32
    %dma_start3A_69 = arith.constant 3 : i32
    %dma_start3A_70 = arith.constant 0 : i32
    %dma_start3A_71 = arith.constant 0 : i32
    %dma_start3A_72 = tpu.memref_slice %arg9[%dma_start3A_69, %dma_start3A_70, %dma_start3A_71] : memref<26x128x16xf32, #tpu.memory_space<vmem>> -> memref<1x128x16xf32, #tpu.memory_space<vmem>>
    %dma_start3A_73 = tpu.memref_squeeze %dma_start3A_72 : memref<1x128x16xf32, #tpu.memory_space<vmem>> -> memref<128x16xf32, #tpu.memory_space<vmem>>
    %dma_start3A_74 = arith.constant 0 : i32
    %dma_start3A_75 = tpu.memref_slice %arg8[%dma_start3A_68, %dma_start3A_74] : memref<26x128xi32, #tpu.memory_space<vmem>> -> memref<1x128xi32, #tpu.memory_space<vmem>>
    %dma_start3A_76 = tpu.memref_squeeze %dma_start3A_75 : memref<1x128xi32, #tpu.memory_space<vmem>> -> memref<128xi32, #tpu.memory_space<vmem>>
    %dma_start3A_77 = arith.constant 0 : i32
    %dma_start3A_78 = arith.constant 0 : i32
    %dma_start3A_79 = tpu.memref_slice %arg4[%dma_start3A_77, %dma_start3A_78] : memref<1000000x16xf32, #tpu.memory_space<hbm>> -> memref<1000000x16xf32, #tpu.memory_space<hbm>>
    tpu.enqueue_indirect_dma source(%dma_start3A_79 : memref<1000000x16xf32, #tpu.memory_space<hbm>>) target(%dma_start3A_73 : memref<128x16xf32, #tpu.memory_space<vmem>>) offsets(%dma_start3A_76 : memref<128xi32, #tpu.memory_space<vmem>>) semaphore(%arg14 : memref<!tpu.dma_semaphore, #tpu.memory_space<semaphore_mem>>)
    %dma_start3A_80 = arith.constant 3 : i32
    %dma_start3A_81 = arith.constant 3 : i32
    %dma_start3A_82 = arith.constant 0 : i32
    %dma_start3A_83 = tpu.memref_slice %arg10[%dma_start3A_81, %dma_start3A_82] : memref<26x128xf32, #tpu.memory_space<vmem>> -> memref<1x128xf32, #tpu.memory_space<vmem>>
    %dma_start3A_84 = tpu.memref_squeeze %dma_start3A_83 : memref<1x128xf32, #tpu.memory_space<vmem>> -> memref<128xf32, #tpu.memory_space<vmem>>
    %dma_start3A_85 = arith.constant 0 : i32
    %dma_start3A_86 = tpu.memref_slice %arg8[%dma_start3A_80, %dma_start3A_85] : memref<26x128xi32, #tpu.memory_space<vmem>> -> memref<1x128xi32, #tpu.memory_space<vmem>>
    %dma_start3A_87 = tpu.memref_squeeze %dma_start3A_86 : memref<1x128xi32, #tpu.memory_space<vmem>> -> memref<128xi32, #tpu.memory_space<vmem>>
    %dma_start3A_88 = arith.constant 0 : i32
    %dma_start3A_89 = tpu.memref_slice %arg3[%dma_start3A_88] : memref<1000000xf32, #tpu.memory_space<hbm>> -> memref<1000000xf32, #tpu.memory_space<hbm>>
    tpu.enqueue_indirect_dma source(%dma_start3A_89 : memref<1000000xf32, #tpu.memory_space<hbm>>) target(%dma_start3A_84 : memref<128xf32, #tpu.memory_space<vmem>>) offsets(%dma_start3A_87 : memref<128xi32, #tpu.memory_space<vmem>>) semaphore(%arg15 : memref<!tpu.dma_semaphore, #tpu.memory_space<semaphore_mem>>)
    %dma_start3A_90 = arith.constant 4 : i32
    %dma_start3A_91 = arith.constant 4 : i32
    %dma_start3A_92 = arith.constant 0 : i32
    %dma_start3A_93 = arith.constant 0 : i32
    %dma_start3A_94 = tpu.memref_slice %arg9[%dma_start3A_91, %dma_start3A_92, %dma_start3A_93] : memref<26x128x16xf32, #tpu.memory_space<vmem>> -> memref<1x128x16xf32, #tpu.memory_space<vmem>>
    %dma_start3A_95 = tpu.memref_squeeze %dma_start3A_94 : memref<1x128x16xf32, #tpu.memory_space<vmem>> -> memref<128x16xf32, #tpu.memory_space<vmem>>
    %dma_start3A_96 = arith.constant 0 : i32
    %dma_start3A_97 = tpu.memref_slice %arg8[%dma_start3A_90, %dma_start3A_96] : memref<26x128xi32, #tpu.memory_space<vmem>> -> memref<1x128xi32, #tpu.memory_space<vmem>>
    %dma_start3A_98 = tpu.memref_squeeze %dma_start3A_97 : memref<1x128xi32, #tpu.memory_space<vmem>> -> memref<128xi32, #tpu.memory_space<vmem>>
    %dma_start3A_99 = arith.constant 0 : i32
    %dma_start3A_100 = arith.constant 0 : i32
    %dma_start3A_101 = tpu.memref_slice %arg4[%dma_start3A_99, %dma_start3A_100] : memref<1000000x16xf32, #tpu.memory_space<hbm>> -> memref<1000000x16xf32, #tpu.memory_space<hbm>>
    tpu.enqueue_indirect_dma source(%dma_start3A_101 : memref<1000000x16xf32, #tpu.memory_space<hbm>>) target(%dma_start3A_95 : memref<128x16xf32, #tpu.memory_space<vmem>>) offsets(%dma_start3A_98 : memref<128xi32, #tpu.memory_space<vmem>>) semaphore(%arg14 : memref<!tpu.dma_semaphore, #tpu.memory_space<semaphore_mem>>)
    %dma_start3A_102 = arith.constant 4 : i32
    %dma_start3A_103 = arith.constant 4 : i32
    %dma_start3A_104 = arith.constant 0 : i32
    %dma_start3A_105 = tpu.memref_slice %arg10[%dma_start3A_103, %dma_start3A_104] : memref<26x128xf32, #tpu.memory_space<vmem>> -> memref<1x128xf32, #tpu.memory_space<vmem>>
    %dma_start3A_106 = tpu.memref_squeeze %dma_start3A_105 : memref<1x128xf32, #tpu.memory_space<vmem>> -> memref<128xf32, #tpu.memory_space<vmem>>
    %dma_start3A_107 = arith.constant 0 : i32
    %dma_start3A_108 = tpu.memref_slice %arg8[%dma_start3A_102, %dma_start3A_107] : memref<26x128xi32, #tpu.memory_space<vmem>> -> memref<1x128xi32, #tpu.memory_space<vmem>>
    %dma_start3A_109 = tpu.memref_squeeze %dma_start3A_108 : memref<1x128xi32, #tpu.memory_space<vmem>> -> memref<128xi32, #tpu.memory_space<vmem>>
    %dma_start3A_110 = arith.constant 0 : i32
    %dma_start3A_111 = tpu.memref_slice %arg3[%dma_start3A_110] : memref<1000000xf32, #tpu.memory_space<hbm>> -> memref<1000000xf32, #tpu.memory_space<hbm>>
    tpu.enqueue_indirect_dma source(%dma_start3A_111 : memref<1000000xf32, #tpu.memory_space<hbm>>) target(%dma_start3A_106 : memref<128xf32, #tpu.memory_space<vmem>>) offsets(%dma_start3A_109 : memref<128xi32, #tpu.memory_space<vmem>>) semaphore(%arg15 : memref<!tpu.dma_semaphore, #tpu.memory_space<semaphore_mem>>)
    %dma_start3A_112 = arith.constant 5 : i32
    %dma_start3A_113 = arith.constant 5 : i32
    %dma_start3A_114 = arith.constant 0 : i32
    %dma_start3A_115 = arith.constant 0 : i32
    %dma_start3A_116 = tpu.memref_slice %arg9[%dma_start3A_113, %dma_start3A_114, %dma_start3A_115] : memref<26x128x16xf32, #tpu.memory_space<vmem>> -> memref<1x128x16xf32, #tpu.memory_space<vmem>>
    %dma_start3A_117 = tpu.memref_squeeze %dma_start3A_116 : memref<1x128x16xf32, #tpu.memory_space<vmem>> -> memref<128x16xf32, #tpu.memory_space<vmem>>
    %dma_start3A_118 = arith.constant 0 : i32
    %dma_start3A_119 = tpu.memref_slice %arg8[%dma_start3A_112, %dma_start3A_118] : memref<26x128xi32, #tpu.memory_space<vmem>> -> memref<1x128xi32, #tpu.memory_space<vmem>>
    %dma_start3A_120 = tpu.memref_squeeze %dma_start3A_119 : memref<1x128xi32, #tpu.memory_space<vmem>> -> memref<128xi32, #tpu.memory_space<vmem>>
    %dma_start3A_121 = arith.constant 0 : i32
    %dma_start3A_122 = arith.constant 0 : i32
    %dma_start3A_123 = tpu.memref_slice %arg4[%dma_start3A_121, %dma_start3A_122] : memref<1000000x16xf32, #tpu.memory_space<hbm>> -> memref<1000000x16xf32, #tpu.memory_space<hbm>>
    tpu.enqueue_indirect_dma source(%dma_start3A_123 : memref<1000000x16xf32, #tpu.memory_space<hbm>>) target(%dma_start3A_117 : memref<128x16xf32, #tpu.memory_space<vmem>>) offsets(%dma_start3A_120 : memref<128xi32, #tpu.memory_space<vmem>>) semaphore(%arg14 : memref<!tpu.dma_semaphore, #tpu.memory_space<semaphore_mem>>)
    %dma_start3A_124 = arith.constant 5 : i32
    %dma_start3A_125 = arith.constant 5 : i32
    %dma_start3A_126 = arith.constant 0 : i32
    %dma_start3A_127 = tpu.memref_slice %arg10[%dma_start3A_125, %dma_start3A_126] : memref<26x128xf32, #tpu.memory_space<vmem>> -> memref<1x128xf32, #tpu.memory_space<vmem>>
    %dma_start3A_128 = tpu.memref_squeeze %dma_start3A_127 : memref<1x128xf32, #tpu.memory_space<vmem>> -> memref<128xf32, #tpu.memory_space<vmem>>
    %dma_start3A_129 = arith.constant 0 : i32
    %dma_start3A_130 = tpu.memref_slice %arg8[%dma_start3A_124, %dma_start3A_129] : memref<26x128xi32, #tpu.memory_space<vmem>> -> memref<1x128xi32, #tpu.memory_space<vmem>>
    %dma_start3A_131 = tpu.memref_squeeze %dma_start3A_130 : memref<1x128xi32, #tpu.memory_space<vmem>> -> memref<128xi32, #tpu.memory_space<vmem>>
    %dma_start3A_132 = arith.constant 0 : i32
    %dma_start3A_133 = tpu.memref_slice %arg3[%dma_start3A_132] : memref<1000000xf32, #tpu.memory_space<hbm>> -> memref<1000000xf32, #tpu.memory_space<hbm>>
    tpu.enqueue_indirect_dma source(%dma_start3A_133 : memref<1000000xf32, #tpu.memory_space<hbm>>) target(%dma_start3A_128 : memref<128xf32, #tpu.memory_space<vmem>>) offsets(%dma_start3A_131 : memref<128xi32, #tpu.memory_space<vmem>>) semaphore(%arg15 : memref<!tpu.dma_semaphore, #tpu.memory_space<semaphore_mem>>)
    %dma_start3A_134 = arith.constant 6 : i32
    %dma_start3A_135 = arith.constant 6 : i32
    %dma_start3A_136 = arith.constant 0 : i32
    %dma_start3A_137 = arith.constant 0 : i32
    %dma_start3A_138 = tpu.memref_slice %arg9[%dma_start3A_135, %dma_start3A_136, %dma_start3A_137] : memref<26x128x16xf32, #tpu.memory_space<vmem>> -> memref<1x128x16xf32, #tpu.memory_space<vmem>>
    %dma_start3A_139 = tpu.memref_squeeze %dma_start3A_138 : memref<1x128x16xf32, #tpu.memory_space<vmem>> -> memref<128x16xf32, #tpu.memory_space<vmem>>
    %dma_start3A_140 = arith.constant 0 : i32
    %dma_start3A_141 = tpu.memref_slice %arg8[%dma_start3A_134, %dma_start3A_140] : memref<26x128xi32, #tpu.memory_space<vmem>> -> memref<1x128xi32, #tpu.memory_space<vmem>>
    %dma_start3A_142 = tpu.memref_squeeze %dma_start3A_141 : memref<1x128xi32, #tpu.memory_space<vmem>> -> memref<128xi32, #tpu.memory_space<vmem>>
    %dma_start3A_143 = arith.constant 0 : i32
    %dma_start3A_144 = arith.constant 0 : i32
    %dma_start3A_145 = tpu.memref_slice %arg4[%dma_start3A_143, %dma_start3A_144] : memref<1000000x16xf32, #tpu.memory_space<hbm>> -> memref<1000000x16xf32, #tpu.memory_space<hbm>>
    tpu.enqueue_indirect_dma source(%dma_start3A_145 : memref<1000000x16xf32, #tpu.memory_space<hbm>>) target(%dma_start3A_139 : memref<128x16xf32, #tpu.memory_space<vmem>>) offsets(%dma_start3A_142 : memref<128xi32, #tpu.memory_space<vmem>>) semaphore(%arg14 : memref<!tpu.dma_semaphore, #tpu.memory_space<semaphore_mem>>)
    %dma_start3A_146 = arith.constant 6 : i32
    %dma_start3A_147 = arith.constant 6 : i32
    %dma_start3A_148 = arith.constant 0 : i32
    %dma_start3A_149 = tpu.memref_slice %arg10[%dma_start3A_147, %dma_start3A_148] : memref<26x128xf32, #tpu.memory_space<vmem>> -> memref<1x128xf32, #tpu.memory_space<vmem>>
    %dma_start3A_150 = tpu.memref_squeeze %dma_start3A_149 : memref<1x128xf32, #tpu.memory_space<vmem>> -> memref<128xf32, #tpu.memory_space<vmem>>
    %dma_start3A_151 = arith.constant 0 : i32
    %dma_start3A_152 = tpu.memref_slice %arg8[%dma_start3A_146, %dma_start3A_151] : memref<26x128xi32, #tpu.memory_space<vmem>> -> memref<1x128xi32, #tpu.memory_space<vmem>>
    %dma_start3A_153 = tpu.memref_squeeze %dma_start3A_152 : memref<1x128xi32, #tpu.memory_space<vmem>> -> memref<128xi32, #tpu.memory_space<vmem>>
    %dma_start3A_154 = arith.constant 0 : i32
    %dma_start3A_155 = tpu.memref_slice %arg3[%dma_start3A_154] : memref<1000000xf32, #tpu.memory_space<hbm>> -> memref<1000000xf32, #tpu.memory_space<hbm>>
    tpu.enqueue_indirect_dma source(%dma_start3A_155 : memref<1000000xf32, #tpu.memory_space<hbm>>) target(%dma_start3A_150 : memref<128xf32, #tpu.memory_space<vmem>>) offsets(%dma_start3A_153 : memref<128xi32, #tpu.memory_space<vmem>>) semaphore(%arg15 : memref<!tpu.dma_semaphore, #tpu.memory_space<semaphore_mem>>)
    %dma_start3A_156 = arith.constant 7 : i32
    %dma_start3A_157 = arith.constant 7 : i32
    %dma_start3A_158 = arith.constant 0 : i32
    %dma_start3A_159 = arith.constant 0 : i32
    %dma_start3A_160 = tpu.memref_slice %arg9[%dma_start3A_157, %dma_start3A_158, %dma_start3A_159] : memref<26x128x16xf32, #tpu.memory_space<vmem>> -> memref<1x128x16xf32, #tpu.memory_space<vmem>>
    %dma_start3A_161 = tpu.memref_squeeze %dma_start3A_160 : memref<1x128x16xf32, #tpu.memory_space<vmem>> -> memref<128x16xf32, #tpu.memory_space<vmem>>
    %dma_start3A_162 = arith.constant 0 : i32
    %dma_start3A_163 = tpu.memref_slice %arg8[%dma_start3A_156, %dma_start3A_162] : memref<26x128xi32, #tpu.memory_space<vmem>> -> memref<1x128xi32, #tpu.memory_space<vmem>>
    %dma_start3A_164 = tpu.memref_squeeze %dma_start3A_163 : memref<1x128xi32, #tpu.memory_space<vmem>> -> memref<128xi32, #tpu.memory_space<vmem>>
    %dma_start3A_165 = arith.constant 0 : i32
    %dma_start3A_166 = arith.constant 0 : i32
    %dma_start3A_167 = tpu.memref_slice %arg4[%dma_start3A_165, %dma_start3A_166] : memref<1000000x16xf32, #tpu.memory_space<hbm>> -> memref<1000000x16xf32, #tpu.memory_space<hbm>>
    tpu.enqueue_indirect_dma source(%dma_start3A_167 : memref<1000000x16xf32, #tpu.memory_space<hbm>>) target(%dma_start3A_161 : memref<128x16xf32, #tpu.memory_space<vmem>>) offsets(%dma_start3A_164 : memref<128xi32, #tpu.memory_space<vmem>>) semaphore(%arg14 : memref<!tpu.dma_semaphore, #tpu.memory_space<semaphore_mem>>)
    %dma_start3A_168 = arith.constant 7 : i32
    %dma_start3A_169 = arith.constant 7 : i32
    %dma_start3A_170 = arith.constant 0 : i32
    %dma_start3A_171 = tpu.memref_slice %arg10[%dma_start3A_169, %dma_start3A_170] : memref<26x128xf32, #tpu.memory_space<vmem>> -> memref<1x128xf32, #tpu.memory_space<vmem>>
    %dma_start3A_172 = tpu.memref_squeeze %dma_start3A_171 : memref<1x128xf32, #tpu.memory_space<vmem>> -> memref<128xf32, #tpu.memory_space<vmem>>
    %dma_start3A_173 = arith.constant 0 : i32
    %dma_start3A_174 = tpu.memref_slice %arg8[%dma_start3A_168, %dma_start3A_173] : memref<26x128xi32, #tpu.memory_space<vmem>> -> memref<1x128xi32, #tpu.memory_space<vmem>>
    %dma_start3A_175 = tpu.memref_squeeze %dma_start3A_174 : memref<1x128xi32, #tpu.memory_space<vmem>> -> memref<128xi32, #tpu.memory_space<vmem>>
    %dma_start3A_176 = arith.constant 0 : i32
    %dma_start3A_177 = tpu.memref_slice %arg3[%dma_start3A_176] : memref<1000000xf32, #tpu.memory_space<hbm>> -> memref<1000000xf32, #tpu.memory_space<hbm>>
    tpu.enqueue_indirect_dma source(%dma_start3A_177 : memref<1000000xf32, #tpu.memory_space<hbm>>) target(%dma_start3A_172 : memref<128xf32, #tpu.memory_space<vmem>>) offsets(%dma_start3A_175 : memref<128xi32, #tpu.memory_space<vmem>>) semaphore(%arg15 : memref<!tpu.dma_semaphore, #tpu.memory_space<semaphore_mem>>)
    %dma_start3A_178 = arith.constant 8 : i32
    %dma_start3A_179 = arith.constant 8 : i32
    %dma_start3A_180 = arith.constant 0 : i32
    %dma_start3A_181 = arith.constant 0 : i32
    %dma_start3A_182 = tpu.memref_slice %arg9[%dma_start3A_179, %dma_start3A_180, %dma_start3A_181] : memref<26x128x16xf32, #tpu.memory_space<vmem>> -> memref<1x128x16xf32, #tpu.memory_space<vmem>>
    %dma_start3A_183 = tpu.memref_squeeze %dma_start3A_182 : memref<1x128x16xf32, #tpu.memory_space<vmem>> -> memref<128x16xf32, #tpu.memory_space<vmem>>
    %dma_start3A_184 = arith.constant 0 : i32
    %dma_start3A_185 = tpu.memref_slice %arg8[%dma_start3A_178, %dma_start3A_184] : memref<26x128xi32, #tpu.memory_space<vmem>> -> memref<1x128xi32, #tpu.memory_space<vmem>>
    %dma_start3A_186 = tpu.memref_squeeze %dma_start3A_185 : memref<1x128xi32, #tpu.memory_space<vmem>> -> memref<128xi32, #tpu.memory_space<vmem>>
    %dma_start3A_187 = arith.constant 0 : i32
    %dma_start3A_188 = arith.constant 0 : i32
    %dma_start3A_189 = tpu.memref_slice %arg4[%dma_start3A_187, %dma_start3A_188] : memref<1000000x16xf32, #tpu.memory_space<hbm>> -> memref<1000000x16xf32, #tpu.memory_space<hbm>>
    tpu.enqueue_indirect_dma source(%dma_start3A_189 : memref<1000000x16xf32, #tpu.memory_space<hbm>>) target(%dma_start3A_183 : memref<128x16xf32, #tpu.memory_space<vmem>>) offsets(%dma_start3A_186 : memref<128xi32, #tpu.memory_space<vmem>>) semaphore(%arg14 : memref<!tpu.dma_semaphore, #tpu.memory_space<semaphore_mem>>)
    %dma_start3A_190 = arith.constant 8 : i32
    %dma_start3A_191 = arith.constant 8 : i32
    %dma_start3A_192 = arith.constant 0 : i32
    %dma_start3A_193 = tpu.memref_slice %arg10[%dma_start3A_191, %dma_start3A_192] : memref<26x128xf32, #tpu.memory_space<vmem>> -> memref<1x128xf32, #tpu.memory_space<vmem>>
    %dma_start3A_194 = tpu.memref_squeeze %dma_start3A_193 : memref<1x128xf32, #tpu.memory_space<vmem>> -> memref<128xf32, #tpu.memory_space<vmem>>
    %dma_start3A_195 = arith.constant 0 : i32
    %dma_start3A_196 = tpu.memref_slice %arg8[%dma_start3A_190, %dma_start3A_195] : memref<26x128xi32, #tpu.memory_space<vmem>> -> memref<1x128xi32, #tpu.memory_space<vmem>>
    %dma_start3A_197 = tpu.memref_squeeze %dma_start3A_196 : memref<1x128xi32, #tpu.memory_space<vmem>> -> memref<128xi32, #tpu.memory_space<vmem>>
    %dma_start3A_198 = arith.constant 0 : i32
    %dma_start3A_199 = tpu.memref_slice %arg3[%dma_start3A_198] : memref<1000000xf32, #tpu.memory_space<hbm>> -> memref<1000000xf32, #tpu.memory_space<hbm>>
    tpu.enqueue_indirect_dma source(%dma_start3A_199 : memref<1000000xf32, #tpu.memory_space<hbm>>) target(%dma_start3A_194 : memref<128xf32, #tpu.memory_space<vmem>>) offsets(%dma_start3A_197 : memref<128xi32, #tpu.memory_space<vmem>>) semaphore(%arg15 : memref<!tpu.dma_semaphore, #tpu.memory_space<semaphore_mem>>)
    %dma_start3A_200 = arith.constant 9 : i32
    %dma_start3A_201 = arith.constant 9 : i32
    %dma_start3A_202 = arith.constant 0 : i32
    %dma_start3A_203 = arith.constant 0 : i32
    %dma_start3A_204 = tpu.memref_slice %arg9[%dma_start3A_201, %dma_start3A_202, %dma_start3A_203] : memref<26x128x16xf32, #tpu.memory_space<vmem>> -> memref<1x128x16xf32, #tpu.memory_space<vmem>>
    %dma_start3A_205 = tpu.memref_squeeze %dma_start3A_204 : memref<1x128x16xf32, #tpu.memory_space<vmem>> -> memref<128x16xf32, #tpu.memory_space<vmem>>
    %dma_start3A_206 = arith.constant 0 : i32
    %dma_start3A_207 = tpu.memref_slice %arg8[%dma_start3A_200, %dma_start3A_206] : memref<26x128xi32, #tpu.memory_space<vmem>> -> memref<1x128xi32, #tpu.memory_space<vmem>>
    %dma_start3A_208 = tpu.memref_squeeze %dma_start3A_207 : memref<1x128xi32, #tpu.memory_space<vmem>> -> memref<128xi32, #tpu.memory_space<vmem>>
    %dma_start3A_209 = arith.constant 0 : i32
    %dma_start3A_210 = arith.constant 0 : i32
    %dma_start3A_211 = tpu.memref_slice %arg4[%dma_start3A_209, %dma_start3A_210] : memref<1000000x16xf32, #tpu.memory_space<hbm>> -> memref<1000000x16xf32, #tpu.memory_space<hbm>>
    tpu.enqueue_indirect_dma source(%dma_start3A_211 : memref<1000000x16xf32, #tpu.memory_space<hbm>>) target(%dma_start3A_205 : memref<128x16xf32, #tpu.memory_space<vmem>>) offsets(%dma_start3A_208 : memref<128xi32, #tpu.memory_space<vmem>>) semaphore(%arg14 : memref<!tpu.dma_semaphore, #tpu.memory_space<semaphore_mem>>)
    %dma_start3A_212 = arith.constant 9 : i32
    %dma_start3A_213 = arith.constant 9 : i32
    %dma_start3A_214 = arith.constant 0 : i32
    %dma_start3A_215 = tpu.memref_slice %arg10[%dma_start3A_213, %dma_start3A_214] : memref<26x128xf32, #tpu.memory_space<vmem>> -> memref<1x128xf32, #tpu.memory_space<vmem>>
    %dma_start3A_216 = tpu.memref_squeeze %dma_start3A_215 : memref<1x128xf32, #tpu.memory_space<vmem>> -> memref<128xf32, #tpu.memory_space<vmem>>
    %dma_start3A_217 = arith.constant 0 : i32
    %dma_start3A_218 = tpu.memref_slice %arg8[%dma_start3A_212, %dma_start3A_217] : memref<26x128xi32, #tpu.memory_space<vmem>> -> memref<1x128xi32, #tpu.memory_space<vmem>>
    %dma_start3A_219 = tpu.memref_squeeze %dma_start3A_218 : memref<1x128xi32, #tpu.memory_space<vmem>> -> memref<128xi32, #tpu.memory_space<vmem>>
    %dma_start3A_220 = arith.constant 0 : i32
    %dma_start3A_221 = tpu.memref_slice %arg3[%dma_start3A_220] : memref<1000000xf32, #tpu.memory_space<hbm>> -> memref<1000000xf32, #tpu.memory_space<hbm>>
    tpu.enqueue_indirect_dma source(%dma_start3A_221 : memref<1000000xf32, #tpu.memory_space<hbm>>) target(%dma_start3A_216 : memref<128xf32, #tpu.memory_space<vmem>>) offsets(%dma_start3A_219 : memref<128xi32, #tpu.memory_space<vmem>>) semaphore(%arg15 : memref<!tpu.dma_semaphore, #tpu.memory_space<semaphore_mem>>)
    %dma_start3A_222 = arith.constant 10 : i32
    %dma_start3A_223 = arith.constant 10 : i32
    %dma_start3A_224 = arith.constant 0 : i32
    %dma_start3A_225 = arith.constant 0 : i32
    %dma_start3A_226 = tpu.memref_slice %arg9[%dma_start3A_223, %dma_start3A_224, %dma_start3A_225] : memref<26x128x16xf32, #tpu.memory_space<vmem>> -> memref<1x128x16xf32, #tpu.memory_space<vmem>>
    %dma_start3A_227 = tpu.memref_squeeze %dma_start3A_226 : memref<1x128x16xf32, #tpu.memory_space<vmem>> -> memref<128x16xf32, #tpu.memory_space<vmem>>
    %dma_start3A_228 = arith.constant 0 : i32
    %dma_start3A_229 = tpu.memref_slice %arg8[%dma_start3A_222, %dma_start3A_228] : memref<26x128xi32, #tpu.memory_space<vmem>> -> memref<1x128xi32, #tpu.memory_space<vmem>>
    %dma_start3A_230 = tpu.memref_squeeze %dma_start3A_229 : memref<1x128xi32, #tpu.memory_space<vmem>> -> memref<128xi32, #tpu.memory_space<vmem>>
    %dma_start3A_231 = arith.constant 0 : i32
    %dma_start3A_232 = arith.constant 0 : i32
    %dma_start3A_233 = tpu.memref_slice %arg4[%dma_start3A_231, %dma_start3A_232] : memref<1000000x16xf32, #tpu.memory_space<hbm>> -> memref<1000000x16xf32, #tpu.memory_space<hbm>>
    tpu.enqueue_indirect_dma source(%dma_start3A_233 : memref<1000000x16xf32, #tpu.memory_space<hbm>>) target(%dma_start3A_227 : memref<128x16xf32, #tpu.memory_space<vmem>>) offsets(%dma_start3A_230 : memref<128xi32, #tpu.memory_space<vmem>>) semaphore(%arg14 : memref<!tpu.dma_semaphore, #tpu.memory_space<semaphore_mem>>)
    %dma_start3A_234 = arith.constant 10 : i32
    %dma_start3A_235 = arith.constant 10 : i32
    %dma_start3A_236 = arith.constant 0 : i32
    %dma_start3A_237 = tpu.memref_slice %arg10[%dma_start3A_235, %dma_start3A_236] : memref<26x128xf32, #tpu.memory_space<vmem>> -> memref<1x128xf32, #tpu.memory_space<vmem>>
    %dma_start3A_238 = tpu.memref_squeeze %dma_start3A_237 : memref<1x128xf32, #tpu.memory_space<vmem>> -> memref<128xf32, #tpu.memory_space<vmem>>
    %dma_start3A_239 = arith.constant 0 : i32
    %dma_start3A_240 = tpu.memref_slice %arg8[%dma_start3A_234, %dma_start3A_239] : memref<26x128xi32, #tpu.memory_space<vmem>> -> memref<1x128xi32, #tpu.memory_space<vmem>>
    %dma_start3A_241 = tpu.memref_squeeze %dma_start3A_240 : memref<1x128xi32, #tpu.memory_space<vmem>> -> memref<128xi32, #tpu.memory_space<vmem>>
    %dma_start3A_242 = arith.constant 0 : i32
    %dma_start3A_243 = tpu.memref_slice %arg3[%dma_start3A_242] : memref<1000000xf32, #tpu.memory_space<hbm>> -> memref<1000000xf32, #tpu.memory_space<hbm>>
    tpu.enqueue_indirect_dma source(%dma_start3A_243 : memref<1000000xf32, #tpu.memory_space<hbm>>) target(%dma_start3A_238 : memref<128xf32, #tpu.memory_space<vmem>>) offsets(%dma_start3A_241 : memref<128xi32, #tpu.memory_space<vmem>>) semaphore(%arg15 : memref<!tpu.dma_semaphore, #tpu.memory_space<semaphore_mem>>)
    %dma_start3A_244 = arith.constant 11 : i32
    %dma_start3A_245 = arith.constant 11 : i32
    %dma_start3A_246 = arith.constant 0 : i32
    %dma_start3A_247 = arith.constant 0 : i32
    %dma_start3A_248 = tpu.memref_slice %arg9[%dma_start3A_245, %dma_start3A_246, %dma_start3A_247] : memref<26x128x16xf32, #tpu.memory_space<vmem>> -> memref<1x128x16xf32, #tpu.memory_space<vmem>>
    %dma_start3A_249 = tpu.memref_squeeze %dma_start3A_248 : memref<1x128x16xf32, #tpu.memory_space<vmem>> -> memref<128x16xf32, #tpu.memory_space<vmem>>
    %dma_start3A_250 = arith.constant 0 : i32
    %dma_start3A_251 = tpu.memref_slice %arg8[%dma_start3A_244, %dma_start3A_250] : memref<26x128xi32, #tpu.memory_space<vmem>> -> memref<1x128xi32, #tpu.memory_space<vmem>>
    %dma_start3A_252 = tpu.memref_squeeze %dma_start3A_251 : memref<1x128xi32, #tpu.memory_space<vmem>> -> memref<128xi32, #tpu.memory_space<vmem>>
    %dma_start3A_253 = arith.constant 0 : i32
    %dma_start3A_254 = arith.constant 0 : i32
    %dma_start3A_255 = tpu.memref_slice %arg4[%dma_start3A_253, %dma_start3A_254] : memref<1000000x16xf32, #tpu.memory_space<hbm>> -> memref<1000000x16xf32, #tpu.memory_space<hbm>>
    tpu.enqueue_indirect_dma source(%dma_start3A_255 : memref<1000000x16xf32, #tpu.memory_space<hbm>>) target(%dma_start3A_249 : memref<128x16xf32, #tpu.memory_space<vmem>>) offsets(%dma_start3A_252 : memref<128xi32, #tpu.memory_space<vmem>>) semaphore(%arg14 : memref<!tpu.dma_semaphore, #tpu.memory_space<semaphore_mem>>)
    %dma_start3A_256 = arith.constant 11 : i32
    %dma_start3A_257 = arith.constant 11 : i32
    %dma_start3A_258 = arith.constant 0 : i32
    %dma_start3A_259 = tpu.memref_slice %arg10[%dma_start3A_257, %dma_start3A_258] : memref<26x128xf32, #tpu.memory_space<vmem>> -> memref<1x128xf32, #tpu.memory_space<vmem>>
    %dma_start3A_260 = tpu.memref_squeeze %dma_start3A_259 : memref<1x128xf32, #tpu.memory_space<vmem>> -> memref<128xf32, #tpu.memory_space<vmem>>
    %dma_start3A_261 = arith.constant 0 : i32
    %dma_start3A_262 = tpu.memref_slice %arg8[%dma_start3A_256, %dma_start3A_261] : memref<26x128xi32, #tpu.memory_space<vmem>> -> memref<1x128xi32, #tpu.memory_space<vmem>>
    %dma_start3A_263 = tpu.memref_squeeze %dma_start3A_262 : memref<1x128xi32, #tpu.memory_space<vmem>> -> memref<128xi32, #tpu.memory_space<vmem>>
    %dma_start3A_264 = arith.constant 0 : i32
    %dma_start3A_265 = tpu.memref_slice %arg3[%dma_start3A_264] : memref<1000000xf32, #tpu.memory_space<hbm>> -> memref<1000000xf32, #tpu.memory_space<hbm>>
    tpu.enqueue_indirect_dma source(%dma_start3A_265 : memref<1000000xf32, #tpu.memory_space<hbm>>) target(%dma_start3A_260 : memref<128xf32, #tpu.memory_space<vmem>>) offsets(%dma_start3A_263 : memref<128xi32, #tpu.memory_space<vmem>>) semaphore(%arg15 : memref<!tpu.dma_semaphore, #tpu.memory_space<semaphore_mem>>)
    %dma_start3A_266 = arith.constant 12 : i32
    %dma_start3A_267 = arith.constant 12 : i32
    %dma_start3A_268 = arith.constant 0 : i32
    %dma_start3A_269 = arith.constant 0 : i32
    %dma_start3A_270 = tpu.memref_slice %arg9[%dma_start3A_267, %dma_start3A_268, %dma_start3A_269] : memref<26x128x16xf32, #tpu.memory_space<vmem>> -> memref<1x128x16xf32, #tpu.memory_space<vmem>>
    %dma_start3A_271 = tpu.memref_squeeze %dma_start3A_270 : memref<1x128x16xf32, #tpu.memory_space<vmem>> -> memref<128x16xf32, #tpu.memory_space<vmem>>
    %dma_start3A_272 = arith.constant 0 : i32
    %dma_start3A_273 = tpu.memref_slice %arg8[%dma_start3A_266, %dma_start3A_272] : memref<26x128xi32, #tpu.memory_space<vmem>> -> memref<1x128xi32, #tpu.memory_space<vmem>>
    %dma_start3A_274 = tpu.memref_squeeze %dma_start3A_273 : memref<1x128xi32, #tpu.memory_space<vmem>> -> memref<128xi32, #tpu.memory_space<vmem>>
    %dma_start3A_275 = arith.constant 0 : i32
    %dma_start3A_276 = arith.constant 0 : i32
    %dma_start3A_277 = tpu.memref_slice %arg4[%dma_start3A_275, %dma_start3A_276] : memref<1000000x16xf32, #tpu.memory_space<hbm>> -> memref<1000000x16xf32, #tpu.memory_space<hbm>>
    tpu.enqueue_indirect_dma source(%dma_start3A_277 : memref<1000000x16xf32, #tpu.memory_space<hbm>>) target(%dma_start3A_271 : memref<128x16xf32, #tpu.memory_space<vmem>>) offsets(%dma_start3A_274 : memref<128xi32, #tpu.memory_space<vmem>>) semaphore(%arg14 : memref<!tpu.dma_semaphore, #tpu.memory_space<semaphore_mem>>)
    %dma_start3A_278 = arith.constant 12 : i32
    %dma_start3A_279 = arith.constant 12 : i32
    %dma_start3A_280 = arith.constant 0 : i32
    %dma_start3A_281 = tpu.memref_slice %arg10[%dma_start3A_279, %dma_start3A_280] : memref<26x128xf32, #tpu.memory_space<vmem>> -> memref<1x128xf32, #tpu.memory_space<vmem>>
    %dma_start3A_282 = tpu.memref_squeeze %dma_start3A_281 : memref<1x128xf32, #tpu.memory_space<vmem>> -> memref<128xf32, #tpu.memory_space<vmem>>
    %dma_start3A_283 = arith.constant 0 : i32
    %dma_start3A_284 = tpu.memref_slice %arg8[%dma_start3A_278, %dma_start3A_283] : memref<26x128xi32, #tpu.memory_space<vmem>> -> memref<1x128xi32, #tpu.memory_space<vmem>>
    %dma_start3A_285 = tpu.memref_squeeze %dma_start3A_284 : memref<1x128xi32, #tpu.memory_space<vmem>> -> memref<128xi32, #tpu.memory_space<vmem>>
    %dma_start3A_286 = arith.constant 0 : i32
    %dma_start3A_287 = tpu.memref_slice %arg3[%dma_start3A_286] : memref<1000000xf32, #tpu.memory_space<hbm>> -> memref<1000000xf32, #tpu.memory_space<hbm>>
    tpu.enqueue_indirect_dma source(%dma_start3A_287 : memref<1000000xf32, #tpu.memory_space<hbm>>) target(%dma_start3A_282 : memref<128xf32, #tpu.memory_space<vmem>>) offsets(%dma_start3A_285 : memref<128xi32, #tpu.memory_space<vmem>>) semaphore(%arg15 : memref<!tpu.dma_semaphore, #tpu.memory_space<semaphore_mem>>)
    %dma_start3A_288 = arith.constant 13 : i32
    %dma_start3A_289 = arith.constant 13 : i32
    %dma_start3A_290 = arith.constant 0 : i32
    %dma_start3A_291 = arith.constant 0 : i32
    %dma_start3A_292 = tpu.memref_slice %arg9[%dma_start3A_289, %dma_start3A_290, %dma_start3A_291] : memref<26x128x16xf32, #tpu.memory_space<vmem>> -> memref<1x128x16xf32, #tpu.memory_space<vmem>>
    %dma_start3A_293 = tpu.memref_squeeze %dma_start3A_292 : memref<1x128x16xf32, #tpu.memory_space<vmem>> -> memref<128x16xf32, #tpu.memory_space<vmem>>
    %dma_start3A_294 = arith.constant 0 : i32
    %dma_start3A_295 = tpu.memref_slice %arg8[%dma_start3A_288, %dma_start3A_294] : memref<26x128xi32, #tpu.memory_space<vmem>> -> memref<1x128xi32, #tpu.memory_space<vmem>>
    %dma_start3A_296 = tpu.memref_squeeze %dma_start3A_295 : memref<1x128xi32, #tpu.memory_space<vmem>> -> memref<128xi32, #tpu.memory_space<vmem>>
    %dma_start3A_297 = arith.constant 0 : i32
    %dma_start3A_298 = arith.constant 0 : i32
    %dma_start3A_299 = tpu.memref_slice %arg4[%dma_start3A_297, %dma_start3A_298] : memref<1000000x16xf32, #tpu.memory_space<hbm>> -> memref<1000000x16xf32, #tpu.memory_space<hbm>>
    tpu.enqueue_indirect_dma source(%dma_start3A_299 : memref<1000000x16xf32, #tpu.memory_space<hbm>>) target(%dma_start3A_293 : memref<128x16xf32, #tpu.memory_space<vmem>>) offsets(%dma_start3A_296 : memref<128xi32, #tpu.memory_space<vmem>>) semaphore(%arg14 : memref<!tpu.dma_semaphore, #tpu.memory_space<semaphore_mem>>)
    %dma_start3A_300 = arith.constant 13 : i32
    %dma_start3A_301 = arith.constant 13 : i32
    %dma_start3A_302 = arith.constant 0 : i32
    %dma_start3A_303 = tpu.memref_slice %arg10[%dma_start3A_301, %dma_start3A_302] : memref<26x128xf32, #tpu.memory_space<vmem>> -> memref<1x128xf32, #tpu.memory_space<vmem>>
    %dma_start3A_304 = tpu.memref_squeeze %dma_start3A_303 : memref<1x128xf32, #tpu.memory_space<vmem>> -> memref<128xf32, #tpu.memory_space<vmem>>
    %dma_start3A_305 = arith.constant 0 : i32
    %dma_start3A_306 = tpu.memref_slice %arg8[%dma_start3A_300, %dma_start3A_305] : memref<26x128xi32, #tpu.memory_space<vmem>> -> memref<1x128xi32, #tpu.memory_space<vmem>>
    %dma_start3A_307 = tpu.memref_squeeze %dma_start3A_306 : memref<1x128xi32, #tpu.memory_space<vmem>> -> memref<128xi32, #tpu.memory_space<vmem>>
    %dma_start3A_308 = arith.constant 0 : i32
    %dma_start3A_309 = tpu.memref_slice %arg3[%dma_start3A_308] : memref<1000000xf32, #tpu.memory_space<hbm>> -> memref<1000000xf32, #tpu.memory_space<hbm>>
    tpu.enqueue_indirect_dma source(%dma_start3A_309 : memref<1000000xf32, #tpu.memory_space<hbm>>) target(%dma_start3A_304 : memref<128xf32, #tpu.memory_space<vmem>>) offsets(%dma_start3A_307 : memref<128xi32, #tpu.memory_space<vmem>>) semaphore(%arg15 : memref<!tpu.dma_semaphore, #tpu.memory_space<semaphore_mem>>)
    %dma_start3A_310 = arith.constant 14 : i32
    %dma_start3A_311 = arith.constant 14 : i32
    %dma_start3A_312 = arith.constant 0 : i32
    %dma_start3A_313 = arith.constant 0 : i32
    %dma_start3A_314 = tpu.memref_slice %arg9[%dma_start3A_311, %dma_start3A_312, %dma_start3A_313] : memref<26x128x16xf32, #tpu.memory_space<vmem>> -> memref<1x128x16xf32, #tpu.memory_space<vmem>>
    %dma_start3A_315 = tpu.memref_squeeze %dma_start3A_314 : memref<1x128x16xf32, #tpu.memory_space<vmem>> -> memref<128x16xf32, #tpu.memory_space<vmem>>
    %dma_start3A_316 = arith.constant 0 : i32
    %dma_start3A_317 = tpu.memref_slice %arg8[%dma_start3A_310, %dma_start3A_316] : memref<26x128xi32, #tpu.memory_space<vmem>> -> memref<1x128xi32, #tpu.memory_space<vmem>>
    %dma_start3A_318 = tpu.memref_squeeze %dma_start3A_317 : memref<1x128xi32, #tpu.memory_space<vmem>> -> memref<128xi32, #tpu.memory_space<vmem>>
    %dma_start3A_319 = arith.constant 0 : i32
    %dma_start3A_320 = arith.constant 0 : i32
    %dma_start3A_321 = tpu.memref_slice %arg4[%dma_start3A_319, %dma_start3A_320] : memref<1000000x16xf32, #tpu.memory_space<hbm>> -> memref<1000000x16xf32, #tpu.memory_space<hbm>>
    tpu.enqueue_indirect_dma source(%dma_start3A_321 : memref<1000000x16xf32, #tpu.memory_space<hbm>>) target(%dma_start3A_315 : memref<128x16xf32, #tpu.memory_space<vmem>>) offsets(%dma_start3A_318 : memref<128xi32, #tpu.memory_space<vmem>>) semaphore(%arg14 : memref<!tpu.dma_semaphore, #tpu.memory_space<semaphore_mem>>)
    %dma_start3A_322 = arith.constant 14 : i32
    %dma_start3A_323 = arith.constant 14 : i32
    %dma_start3A_324 = arith.constant 0 : i32
    %dma_start3A_325 = tpu.memref_slice %arg10[%dma_start3A_323, %dma_start3A_324] : memref<26x128xf32, #tpu.memory_space<vmem>> -> memref<1x128xf32, #tpu.memory_space<vmem>>
    %dma_start3A_326 = tpu.memref_squeeze %dma_start3A_325 : memref<1x128xf32, #tpu.memory_space<vmem>> -> memref<128xf32, #tpu.memory_space<vmem>>
    %dma_start3A_327 = arith.constant 0 : i32
    %dma_start3A_328 = tpu.memref_slice %arg8[%dma_start3A_322, %dma_start3A_327] : memref<26x128xi32, #tpu.memory_space<vmem>> -> memref<1x128xi32, #tpu.memory_space<vmem>>
    %dma_start3A_329 = tpu.memref_squeeze %dma_start3A_328 : memref<1x128xi32, #tpu.memory_space<vmem>> -> memref<128xi32, #tpu.memory_space<vmem>>
    %dma_start3A_330 = arith.constant 0 : i32
    %dma_start3A_331 = tpu.memref_slice %arg3[%dma_start3A_330] : memref<1000000xf32, #tpu.memory_space<hbm>> -> memref<1000000xf32, #tpu.memory_space<hbm>>
    tpu.enqueue_indirect_dma source(%dma_start3A_331 : memref<1000000xf32, #tpu.memory_space<hbm>>) target(%dma_start3A_326 : memref<128xf32, #tpu.memory_space<vmem>>) offsets(%dma_start3A_329 : memref<128xi32, #tpu.memory_space<vmem>>) semaphore(%arg15 : memref<!tpu.dma_semaphore, #tpu.memory_space<semaphore_mem>>)
    %dma_start3A_332 = arith.constant 15 : i32
    %dma_start3A_333 = arith.constant 15 : i32
    %dma_start3A_334 = arith.constant 0 : i32
    %dma_start3A_335 = arith.constant 0 : i32
    %dma_start3A_336 = tpu.memref_slice %arg9[%dma_start3A_333, %dma_start3A_334, %dma_start3A_335] : memref<26x128x16xf32, #tpu.memory_space<vmem>> -> memref<1x128x16xf32, #tpu.memory_space<vmem>>
    %dma_start3A_337 = tpu.memref_squeeze %dma_start3A_336 : memref<1x128x16xf32, #tpu.memory_space<vmem>> -> memref<128x16xf32, #tpu.memory_space<vmem>>
    %dma_start3A_338 = arith.constant 0 : i32
    %dma_start3A_339 = tpu.memref_slice %arg8[%dma_start3A_332, %dma_start3A_338] : memref<26x128xi32, #tpu.memory_space<vmem>> -> memref<1x128xi32, #tpu.memory_space<vmem>>
    %dma_start3A_340 = tpu.memref_squeeze %dma_start3A_339 : memref<1x128xi32, #tpu.memory_space<vmem>> -> memref<128xi32, #tpu.memory_space<vmem>>
    %dma_start3A_341 = arith.constant 0 : i32
    %dma_start3A_342 = arith.constant 0 : i32
    %dma_start3A_343 = tpu.memref_slice %arg4[%dma_start3A_341, %dma_start3A_342] : memref<1000000x16xf32, #tpu.memory_space<hbm>> -> memref<1000000x16xf32, #tpu.memory_space<hbm>>
    tpu.enqueue_indirect_dma source(%dma_start3A_343 : memref<1000000x16xf32, #tpu.memory_space<hbm>>) target(%dma_start3A_337 : memref<128x16xf32, #tpu.memory_space<vmem>>) offsets(%dma_start3A_340 : memref<128xi32, #tpu.memory_space<vmem>>) semaphore(%arg14 : memref<!tpu.dma_semaphore, #tpu.memory_space<semaphore_mem>>)
    %dma_start3A_344 = arith.constant 15 : i32
    %dma_start3A_345 = arith.constant 15 : i32
    %dma_start3A_346 = arith.constant 0 : i32
    %dma_start3A_347 = tpu.memref_slice %arg10[%dma_start3A_345, %dma_start3A_346] : memref<26x128xf32, #tpu.memory_space<vmem>> -> memref<1x128xf32, #tpu.memory_space<vmem>>
    %dma_start3A_348 = tpu.memref_squeeze %dma_start3A_347 : memref<1x128xf32, #tpu.memory_space<vmem>> -> memref<128xf32, #tpu.memory_space<vmem>>
    %dma_start3A_349 = arith.constant 0 : i32
    %dma_start3A_350 = tpu.memref_slice %arg8[%dma_start3A_344, %dma_start3A_349] : memref<26x128xi32, #tpu.memory_space<vmem>> -> memref<1x128xi32, #tpu.memory_space<vmem>>
    %dma_start3A_351 = tpu.memref_squeeze %dma_start3A_350 : memref<1x128xi32, #tpu.memory_space<vmem>> -> memref<128xi32, #tpu.memory_space<vmem>>
    %dma_start3A_352 = arith.constant 0 : i32
    %dma_start3A_353 = tpu.memref_slice %arg3[%dma_start3A_352] : memref<1000000xf32, #tpu.memory_space<hbm>> -> memref<1000000xf32, #tpu.memory_space<hbm>>
    tpu.enqueue_indirect_dma source(%dma_start3A_353 : memref<1000000xf32, #tpu.memory_space<hbm>>) target(%dma_start3A_348 : memref<128xf32, #tpu.memory_space<vmem>>) offsets(%dma_start3A_351 : memref<128xi32, #tpu.memory_space<vmem>>) semaphore(%arg15 : memref<!tpu.dma_semaphore, #tpu.memory_space<semaphore_mem>>)
    %dma_start3A_354 = arith.constant 16 : i32
    %dma_start3A_355 = arith.constant 16 : i32
    %dma_start3A_356 = arith.constant 0 : i32
    %dma_start3A_357 = arith.constant 0 : i32
    %dma_start3A_358 = tpu.memref_slice %arg9[%dma_start3A_355, %dma_start3A_356, %dma_start3A_357] : memref<26x128x16xf32, #tpu.memory_space<vmem>> -> memref<1x128x16xf32, #tpu.memory_space<vmem>>
    %dma_start3A_359 = tpu.memref_squeeze %dma_start3A_358 : memref<1x128x16xf32, #tpu.memory_space<vmem>> -> memref<128x16xf32, #tpu.memory_space<vmem>>
    %dma_start3A_360 = arith.constant 0 : i32
    %dma_start3A_361 = tpu.memref_slice %arg8[%dma_start3A_354, %dma_start3A_360] : memref<26x128xi32, #tpu.memory_space<vmem>> -> memref<1x128xi32, #tpu.memory_space<vmem>>
    %dma_start3A_362 = tpu.memref_squeeze %dma_start3A_361 : memref<1x128xi32, #tpu.memory_space<vmem>> -> memref<128xi32, #tpu.memory_space<vmem>>
    %dma_start3A_363 = arith.constant 0 : i32
    %dma_start3A_364 = arith.constant 0 : i32
    %dma_start3A_365 = tpu.memref_slice %arg4[%dma_start3A_363, %dma_start3A_364] : memref<1000000x16xf32, #tpu.memory_space<hbm>> -> memref<1000000x16xf32, #tpu.memory_space<hbm>>
    tpu.enqueue_indirect_dma source(%dma_start3A_365 : memref<1000000x16xf32, #tpu.memory_space<hbm>>) target(%dma_start3A_359 : memref<128x16xf32, #tpu.memory_space<vmem>>) offsets(%dma_start3A_362 : memref<128xi32, #tpu.memory_space<vmem>>) semaphore(%arg14 : memref<!tpu.dma_semaphore, #tpu.memory_space<semaphore_mem>>)
    %dma_start3A_366 = arith.constant 16 : i32
    %dma_start3A_367 = arith.constant 16 : i32
    %dma_start3A_368 = arith.constant 0 : i32
    %dma_start3A_369 = tpu.memref_slice %arg10[%dma_start3A_367, %dma_start3A_368] : memref<26x128xf32, #tpu.memory_space<vmem>> -> memref<1x128xf32, #tpu.memory_space<vmem>>
    %dma_start3A_370 = tpu.memref_squeeze %dma_start3A_369 : memref<1x128xf32, #tpu.memory_space<vmem>> -> memref<128xf32, #tpu.memory_space<vmem>>
    %dma_start3A_371 = arith.constant 0 : i32
    %dma_start3A_372 = tpu.memref_slice %arg8[%dma_start3A_366, %dma_start3A_371] : memref<26x128xi32, #tpu.memory_space<vmem>> -> memref<1x128xi32, #tpu.memory_space<vmem>>
    %dma_start3A_373 = tpu.memref_squeeze %dma_start3A_372 : memref<1x128xi32, #tpu.memory_space<vmem>> -> memref<128xi32, #tpu.memory_space<vmem>>
    %dma_start3A_374 = arith.constant 0 : i32
    %dma_start3A_375 = tpu.memref_slice %arg3[%dma_start3A_374] : memref<1000000xf32, #tpu.memory_space<hbm>> -> memref<1000000xf32, #tpu.memory_space<hbm>>
    tpu.enqueue_indirect_dma source(%dma_start3A_375 : memref<1000000xf32, #tpu.memory_space<hbm>>) target(%dma_start3A_370 : memref<128xf32, #tpu.memory_space<vmem>>) offsets(%dma_start3A_373 : memref<128xi32, #tpu.memory_space<vmem>>) semaphore(%arg15 : memref<!tpu.dma_semaphore, #tpu.memory_space<semaphore_mem>>)
    %dma_start3A_376 = arith.constant 17 : i32
    %dma_start3A_377 = arith.constant 17 : i32
    %dma_start3A_378 = arith.constant 0 : i32
    %dma_start3A_379 = arith.constant 0 : i32
    %dma_start3A_380 = tpu.memref_slice %arg9[%dma_start3A_377, %dma_start3A_378, %dma_start3A_379] : memref<26x128x16xf32, #tpu.memory_space<vmem>> -> memref<1x128x16xf32, #tpu.memory_space<vmem>>
    %dma_start3A_381 = tpu.memref_squeeze %dma_start3A_380 : memref<1x128x16xf32, #tpu.memory_space<vmem>> -> memref<128x16xf32, #tpu.memory_space<vmem>>
    %dma_start3A_382 = arith.constant 0 : i32
    %dma_start3A_383 = tpu.memref_slice %arg8[%dma_start3A_376, %dma_start3A_382] : memref<26x128xi32, #tpu.memory_space<vmem>> -> memref<1x128xi32, #tpu.memory_space<vmem>>
    %dma_start3A_384 = tpu.memref_squeeze %dma_start3A_383 : memref<1x128xi32, #tpu.memory_space<vmem>> -> memref<128xi32, #tpu.memory_space<vmem>>
    %dma_start3A_385 = arith.constant 0 : i32
    %dma_start3A_386 = arith.constant 0 : i32
    %dma_start3A_387 = tpu.memref_slice %arg4[%dma_start3A_385, %dma_start3A_386] : memref<1000000x16xf32, #tpu.memory_space<hbm>> -> memref<1000000x16xf32, #tpu.memory_space<hbm>>
    tpu.enqueue_indirect_dma source(%dma_start3A_387 : memref<1000000x16xf32, #tpu.memory_space<hbm>>) target(%dma_start3A_381 : memref<128x16xf32, #tpu.memory_space<vmem>>) offsets(%dma_start3A_384 : memref<128xi32, #tpu.memory_space<vmem>>) semaphore(%arg14 : memref<!tpu.dma_semaphore, #tpu.memory_space<semaphore_mem>>)
    %dma_start3A_388 = arith.constant 17 : i32
    %dma_start3A_389 = arith.constant 17 : i32
    %dma_start3A_390 = arith.constant 0 : i32
    %dma_start3A_391 = tpu.memref_slice %arg10[%dma_start3A_389, %dma_start3A_390] : memref<26x128xf32, #tpu.memory_space<vmem>> -> memref<1x128xf32, #tpu.memory_space<vmem>>
    %dma_start3A_392 = tpu.memref_squeeze %dma_start3A_391 : memref<1x128xf32, #tpu.memory_space<vmem>> -> memref<128xf32, #tpu.memory_space<vmem>>
    %dma_start3A_393 = arith.constant 0 : i32
    %dma_start3A_394 = tpu.memref_slice %arg8[%dma_start3A_388, %dma_start3A_393] : memref<26x128xi32, #tpu.memory_space<vmem>> -> memref<1x128xi32, #tpu.memory_space<vmem>>
    %dma_start3A_395 = tpu.memref_squeeze %dma_start3A_394 : memref<1x128xi32, #tpu.memory_space<vmem>> -> memref<128xi32, #tpu.memory_space<vmem>>
    %dma_start3A_396 = arith.constant 0 : i32
    %dma_start3A_397 = tpu.memref_slice %arg3[%dma_start3A_396] : memref<1000000xf32, #tpu.memory_space<hbm>> -> memref<1000000xf32, #tpu.memory_space<hbm>>
    tpu.enqueue_indirect_dma source(%dma_start3A_397 : memref<1000000xf32, #tpu.memory_space<hbm>>) target(%dma_start3A_392 : memref<128xf32, #tpu.memory_space<vmem>>) offsets(%dma_start3A_395 : memref<128xi32, #tpu.memory_space<vmem>>) semaphore(%arg15 : memref<!tpu.dma_semaphore, #tpu.memory_space<semaphore_mem>>)
    %dma_start3A_398 = arith.constant 18 : i32
    %dma_start3A_399 = arith.constant 18 : i32
    %dma_start3A_400 = arith.constant 0 : i32
    %dma_start3A_401 = arith.constant 0 : i32
    %dma_start3A_402 = tpu.memref_slice %arg9[%dma_start3A_399, %dma_start3A_400, %dma_start3A_401] : memref<26x128x16xf32, #tpu.memory_space<vmem>> -> memref<1x128x16xf32, #tpu.memory_space<vmem>>
    %dma_start3A_403 = tpu.memref_squeeze %dma_start3A_402 : memref<1x128x16xf32, #tpu.memory_space<vmem>> -> memref<128x16xf32, #tpu.memory_space<vmem>>
    %dma_start3A_404 = arith.constant 0 : i32
    %dma_start3A_405 = tpu.memref_slice %arg8[%dma_start3A_398, %dma_start3A_404] : memref<26x128xi32, #tpu.memory_space<vmem>> -> memref<1x128xi32, #tpu.memory_space<vmem>>
    %dma_start3A_406 = tpu.memref_squeeze %dma_start3A_405 : memref<1x128xi32, #tpu.memory_space<vmem>> -> memref<128xi32, #tpu.memory_space<vmem>>
    %dma_start3A_407 = arith.constant 0 : i32
    %dma_start3A_408 = arith.constant 0 : i32
    %dma_start3A_409 = tpu.memref_slice %arg4[%dma_start3A_407, %dma_start3A_408] : memref<1000000x16xf32, #tpu.memory_space<hbm>> -> memref<1000000x16xf32, #tpu.memory_space<hbm>>
    tpu.enqueue_indirect_dma source(%dma_start3A_409 : memref<1000000x16xf32, #tpu.memory_space<hbm>>) target(%dma_start3A_403 : memref<128x16xf32, #tpu.memory_space<vmem>>) offsets(%dma_start3A_406 : memref<128xi32, #tpu.memory_space<vmem>>) semaphore(%arg14 : memref<!tpu.dma_semaphore, #tpu.memory_space<semaphore_mem>>)
    %dma_start3A_410 = arith.constant 18 : i32
    %dma_start3A_411 = arith.constant 18 : i32
    %dma_start3A_412 = arith.constant 0 : i32
    %dma_start3A_413 = tpu.memref_slice %arg10[%dma_start3A_411, %dma_start3A_412] : memref<26x128xf32, #tpu.memory_space<vmem>> -> memref<1x128xf32, #tpu.memory_space<vmem>>
    %dma_start3A_414 = tpu.memref_squeeze %dma_start3A_413 : memref<1x128xf32, #tpu.memory_space<vmem>> -> memref<128xf32, #tpu.memory_space<vmem>>
    %dma_start3A_415 = arith.constant 0 : i32
    %dma_start3A_416 = tpu.memref_slice %arg8[%dma_start3A_410, %dma_start3A_415] : memref<26x128xi32, #tpu.memory_space<vmem>> -> memref<1x128xi32, #tpu.memory_space<vmem>>
    %dma_start3A_417 = tpu.memref_squeeze %dma_start3A_416 : memref<1x128xi32, #tpu.memory_space<vmem>> -> memref<128xi32, #tpu.memory_space<vmem>>
    %dma_start3A_418 = arith.constant 0 : i32
    %dma_start3A_419 = tpu.memref_slice %arg3[%dma_start3A_418] : memref<1000000xf32, #tpu.memory_space<hbm>> -> memref<1000000xf32, #tpu.memory_space<hbm>>
    tpu.enqueue_indirect_dma source(%dma_start3A_419 : memref<1000000xf32, #tpu.memory_space<hbm>>) target(%dma_start3A_414 : memref<128xf32, #tpu.memory_space<vmem>>) offsets(%dma_start3A_417 : memref<128xi32, #tpu.memory_space<vmem>>) semaphore(%arg15 : memref<!tpu.dma_semaphore, #tpu.memory_space<semaphore_mem>>)
    %dma_start3A_420 = arith.constant 19 : i32
    %dma_start3A_421 = arith.constant 19 : i32
    %dma_start3A_422 = arith.constant 0 : i32
    %dma_start3A_423 = arith.constant 0 : i32
    %dma_start3A_424 = tpu.memref_slice %arg9[%dma_start3A_421, %dma_start3A_422, %dma_start3A_423] : memref<26x128x16xf32, #tpu.memory_space<vmem>> -> memref<1x128x16xf32, #tpu.memory_space<vmem>>
    %dma_start3A_425 = tpu.memref_squeeze %dma_start3A_424 : memref<1x128x16xf32, #tpu.memory_space<vmem>> -> memref<128x16xf32, #tpu.memory_space<vmem>>
    %dma_start3A_426 = arith.constant 0 : i32
    %dma_start3A_427 = tpu.memref_slice %arg8[%dma_start3A_420, %dma_start3A_426] : memref<26x128xi32, #tpu.memory_space<vmem>> -> memref<1x128xi32, #tpu.memory_space<vmem>>
    %dma_start3A_428 = tpu.memref_squeeze %dma_start3A_427 : memref<1x128xi32, #tpu.memory_space<vmem>> -> memref<128xi32, #tpu.memory_space<vmem>>
    %dma_start3A_429 = arith.constant 0 : i32
    %dma_start3A_430 = arith.constant 0 : i32
    %dma_start3A_431 = tpu.memref_slice %arg4[%dma_start3A_429, %dma_start3A_430] : memref<1000000x16xf32, #tpu.memory_space<hbm>> -> memref<1000000x16xf32, #tpu.memory_space<hbm>>
    tpu.enqueue_indirect_dma source(%dma_start3A_431 : memref<1000000x16xf32, #tpu.memory_space<hbm>>) target(%dma_start3A_425 : memref<128x16xf32, #tpu.memory_space<vmem>>) offsets(%dma_start3A_428 : memref<128xi32, #tpu.memory_space<vmem>>) semaphore(%arg14 : memref<!tpu.dma_semaphore, #tpu.memory_space<semaphore_mem>>)
    %dma_start3A_432 = arith.constant 19 : i32
    %dma_start3A_433 = arith.constant 19 : i32
    %dma_start3A_434 = arith.constant 0 : i32
    %dma_start3A_435 = tpu.memref_slice %arg10[%dma_start3A_433, %dma_start3A_434] : memref<26x128xf32, #tpu.memory_space<vmem>> -> memref<1x128xf32, #tpu.memory_space<vmem>>
    %dma_start3A_436 = tpu.memref_squeeze %dma_start3A_435 : memref<1x128xf32, #tpu.memory_space<vmem>> -> memref<128xf32, #tpu.memory_space<vmem>>
    %dma_start3A_437 = arith.constant 0 : i32
    %dma_start3A_438 = tpu.memref_slice %arg8[%dma_start3A_432, %dma_start3A_437] : memref<26x128xi32, #tpu.memory_space<vmem>> -> memref<1x128xi32, #tpu.memory_space<vmem>>
    %dma_start3A_439 = tpu.memref_squeeze %dma_start3A_438 : memref<1x128xi32, #tpu.memory_space<vmem>> -> memref<128xi32, #tpu.memory_space<vmem>>
    %dma_start3A_440 = arith.constant 0 : i32
    %dma_start3A_441 = tpu.memref_slice %arg3[%dma_start3A_440] : memref<1000000xf32, #tpu.memory_space<hbm>> -> memref<1000000xf32, #tpu.memory_space<hbm>>
    tpu.enqueue_indirect_dma source(%dma_start3A_441 : memref<1000000xf32, #tpu.memory_space<hbm>>) target(%dma_start3A_436 : memref<128xf32, #tpu.memory_space<vmem>>) offsets(%dma_start3A_439 : memref<128xi32, #tpu.memory_space<vmem>>) semaphore(%arg15 : memref<!tpu.dma_semaphore, #tpu.memory_space<semaphore_mem>>)
    %dma_start3A_442 = arith.constant 20 : i32
    %dma_start3A_443 = arith.constant 20 : i32
    %dma_start3A_444 = arith.constant 0 : i32
    %dma_start3A_445 = arith.constant 0 : i32
    %dma_start3A_446 = tpu.memref_slice %arg9[%dma_start3A_443, %dma_start3A_444, %dma_start3A_445] : memref<26x128x16xf32, #tpu.memory_space<vmem>> -> memref<1x128x16xf32, #tpu.memory_space<vmem>>
    %dma_start3A_447 = tpu.memref_squeeze %dma_start3A_446 : memref<1x128x16xf32, #tpu.memory_space<vmem>> -> memref<128x16xf32, #tpu.memory_space<vmem>>
    %dma_start3A_448 = arith.constant 0 : i32
    %dma_start3A_449 = tpu.memref_slice %arg8[%dma_start3A_442, %dma_start3A_448] : memref<26x128xi32, #tpu.memory_space<vmem>> -> memref<1x128xi32, #tpu.memory_space<vmem>>
    %dma_start3A_450 = tpu.memref_squeeze %dma_start3A_449 : memref<1x128xi32, #tpu.memory_space<vmem>> -> memref<128xi32, #tpu.memory_space<vmem>>
    %dma_start3A_451 = arith.constant 0 : i32
    %dma_start3A_452 = arith.constant 0 : i32
    %dma_start3A_453 = tpu.memref_slice %arg4[%dma_start3A_451, %dma_start3A_452] : memref<1000000x16xf32, #tpu.memory_space<hbm>> -> memref<1000000x16xf32, #tpu.memory_space<hbm>>
    tpu.enqueue_indirect_dma source(%dma_start3A_453 : memref<1000000x16xf32, #tpu.memory_space<hbm>>) target(%dma_start3A_447 : memref<128x16xf32, #tpu.memory_space<vmem>>) offsets(%dma_start3A_450 : memref<128xi32, #tpu.memory_space<vmem>>) semaphore(%arg14 : memref<!tpu.dma_semaphore, #tpu.memory_space<semaphore_mem>>)
    %dma_start3A_454 = arith.constant 20 : i32
    %dma_start3A_455 = arith.constant 20 : i32
    %dma_start3A_456 = arith.constant 0 : i32
    %dma_start3A_457 = tpu.memref_slice %arg10[%dma_start3A_455, %dma_start3A_456] : memref<26x128xf32, #tpu.memory_space<vmem>> -> memref<1x128xf32, #tpu.memory_space<vmem>>
    %dma_start3A_458 = tpu.memref_squeeze %dma_start3A_457 : memref<1x128xf32, #tpu.memory_space<vmem>> -> memref<128xf32, #tpu.memory_space<vmem>>
    %dma_start3A_459 = arith.constant 0 : i32
    %dma_start3A_460 = tpu.memref_slice %arg8[%dma_start3A_454, %dma_start3A_459] : memref<26x128xi32, #tpu.memory_space<vmem>> -> memref<1x128xi32, #tpu.memory_space<vmem>>
    %dma_start3A_461 = tpu.memref_squeeze %dma_start3A_460 : memref<1x128xi32, #tpu.memory_space<vmem>> -> memref<128xi32, #tpu.memory_space<vmem>>
    %dma_start3A_462 = arith.constant 0 : i32
    %dma_start3A_463 = tpu.memref_slice %arg3[%dma_start3A_462] : memref<1000000xf32, #tpu.memory_space<hbm>> -> memref<1000000xf32, #tpu.memory_space<hbm>>
    tpu.enqueue_indirect_dma source(%dma_start3A_463 : memref<1000000xf32, #tpu.memory_space<hbm>>) target(%dma_start3A_458 : memref<128xf32, #tpu.memory_space<vmem>>) offsets(%dma_start3A_461 : memref<128xi32, #tpu.memory_space<vmem>>) semaphore(%arg15 : memref<!tpu.dma_semaphore, #tpu.memory_space<semaphore_mem>>)
    %dma_start3A_464 = arith.constant 21 : i32
    %dma_start3A_465 = arith.constant 21 : i32
    %dma_start3A_466 = arith.constant 0 : i32
    %dma_start3A_467 = arith.constant 0 : i32
    %dma_start3A_468 = tpu.memref_slice %arg9[%dma_start3A_465, %dma_start3A_466, %dma_start3A_467] : memref<26x128x16xf32, #tpu.memory_space<vmem>> -> memref<1x128x16xf32, #tpu.memory_space<vmem>>
    %dma_start3A_469 = tpu.memref_squeeze %dma_start3A_468 : memref<1x128x16xf32, #tpu.memory_space<vmem>> -> memref<128x16xf32, #tpu.memory_space<vmem>>
    %dma_start3A_470 = arith.constant 0 : i32
    %dma_start3A_471 = tpu.memref_slice %arg8[%dma_start3A_464, %dma_start3A_470] : memref<26x128xi32, #tpu.memory_space<vmem>> -> memref<1x128xi32, #tpu.memory_space<vmem>>
    %dma_start3A_472 = tpu.memref_squeeze %dma_start3A_471 : memref<1x128xi32, #tpu.memory_space<vmem>> -> memref<128xi32, #tpu.memory_space<vmem>>
    %dma_start3A_473 = arith.constant 0 : i32
    %dma_start3A_474 = arith.constant 0 : i32
    %dma_start3A_475 = tpu.memref_slice %arg4[%dma_start3A_473, %dma_start3A_474] : memref<1000000x16xf32, #tpu.memory_space<hbm>> -> memref<1000000x16xf32, #tpu.memory_space<hbm>>
    tpu.enqueue_indirect_dma source(%dma_start3A_475 : memref<1000000x16xf32, #tpu.memory_space<hbm>>) target(%dma_start3A_469 : memref<128x16xf32, #tpu.memory_space<vmem>>) offsets(%dma_start3A_472 : memref<128xi32, #tpu.memory_space<vmem>>) semaphore(%arg14 : memref<!tpu.dma_semaphore, #tpu.memory_space<semaphore_mem>>)
    %dma_start3A_476 = arith.constant 21 : i32
    %dma_start3A_477 = arith.constant 21 : i32
    %dma_start3A_478 = arith.constant 0 : i32
    %dma_start3A_479 = tpu.memref_slice %arg10[%dma_start3A_477, %dma_start3A_478] : memref<26x128xf32, #tpu.memory_space<vmem>> -> memref<1x128xf32, #tpu.memory_space<vmem>>
    %dma_start3A_480 = tpu.memref_squeeze %dma_start3A_479 : memref<1x128xf32, #tpu.memory_space<vmem>> -> memref<128xf32, #tpu.memory_space<vmem>>
    %dma_start3A_481 = arith.constant 0 : i32
    %dma_start3A_482 = tpu.memref_slice %arg8[%dma_start3A_476, %dma_start3A_481] : memref<26x128xi32, #tpu.memory_space<vmem>> -> memref<1x128xi32, #tpu.memory_space<vmem>>
    %dma_start3A_483 = tpu.memref_squeeze %dma_start3A_482 : memref<1x128xi32, #tpu.memory_space<vmem>> -> memref<128xi32, #tpu.memory_space<vmem>>
    %dma_start3A_484 = arith.constant 0 : i32
    %dma_start3A_485 = tpu.memref_slice %arg3[%dma_start3A_484] : memref<1000000xf32, #tpu.memory_space<hbm>> -> memref<1000000xf32, #tpu.memory_space<hbm>>
    tpu.enqueue_indirect_dma source(%dma_start3A_485 : memref<1000000xf32, #tpu.memory_space<hbm>>) target(%dma_start3A_480 : memref<128xf32, #tpu.memory_space<vmem>>) offsets(%dma_start3A_483 : memref<128xi32, #tpu.memory_space<vmem>>) semaphore(%arg15 : memref<!tpu.dma_semaphore, #tpu.memory_space<semaphore_mem>>)
    %dma_start3A_486 = arith.constant 22 : i32
    %dma_start3A_487 = arith.constant 22 : i32
    %dma_start3A_488 = arith.constant 0 : i32
    %dma_start3A_489 = arith.constant 0 : i32
    %dma_start3A_490 = tpu.memref_slice %arg9[%dma_start3A_487, %dma_start3A_488, %dma_start3A_489] : memref<26x128x16xf32, #tpu.memory_space<vmem>> -> memref<1x128x16xf32, #tpu.memory_space<vmem>>
    %dma_start3A_491 = tpu.memref_squeeze %dma_start3A_490 : memref<1x128x16xf32, #tpu.memory_space<vmem>> -> memref<128x16xf32, #tpu.memory_space<vmem>>
    %dma_start3A_492 = arith.constant 0 : i32
    %dma_start3A_493 = tpu.memref_slice %arg8[%dma_start3A_486, %dma_start3A_492] : memref<26x128xi32, #tpu.memory_space<vmem>> -> memref<1x128xi32, #tpu.memory_space<vmem>>
    %dma_start3A_494 = tpu.memref_squeeze %dma_start3A_493 : memref<1x128xi32, #tpu.memory_space<vmem>> -> memref<128xi32, #tpu.memory_space<vmem>>
    %dma_start3A_495 = arith.constant 0 : i32
    %dma_start3A_496 = arith.constant 0 : i32
    %dma_start3A_497 = tpu.memref_slice %arg4[%dma_start3A_495, %dma_start3A_496] : memref<1000000x16xf32, #tpu.memory_space<hbm>> -> memref<1000000x16xf32, #tpu.memory_space<hbm>>
    tpu.enqueue_indirect_dma source(%dma_start3A_497 : memref<1000000x16xf32, #tpu.memory_space<hbm>>) target(%dma_start3A_491 : memref<128x16xf32, #tpu.memory_space<vmem>>) offsets(%dma_start3A_494 : memref<128xi32, #tpu.memory_space<vmem>>) semaphore(%arg14 : memref<!tpu.dma_semaphore, #tpu.memory_space<semaphore_mem>>)
    %dma_start3A_498 = arith.constant 22 : i32
    %dma_start3A_499 = arith.constant 22 : i32
    %dma_start3A_500 = arith.constant 0 : i32
    %dma_start3A_501 = tpu.memref_slice %arg10[%dma_start3A_499, %dma_start3A_500] : memref<26x128xf32, #tpu.memory_space<vmem>> -> memref<1x128xf32, #tpu.memory_space<vmem>>
    %dma_start3A_502 = tpu.memref_squeeze %dma_start3A_501 : memref<1x128xf32, #tpu.memory_space<vmem>> -> memref<128xf32, #tpu.memory_space<vmem>>
    %dma_start3A_503 = arith.constant 0 : i32
    %dma_start3A_504 = tpu.memref_slice %arg8[%dma_start3A_498, %dma_start3A_503] : memref<26x128xi32, #tpu.memory_space<vmem>> -> memref<1x128xi32, #tpu.memory_space<vmem>>
    %dma_start3A_505 = tpu.memref_squeeze %dma_start3A_504 : memref<1x128xi32, #tpu.memory_space<vmem>> -> memref<128xi32, #tpu.memory_space<vmem>>
    %dma_start3A_506 = arith.constant 0 : i32
    %dma_start3A_507 = tpu.memref_slice %arg3[%dma_start3A_506] : memref<1000000xf32, #tpu.memory_space<hbm>> -> memref<1000000xf32, #tpu.memory_space<hbm>>
    tpu.enqueue_indirect_dma source(%dma_start3A_507 : memref<1000000xf32, #tpu.memory_space<hbm>>) target(%dma_start3A_502 : memref<128xf32, #tpu.memory_space<vmem>>) offsets(%dma_start3A_505 : memref<128xi32, #tpu.memory_space<vmem>>) semaphore(%arg15 : memref<!tpu.dma_semaphore, #tpu.memory_space<semaphore_mem>>)
    %dma_start3A_508 = arith.constant 23 : i32
    %dma_start3A_509 = arith.constant 23 : i32
    %dma_start3A_510 = arith.constant 0 : i32
    %dma_start3A_511 = arith.constant 0 : i32
    %dma_start3A_512 = tpu.memref_slice %arg9[%dma_start3A_509, %dma_start3A_510, %dma_start3A_511] : memref<26x128x16xf32, #tpu.memory_space<vmem>> -> memref<1x128x16xf32, #tpu.memory_space<vmem>>
    %dma_start3A_513 = tpu.memref_squeeze %dma_start3A_512 : memref<1x128x16xf32, #tpu.memory_space<vmem>> -> memref<128x16xf32, #tpu.memory_space<vmem>>
    %dma_start3A_514 = arith.constant 0 : i32
    %dma_start3A_515 = tpu.memref_slice %arg8[%dma_start3A_508, %dma_start3A_514] : memref<26x128xi32, #tpu.memory_space<vmem>> -> memref<1x128xi32, #tpu.memory_space<vmem>>
    %dma_start3A_516 = tpu.memref_squeeze %dma_start3A_515 : memref<1x128xi32, #tpu.memory_space<vmem>> -> memref<128xi32, #tpu.memory_space<vmem>>
    %dma_start3A_517 = arith.constant 0 : i32
    %dma_start3A_518 = arith.constant 0 : i32
    %dma_start3A_519 = tpu.memref_slice %arg4[%dma_start3A_517, %dma_start3A_518] : memref<1000000x16xf32, #tpu.memory_space<hbm>> -> memref<1000000x16xf32, #tpu.memory_space<hbm>>
    tpu.enqueue_indirect_dma source(%dma_start3A_519 : memref<1000000x16xf32, #tpu.memory_space<hbm>>) target(%dma_start3A_513 : memref<128x16xf32, #tpu.memory_space<vmem>>) offsets(%dma_start3A_516 : memref<128xi32, #tpu.memory_space<vmem>>) semaphore(%arg14 : memref<!tpu.dma_semaphore, #tpu.memory_space<semaphore_mem>>)
    %dma_start3A_520 = arith.constant 23 : i32
    %dma_start3A_521 = arith.constant 23 : i32
    %dma_start3A_522 = arith.constant 0 : i32
    %dma_start3A_523 = tpu.memref_slice %arg10[%dma_start3A_521, %dma_start3A_522] : memref<26x128xf32, #tpu.memory_space<vmem>> -> memref<1x128xf32, #tpu.memory_space<vmem>>
    %dma_start3A_524 = tpu.memref_squeeze %dma_start3A_523 : memref<1x128xf32, #tpu.memory_space<vmem>> -> memref<128xf32, #tpu.memory_space<vmem>>
    %dma_start3A_525 = arith.constant 0 : i32
    %dma_start3A_526 = tpu.memref_slice %arg8[%dma_start3A_520, %dma_start3A_525] : memref<26x128xi32, #tpu.memory_space<vmem>> -> memref<1x128xi32, #tpu.memory_space<vmem>>
    %dma_start3A_527 = tpu.memref_squeeze %dma_start3A_526 : memref<1x128xi32, #tpu.memory_space<vmem>> -> memref<128xi32, #tpu.memory_space<vmem>>
    %dma_start3A_528 = arith.constant 0 : i32
    %dma_start3A_529 = tpu.memref_slice %arg3[%dma_start3A_528] : memref<1000000xf32, #tpu.memory_space<hbm>> -> memref<1000000xf32, #tpu.memory_space<hbm>>
    tpu.enqueue_indirect_dma source(%dma_start3A_529 : memref<1000000xf32, #tpu.memory_space<hbm>>) target(%dma_start3A_524 : memref<128xf32, #tpu.memory_space<vmem>>) offsets(%dma_start3A_527 : memref<128xi32, #tpu.memory_space<vmem>>) semaphore(%arg15 : memref<!tpu.dma_semaphore, #tpu.memory_space<semaphore_mem>>)
    %dma_start3A_530 = arith.constant 24 : i32
    %dma_start3A_531 = arith.constant 24 : i32
    %dma_start3A_532 = arith.constant 0 : i32
    %dma_start3A_533 = arith.constant 0 : i32
    %dma_start3A_534 = tpu.memref_slice %arg9[%dma_start3A_531, %dma_start3A_532, %dma_start3A_533] : memref<26x128x16xf32, #tpu.memory_space<vmem>> -> memref<1x128x16xf32, #tpu.memory_space<vmem>>
    %dma_start3A_535 = tpu.memref_squeeze %dma_start3A_534 : memref<1x128x16xf32, #tpu.memory_space<vmem>> -> memref<128x16xf32, #tpu.memory_space<vmem>>
    %dma_start3A_536 = arith.constant 0 : i32
    %dma_start3A_537 = tpu.memref_slice %arg8[%dma_start3A_530, %dma_start3A_536] : memref<26x128xi32, #tpu.memory_space<vmem>> -> memref<1x128xi32, #tpu.memory_space<vmem>>
    %dma_start3A_538 = tpu.memref_squeeze %dma_start3A_537 : memref<1x128xi32, #tpu.memory_space<vmem>> -> memref<128xi32, #tpu.memory_space<vmem>>
    %dma_start3A_539 = arith.constant 0 : i32
    %dma_start3A_540 = arith.constant 0 : i32
    %dma_start3A_541 = tpu.memref_slice %arg4[%dma_start3A_539, %dma_start3A_540] : memref<1000000x16xf32, #tpu.memory_space<hbm>> -> memref<1000000x16xf32, #tpu.memory_space<hbm>>
    tpu.enqueue_indirect_dma source(%dma_start3A_541 : memref<1000000x16xf32, #tpu.memory_space<hbm>>) target(%dma_start3A_535 : memref<128x16xf32, #tpu.memory_space<vmem>>) offsets(%dma_start3A_538 : memref<128xi32, #tpu.memory_space<vmem>>) semaphore(%arg14 : memref<!tpu.dma_semaphore, #tpu.memory_space<semaphore_mem>>)
    %dma_start3A_542 = arith.constant 24 : i32
    %dma_start3A_543 = arith.constant 24 : i32
    %dma_start3A_544 = arith.constant 0 : i32
    %dma_start3A_545 = tpu.memref_slice %arg10[%dma_start3A_543, %dma_start3A_544] : memref<26x128xf32, #tpu.memory_space<vmem>> -> memref<1x128xf32, #tpu.memory_space<vmem>>
    %dma_start3A_546 = tpu.memref_squeeze %dma_start3A_545 : memref<1x128xf32, #tpu.memory_space<vmem>> -> memref<128xf32, #tpu.memory_space<vmem>>
    %dma_start3A_547 = arith.constant 0 : i32
    %dma_start3A_548 = tpu.memref_slice %arg8[%dma_start3A_542, %dma_start3A_547] : memref<26x128xi32, #tpu.memory_space<vmem>> -> memref<1x128xi32, #tpu.memory_space<vmem>>
    %dma_start3A_549 = tpu.memref_squeeze %dma_start3A_548 : memref<1x128xi32, #tpu.memory_space<vmem>> -> memref<128xi32, #tpu.memory_space<vmem>>
    %dma_start3A_550 = arith.constant 0 : i32
    %dma_start3A_551 = tpu.memref_slice %arg3[%dma_start3A_550] : memref<1000000xf32, #tpu.memory_space<hbm>> -> memref<1000000xf32, #tpu.memory_space<hbm>>
    tpu.enqueue_indirect_dma source(%dma_start3A_551 : memref<1000000xf32, #tpu.memory_space<hbm>>) target(%dma_start3A_546 : memref<128xf32, #tpu.memory_space<vmem>>) offsets(%dma_start3A_549 : memref<128xi32, #tpu.memory_space<vmem>>) semaphore(%arg15 : memref<!tpu.dma_semaphore, #tpu.memory_space<semaphore_mem>>)
    %dma_start3A_552 = arith.constant 25 : i32
    %dma_start3A_553 = arith.constant 25 : i32
    %dma_start3A_554 = arith.constant 0 : i32
    %dma_start3A_555 = arith.constant 0 : i32
    %dma_start3A_556 = tpu.memref_slice %arg9[%dma_start3A_553, %dma_start3A_554, %dma_start3A_555] : memref<26x128x16xf32, #tpu.memory_space<vmem>> -> memref<1x128x16xf32, #tpu.memory_space<vmem>>
    %dma_start3A_557 = tpu.memref_squeeze %dma_start3A_556 : memref<1x128x16xf32, #tpu.memory_space<vmem>> -> memref<128x16xf32, #tpu.memory_space<vmem>>
    %dma_start3A_558 = arith.constant 0 : i32
    %dma_start3A_559 = tpu.memref_slice %arg8[%dma_start3A_552, %dma_start3A_558] : memref<26x128xi32, #tpu.memory_space<vmem>> -> memref<1x128xi32, #tpu.memory_space<vmem>>
    %dma_start3A_560 = tpu.memref_squeeze %dma_start3A_559 : memref<1x128xi32, #tpu.memory_space<vmem>> -> memref<128xi32, #tpu.memory_space<vmem>>
    %dma_start3A_561 = arith.constant 0 : i32
    %dma_start3A_562 = arith.constant 0 : i32
    %dma_start3A_563 = tpu.memref_slice %arg4[%dma_start3A_561, %dma_start3A_562] : memref<1000000x16xf32, #tpu.memory_space<hbm>> -> memref<1000000x16xf32, #tpu.memory_space<hbm>>
    tpu.enqueue_indirect_dma source(%dma_start3A_563 : memref<1000000x16xf32, #tpu.memory_space<hbm>>) target(%dma_start3A_557 : memref<128x16xf32, #tpu.memory_space<vmem>>) offsets(%dma_start3A_560 : memref<128xi32, #tpu.memory_space<vmem>>) semaphore(%arg14 : memref<!tpu.dma_semaphore, #tpu.memory_space<semaphore_mem>>)
    %dma_start3A_564 = arith.constant 25 : i32
    %dma_start3A_565 = arith.constant 25 : i32
    %dma_start3A_566 = arith.constant 0 : i32
    %dma_start3A_567 = tpu.memref_slice %arg10[%dma_start3A_565, %dma_start3A_566] : memref<26x128xf32, #tpu.memory_space<vmem>> -> memref<1x128xf32, #tpu.memory_space<vmem>>
    %dma_start3A_568 = tpu.memref_squeeze %dma_start3A_567 : memref<1x128xf32, #tpu.memory_space<vmem>> -> memref<128xf32, #tpu.memory_space<vmem>>
    %dma_start3A_569 = arith.constant 0 : i32
    %dma_start3A_570 = tpu.memref_slice %arg8[%dma_start3A_564, %dma_start3A_569] : memref<26x128xi32, #tpu.memory_space<vmem>> -> memref<1x128xi32, #tpu.memory_space<vmem>>
    %dma_start3A_571 = tpu.memref_squeeze %dma_start3A_570 : memref<1x128xi32, #tpu.memory_space<vmem>> -> memref<128xi32, #tpu.memory_space<vmem>>
    %dma_start3A_572 = arith.constant 0 : i32
    %dma_start3A_573 = tpu.memref_slice %arg3[%dma_start3A_572] : memref<1000000xf32, #tpu.memory_space<hbm>> -> memref<1000000xf32, #tpu.memory_space<hbm>>
    tpu.enqueue_indirect_dma source(%dma_start3A_573 : memref<1000000xf32, #tpu.memory_space<hbm>>) target(%dma_start3A_568 : memref<128xf32, #tpu.memory_space<vmem>>) offsets(%dma_start3A_571 : memref<128xi32, #tpu.memory_space<vmem>>) semaphore(%arg15 : memref<!tpu.dma_semaphore, #tpu.memory_space<semaphore_mem>>)
    %dma_wait3A = arith.constant 0 : i32
    %dma_wait3A_574 = arith.constant 0 : i32
    %dma_wait3A_575 = arith.constant 0 : i32
    %dma_wait3A_576 = arith.constant 0 : i32
    %dma_wait3A_577 = tpu.memref_slice %arg9[%dma_wait3A_574, %dma_wait3A_575, %dma_wait3A_576] : memref<26x128x16xf32, #tpu.memory_space<vmem>> -> memref<1x128x16xf32, #tpu.memory_space<vmem>>
    %dma_wait3A_578 = tpu.memref_squeeze %dma_wait3A_577 : memref<1x128x16xf32, #tpu.memory_space<vmem>> -> memref<128x16xf32, #tpu.memory_space<vmem>>
    %dma_wait3A_579 = arith.constant 0 : i32
    %dma_wait3A_580 = tpu.memref_slice %arg8[%dma_wait3A, %dma_wait3A_579] : memref<26x128xi32, #tpu.memory_space<vmem>> -> memref<1x128xi32, #tpu.memory_space<vmem>>
    %dma_wait3A_581 = tpu.memref_squeeze %dma_wait3A_580 : memref<1x128xi32, #tpu.memory_space<vmem>> -> memref<128xi32, #tpu.memory_space<vmem>>
    %dma_wait3A_582 = arith.constant 0 : i32
    %dma_wait3A_583 = arith.constant 0 : i32
    %dma_wait3A_584 = tpu.memref_slice %arg4[%dma_wait3A_582, %dma_wait3A_583] : memref<1000000x16xf32, #tpu.memory_space<hbm>> -> memref<1000000x16xf32, #tpu.memory_space<hbm>>
    tpu.wait_indirect_dma semaphore(%arg14 : memref<!tpu.dma_semaphore, #tpu.memory_space<semaphore_mem>>) src(%dma_wait3A_584 : memref<1000000x16xf32, #tpu.memory_space<hbm>>) dst(%dma_wait3A_578 : memref<128x16xf32, #tpu.memory_space<vmem>>)
    %dma_wait3A_585 = arith.constant 0 : i32
    %dma_wait3A_586 = arith.constant 0 : i32
    %dma_wait3A_587 = arith.constant 0 : i32
    %dma_wait3A_588 = tpu.memref_slice %arg10[%dma_wait3A_586, %dma_wait3A_587] : memref<26x128xf32, #tpu.memory_space<vmem>> -> memref<1x128xf32, #tpu.memory_space<vmem>>
    %dma_wait3A_589 = tpu.memref_squeeze %dma_wait3A_588 : memref<1x128xf32, #tpu.memory_space<vmem>> -> memref<128xf32, #tpu.memory_space<vmem>>
    %dma_wait3A_590 = arith.constant 0 : i32
    %dma_wait3A_591 = tpu.memref_slice %arg8[%dma_wait3A_585, %dma_wait3A_590] : memref<26x128xi32, #tpu.memory_space<vmem>> -> memref<1x128xi32, #tpu.memory_space<vmem>>
    %dma_wait3A_592 = tpu.memref_squeeze %dma_wait3A_591 : memref<1x128xi32, #tpu.memory_space<vmem>> -> memref<128xi32, #tpu.memory_space<vmem>>
    %dma_wait3A_593 = arith.constant 0 : i32
    %dma_wait3A_594 = tpu.memref_slice %arg3[%dma_wait3A_593] : memref<1000000xf32, #tpu.memory_space<hbm>> -> memref<1000000xf32, #tpu.memory_space<hbm>>
    tpu.wait_indirect_dma semaphore(%arg15 : memref<!tpu.dma_semaphore, #tpu.memory_space<semaphore_mem>>) src(%dma_wait3A_594 : memref<1000000xf32, #tpu.memory_space<hbm>>) dst(%dma_wait3A_589 : memref<128xf32, #tpu.memory_space<vmem>>)
    %dma_wait3A_595 = arith.constant 1 : i32
    %dma_wait3A_596 = arith.constant 1 : i32
    %dma_wait3A_597 = arith.constant 0 : i32
    %dma_wait3A_598 = arith.constant 0 : i32
    %dma_wait3A_599 = tpu.memref_slice %arg9[%dma_wait3A_596, %dma_wait3A_597, %dma_wait3A_598] : memref<26x128x16xf32, #tpu.memory_space<vmem>> -> memref<1x128x16xf32, #tpu.memory_space<vmem>>
    %dma_wait3A_600 = tpu.memref_squeeze %dma_wait3A_599 : memref<1x128x16xf32, #tpu.memory_space<vmem>> -> memref<128x16xf32, #tpu.memory_space<vmem>>
    %dma_wait3A_601 = arith.constant 0 : i32
    %dma_wait3A_602 = tpu.memref_slice %arg8[%dma_wait3A_595, %dma_wait3A_601] : memref<26x128xi32, #tpu.memory_space<vmem>> -> memref<1x128xi32, #tpu.memory_space<vmem>>
    %dma_wait3A_603 = tpu.memref_squeeze %dma_wait3A_602 : memref<1x128xi32, #tpu.memory_space<vmem>> -> memref<128xi32, #tpu.memory_space<vmem>>
    %dma_wait3A_604 = arith.constant 0 : i32
    %dma_wait3A_605 = arith.constant 0 : i32
    %dma_wait3A_606 = tpu.memref_slice %arg4[%dma_wait3A_604, %dma_wait3A_605] : memref<1000000x16xf32, #tpu.memory_space<hbm>> -> memref<1000000x16xf32, #tpu.memory_space<hbm>>
    tpu.wait_indirect_dma semaphore(%arg14 : memref<!tpu.dma_semaphore, #tpu.memory_space<semaphore_mem>>) src(%dma_wait3A_606 : memref<1000000x16xf32, #tpu.memory_space<hbm>>) dst(%dma_wait3A_600 : memref<128x16xf32, #tpu.memory_space<vmem>>)
    %dma_wait3A_607 = arith.constant 1 : i32
    %dma_wait3A_608 = arith.constant 1 : i32
    %dma_wait3A_609 = arith.constant 0 : i32
    %dma_wait3A_610 = tpu.memref_slice %arg10[%dma_wait3A_608, %dma_wait3A_609] : memref<26x128xf32, #tpu.memory_space<vmem>> -> memref<1x128xf32, #tpu.memory_space<vmem>>
    %dma_wait3A_611 = tpu.memref_squeeze %dma_wait3A_610 : memref<1x128xf32, #tpu.memory_space<vmem>> -> memref<128xf32, #tpu.memory_space<vmem>>
    %dma_wait3A_612 = arith.constant 0 : i32
    %dma_wait3A_613 = tpu.memref_slice %arg8[%dma_wait3A_607, %dma_wait3A_612] : memref<26x128xi32, #tpu.memory_space<vmem>> -> memref<1x128xi32, #tpu.memory_space<vmem>>
    %dma_wait3A_614 = tpu.memref_squeeze %dma_wait3A_613 : memref<1x128xi32, #tpu.memory_space<vmem>> -> memref<128xi32, #tpu.memory_space<vmem>>
    %dma_wait3A_615 = arith.constant 0 : i32
    %dma_wait3A_616 = tpu.memref_slice %arg3[%dma_wait3A_615] : memref<1000000xf32, #tpu.memory_space<hbm>> -> memref<1000000xf32, #tpu.memory_space<hbm>>
    tpu.wait_indirect_dma semaphore(%arg15 : memref<!tpu.dma_semaphore, #tpu.memory_space<semaphore_mem>>) src(%dma_wait3A_616 : memref<1000000xf32, #tpu.memory_space<hbm>>) dst(%dma_wait3A_611 : memref<128xf32, #tpu.memory_space<vmem>>)
    %dma_wait3A_617 = arith.constant 2 : i32
    %dma_wait3A_618 = arith.constant 2 : i32
    %dma_wait3A_619 = arith.constant 0 : i32
    %dma_wait3A_620 = arith.constant 0 : i32
    %dma_wait3A_621 = tpu.memref_slice %arg9[%dma_wait3A_618, %dma_wait3A_619, %dma_wait3A_620] : memref<26x128x16xf32, #tpu.memory_space<vmem>> -> memref<1x128x16xf32, #tpu.memory_space<vmem>>
    %dma_wait3A_622 = tpu.memref_squeeze %dma_wait3A_621 : memref<1x128x16xf32, #tpu.memory_space<vmem>> -> memref<128x16xf32, #tpu.memory_space<vmem>>
    %dma_wait3A_623 = arith.constant 0 : i32
    %dma_wait3A_624 = tpu.memref_slice %arg8[%dma_wait3A_617, %dma_wait3A_623] : memref<26x128xi32, #tpu.memory_space<vmem>> -> memref<1x128xi32, #tpu.memory_space<vmem>>
    %dma_wait3A_625 = tpu.memref_squeeze %dma_wait3A_624 : memref<1x128xi32, #tpu.memory_space<vmem>> -> memref<128xi32, #tpu.memory_space<vmem>>
    %dma_wait3A_626 = arith.constant 0 : i32
    %dma_wait3A_627 = arith.constant 0 : i32
    %dma_wait3A_628 = tpu.memref_slice %arg4[%dma_wait3A_626, %dma_wait3A_627] : memref<1000000x16xf32, #tpu.memory_space<hbm>> -> memref<1000000x16xf32, #tpu.memory_space<hbm>>
    tpu.wait_indirect_dma semaphore(%arg14 : memref<!tpu.dma_semaphore, #tpu.memory_space<semaphore_mem>>) src(%dma_wait3A_628 : memref<1000000x16xf32, #tpu.memory_space<hbm>>) dst(%dma_wait3A_622 : memref<128x16xf32, #tpu.memory_space<vmem>>)
    %dma_wait3A_629 = arith.constant 2 : i32
    %dma_wait3A_630 = arith.constant 2 : i32
    %dma_wait3A_631 = arith.constant 0 : i32
    %dma_wait3A_632 = tpu.memref_slice %arg10[%dma_wait3A_630, %dma_wait3A_631] : memref<26x128xf32, #tpu.memory_space<vmem>> -> memref<1x128xf32, #tpu.memory_space<vmem>>
    %dma_wait3A_633 = tpu.memref_squeeze %dma_wait3A_632 : memref<1x128xf32, #tpu.memory_space<vmem>> -> memref<128xf32, #tpu.memory_space<vmem>>
    %dma_wait3A_634 = arith.constant 0 : i32
    %dma_wait3A_635 = tpu.memref_slice %arg8[%dma_wait3A_629, %dma_wait3A_634] : memref<26x128xi32, #tpu.memory_space<vmem>> -> memref<1x128xi32, #tpu.memory_space<vmem>>
    %dma_wait3A_636 = tpu.memref_squeeze %dma_wait3A_635 : memref<1x128xi32, #tpu.memory_space<vmem>> -> memref<128xi32, #tpu.memory_space<vmem>>
    %dma_wait3A_637 = arith.constant 0 : i32
    %dma_wait3A_638 = tpu.memref_slice %arg3[%dma_wait3A_637] : memref<1000000xf32, #tpu.memory_space<hbm>> -> memref<1000000xf32, #tpu.memory_space<hbm>>
    tpu.wait_indirect_dma semaphore(%arg15 : memref<!tpu.dma_semaphore, #tpu.memory_space<semaphore_mem>>) src(%dma_wait3A_638 : memref<1000000xf32, #tpu.memory_space<hbm>>) dst(%dma_wait3A_633 : memref<128xf32, #tpu.memory_space<vmem>>)
    %dma_wait3A_639 = arith.constant 3 : i32
    %dma_wait3A_640 = arith.constant 3 : i32
    %dma_wait3A_641 = arith.constant 0 : i32
    %dma_wait3A_642 = arith.constant 0 : i32
    %dma_wait3A_643 = tpu.memref_slice %arg9[%dma_wait3A_640, %dma_wait3A_641, %dma_wait3A_642] : memref<26x128x16xf32, #tpu.memory_space<vmem>> -> memref<1x128x16xf32, #tpu.memory_space<vmem>>
    %dma_wait3A_644 = tpu.memref_squeeze %dma_wait3A_643 : memref<1x128x16xf32, #tpu.memory_space<vmem>> -> memref<128x16xf32, #tpu.memory_space<vmem>>
    %dma_wait3A_645 = arith.constant 0 : i32
    %dma_wait3A_646 = tpu.memref_slice %arg8[%dma_wait3A_639, %dma_wait3A_645] : memref<26x128xi32, #tpu.memory_space<vmem>> -> memref<1x128xi32, #tpu.memory_space<vmem>>
    %dma_wait3A_647 = tpu.memref_squeeze %dma_wait3A_646 : memref<1x128xi32, #tpu.memory_space<vmem>> -> memref<128xi32, #tpu.memory_space<vmem>>
    %dma_wait3A_648 = arith.constant 0 : i32
    %dma_wait3A_649 = arith.constant 0 : i32
    %dma_wait3A_650 = tpu.memref_slice %arg4[%dma_wait3A_648, %dma_wait3A_649] : memref<1000000x16xf32, #tpu.memory_space<hbm>> -> memref<1000000x16xf32, #tpu.memory_space<hbm>>
    tpu.wait_indirect_dma semaphore(%arg14 : memref<!tpu.dma_semaphore, #tpu.memory_space<semaphore_mem>>) src(%dma_wait3A_650 : memref<1000000x16xf32, #tpu.memory_space<hbm>>) dst(%dma_wait3A_644 : memref<128x16xf32, #tpu.memory_space<vmem>>)
    %dma_wait3A_651 = arith.constant 3 : i32
    %dma_wait3A_652 = arith.constant 3 : i32
    %dma_wait3A_653 = arith.constant 0 : i32
    %dma_wait3A_654 = tpu.memref_slice %arg10[%dma_wait3A_652, %dma_wait3A_653] : memref<26x128xf32, #tpu.memory_space<vmem>> -> memref<1x128xf32, #tpu.memory_space<vmem>>
    %dma_wait3A_655 = tpu.memref_squeeze %dma_wait3A_654 : memref<1x128xf32, #tpu.memory_space<vmem>> -> memref<128xf32, #tpu.memory_space<vmem>>
    %dma_wait3A_656 = arith.constant 0 : i32
    %dma_wait3A_657 = tpu.memref_slice %arg8[%dma_wait3A_651, %dma_wait3A_656] : memref<26x128xi32, #tpu.memory_space<vmem>> -> memref<1x128xi32, #tpu.memory_space<vmem>>
    %dma_wait3A_658 = tpu.memref_squeeze %dma_wait3A_657 : memref<1x128xi32, #tpu.memory_space<vmem>> -> memref<128xi32, #tpu.memory_space<vmem>>
    %dma_wait3A_659 = arith.constant 0 : i32
    %dma_wait3A_660 = tpu.memref_slice %arg3[%dma_wait3A_659] : memref<1000000xf32, #tpu.memory_space<hbm>> -> memref<1000000xf32, #tpu.memory_space<hbm>>
    tpu.wait_indirect_dma semaphore(%arg15 : memref<!tpu.dma_semaphore, #tpu.memory_space<semaphore_mem>>) src(%dma_wait3A_660 : memref<1000000xf32, #tpu.memory_space<hbm>>) dst(%dma_wait3A_655 : memref<128xf32, #tpu.memory_space<vmem>>)
    %dma_wait3A_661 = arith.constant 4 : i32
    %dma_wait3A_662 = arith.constant 4 : i32
    %dma_wait3A_663 = arith.constant 0 : i32
    %dma_wait3A_664 = arith.constant 0 : i32
    %dma_wait3A_665 = tpu.memref_slice %arg9[%dma_wait3A_662, %dma_wait3A_663, %dma_wait3A_664] : memref<26x128x16xf32, #tpu.memory_space<vmem>> -> memref<1x128x16xf32, #tpu.memory_space<vmem>>
    %dma_wait3A_666 = tpu.memref_squeeze %dma_wait3A_665 : memref<1x128x16xf32, #tpu.memory_space<vmem>> -> memref<128x16xf32, #tpu.memory_space<vmem>>
    %dma_wait3A_667 = arith.constant 0 : i32
    %dma_wait3A_668 = tpu.memref_slice %arg8[%dma_wait3A_661, %dma_wait3A_667] : memref<26x128xi32, #tpu.memory_space<vmem>> -> memref<1x128xi32, #tpu.memory_space<vmem>>
    %dma_wait3A_669 = tpu.memref_squeeze %dma_wait3A_668 : memref<1x128xi32, #tpu.memory_space<vmem>> -> memref<128xi32, #tpu.memory_space<vmem>>
    %dma_wait3A_670 = arith.constant 0 : i32
    %dma_wait3A_671 = arith.constant 0 : i32
    %dma_wait3A_672 = tpu.memref_slice %arg4[%dma_wait3A_670, %dma_wait3A_671] : memref<1000000x16xf32, #tpu.memory_space<hbm>> -> memref<1000000x16xf32, #tpu.memory_space<hbm>>
    tpu.wait_indirect_dma semaphore(%arg14 : memref<!tpu.dma_semaphore, #tpu.memory_space<semaphore_mem>>) src(%dma_wait3A_672 : memref<1000000x16xf32, #tpu.memory_space<hbm>>) dst(%dma_wait3A_666 : memref<128x16xf32, #tpu.memory_space<vmem>>)
    %dma_wait3A_673 = arith.constant 4 : i32
    %dma_wait3A_674 = arith.constant 4 : i32
    %dma_wait3A_675 = arith.constant 0 : i32
    %dma_wait3A_676 = tpu.memref_slice %arg10[%dma_wait3A_674, %dma_wait3A_675] : memref<26x128xf32, #tpu.memory_space<vmem>> -> memref<1x128xf32, #tpu.memory_space<vmem>>
    %dma_wait3A_677 = tpu.memref_squeeze %dma_wait3A_676 : memref<1x128xf32, #tpu.memory_space<vmem>> -> memref<128xf32, #tpu.memory_space<vmem>>
    %dma_wait3A_678 = arith.constant 0 : i32
    %dma_wait3A_679 = tpu.memref_slice %arg8[%dma_wait3A_673, %dma_wait3A_678] : memref<26x128xi32, #tpu.memory_space<vmem>> -> memref<1x128xi32, #tpu.memory_space<vmem>>
    %dma_wait3A_680 = tpu.memref_squeeze %dma_wait3A_679 : memref<1x128xi32, #tpu.memory_space<vmem>> -> memref<128xi32, #tpu.memory_space<vmem>>
    %dma_wait3A_681 = arith.constant 0 : i32
    %dma_wait3A_682 = tpu.memref_slice %arg3[%dma_wait3A_681] : memref<1000000xf32, #tpu.memory_space<hbm>> -> memref<1000000xf32, #tpu.memory_space<hbm>>
    tpu.wait_indirect_dma semaphore(%arg15 : memref<!tpu.dma_semaphore, #tpu.memory_space<semaphore_mem>>) src(%dma_wait3A_682 : memref<1000000xf32, #tpu.memory_space<hbm>>) dst(%dma_wait3A_677 : memref<128xf32, #tpu.memory_space<vmem>>)
    %dma_wait3A_683 = arith.constant 5 : i32
    %dma_wait3A_684 = arith.constant 5 : i32
    %dma_wait3A_685 = arith.constant 0 : i32
    %dma_wait3A_686 = arith.constant 0 : i32
    %dma_wait3A_687 = tpu.memref_slice %arg9[%dma_wait3A_684, %dma_wait3A_685, %dma_wait3A_686] : memref<26x128x16xf32, #tpu.memory_space<vmem>> -> memref<1x128x16xf32, #tpu.memory_space<vmem>>
    %dma_wait3A_688 = tpu.memref_squeeze %dma_wait3A_687 : memref<1x128x16xf32, #tpu.memory_space<vmem>> -> memref<128x16xf32, #tpu.memory_space<vmem>>
    %dma_wait3A_689 = arith.constant 0 : i32
    %dma_wait3A_690 = tpu.memref_slice %arg8[%dma_wait3A_683, %dma_wait3A_689] : memref<26x128xi32, #tpu.memory_space<vmem>> -> memref<1x128xi32, #tpu.memory_space<vmem>>
    %dma_wait3A_691 = tpu.memref_squeeze %dma_wait3A_690 : memref<1x128xi32, #tpu.memory_space<vmem>> -> memref<128xi32, #tpu.memory_space<vmem>>
    %dma_wait3A_692 = arith.constant 0 : i32
    %dma_wait3A_693 = arith.constant 0 : i32
    %dma_wait3A_694 = tpu.memref_slice %arg4[%dma_wait3A_692, %dma_wait3A_693] : memref<1000000x16xf32, #tpu.memory_space<hbm>> -> memref<1000000x16xf32, #tpu.memory_space<hbm>>
    tpu.wait_indirect_dma semaphore(%arg14 : memref<!tpu.dma_semaphore, #tpu.memory_space<semaphore_mem>>) src(%dma_wait3A_694 : memref<1000000x16xf32, #tpu.memory_space<hbm>>) dst(%dma_wait3A_688 : memref<128x16xf32, #tpu.memory_space<vmem>>)
    %dma_wait3A_695 = arith.constant 5 : i32
    %dma_wait3A_696 = arith.constant 5 : i32
    %dma_wait3A_697 = arith.constant 0 : i32
    %dma_wait3A_698 = tpu.memref_slice %arg10[%dma_wait3A_696, %dma_wait3A_697] : memref<26x128xf32, #tpu.memory_space<vmem>> -> memref<1x128xf32, #tpu.memory_space<vmem>>
    %dma_wait3A_699 = tpu.memref_squeeze %dma_wait3A_698 : memref<1x128xf32, #tpu.memory_space<vmem>> -> memref<128xf32, #tpu.memory_space<vmem>>
    %dma_wait3A_700 = arith.constant 0 : i32
    %dma_wait3A_701 = tpu.memref_slice %arg8[%dma_wait3A_695, %dma_wait3A_700] : memref<26x128xi32, #tpu.memory_space<vmem>> -> memref<1x128xi32, #tpu.memory_space<vmem>>
    %dma_wait3A_702 = tpu.memref_squeeze %dma_wait3A_701 : memref<1x128xi32, #tpu.memory_space<vmem>> -> memref<128xi32, #tpu.memory_space<vmem>>
    %dma_wait3A_703 = arith.constant 0 : i32
    %dma_wait3A_704 = tpu.memref_slice %arg3[%dma_wait3A_703] : memref<1000000xf32, #tpu.memory_space<hbm>> -> memref<1000000xf32, #tpu.memory_space<hbm>>
    tpu.wait_indirect_dma semaphore(%arg15 : memref<!tpu.dma_semaphore, #tpu.memory_space<semaphore_mem>>) src(%dma_wait3A_704 : memref<1000000xf32, #tpu.memory_space<hbm>>) dst(%dma_wait3A_699 : memref<128xf32, #tpu.memory_space<vmem>>)
    %dma_wait3A_705 = arith.constant 6 : i32
    %dma_wait3A_706 = arith.constant 6 : i32
    %dma_wait3A_707 = arith.constant 0 : i32
    %dma_wait3A_708 = arith.constant 0 : i32
    %dma_wait3A_709 = tpu.memref_slice %arg9[%dma_wait3A_706, %dma_wait3A_707, %dma_wait3A_708] : memref<26x128x16xf32, #tpu.memory_space<vmem>> -> memref<1x128x16xf32, #tpu.memory_space<vmem>>
    %dma_wait3A_710 = tpu.memref_squeeze %dma_wait3A_709 : memref<1x128x16xf32, #tpu.memory_space<vmem>> -> memref<128x16xf32, #tpu.memory_space<vmem>>
    %dma_wait3A_711 = arith.constant 0 : i32
    %dma_wait3A_712 = tpu.memref_slice %arg8[%dma_wait3A_705, %dma_wait3A_711] : memref<26x128xi32, #tpu.memory_space<vmem>> -> memref<1x128xi32, #tpu.memory_space<vmem>>
    %dma_wait3A_713 = tpu.memref_squeeze %dma_wait3A_712 : memref<1x128xi32, #tpu.memory_space<vmem>> -> memref<128xi32, #tpu.memory_space<vmem>>
    %dma_wait3A_714 = arith.constant 0 : i32
    %dma_wait3A_715 = arith.constant 0 : i32
    %dma_wait3A_716 = tpu.memref_slice %arg4[%dma_wait3A_714, %dma_wait3A_715] : memref<1000000x16xf32, #tpu.memory_space<hbm>> -> memref<1000000x16xf32, #tpu.memory_space<hbm>>
    tpu.wait_indirect_dma semaphore(%arg14 : memref<!tpu.dma_semaphore, #tpu.memory_space<semaphore_mem>>) src(%dma_wait3A_716 : memref<1000000x16xf32, #tpu.memory_space<hbm>>) dst(%dma_wait3A_710 : memref<128x16xf32, #tpu.memory_space<vmem>>)
    %dma_wait3A_717 = arith.constant 6 : i32
    %dma_wait3A_718 = arith.constant 6 : i32
    %dma_wait3A_719 = arith.constant 0 : i32
    %dma_wait3A_720 = tpu.memref_slice %arg10[%dma_wait3A_718, %dma_wait3A_719] : memref<26x128xf32, #tpu.memory_space<vmem>> -> memref<1x128xf32, #tpu.memory_space<vmem>>
    %dma_wait3A_721 = tpu.memref_squeeze %dma_wait3A_720 : memref<1x128xf32, #tpu.memory_space<vmem>> -> memref<128xf32, #tpu.memory_space<vmem>>
    %dma_wait3A_722 = arith.constant 0 : i32
    %dma_wait3A_723 = tpu.memref_slice %arg8[%dma_wait3A_717, %dma_wait3A_722] : memref<26x128xi32, #tpu.memory_space<vmem>> -> memref<1x128xi32, #tpu.memory_space<vmem>>
    %dma_wait3A_724 = tpu.memref_squeeze %dma_wait3A_723 : memref<1x128xi32, #tpu.memory_space<vmem>> -> memref<128xi32, #tpu.memory_space<vmem>>
    %dma_wait3A_725 = arith.constant 0 : i32
    %dma_wait3A_726 = tpu.memref_slice %arg3[%dma_wait3A_725] : memref<1000000xf32, #tpu.memory_space<hbm>> -> memref<1000000xf32, #tpu.memory_space<hbm>>
    tpu.wait_indirect_dma semaphore(%arg15 : memref<!tpu.dma_semaphore, #tpu.memory_space<semaphore_mem>>) src(%dma_wait3A_726 : memref<1000000xf32, #tpu.memory_space<hbm>>) dst(%dma_wait3A_721 : memref<128xf32, #tpu.memory_space<vmem>>)
    %dma_wait3A_727 = arith.constant 7 : i32
    %dma_wait3A_728 = arith.constant 7 : i32
    %dma_wait3A_729 = arith.constant 0 : i32
    %dma_wait3A_730 = arith.constant 0 : i32
    %dma_wait3A_731 = tpu.memref_slice %arg9[%dma_wait3A_728, %dma_wait3A_729, %dma_wait3A_730] : memref<26x128x16xf32, #tpu.memory_space<vmem>> -> memref<1x128x16xf32, #tpu.memory_space<vmem>>
    %dma_wait3A_732 = tpu.memref_squeeze %dma_wait3A_731 : memref<1x128x16xf32, #tpu.memory_space<vmem>> -> memref<128x16xf32, #tpu.memory_space<vmem>>
    %dma_wait3A_733 = arith.constant 0 : i32
    %dma_wait3A_734 = tpu.memref_slice %arg8[%dma_wait3A_727, %dma_wait3A_733] : memref<26x128xi32, #tpu.memory_space<vmem>> -> memref<1x128xi32, #tpu.memory_space<vmem>>
    %dma_wait3A_735 = tpu.memref_squeeze %dma_wait3A_734 : memref<1x128xi32, #tpu.memory_space<vmem>> -> memref<128xi32, #tpu.memory_space<vmem>>
    %dma_wait3A_736 = arith.constant 0 : i32
    %dma_wait3A_737 = arith.constant 0 : i32
    %dma_wait3A_738 = tpu.memref_slice %arg4[%dma_wait3A_736, %dma_wait3A_737] : memref<1000000x16xf32, #tpu.memory_space<hbm>> -> memref<1000000x16xf32, #tpu.memory_space<hbm>>
    tpu.wait_indirect_dma semaphore(%arg14 : memref<!tpu.dma_semaphore, #tpu.memory_space<semaphore_mem>>) src(%dma_wait3A_738 : memref<1000000x16xf32, #tpu.memory_space<hbm>>) dst(%dma_wait3A_732 : memref<128x16xf32, #tpu.memory_space<vmem>>)
    %dma_wait3A_739 = arith.constant 7 : i32
    %dma_wait3A_740 = arith.constant 7 : i32
    %dma_wait3A_741 = arith.constant 0 : i32
    %dma_wait3A_742 = tpu.memref_slice %arg10[%dma_wait3A_740, %dma_wait3A_741] : memref<26x128xf32, #tpu.memory_space<vmem>> -> memref<1x128xf32, #tpu.memory_space<vmem>>
    %dma_wait3A_743 = tpu.memref_squeeze %dma_wait3A_742 : memref<1x128xf32, #tpu.memory_space<vmem>> -> memref<128xf32, #tpu.memory_space<vmem>>
    %dma_wait3A_744 = arith.constant 0 : i32
    %dma_wait3A_745 = tpu.memref_slice %arg8[%dma_wait3A_739, %dma_wait3A_744] : memref<26x128xi32, #tpu.memory_space<vmem>> -> memref<1x128xi32, #tpu.memory_space<vmem>>
    %dma_wait3A_746 = tpu.memref_squeeze %dma_wait3A_745 : memref<1x128xi32, #tpu.memory_space<vmem>> -> memref<128xi32, #tpu.memory_space<vmem>>
    %dma_wait3A_747 = arith.constant 0 : i32
    %dma_wait3A_748 = tpu.memref_slice %arg3[%dma_wait3A_747] : memref<1000000xf32, #tpu.memory_space<hbm>> -> memref<1000000xf32, #tpu.memory_space<hbm>>
    tpu.wait_indirect_dma semaphore(%arg15 : memref<!tpu.dma_semaphore, #tpu.memory_space<semaphore_mem>>) src(%dma_wait3A_748 : memref<1000000xf32, #tpu.memory_space<hbm>>) dst(%dma_wait3A_743 : memref<128xf32, #tpu.memory_space<vmem>>)
    %dma_wait3A_749 = arith.constant 8 : i32
    %dma_wait3A_750 = arith.constant 8 : i32
    %dma_wait3A_751 = arith.constant 0 : i32
    %dma_wait3A_752 = arith.constant 0 : i32
    %dma_wait3A_753 = tpu.memref_slice %arg9[%dma_wait3A_750, %dma_wait3A_751, %dma_wait3A_752] : memref<26x128x16xf32, #tpu.memory_space<vmem>> -> memref<1x128x16xf32, #tpu.memory_space<vmem>>
    %dma_wait3A_754 = tpu.memref_squeeze %dma_wait3A_753 : memref<1x128x16xf32, #tpu.memory_space<vmem>> -> memref<128x16xf32, #tpu.memory_space<vmem>>
    %dma_wait3A_755 = arith.constant 0 : i32
    %dma_wait3A_756 = tpu.memref_slice %arg8[%dma_wait3A_749, %dma_wait3A_755] : memref<26x128xi32, #tpu.memory_space<vmem>> -> memref<1x128xi32, #tpu.memory_space<vmem>>
    %dma_wait3A_757 = tpu.memref_squeeze %dma_wait3A_756 : memref<1x128xi32, #tpu.memory_space<vmem>> -> memref<128xi32, #tpu.memory_space<vmem>>
    %dma_wait3A_758 = arith.constant 0 : i32
    %dma_wait3A_759 = arith.constant 0 : i32
    %dma_wait3A_760 = tpu.memref_slice %arg4[%dma_wait3A_758, %dma_wait3A_759] : memref<1000000x16xf32, #tpu.memory_space<hbm>> -> memref<1000000x16xf32, #tpu.memory_space<hbm>>
    tpu.wait_indirect_dma semaphore(%arg14 : memref<!tpu.dma_semaphore, #tpu.memory_space<semaphore_mem>>) src(%dma_wait3A_760 : memref<1000000x16xf32, #tpu.memory_space<hbm>>) dst(%dma_wait3A_754 : memref<128x16xf32, #tpu.memory_space<vmem>>)
    %dma_wait3A_761 = arith.constant 8 : i32
    %dma_wait3A_762 = arith.constant 8 : i32
    %dma_wait3A_763 = arith.constant 0 : i32
    %dma_wait3A_764 = tpu.memref_slice %arg10[%dma_wait3A_762, %dma_wait3A_763] : memref<26x128xf32, #tpu.memory_space<vmem>> -> memref<1x128xf32, #tpu.memory_space<vmem>>
    %dma_wait3A_765 = tpu.memref_squeeze %dma_wait3A_764 : memref<1x128xf32, #tpu.memory_space<vmem>> -> memref<128xf32, #tpu.memory_space<vmem>>
    %dma_wait3A_766 = arith.constant 0 : i32
    %dma_wait3A_767 = tpu.memref_slice %arg8[%dma_wait3A_761, %dma_wait3A_766] : memref<26x128xi32, #tpu.memory_space<vmem>> -> memref<1x128xi32, #tpu.memory_space<vmem>>
    %dma_wait3A_768 = tpu.memref_squeeze %dma_wait3A_767 : memref<1x128xi32, #tpu.memory_space<vmem>> -> memref<128xi32, #tpu.memory_space<vmem>>
    %dma_wait3A_769 = arith.constant 0 : i32
    %dma_wait3A_770 = tpu.memref_slice %arg3[%dma_wait3A_769] : memref<1000000xf32, #tpu.memory_space<hbm>> -> memref<1000000xf32, #tpu.memory_space<hbm>>
    tpu.wait_indirect_dma semaphore(%arg15 : memref<!tpu.dma_semaphore, #tpu.memory_space<semaphore_mem>>) src(%dma_wait3A_770 : memref<1000000xf32, #tpu.memory_space<hbm>>) dst(%dma_wait3A_765 : memref<128xf32, #tpu.memory_space<vmem>>)
    %dma_wait3A_771 = arith.constant 9 : i32
    %dma_wait3A_772 = arith.constant 9 : i32
    %dma_wait3A_773 = arith.constant 0 : i32
    %dma_wait3A_774 = arith.constant 0 : i32
    %dma_wait3A_775 = tpu.memref_slice %arg9[%dma_wait3A_772, %dma_wait3A_773, %dma_wait3A_774] : memref<26x128x16xf32, #tpu.memory_space<vmem>> -> memref<1x128x16xf32, #tpu.memory_space<vmem>>
    %dma_wait3A_776 = tpu.memref_squeeze %dma_wait3A_775 : memref<1x128x16xf32, #tpu.memory_space<vmem>> -> memref<128x16xf32, #tpu.memory_space<vmem>>
    %dma_wait3A_777 = arith.constant 0 : i32
    %dma_wait3A_778 = tpu.memref_slice %arg8[%dma_wait3A_771, %dma_wait3A_777] : memref<26x128xi32, #tpu.memory_space<vmem>> -> memref<1x128xi32, #tpu.memory_space<vmem>>
    %dma_wait3A_779 = tpu.memref_squeeze %dma_wait3A_778 : memref<1x128xi32, #tpu.memory_space<vmem>> -> memref<128xi32, #tpu.memory_space<vmem>>
    %dma_wait3A_780 = arith.constant 0 : i32
    %dma_wait3A_781 = arith.constant 0 : i32
    %dma_wait3A_782 = tpu.memref_slice %arg4[%dma_wait3A_780, %dma_wait3A_781] : memref<1000000x16xf32, #tpu.memory_space<hbm>> -> memref<1000000x16xf32, #tpu.memory_space<hbm>>
    tpu.wait_indirect_dma semaphore(%arg14 : memref<!tpu.dma_semaphore, #tpu.memory_space<semaphore_mem>>) src(%dma_wait3A_782 : memref<1000000x16xf32, #tpu.memory_space<hbm>>) dst(%dma_wait3A_776 : memref<128x16xf32, #tpu.memory_space<vmem>>)
    %dma_wait3A_783 = arith.constant 9 : i32
    %dma_wait3A_784 = arith.constant 9 : i32
    %dma_wait3A_785 = arith.constant 0 : i32
    %dma_wait3A_786 = tpu.memref_slice %arg10[%dma_wait3A_784, %dma_wait3A_785] : memref<26x128xf32, #tpu.memory_space<vmem>> -> memref<1x128xf32, #tpu.memory_space<vmem>>
    %dma_wait3A_787 = tpu.memref_squeeze %dma_wait3A_786 : memref<1x128xf32, #tpu.memory_space<vmem>> -> memref<128xf32, #tpu.memory_space<vmem>>
    %dma_wait3A_788 = arith.constant 0 : i32
    %dma_wait3A_789 = tpu.memref_slice %arg8[%dma_wait3A_783, %dma_wait3A_788] : memref<26x128xi32, #tpu.memory_space<vmem>> -> memref<1x128xi32, #tpu.memory_space<vmem>>
    %dma_wait3A_790 = tpu.memref_squeeze %dma_wait3A_789 : memref<1x128xi32, #tpu.memory_space<vmem>> -> memref<128xi32, #tpu.memory_space<vmem>>
    %dma_wait3A_791 = arith.constant 0 : i32
    %dma_wait3A_792 = tpu.memref_slice %arg3[%dma_wait3A_791] : memref<1000000xf32, #tpu.memory_space<hbm>> -> memref<1000000xf32, #tpu.memory_space<hbm>>
    tpu.wait_indirect_dma semaphore(%arg15 : memref<!tpu.dma_semaphore, #tpu.memory_space<semaphore_mem>>) src(%dma_wait3A_792 : memref<1000000xf32, #tpu.memory_space<hbm>>) dst(%dma_wait3A_787 : memref<128xf32, #tpu.memory_space<vmem>>)
    %dma_wait3A_793 = arith.constant 10 : i32
    %dma_wait3A_794 = arith.constant 10 : i32
    %dma_wait3A_795 = arith.constant 0 : i32
    %dma_wait3A_796 = arith.constant 0 : i32
    %dma_wait3A_797 = tpu.memref_slice %arg9[%dma_wait3A_794, %dma_wait3A_795, %dma_wait3A_796] : memref<26x128x16xf32, #tpu.memory_space<vmem>> -> memref<1x128x16xf32, #tpu.memory_space<vmem>>
    %dma_wait3A_798 = tpu.memref_squeeze %dma_wait3A_797 : memref<1x128x16xf32, #tpu.memory_space<vmem>> -> memref<128x16xf32, #tpu.memory_space<vmem>>
    %dma_wait3A_799 = arith.constant 0 : i32
    %dma_wait3A_800 = tpu.memref_slice %arg8[%dma_wait3A_793, %dma_wait3A_799] : memref<26x128xi32, #tpu.memory_space<vmem>> -> memref<1x128xi32, #tpu.memory_space<vmem>>
    %dma_wait3A_801 = tpu.memref_squeeze %dma_wait3A_800 : memref<1x128xi32, #tpu.memory_space<vmem>> -> memref<128xi32, #tpu.memory_space<vmem>>
    %dma_wait3A_802 = arith.constant 0 : i32
    %dma_wait3A_803 = arith.constant 0 : i32
    %dma_wait3A_804 = tpu.memref_slice %arg4[%dma_wait3A_802, %dma_wait3A_803] : memref<1000000x16xf32, #tpu.memory_space<hbm>> -> memref<1000000x16xf32, #tpu.memory_space<hbm>>
    tpu.wait_indirect_dma semaphore(%arg14 : memref<!tpu.dma_semaphore, #tpu.memory_space<semaphore_mem>>) src(%dma_wait3A_804 : memref<1000000x16xf32, #tpu.memory_space<hbm>>) dst(%dma_wait3A_798 : memref<128x16xf32, #tpu.memory_space<vmem>>)
    %dma_wait3A_805 = arith.constant 10 : i32
    %dma_wait3A_806 = arith.constant 10 : i32
    %dma_wait3A_807 = arith.constant 0 : i32
    %dma_wait3A_808 = tpu.memref_slice %arg10[%dma_wait3A_806, %dma_wait3A_807] : memref<26x128xf32, #tpu.memory_space<vmem>> -> memref<1x128xf32, #tpu.memory_space<vmem>>
    %dma_wait3A_809 = tpu.memref_squeeze %dma_wait3A_808 : memref<1x128xf32, #tpu.memory_space<vmem>> -> memref<128xf32, #tpu.memory_space<vmem>>
    %dma_wait3A_810 = arith.constant 0 : i32
    %dma_wait3A_811 = tpu.memref_slice %arg8[%dma_wait3A_805, %dma_wait3A_810] : memref<26x128xi32, #tpu.memory_space<vmem>> -> memref<1x128xi32, #tpu.memory_space<vmem>>
    %dma_wait3A_812 = tpu.memref_squeeze %dma_wait3A_811 : memref<1x128xi32, #tpu.memory_space<vmem>> -> memref<128xi32, #tpu.memory_space<vmem>>
    %dma_wait3A_813 = arith.constant 0 : i32
    %dma_wait3A_814 = tpu.memref_slice %arg3[%dma_wait3A_813] : memref<1000000xf32, #tpu.memory_space<hbm>> -> memref<1000000xf32, #tpu.memory_space<hbm>>
    tpu.wait_indirect_dma semaphore(%arg15 : memref<!tpu.dma_semaphore, #tpu.memory_space<semaphore_mem>>) src(%dma_wait3A_814 : memref<1000000xf32, #tpu.memory_space<hbm>>) dst(%dma_wait3A_809 : memref<128xf32, #tpu.memory_space<vmem>>)
    %dma_wait3A_815 = arith.constant 11 : i32
    %dma_wait3A_816 = arith.constant 11 : i32
    %dma_wait3A_817 = arith.constant 0 : i32
    %dma_wait3A_818 = arith.constant 0 : i32
    %dma_wait3A_819 = tpu.memref_slice %arg9[%dma_wait3A_816, %dma_wait3A_817, %dma_wait3A_818] : memref<26x128x16xf32, #tpu.memory_space<vmem>> -> memref<1x128x16xf32, #tpu.memory_space<vmem>>
    %dma_wait3A_820 = tpu.memref_squeeze %dma_wait3A_819 : memref<1x128x16xf32, #tpu.memory_space<vmem>> -> memref<128x16xf32, #tpu.memory_space<vmem>>
    %dma_wait3A_821 = arith.constant 0 : i32
    %dma_wait3A_822 = tpu.memref_slice %arg8[%dma_wait3A_815, %dma_wait3A_821] : memref<26x128xi32, #tpu.memory_space<vmem>> -> memref<1x128xi32, #tpu.memory_space<vmem>>
    %dma_wait3A_823 = tpu.memref_squeeze %dma_wait3A_822 : memref<1x128xi32, #tpu.memory_space<vmem>> -> memref<128xi32, #tpu.memory_space<vmem>>
    %dma_wait3A_824 = arith.constant 0 : i32
    %dma_wait3A_825 = arith.constant 0 : i32
    %dma_wait3A_826 = tpu.memref_slice %arg4[%dma_wait3A_824, %dma_wait3A_825] : memref<1000000x16xf32, #tpu.memory_space<hbm>> -> memref<1000000x16xf32, #tpu.memory_space<hbm>>
    tpu.wait_indirect_dma semaphore(%arg14 : memref<!tpu.dma_semaphore, #tpu.memory_space<semaphore_mem>>) src(%dma_wait3A_826 : memref<1000000x16xf32, #tpu.memory_space<hbm>>) dst(%dma_wait3A_820 : memref<128x16xf32, #tpu.memory_space<vmem>>)
    %dma_wait3A_827 = arith.constant 11 : i32
    %dma_wait3A_828 = arith.constant 11 : i32
    %dma_wait3A_829 = arith.constant 0 : i32
    %dma_wait3A_830 = tpu.memref_slice %arg10[%dma_wait3A_828, %dma_wait3A_829] : memref<26x128xf32, #tpu.memory_space<vmem>> -> memref<1x128xf32, #tpu.memory_space<vmem>>
    %dma_wait3A_831 = tpu.memref_squeeze %dma_wait3A_830 : memref<1x128xf32, #tpu.memory_space<vmem>> -> memref<128xf32, #tpu.memory_space<vmem>>
    %dma_wait3A_832 = arith.constant 0 : i32
    %dma_wait3A_833 = tpu.memref_slice %arg8[%dma_wait3A_827, %dma_wait3A_832] : memref<26x128xi32, #tpu.memory_space<vmem>> -> memref<1x128xi32, #tpu.memory_space<vmem>>
    %dma_wait3A_834 = tpu.memref_squeeze %dma_wait3A_833 : memref<1x128xi32, #tpu.memory_space<vmem>> -> memref<128xi32, #tpu.memory_space<vmem>>
    %dma_wait3A_835 = arith.constant 0 : i32
    %dma_wait3A_836 = tpu.memref_slice %arg3[%dma_wait3A_835] : memref<1000000xf32, #tpu.memory_space<hbm>> -> memref<1000000xf32, #tpu.memory_space<hbm>>
    tpu.wait_indirect_dma semaphore(%arg15 : memref<!tpu.dma_semaphore, #tpu.memory_space<semaphore_mem>>) src(%dma_wait3A_836 : memref<1000000xf32, #tpu.memory_space<hbm>>) dst(%dma_wait3A_831 : memref<128xf32, #tpu.memory_space<vmem>>)
    %dma_wait3A_837 = arith.constant 12 : i32
    %dma_wait3A_838 = arith.constant 12 : i32
    %dma_wait3A_839 = arith.constant 0 : i32
    %dma_wait3A_840 = arith.constant 0 : i32
    %dma_wait3A_841 = tpu.memref_slice %arg9[%dma_wait3A_838, %dma_wait3A_839, %dma_wait3A_840] : memref<26x128x16xf32, #tpu.memory_space<vmem>> -> memref<1x128x16xf32, #tpu.memory_space<vmem>>
    %dma_wait3A_842 = tpu.memref_squeeze %dma_wait3A_841 : memref<1x128x16xf32, #tpu.memory_space<vmem>> -> memref<128x16xf32, #tpu.memory_space<vmem>>
    %dma_wait3A_843 = arith.constant 0 : i32
    %dma_wait3A_844 = tpu.memref_slice %arg8[%dma_wait3A_837, %dma_wait3A_843] : memref<26x128xi32, #tpu.memory_space<vmem>> -> memref<1x128xi32, #tpu.memory_space<vmem>>
    %dma_wait3A_845 = tpu.memref_squeeze %dma_wait3A_844 : memref<1x128xi32, #tpu.memory_space<vmem>> -> memref<128xi32, #tpu.memory_space<vmem>>
    %dma_wait3A_846 = arith.constant 0 : i32
    %dma_wait3A_847 = arith.constant 0 : i32
    %dma_wait3A_848 = tpu.memref_slice %arg4[%dma_wait3A_846, %dma_wait3A_847] : memref<1000000x16xf32, #tpu.memory_space<hbm>> -> memref<1000000x16xf32, #tpu.memory_space<hbm>>
    tpu.wait_indirect_dma semaphore(%arg14 : memref<!tpu.dma_semaphore, #tpu.memory_space<semaphore_mem>>) src(%dma_wait3A_848 : memref<1000000x16xf32, #tpu.memory_space<hbm>>) dst(%dma_wait3A_842 : memref<128x16xf32, #tpu.memory_space<vmem>>)
    %dma_wait3A_849 = arith.constant 12 : i32
    %dma_wait3A_850 = arith.constant 12 : i32
    %dma_wait3A_851 = arith.constant 0 : i32
    %dma_wait3A_852 = tpu.memref_slice %arg10[%dma_wait3A_850, %dma_wait3A_851] : memref<26x128xf32, #tpu.memory_space<vmem>> -> memref<1x128xf32, #tpu.memory_space<vmem>>
    %dma_wait3A_853 = tpu.memref_squeeze %dma_wait3A_852 : memref<1x128xf32, #tpu.memory_space<vmem>> -> memref<128xf32, #tpu.memory_space<vmem>>
    %dma_wait3A_854 = arith.constant 0 : i32
    %dma_wait3A_855 = tpu.memref_slice %arg8[%dma_wait3A_849, %dma_wait3A_854] : memref<26x128xi32, #tpu.memory_space<vmem>> -> memref<1x128xi32, #tpu.memory_space<vmem>>
    %dma_wait3A_856 = tpu.memref_squeeze %dma_wait3A_855 : memref<1x128xi32, #tpu.memory_space<vmem>> -> memref<128xi32, #tpu.memory_space<vmem>>
    %dma_wait3A_857 = arith.constant 0 : i32
    %dma_wait3A_858 = tpu.memref_slice %arg3[%dma_wait3A_857] : memref<1000000xf32, #tpu.memory_space<hbm>> -> memref<1000000xf32, #tpu.memory_space<hbm>>
    tpu.wait_indirect_dma semaphore(%arg15 : memref<!tpu.dma_semaphore, #tpu.memory_space<semaphore_mem>>) src(%dma_wait3A_858 : memref<1000000xf32, #tpu.memory_space<hbm>>) dst(%dma_wait3A_853 : memref<128xf32, #tpu.memory_space<vmem>>)
    %dma_wait3A_859 = arith.constant 13 : i32
    %dma_wait3A_860 = arith.constant 13 : i32
    %dma_wait3A_861 = arith.constant 0 : i32
    %dma_wait3A_862 = arith.constant 0 : i32
    %dma_wait3A_863 = tpu.memref_slice %arg9[%dma_wait3A_860, %dma_wait3A_861, %dma_wait3A_862] : memref<26x128x16xf32, #tpu.memory_space<vmem>> -> memref<1x128x16xf32, #tpu.memory_space<vmem>>
    %dma_wait3A_864 = tpu.memref_squeeze %dma_wait3A_863 : memref<1x128x16xf32, #tpu.memory_space<vmem>> -> memref<128x16xf32, #tpu.memory_space<vmem>>
    %dma_wait3A_865 = arith.constant 0 : i32
    %dma_wait3A_866 = tpu.memref_slice %arg8[%dma_wait3A_859, %dma_wait3A_865] : memref<26x128xi32, #tpu.memory_space<vmem>> -> memref<1x128xi32, #tpu.memory_space<vmem>>
    %dma_wait3A_867 = tpu.memref_squeeze %dma_wait3A_866 : memref<1x128xi32, #tpu.memory_space<vmem>> -> memref<128xi32, #tpu.memory_space<vmem>>
    %dma_wait3A_868 = arith.constant 0 : i32
    %dma_wait3A_869 = arith.constant 0 : i32
    %dma_wait3A_870 = tpu.memref_slice %arg4[%dma_wait3A_868, %dma_wait3A_869] : memref<1000000x16xf32, #tpu.memory_space<hbm>> -> memref<1000000x16xf32, #tpu.memory_space<hbm>>
    tpu.wait_indirect_dma semaphore(%arg14 : memref<!tpu.dma_semaphore, #tpu.memory_space<semaphore_mem>>) src(%dma_wait3A_870 : memref<1000000x16xf32, #tpu.memory_space<hbm>>) dst(%dma_wait3A_864 : memref<128x16xf32, #tpu.memory_space<vmem>>)
    %dma_wait3A_871 = arith.constant 13 : i32
    %dma_wait3A_872 = arith.constant 13 : i32
    %dma_wait3A_873 = arith.constant 0 : i32
    %dma_wait3A_874 = tpu.memref_slice %arg10[%dma_wait3A_872, %dma_wait3A_873] : memref<26x128xf32, #tpu.memory_space<vmem>> -> memref<1x128xf32, #tpu.memory_space<vmem>>
    %dma_wait3A_875 = tpu.memref_squeeze %dma_wait3A_874 : memref<1x128xf32, #tpu.memory_space<vmem>> -> memref<128xf32, #tpu.memory_space<vmem>>
    %dma_wait3A_876 = arith.constant 0 : i32
    %dma_wait3A_877 = tpu.memref_slice %arg8[%dma_wait3A_871, %dma_wait3A_876] : memref<26x128xi32, #tpu.memory_space<vmem>> -> memref<1x128xi32, #tpu.memory_space<vmem>>
    %dma_wait3A_878 = tpu.memref_squeeze %dma_wait3A_877 : memref<1x128xi32, #tpu.memory_space<vmem>> -> memref<128xi32, #tpu.memory_space<vmem>>
    %dma_wait3A_879 = arith.constant 0 : i32
    %dma_wait3A_880 = tpu.memref_slice %arg3[%dma_wait3A_879] : memref<1000000xf32, #tpu.memory_space<hbm>> -> memref<1000000xf32, #tpu.memory_space<hbm>>
    tpu.wait_indirect_dma semaphore(%arg15 : memref<!tpu.dma_semaphore, #tpu.memory_space<semaphore_mem>>) src(%dma_wait3A_880 : memref<1000000xf32, #tpu.memory_space<hbm>>) dst(%dma_wait3A_875 : memref<128xf32, #tpu.memory_space<vmem>>)
    %dma_wait3A_881 = arith.constant 14 : i32
    %dma_wait3A_882 = arith.constant 14 : i32
    %dma_wait3A_883 = arith.constant 0 : i32
    %dma_wait3A_884 = arith.constant 0 : i32
    %dma_wait3A_885 = tpu.memref_slice %arg9[%dma_wait3A_882, %dma_wait3A_883, %dma_wait3A_884] : memref<26x128x16xf32, #tpu.memory_space<vmem>> -> memref<1x128x16xf32, #tpu.memory_space<vmem>>
    %dma_wait3A_886 = tpu.memref_squeeze %dma_wait3A_885 : memref<1x128x16xf32, #tpu.memory_space<vmem>> -> memref<128x16xf32, #tpu.memory_space<vmem>>
    %dma_wait3A_887 = arith.constant 0 : i32
    %dma_wait3A_888 = tpu.memref_slice %arg8[%dma_wait3A_881, %dma_wait3A_887] : memref<26x128xi32, #tpu.memory_space<vmem>> -> memref<1x128xi32, #tpu.memory_space<vmem>>
    %dma_wait3A_889 = tpu.memref_squeeze %dma_wait3A_888 : memref<1x128xi32, #tpu.memory_space<vmem>> -> memref<128xi32, #tpu.memory_space<vmem>>
    %dma_wait3A_890 = arith.constant 0 : i32
    %dma_wait3A_891 = arith.constant 0 : i32
    %dma_wait3A_892 = tpu.memref_slice %arg4[%dma_wait3A_890, %dma_wait3A_891] : memref<1000000x16xf32, #tpu.memory_space<hbm>> -> memref<1000000x16xf32, #tpu.memory_space<hbm>>
    tpu.wait_indirect_dma semaphore(%arg14 : memref<!tpu.dma_semaphore, #tpu.memory_space<semaphore_mem>>) src(%dma_wait3A_892 : memref<1000000x16xf32, #tpu.memory_space<hbm>>) dst(%dma_wait3A_886 : memref<128x16xf32, #tpu.memory_space<vmem>>)
    %dma_wait3A_893 = arith.constant 14 : i32
    %dma_wait3A_894 = arith.constant 14 : i32
    %dma_wait3A_895 = arith.constant 0 : i32
    %dma_wait3A_896 = tpu.memref_slice %arg10[%dma_wait3A_894, %dma_wait3A_895] : memref<26x128xf32, #tpu.memory_space<vmem>> -> memref<1x128xf32, #tpu.memory_space<vmem>>
    %dma_wait3A_897 = tpu.memref_squeeze %dma_wait3A_896 : memref<1x128xf32, #tpu.memory_space<vmem>> -> memref<128xf32, #tpu.memory_space<vmem>>
    %dma_wait3A_898 = arith.constant 0 : i32
    %dma_wait3A_899 = tpu.memref_slice %arg8[%dma_wait3A_893, %dma_wait3A_898] : memref<26x128xi32, #tpu.memory_space<vmem>> -> memref<1x128xi32, #tpu.memory_space<vmem>>
    %dma_wait3A_900 = tpu.memref_squeeze %dma_wait3A_899 : memref<1x128xi32, #tpu.memory_space<vmem>> -> memref<128xi32, #tpu.memory_space<vmem>>
    %dma_wait3A_901 = arith.constant 0 : i32
    %dma_wait3A_902 = tpu.memref_slice %arg3[%dma_wait3A_901] : memref<1000000xf32, #tpu.memory_space<hbm>> -> memref<1000000xf32, #tpu.memory_space<hbm>>
    tpu.wait_indirect_dma semaphore(%arg15 : memref<!tpu.dma_semaphore, #tpu.memory_space<semaphore_mem>>) src(%dma_wait3A_902 : memref<1000000xf32, #tpu.memory_space<hbm>>) dst(%dma_wait3A_897 : memref<128xf32, #tpu.memory_space<vmem>>)
    %dma_wait3A_903 = arith.constant 15 : i32
    %dma_wait3A_904 = arith.constant 15 : i32
    %dma_wait3A_905 = arith.constant 0 : i32
    %dma_wait3A_906 = arith.constant 0 : i32
    %dma_wait3A_907 = tpu.memref_slice %arg9[%dma_wait3A_904, %dma_wait3A_905, %dma_wait3A_906] : memref<26x128x16xf32, #tpu.memory_space<vmem>> -> memref<1x128x16xf32, #tpu.memory_space<vmem>>
    %dma_wait3A_908 = tpu.memref_squeeze %dma_wait3A_907 : memref<1x128x16xf32, #tpu.memory_space<vmem>> -> memref<128x16xf32, #tpu.memory_space<vmem>>
    %dma_wait3A_909 = arith.constant 0 : i32
    %dma_wait3A_910 = tpu.memref_slice %arg8[%dma_wait3A_903, %dma_wait3A_909] : memref<26x128xi32, #tpu.memory_space<vmem>> -> memref<1x128xi32, #tpu.memory_space<vmem>>
    %dma_wait3A_911 = tpu.memref_squeeze %dma_wait3A_910 : memref<1x128xi32, #tpu.memory_space<vmem>> -> memref<128xi32, #tpu.memory_space<vmem>>
    %dma_wait3A_912 = arith.constant 0 : i32
    %dma_wait3A_913 = arith.constant 0 : i32
    %dma_wait3A_914 = tpu.memref_slice %arg4[%dma_wait3A_912, %dma_wait3A_913] : memref<1000000x16xf32, #tpu.memory_space<hbm>> -> memref<1000000x16xf32, #tpu.memory_space<hbm>>
    tpu.wait_indirect_dma semaphore(%arg14 : memref<!tpu.dma_semaphore, #tpu.memory_space<semaphore_mem>>) src(%dma_wait3A_914 : memref<1000000x16xf32, #tpu.memory_space<hbm>>) dst(%dma_wait3A_908 : memref<128x16xf32, #tpu.memory_space<vmem>>)
    %dma_wait3A_915 = arith.constant 15 : i32
    %dma_wait3A_916 = arith.constant 15 : i32
    %dma_wait3A_917 = arith.constant 0 : i32
    %dma_wait3A_918 = tpu.memref_slice %arg10[%dma_wait3A_916, %dma_wait3A_917] : memref<26x128xf32, #tpu.memory_space<vmem>> -> memref<1x128xf32, #tpu.memory_space<vmem>>
    %dma_wait3A_919 = tpu.memref_squeeze %dma_wait3A_918 : memref<1x128xf32, #tpu.memory_space<vmem>> -> memref<128xf32, #tpu.memory_space<vmem>>
    %dma_wait3A_920 = arith.constant 0 : i32
    %dma_wait3A_921 = tpu.memref_slice %arg8[%dma_wait3A_915, %dma_wait3A_920] : memref<26x128xi32, #tpu.memory_space<vmem>> -> memref<1x128xi32, #tpu.memory_space<vmem>>
    %dma_wait3A_922 = tpu.memref_squeeze %dma_wait3A_921 : memref<1x128xi32, #tpu.memory_space<vmem>> -> memref<128xi32, #tpu.memory_space<vmem>>
    %dma_wait3A_923 = arith.constant 0 : i32
    %dma_wait3A_924 = tpu.memref_slice %arg3[%dma_wait3A_923] : memref<1000000xf32, #tpu.memory_space<hbm>> -> memref<1000000xf32, #tpu.memory_space<hbm>>
    tpu.wait_indirect_dma semaphore(%arg15 : memref<!tpu.dma_semaphore, #tpu.memory_space<semaphore_mem>>) src(%dma_wait3A_924 : memref<1000000xf32, #tpu.memory_space<hbm>>) dst(%dma_wait3A_919 : memref<128xf32, #tpu.memory_space<vmem>>)
    %dma_wait3A_925 = arith.constant 16 : i32
    %dma_wait3A_926 = arith.constant 16 : i32
    %dma_wait3A_927 = arith.constant 0 : i32
    %dma_wait3A_928 = arith.constant 0 : i32
    %dma_wait3A_929 = tpu.memref_slice %arg9[%dma_wait3A_926, %dma_wait3A_927, %dma_wait3A_928] : memref<26x128x16xf32, #tpu.memory_space<vmem>> -> memref<1x128x16xf32, #tpu.memory_space<vmem>>
    %dma_wait3A_930 = tpu.memref_squeeze %dma_wait3A_929 : memref<1x128x16xf32, #tpu.memory_space<vmem>> -> memref<128x16xf32, #tpu.memory_space<vmem>>
    %dma_wait3A_931 = arith.constant 0 : i32
    %dma_wait3A_932 = tpu.memref_slice %arg8[%dma_wait3A_925, %dma_wait3A_931] : memref<26x128xi32, #tpu.memory_space<vmem>> -> memref<1x128xi32, #tpu.memory_space<vmem>>
    %dma_wait3A_933 = tpu.memref_squeeze %dma_wait3A_932 : memref<1x128xi32, #tpu.memory_space<vmem>> -> memref<128xi32, #tpu.memory_space<vmem>>
    %dma_wait3A_934 = arith.constant 0 : i32
    %dma_wait3A_935 = arith.constant 0 : i32
    %dma_wait3A_936 = tpu.memref_slice %arg4[%dma_wait3A_934, %dma_wait3A_935] : memref<1000000x16xf32, #tpu.memory_space<hbm>> -> memref<1000000x16xf32, #tpu.memory_space<hbm>>
    tpu.wait_indirect_dma semaphore(%arg14 : memref<!tpu.dma_semaphore, #tpu.memory_space<semaphore_mem>>) src(%dma_wait3A_936 : memref<1000000x16xf32, #tpu.memory_space<hbm>>) dst(%dma_wait3A_930 : memref<128x16xf32, #tpu.memory_space<vmem>>)
    %dma_wait3A_937 = arith.constant 16 : i32
    %dma_wait3A_938 = arith.constant 16 : i32
    %dma_wait3A_939 = arith.constant 0 : i32
    %dma_wait3A_940 = tpu.memref_slice %arg10[%dma_wait3A_938, %dma_wait3A_939] : memref<26x128xf32, #tpu.memory_space<vmem>> -> memref<1x128xf32, #tpu.memory_space<vmem>>
    %dma_wait3A_941 = tpu.memref_squeeze %dma_wait3A_940 : memref<1x128xf32, #tpu.memory_space<vmem>> -> memref<128xf32, #tpu.memory_space<vmem>>
    %dma_wait3A_942 = arith.constant 0 : i32
    %dma_wait3A_943 = tpu.memref_slice %arg8[%dma_wait3A_937, %dma_wait3A_942] : memref<26x128xi32, #tpu.memory_space<vmem>> -> memref<1x128xi32, #tpu.memory_space<vmem>>
    %dma_wait3A_944 = tpu.memref_squeeze %dma_wait3A_943 : memref<1x128xi32, #tpu.memory_space<vmem>> -> memref<128xi32, #tpu.memory_space<vmem>>
    %dma_wait3A_945 = arith.constant 0 : i32
    %dma_wait3A_946 = tpu.memref_slice %arg3[%dma_wait3A_945] : memref<1000000xf32, #tpu.memory_space<hbm>> -> memref<1000000xf32, #tpu.memory_space<hbm>>
    tpu.wait_indirect_dma semaphore(%arg15 : memref<!tpu.dma_semaphore, #tpu.memory_space<semaphore_mem>>) src(%dma_wait3A_946 : memref<1000000xf32, #tpu.memory_space<hbm>>) dst(%dma_wait3A_941 : memref<128xf32, #tpu.memory_space<vmem>>)
    %dma_wait3A_947 = arith.constant 17 : i32
    %dma_wait3A_948 = arith.constant 17 : i32
    %dma_wait3A_949 = arith.constant 0 : i32
    %dma_wait3A_950 = arith.constant 0 : i32
    %dma_wait3A_951 = tpu.memref_slice %arg9[%dma_wait3A_948, %dma_wait3A_949, %dma_wait3A_950] : memref<26x128x16xf32, #tpu.memory_space<vmem>> -> memref<1x128x16xf32, #tpu.memory_space<vmem>>
    %dma_wait3A_952 = tpu.memref_squeeze %dma_wait3A_951 : memref<1x128x16xf32, #tpu.memory_space<vmem>> -> memref<128x16xf32, #tpu.memory_space<vmem>>
    %dma_wait3A_953 = arith.constant 0 : i32
    %dma_wait3A_954 = tpu.memref_slice %arg8[%dma_wait3A_947, %dma_wait3A_953] : memref<26x128xi32, #tpu.memory_space<vmem>> -> memref<1x128xi32, #tpu.memory_space<vmem>>
    %dma_wait3A_955 = tpu.memref_squeeze %dma_wait3A_954 : memref<1x128xi32, #tpu.memory_space<vmem>> -> memref<128xi32, #tpu.memory_space<vmem>>
    %dma_wait3A_956 = arith.constant 0 : i32
    %dma_wait3A_957 = arith.constant 0 : i32
    %dma_wait3A_958 = tpu.memref_slice %arg4[%dma_wait3A_956, %dma_wait3A_957] : memref<1000000x16xf32, #tpu.memory_space<hbm>> -> memref<1000000x16xf32, #tpu.memory_space<hbm>>
    tpu.wait_indirect_dma semaphore(%arg14 : memref<!tpu.dma_semaphore, #tpu.memory_space<semaphore_mem>>) src(%dma_wait3A_958 : memref<1000000x16xf32, #tpu.memory_space<hbm>>) dst(%dma_wait3A_952 : memref<128x16xf32, #tpu.memory_space<vmem>>)
    %dma_wait3A_959 = arith.constant 17 : i32
    %dma_wait3A_960 = arith.constant 17 : i32
    %dma_wait3A_961 = arith.constant 0 : i32
    %dma_wait3A_962 = tpu.memref_slice %arg10[%dma_wait3A_960, %dma_wait3A_961] : memref<26x128xf32, #tpu.memory_space<vmem>> -> memref<1x128xf32, #tpu.memory_space<vmem>>
    %dma_wait3A_963 = tpu.memref_squeeze %dma_wait3A_962 : memref<1x128xf32, #tpu.memory_space<vmem>> -> memref<128xf32, #tpu.memory_space<vmem>>
    %dma_wait3A_964 = arith.constant 0 : i32
    %dma_wait3A_965 = tpu.memref_slice %arg8[%dma_wait3A_959, %dma_wait3A_964] : memref<26x128xi32, #tpu.memory_space<vmem>> -> memref<1x128xi32, #tpu.memory_space<vmem>>
    %dma_wait3A_966 = tpu.memref_squeeze %dma_wait3A_965 : memref<1x128xi32, #tpu.memory_space<vmem>> -> memref<128xi32, #tpu.memory_space<vmem>>
    %dma_wait3A_967 = arith.constant 0 : i32
    %dma_wait3A_968 = tpu.memref_slice %arg3[%dma_wait3A_967] : memref<1000000xf32, #tpu.memory_space<hbm>> -> memref<1000000xf32, #tpu.memory_space<hbm>>
    tpu.wait_indirect_dma semaphore(%arg15 : memref<!tpu.dma_semaphore, #tpu.memory_space<semaphore_mem>>) src(%dma_wait3A_968 : memref<1000000xf32, #tpu.memory_space<hbm>>) dst(%dma_wait3A_963 : memref<128xf32, #tpu.memory_space<vmem>>)
    %dma_wait3A_969 = arith.constant 18 : i32
    %dma_wait3A_970 = arith.constant 18 : i32
    %dma_wait3A_971 = arith.constant 0 : i32
    %dma_wait3A_972 = arith.constant 0 : i32
    %dma_wait3A_973 = tpu.memref_slice %arg9[%dma_wait3A_970, %dma_wait3A_971, %dma_wait3A_972] : memref<26x128x16xf32, #tpu.memory_space<vmem>> -> memref<1x128x16xf32, #tpu.memory_space<vmem>>
    %dma_wait3A_974 = tpu.memref_squeeze %dma_wait3A_973 : memref<1x128x16xf32, #tpu.memory_space<vmem>> -> memref<128x16xf32, #tpu.memory_space<vmem>>
    %dma_wait3A_975 = arith.constant 0 : i32
    %dma_wait3A_976 = tpu.memref_slice %arg8[%dma_wait3A_969, %dma_wait3A_975] : memref<26x128xi32, #tpu.memory_space<vmem>> -> memref<1x128xi32, #tpu.memory_space<vmem>>
    %dma_wait3A_977 = tpu.memref_squeeze %dma_wait3A_976 : memref<1x128xi32, #tpu.memory_space<vmem>> -> memref<128xi32, #tpu.memory_space<vmem>>
    %dma_wait3A_978 = arith.constant 0 : i32
    %dma_wait3A_979 = arith.constant 0 : i32
    %dma_wait3A_980 = tpu.memref_slice %arg4[%dma_wait3A_978, %dma_wait3A_979] : memref<1000000x16xf32, #tpu.memory_space<hbm>> -> memref<1000000x16xf32, #tpu.memory_space<hbm>>
    tpu.wait_indirect_dma semaphore(%arg14 : memref<!tpu.dma_semaphore, #tpu.memory_space<semaphore_mem>>) src(%dma_wait3A_980 : memref<1000000x16xf32, #tpu.memory_space<hbm>>) dst(%dma_wait3A_974 : memref<128x16xf32, #tpu.memory_space<vmem>>)
    %dma_wait3A_981 = arith.constant 18 : i32
    %dma_wait3A_982 = arith.constant 18 : i32
    %dma_wait3A_983 = arith.constant 0 : i32
    %dma_wait3A_984 = tpu.memref_slice %arg10[%dma_wait3A_982, %dma_wait3A_983] : memref<26x128xf32, #tpu.memory_space<vmem>> -> memref<1x128xf32, #tpu.memory_space<vmem>>
    %dma_wait3A_985 = tpu.memref_squeeze %dma_wait3A_984 : memref<1x128xf32, #tpu.memory_space<vmem>> -> memref<128xf32, #tpu.memory_space<vmem>>
    %dma_wait3A_986 = arith.constant 0 : i32
    %dma_wait3A_987 = tpu.memref_slice %arg8[%dma_wait3A_981, %dma_wait3A_986] : memref<26x128xi32, #tpu.memory_space<vmem>> -> memref<1x128xi32, #tpu.memory_space<vmem>>
    %dma_wait3A_988 = tpu.memref_squeeze %dma_wait3A_987 : memref<1x128xi32, #tpu.memory_space<vmem>> -> memref<128xi32, #tpu.memory_space<vmem>>
    %dma_wait3A_989 = arith.constant 0 : i32
    %dma_wait3A_990 = tpu.memref_slice %arg3[%dma_wait3A_989] : memref<1000000xf32, #tpu.memory_space<hbm>> -> memref<1000000xf32, #tpu.memory_space<hbm>>
    tpu.wait_indirect_dma semaphore(%arg15 : memref<!tpu.dma_semaphore, #tpu.memory_space<semaphore_mem>>) src(%dma_wait3A_990 : memref<1000000xf32, #tpu.memory_space<hbm>>) dst(%dma_wait3A_985 : memref<128xf32, #tpu.memory_space<vmem>>)
    %dma_wait3A_991 = arith.constant 19 : i32
    %dma_wait3A_992 = arith.constant 19 : i32
    %dma_wait3A_993 = arith.constant 0 : i32
    %dma_wait3A_994 = arith.constant 0 : i32
    %dma_wait3A_995 = tpu.memref_slice %arg9[%dma_wait3A_992, %dma_wait3A_993, %dma_wait3A_994] : memref<26x128x16xf32, #tpu.memory_space<vmem>> -> memref<1x128x16xf32, #tpu.memory_space<vmem>>
    %dma_wait3A_996 = tpu.memref_squeeze %dma_wait3A_995 : memref<1x128x16xf32, #tpu.memory_space<vmem>> -> memref<128x16xf32, #tpu.memory_space<vmem>>
    %dma_wait3A_997 = arith.constant 0 : i32
    %dma_wait3A_998 = tpu.memref_slice %arg8[%dma_wait3A_991, %dma_wait3A_997] : memref<26x128xi32, #tpu.memory_space<vmem>> -> memref<1x128xi32, #tpu.memory_space<vmem>>
    %dma_wait3A_999 = tpu.memref_squeeze %dma_wait3A_998 : memref<1x128xi32, #tpu.memory_space<vmem>> -> memref<128xi32, #tpu.memory_space<vmem>>
    %dma_wait3A_1000 = arith.constant 0 : i32
    %dma_wait3A_1001 = arith.constant 0 : i32
    %dma_wait3A_1002 = tpu.memref_slice %arg4[%dma_wait3A_1000, %dma_wait3A_1001] : memref<1000000x16xf32, #tpu.memory_space<hbm>> -> memref<1000000x16xf32, #tpu.memory_space<hbm>>
    tpu.wait_indirect_dma semaphore(%arg14 : memref<!tpu.dma_semaphore, #tpu.memory_space<semaphore_mem>>) src(%dma_wait3A_1002 : memref<1000000x16xf32, #tpu.memory_space<hbm>>) dst(%dma_wait3A_996 : memref<128x16xf32, #tpu.memory_space<vmem>>)
    %dma_wait3A_1003 = arith.constant 19 : i32
    %dma_wait3A_1004 = arith.constant 19 : i32
    %dma_wait3A_1005 = arith.constant 0 : i32
    %dma_wait3A_1006 = tpu.memref_slice %arg10[%dma_wait3A_1004, %dma_wait3A_1005] : memref<26x128xf32, #tpu.memory_space<vmem>> -> memref<1x128xf32, #tpu.memory_space<vmem>>
    %dma_wait3A_1007 = tpu.memref_squeeze %dma_wait3A_1006 : memref<1x128xf32, #tpu.memory_space<vmem>> -> memref<128xf32, #tpu.memory_space<vmem>>
    %dma_wait3A_1008 = arith.constant 0 : i32
    %dma_wait3A_1009 = tpu.memref_slice %arg8[%dma_wait3A_1003, %dma_wait3A_1008] : memref<26x128xi32, #tpu.memory_space<vmem>> -> memref<1x128xi32, #tpu.memory_space<vmem>>
    %dma_wait3A_1010 = tpu.memref_squeeze %dma_wait3A_1009 : memref<1x128xi32, #tpu.memory_space<vmem>> -> memref<128xi32, #tpu.memory_space<vmem>>
    %dma_wait3A_1011 = arith.constant 0 : i32
    %dma_wait3A_1012 = tpu.memref_slice %arg3[%dma_wait3A_1011] : memref<1000000xf32, #tpu.memory_space<hbm>> -> memref<1000000xf32, #tpu.memory_space<hbm>>
    tpu.wait_indirect_dma semaphore(%arg15 : memref<!tpu.dma_semaphore, #tpu.memory_space<semaphore_mem>>) src(%dma_wait3A_1012 : memref<1000000xf32, #tpu.memory_space<hbm>>) dst(%dma_wait3A_1007 : memref<128xf32, #tpu.memory_space<vmem>>)
    %dma_wait3A_1013 = arith.constant 20 : i32
    %dma_wait3A_1014 = arith.constant 20 : i32
    %dma_wait3A_1015 = arith.constant 0 : i32
    %dma_wait3A_1016 = arith.constant 0 : i32
    %dma_wait3A_1017 = tpu.memref_slice %arg9[%dma_wait3A_1014, %dma_wait3A_1015, %dma_wait3A_1016] : memref<26x128x16xf32, #tpu.memory_space<vmem>> -> memref<1x128x16xf32, #tpu.memory_space<vmem>>
    %dma_wait3A_1018 = tpu.memref_squeeze %dma_wait3A_1017 : memref<1x128x16xf32, #tpu.memory_space<vmem>> -> memref<128x16xf32, #tpu.memory_space<vmem>>
    %dma_wait3A_1019 = arith.constant 0 : i32
    %dma_wait3A_1020 = tpu.memref_slice %arg8[%dma_wait3A_1013, %dma_wait3A_1019] : memref<26x128xi32, #tpu.memory_space<vmem>> -> memref<1x128xi32, #tpu.memory_space<vmem>>
    %dma_wait3A_1021 = tpu.memref_squeeze %dma_wait3A_1020 : memref<1x128xi32, #tpu.memory_space<vmem>> -> memref<128xi32, #tpu.memory_space<vmem>>
    %dma_wait3A_1022 = arith.constant 0 : i32
    %dma_wait3A_1023 = arith.constant 0 : i32
    %dma_wait3A_1024 = tpu.memref_slice %arg4[%dma_wait3A_1022, %dma_wait3A_1023] : memref<1000000x16xf32, #tpu.memory_space<hbm>> -> memref<1000000x16xf32, #tpu.memory_space<hbm>>
    tpu.wait_indirect_dma semaphore(%arg14 : memref<!tpu.dma_semaphore, #tpu.memory_space<semaphore_mem>>) src(%dma_wait3A_1024 : memref<1000000x16xf32, #tpu.memory_space<hbm>>) dst(%dma_wait3A_1018 : memref<128x16xf32, #tpu.memory_space<vmem>>)
    %dma_wait3A_1025 = arith.constant 20 : i32
    %dma_wait3A_1026 = arith.constant 20 : i32
    %dma_wait3A_1027 = arith.constant 0 : i32
    %dma_wait3A_1028 = tpu.memref_slice %arg10[%dma_wait3A_1026, %dma_wait3A_1027] : memref<26x128xf32, #tpu.memory_space<vmem>> -> memref<1x128xf32, #tpu.memory_space<vmem>>
    %dma_wait3A_1029 = tpu.memref_squeeze %dma_wait3A_1028 : memref<1x128xf32, #tpu.memory_space<vmem>> -> memref<128xf32, #tpu.memory_space<vmem>>
    %dma_wait3A_1030 = arith.constant 0 : i32
    %dma_wait3A_1031 = tpu.memref_slice %arg8[%dma_wait3A_1025, %dma_wait3A_1030] : memref<26x128xi32, #tpu.memory_space<vmem>> -> memref<1x128xi32, #tpu.memory_space<vmem>>
    %dma_wait3A_1032 = tpu.memref_squeeze %dma_wait3A_1031 : memref<1x128xi32, #tpu.memory_space<vmem>> -> memref<128xi32, #tpu.memory_space<vmem>>
    %dma_wait3A_1033 = arith.constant 0 : i32
    %dma_wait3A_1034 = tpu.memref_slice %arg3[%dma_wait3A_1033] : memref<1000000xf32, #tpu.memory_space<hbm>> -> memref<1000000xf32, #tpu.memory_space<hbm>>
    tpu.wait_indirect_dma semaphore(%arg15 : memref<!tpu.dma_semaphore, #tpu.memory_space<semaphore_mem>>) src(%dma_wait3A_1034 : memref<1000000xf32, #tpu.memory_space<hbm>>) dst(%dma_wait3A_1029 : memref<128xf32, #tpu.memory_space<vmem>>)
    %dma_wait3A_1035 = arith.constant 21 : i32
    %dma_wait3A_1036 = arith.constant 21 : i32
    %dma_wait3A_1037 = arith.constant 0 : i32
    %dma_wait3A_1038 = arith.constant 0 : i32
    %dma_wait3A_1039 = tpu.memref_slice %arg9[%dma_wait3A_1036, %dma_wait3A_1037, %dma_wait3A_1038] : memref<26x128x16xf32, #tpu.memory_space<vmem>> -> memref<1x128x16xf32, #tpu.memory_space<vmem>>
    %dma_wait3A_1040 = tpu.memref_squeeze %dma_wait3A_1039 : memref<1x128x16xf32, #tpu.memory_space<vmem>> -> memref<128x16xf32, #tpu.memory_space<vmem>>
    %dma_wait3A_1041 = arith.constant 0 : i32
    %dma_wait3A_1042 = tpu.memref_slice %arg8[%dma_wait3A_1035, %dma_wait3A_1041] : memref<26x128xi32, #tpu.memory_space<vmem>> -> memref<1x128xi32, #tpu.memory_space<vmem>>
    %dma_wait3A_1043 = tpu.memref_squeeze %dma_wait3A_1042 : memref<1x128xi32, #tpu.memory_space<vmem>> -> memref<128xi32, #tpu.memory_space<vmem>>
    %dma_wait3A_1044 = arith.constant 0 : i32
    %dma_wait3A_1045 = arith.constant 0 : i32
    %dma_wait3A_1046 = tpu.memref_slice %arg4[%dma_wait3A_1044, %dma_wait3A_1045] : memref<1000000x16xf32, #tpu.memory_space<hbm>> -> memref<1000000x16xf32, #tpu.memory_space<hbm>>
    tpu.wait_indirect_dma semaphore(%arg14 : memref<!tpu.dma_semaphore, #tpu.memory_space<semaphore_mem>>) src(%dma_wait3A_1046 : memref<1000000x16xf32, #tpu.memory_space<hbm>>) dst(%dma_wait3A_1040 : memref<128x16xf32, #tpu.memory_space<vmem>>)
    %dma_wait3A_1047 = arith.constant 21 : i32
    %dma_wait3A_1048 = arith.constant 21 : i32
    %dma_wait3A_1049 = arith.constant 0 : i32
    %dma_wait3A_1050 = tpu.memref_slice %arg10[%dma_wait3A_1048, %dma_wait3A_1049] : memref<26x128xf32, #tpu.memory_space<vmem>> -> memref<1x128xf32, #tpu.memory_space<vmem>>
    %dma_wait3A_1051 = tpu.memref_squeeze %dma_wait3A_1050 : memref<1x128xf32, #tpu.memory_space<vmem>> -> memref<128xf32, #tpu.memory_space<vmem>>
    %dma_wait3A_1052 = arith.constant 0 : i32
    %dma_wait3A_1053 = tpu.memref_slice %arg8[%dma_wait3A_1047, %dma_wait3A_1052] : memref<26x128xi32, #tpu.memory_space<vmem>> -> memref<1x128xi32, #tpu.memory_space<vmem>>
    %dma_wait3A_1054 = tpu.memref_squeeze %dma_wait3A_1053 : memref<1x128xi32, #tpu.memory_space<vmem>> -> memref<128xi32, #tpu.memory_space<vmem>>
    %dma_wait3A_1055 = arith.constant 0 : i32
    %dma_wait3A_1056 = tpu.memref_slice %arg3[%dma_wait3A_1055] : memref<1000000xf32, #tpu.memory_space<hbm>> -> memref<1000000xf32, #tpu.memory_space<hbm>>
    tpu.wait_indirect_dma semaphore(%arg15 : memref<!tpu.dma_semaphore, #tpu.memory_space<semaphore_mem>>) src(%dma_wait3A_1056 : memref<1000000xf32, #tpu.memory_space<hbm>>) dst(%dma_wait3A_1051 : memref<128xf32, #tpu.memory_space<vmem>>)
    %dma_wait3A_1057 = arith.constant 22 : i32
    %dma_wait3A_1058 = arith.constant 22 : i32
    %dma_wait3A_1059 = arith.constant 0 : i32
    %dma_wait3A_1060 = arith.constant 0 : i32
    %dma_wait3A_1061 = tpu.memref_slice %arg9[%dma_wait3A_1058, %dma_wait3A_1059, %dma_wait3A_1060] : memref<26x128x16xf32, #tpu.memory_space<vmem>> -> memref<1x128x16xf32, #tpu.memory_space<vmem>>
    %dma_wait3A_1062 = tpu.memref_squeeze %dma_wait3A_1061 : memref<1x128x16xf32, #tpu.memory_space<vmem>> -> memref<128x16xf32, #tpu.memory_space<vmem>>
    %dma_wait3A_1063 = arith.constant 0 : i32
    %dma_wait3A_1064 = tpu.memref_slice %arg8[%dma_wait3A_1057, %dma_wait3A_1063] : memref<26x128xi32, #tpu.memory_space<vmem>> -> memref<1x128xi32, #tpu.memory_space<vmem>>
    %dma_wait3A_1065 = tpu.memref_squeeze %dma_wait3A_1064 : memref<1x128xi32, #tpu.memory_space<vmem>> -> memref<128xi32, #tpu.memory_space<vmem>>
    %dma_wait3A_1066 = arith.constant 0 : i32
    %dma_wait3A_1067 = arith.constant 0 : i32
    %dma_wait3A_1068 = tpu.memref_slice %arg4[%dma_wait3A_1066, %dma_wait3A_1067] : memref<1000000x16xf32, #tpu.memory_space<hbm>> -> memref<1000000x16xf32, #tpu.memory_space<hbm>>
    tpu.wait_indirect_dma semaphore(%arg14 : memref<!tpu.dma_semaphore, #tpu.memory_space<semaphore_mem>>) src(%dma_wait3A_1068 : memref<1000000x16xf32, #tpu.memory_space<hbm>>) dst(%dma_wait3A_1062 : memref<128x16xf32, #tpu.memory_space<vmem>>)
    %dma_wait3A_1069 = arith.constant 22 : i32
    %dma_wait3A_1070 = arith.constant 22 : i32
    %dma_wait3A_1071 = arith.constant 0 : i32
    %dma_wait3A_1072 = tpu.memref_slice %arg10[%dma_wait3A_1070, %dma_wait3A_1071] : memref<26x128xf32, #tpu.memory_space<vmem>> -> memref<1x128xf32, #tpu.memory_space<vmem>>
    %dma_wait3A_1073 = tpu.memref_squeeze %dma_wait3A_1072 : memref<1x128xf32, #tpu.memory_space<vmem>> -> memref<128xf32, #tpu.memory_space<vmem>>
    %dma_wait3A_1074 = arith.constant 0 : i32
    %dma_wait3A_1075 = tpu.memref_slice %arg8[%dma_wait3A_1069, %dma_wait3A_1074] : memref<26x128xi32, #tpu.memory_space<vmem>> -> memref<1x128xi32, #tpu.memory_space<vmem>>
    %dma_wait3A_1076 = tpu.memref_squeeze %dma_wait3A_1075 : memref<1x128xi32, #tpu.memory_space<vmem>> -> memref<128xi32, #tpu.memory_space<vmem>>
    %dma_wait3A_1077 = arith.constant 0 : i32
    %dma_wait3A_1078 = tpu.memref_slice %arg3[%dma_wait3A_1077] : memref<1000000xf32, #tpu.memory_space<hbm>> -> memref<1000000xf32, #tpu.memory_space<hbm>>
    tpu.wait_indirect_dma semaphore(%arg15 : memref<!tpu.dma_semaphore, #tpu.memory_space<semaphore_mem>>) src(%dma_wait3A_1078 : memref<1000000xf32, #tpu.memory_space<hbm>>) dst(%dma_wait3A_1073 : memref<128xf32, #tpu.memory_space<vmem>>)
    %dma_wait3A_1079 = arith.constant 23 : i32
    %dma_wait3A_1080 = arith.constant 23 : i32
    %dma_wait3A_1081 = arith.constant 0 : i32
    %dma_wait3A_1082 = arith.constant 0 : i32
    %dma_wait3A_1083 = tpu.memref_slice %arg9[%dma_wait3A_1080, %dma_wait3A_1081, %dma_wait3A_1082] : memref<26x128x16xf32, #tpu.memory_space<vmem>> -> memref<1x128x16xf32, #tpu.memory_space<vmem>>
    %dma_wait3A_1084 = tpu.memref_squeeze %dma_wait3A_1083 : memref<1x128x16xf32, #tpu.memory_space<vmem>> -> memref<128x16xf32, #tpu.memory_space<vmem>>
    %dma_wait3A_1085 = arith.constant 0 : i32
    %dma_wait3A_1086 = tpu.memref_slice %arg8[%dma_wait3A_1079, %dma_wait3A_1085] : memref<26x128xi32, #tpu.memory_space<vmem>> -> memref<1x128xi32, #tpu.memory_space<vmem>>
    %dma_wait3A_1087 = tpu.memref_squeeze %dma_wait3A_1086 : memref<1x128xi32, #tpu.memory_space<vmem>> -> memref<128xi32, #tpu.memory_space<vmem>>
    %dma_wait3A_1088 = arith.constant 0 : i32
    %dma_wait3A_1089 = arith.constant 0 : i32
    %dma_wait3A_1090 = tpu.memref_slice %arg4[%dma_wait3A_1088, %dma_wait3A_1089] : memref<1000000x16xf32, #tpu.memory_space<hbm>> -> memref<1000000x16xf32, #tpu.memory_space<hbm>>
    tpu.wait_indirect_dma semaphore(%arg14 : memref<!tpu.dma_semaphore, #tpu.memory_space<semaphore_mem>>) src(%dma_wait3A_1090 : memref<1000000x16xf32, #tpu.memory_space<hbm>>) dst(%dma_wait3A_1084 : memref<128x16xf32, #tpu.memory_space<vmem>>)
    %dma_wait3A_1091 = arith.constant 23 : i32
    %dma_wait3A_1092 = arith.constant 23 : i32
    %dma_wait3A_1093 = arith.constant 0 : i32
    %dma_wait3A_1094 = tpu.memref_slice %arg10[%dma_wait3A_1092, %dma_wait3A_1093] : memref<26x128xf32, #tpu.memory_space<vmem>> -> memref<1x128xf32, #tpu.memory_space<vmem>>
    %dma_wait3A_1095 = tpu.memref_squeeze %dma_wait3A_1094 : memref<1x128xf32, #tpu.memory_space<vmem>> -> memref<128xf32, #tpu.memory_space<vmem>>
    %dma_wait3A_1096 = arith.constant 0 : i32
    %dma_wait3A_1097 = tpu.memref_slice %arg8[%dma_wait3A_1091, %dma_wait3A_1096] : memref<26x128xi32, #tpu.memory_space<vmem>> -> memref<1x128xi32, #tpu.memory_space<vmem>>
    %dma_wait3A_1098 = tpu.memref_squeeze %dma_wait3A_1097 : memref<1x128xi32, #tpu.memory_space<vmem>> -> memref<128xi32, #tpu.memory_space<vmem>>
    %dma_wait3A_1099 = arith.constant 0 : i32
    %dma_wait3A_1100 = tpu.memref_slice %arg3[%dma_wait3A_1099] : memref<1000000xf32, #tpu.memory_space<hbm>> -> memref<1000000xf32, #tpu.memory_space<hbm>>
    tpu.wait_indirect_dma semaphore(%arg15 : memref<!tpu.dma_semaphore, #tpu.memory_space<semaphore_mem>>) src(%dma_wait3A_1100 : memref<1000000xf32, #tpu.memory_space<hbm>>) dst(%dma_wait3A_1095 : memref<128xf32, #tpu.memory_space<vmem>>)
    %dma_wait3A_1101 = arith.constant 24 : i32
    %dma_wait3A_1102 = arith.constant 24 : i32
    %dma_wait3A_1103 = arith.constant 0 : i32
    %dma_wait3A_1104 = arith.constant 0 : i32
    %dma_wait3A_1105 = tpu.memref_slice %arg9[%dma_wait3A_1102, %dma_wait3A_1103, %dma_wait3A_1104] : memref<26x128x16xf32, #tpu.memory_space<vmem>> -> memref<1x128x16xf32, #tpu.memory_space<vmem>>
    %dma_wait3A_1106 = tpu.memref_squeeze %dma_wait3A_1105 : memref<1x128x16xf32, #tpu.memory_space<vmem>> -> memref<128x16xf32, #tpu.memory_space<vmem>>
    %dma_wait3A_1107 = arith.constant 0 : i32
    %dma_wait3A_1108 = tpu.memref_slice %arg8[%dma_wait3A_1101, %dma_wait3A_1107] : memref<26x128xi32, #tpu.memory_space<vmem>> -> memref<1x128xi32, #tpu.memory_space<vmem>>
    %dma_wait3A_1109 = tpu.memref_squeeze %dma_wait3A_1108 : memref<1x128xi32, #tpu.memory_space<vmem>> -> memref<128xi32, #tpu.memory_space<vmem>>
    %dma_wait3A_1110 = arith.constant 0 : i32
    %dma_wait3A_1111 = arith.constant 0 : i32
    %dma_wait3A_1112 = tpu.memref_slice %arg4[%dma_wait3A_1110, %dma_wait3A_1111] : memref<1000000x16xf32, #tpu.memory_space<hbm>> -> memref<1000000x16xf32, #tpu.memory_space<hbm>>
    tpu.wait_indirect_dma semaphore(%arg14 : memref<!tpu.dma_semaphore, #tpu.memory_space<semaphore_mem>>) src(%dma_wait3A_1112 : memref<1000000x16xf32, #tpu.memory_space<hbm>>) dst(%dma_wait3A_1106 : memref<128x16xf32, #tpu.memory_space<vmem>>)
    %dma_wait3A_1113 = arith.constant 24 : i32
    %dma_wait3A_1114 = arith.constant 24 : i32
    %dma_wait3A_1115 = arith.constant 0 : i32
    %dma_wait3A_1116 = tpu.memref_slice %arg10[%dma_wait3A_1114, %dma_wait3A_1115] : memref<26x128xf32, #tpu.memory_space<vmem>> -> memref<1x128xf32, #tpu.memory_space<vmem>>
    %dma_wait3A_1117 = tpu.memref_squeeze %dma_wait3A_1116 : memref<1x128xf32, #tpu.memory_space<vmem>> -> memref<128xf32, #tpu.memory_space<vmem>>
    %dma_wait3A_1118 = arith.constant 0 : i32
    %dma_wait3A_1119 = tpu.memref_slice %arg8[%dma_wait3A_1113, %dma_wait3A_1118] : memref<26x128xi32, #tpu.memory_space<vmem>> -> memref<1x128xi32, #tpu.memory_space<vmem>>
    %dma_wait3A_1120 = tpu.memref_squeeze %dma_wait3A_1119 : memref<1x128xi32, #tpu.memory_space<vmem>> -> memref<128xi32, #tpu.memory_space<vmem>>
    %dma_wait3A_1121 = arith.constant 0 : i32
    %dma_wait3A_1122 = tpu.memref_slice %arg3[%dma_wait3A_1121] : memref<1000000xf32, #tpu.memory_space<hbm>> -> memref<1000000xf32, #tpu.memory_space<hbm>>
    tpu.wait_indirect_dma semaphore(%arg15 : memref<!tpu.dma_semaphore, #tpu.memory_space<semaphore_mem>>) src(%dma_wait3A_1122 : memref<1000000xf32, #tpu.memory_space<hbm>>) dst(%dma_wait3A_1117 : memref<128xf32, #tpu.memory_space<vmem>>)
    %dma_wait3A_1123 = arith.constant 25 : i32
    %dma_wait3A_1124 = arith.constant 25 : i32
    %dma_wait3A_1125 = arith.constant 0 : i32
    %dma_wait3A_1126 = arith.constant 0 : i32
    %dma_wait3A_1127 = tpu.memref_slice %arg9[%dma_wait3A_1124, %dma_wait3A_1125, %dma_wait3A_1126] : memref<26x128x16xf32, #tpu.memory_space<vmem>> -> memref<1x128x16xf32, #tpu.memory_space<vmem>>
    %dma_wait3A_1128 = tpu.memref_squeeze %dma_wait3A_1127 : memref<1x128x16xf32, #tpu.memory_space<vmem>> -> memref<128x16xf32, #tpu.memory_space<vmem>>
    %dma_wait3A_1129 = arith.constant 0 : i32
    %dma_wait3A_1130 = tpu.memref_slice %arg8[%dma_wait3A_1123, %dma_wait3A_1129] : memref<26x128xi32, #tpu.memory_space<vmem>> -> memref<1x128xi32, #tpu.memory_space<vmem>>
    %dma_wait3A_1131 = tpu.memref_squeeze %dma_wait3A_1130 : memref<1x128xi32, #tpu.memory_space<vmem>> -> memref<128xi32, #tpu.memory_space<vmem>>
    %dma_wait3A_1132 = arith.constant 0 : i32
    %dma_wait3A_1133 = arith.constant 0 : i32
    %dma_wait3A_1134 = tpu.memref_slice %arg4[%dma_wait3A_1132, %dma_wait3A_1133] : memref<1000000x16xf32, #tpu.memory_space<hbm>> -> memref<1000000x16xf32, #tpu.memory_space<hbm>>
    tpu.wait_indirect_dma semaphore(%arg14 : memref<!tpu.dma_semaphore, #tpu.memory_space<semaphore_mem>>) src(%dma_wait3A_1134 : memref<1000000x16xf32, #tpu.memory_space<hbm>>) dst(%dma_wait3A_1128 : memref<128x16xf32, #tpu.memory_space<vmem>>)
    %dma_wait3A_1135 = arith.constant 25 : i32
    %dma_wait3A_1136 = arith.constant 25 : i32
    %dma_wait3A_1137 = arith.constant 0 : i32
    %dma_wait3A_1138 = tpu.memref_slice %arg10[%dma_wait3A_1136, %dma_wait3A_1137] : memref<26x128xf32, #tpu.memory_space<vmem>> -> memref<1x128xf32, #tpu.memory_space<vmem>>
    %dma_wait3A_1139 = tpu.memref_squeeze %dma_wait3A_1138 : memref<1x128xf32, #tpu.memory_space<vmem>> -> memref<128xf32, #tpu.memory_space<vmem>>
    %dma_wait3A_1140 = arith.constant 0 : i32
    %dma_wait3A_1141 = tpu.memref_slice %arg8[%dma_wait3A_1135, %dma_wait3A_1140] : memref<26x128xi32, #tpu.memory_space<vmem>> -> memref<1x128xi32, #tpu.memory_space<vmem>>
    %dma_wait3A_1142 = tpu.memref_squeeze %dma_wait3A_1141 : memref<1x128xi32, #tpu.memory_space<vmem>> -> memref<128xi32, #tpu.memory_space<vmem>>
    %dma_wait3A_1143 = arith.constant 0 : i32
    %dma_wait3A_1144 = tpu.memref_slice %arg3[%dma_wait3A_1143] : memref<1000000xf32, #tpu.memory_space<hbm>> -> memref<1000000xf32, #tpu.memory_space<hbm>>
    tpu.wait_indirect_dma semaphore(%arg15 : memref<!tpu.dma_semaphore, #tpu.memory_space<semaphore_mem>>) src(%dma_wait3A_1144 : memref<1000000xf32, #tpu.memory_space<hbm>>) dst(%dma_wait3A_1139 : memref<128xf32, #tpu.memory_space<vmem>>)
    %scan3A = arith.constant 0 : i32
    %scan3A_1145 = arith.constant 0 : i32
    %scan3A_1146 = arith.constant 128 : i32
    %scan3A_1147 = arith.addi %scan3A_1145, %scan3A_1146 : i32
    %scan3A_1148 = arith.constant 1 : i32
    scf.for %scan3A_2420 = %scan3A_1145 to %scan3A_1147 step %scan3A_1148  : i32 {
      %get3A_2421 = arith.constant 0 : i32
      %get3A_2422 = arith.index_cast %get3A_2421 : i32 to index
      %get3A_2423 = arith.index_cast %scan3A_2420 : i32 to index
      %get3A_2424 = arith.constant 0 : index
      %get3A_2425 = tpu.vector_load %arg9[%get3A_2422, %get3A_2423, %get3A_2424] {strides = array<i32>} : memref<26x128x16xf32, #tpu.memory_space<vmem>>, vector<1x1x16xf32>,
      %get3A_2426 = vector.shape_cast %get3A_2425 : vector<1x1x16xf32> to vector<16xf32>
      %mul3A_2427 = arith.mulf %get3A_2426, %get3A_2426 : vector<16xf32>
      %get3A_2428 = arith.constant 1 : i32
      %get3A_2429 = arith.index_cast %get3A_2428 : i32 to index
      %get3A_2430 = arith.index_cast %scan3A_2420 : i32 to index
      %get3A_2431 = arith.constant 0 : index
      %get3A_2432 = tpu.vector_load %arg9[%get3A_2429, %get3A_2430, %get3A_2431] {strides = array<i32>} : memref<26x128x16xf32, #tpu.memory_space<vmem>>, vector<1x1x16xf32>,
      %get3A_2433 = vector.shape_cast %get3A_2432 : vector<1x1x16xf32> to vector<16xf32>
      %add3A_2434 = arith.addf %get3A_2426, %get3A_2433 : vector<16xf32>
      %mul3A_2435 = arith.mulf %get3A_2433, %get3A_2433 : vector<16xf32>
      %add3A_2436 = arith.addf %mul3A_2427, %mul3A_2435 : vector<16xf32>
      %get3A_2437 = arith.constant 2 : i32
      %get3A_2438 = arith.index_cast %get3A_2437 : i32 to index
      %get3A_2439 = arith.index_cast %scan3A_2420 : i32 to index
      %get3A_2440 = arith.constant 0 : index
      %get3A_2441 = tpu.vector_load %arg9[%get3A_2438, %get3A_2439, %get3A_2440] {strides = array<i32>} : memref<26x128x16xf32, #tpu.memory_space<vmem>>, vector<1x1x16xf32>,
      %get3A_2442 = vector.shape_cast %get3A_2441 : vector<1x1x16xf32> to vector<16xf32>
      %add3A_2443 = arith.addf %add3A_2434, %get3A_2442 : vector<16xf32>
      %mul3A_2444 = arith.mulf %get3A_2442, %get3A_2442 : vector<16xf32>
      %add3A_2445 = arith.addf %add3A_2436, %mul3A_2444 : vector<16xf32>
      %get3A_2446 = arith.constant 3 : i32
      %get3A_2447 = arith.index_cast %get3A_2446 : i32 to index
      %get3A_2448 = arith.index_cast %scan3A_2420 : i32 to index
      %get3A_2449 = arith.constant 0 : index
      %get3A_2450 = tpu.vector_load %arg9[%get3A_2447, %get3A_2448, %get3A_2449] {strides = array<i32>} : memref<26x128x16xf32, #tpu.memory_space<vmem>>, vector<1x1x16xf32>,
      %get3A_2451 = vector.shape_cast %get3A_2450 : vector<1x1x16xf32> to vector<16xf32>
      %add3A_2452 = arith.addf %add3A_2443, %get3A_2451 : vector<16xf32>
      %mul3A_2453 = arith.mulf %get3A_2451, %get3A_2451 : vector<16xf32>
      %add3A_2454 = arith.addf %add3A_2445, %mul3A_2453 : vector<16xf32>
      %get3A_2455 = arith.constant 4 : i32
      %get3A_2456 = arith.index_cast %get3A_2455 : i32 to index
      %get3A_2457 = arith.index_cast %scan3A_2420 : i32 to index
      %get3A_2458 = arith.constant 0 : index
      %get3A_2459 = tpu.vector_load %arg9[%get3A_2456, %get3A_2457, %get3A_2458] {strides = array<i32>} : memref<26x128x16xf32, #tpu.memory_space<vmem>>, vector<1x1x16xf32>,
      %get3A_2460 = vector.shape_cast %get3A_2459 : vector<1x1x16xf32> to vector<16xf32>
      %add3A_2461 = arith.addf %add3A_2452, %get3A_2460 : vector<16xf32>
      %mul3A_2462 = arith.mulf %get3A_2460, %get3A_2460 : vector<16xf32>
      %add3A_2463 = arith.addf %add3A_2454, %mul3A_2462 : vector<16xf32>
      %get3A_2464 = arith.constant 5 : i32
      %get3A_2465 = arith.index_cast %get3A_2464 : i32 to index
      %get3A_2466 = arith.index_cast %scan3A_2420 : i32 to index
      %get3A_2467 = arith.constant 0 : index
      %get3A_2468 = tpu.vector_load %arg9[%get3A_2465, %get3A_2466, %get3A_2467] {strides = array<i32>} : memref<26x128x16xf32, #tpu.memory_space<vmem>>, vector<1x1x16xf32>,
      %get3A_2469 = vector.shape_cast %get3A_2468 : vector<1x1x16xf32> to vector<16xf32>
      %add3A_2470 = arith.addf %add3A_2461, %get3A_2469 : vector<16xf32>
      %mul3A_2471 = arith.mulf %get3A_2469, %get3A_2469 : vector<16xf32>
      %add3A_2472 = arith.addf %add3A_2463, %mul3A_2471 : vector<16xf32>
      %get3A_2473 = arith.constant 6 : i32
      %get3A_2474 = arith.index_cast %get3A_2473 : i32 to index
      %get3A_2475 = arith.index_cast %scan3A_2420 : i32 to index
      %get3A_2476 = arith.constant 0 : index
      %get3A_2477 = tpu.vector_load %arg9[%get3A_2474, %get3A_2475, %get3A_2476] {strides = array<i32>} : memref<26x128x16xf32, #tpu.memory_space<vmem>>, vector<1x1x16xf32>,
      %get3A_2478 = vector.shape_cast %get3A_2477 : vector<1x1x16xf32> to vector<16xf32>
      %add3A_2479 = arith.addf %add3A_2470, %get3A_2478 : vector<16xf32>
      %mul3A_2480 = arith.mulf %get3A_2478, %get3A_2478 : vector<16xf32>
      %add3A_2481 = arith.addf %add3A_2472, %mul3A_2480 : vector<16xf32>
      %get3A_2482 = arith.constant 7 : i32
      %get3A_2483 = arith.index_cast %get3A_2482 : i32 to index
      %get3A_2484 = arith.index_cast %scan3A_2420 : i32 to index
      %get3A_2485 = arith.constant 0 : index
      %get3A_2486 = tpu.vector_load %arg9[%get3A_2483, %get3A_2484, %get3A_2485] {strides = array<i32>} : memref<26x128x16xf32, #tpu.memory_space<vmem>>, vector<1x1x16xf32>,
      %get3A_2487 = vector.shape_cast %get3A_2486 : vector<1x1x16xf32> to vector<16xf32>
      %add3A_2488 = arith.addf %add3A_2479, %get3A_2487 : vector<16xf32>
      %mul3A_2489 = arith.mulf %get3A_2487, %get3A_2487 : vector<16xf32>
      %add3A_2490 = arith.addf %add3A_2481, %mul3A_2489 : vector<16xf32>
      %get3A_2491 = arith.constant 8 : i32
      %get3A_2492 = arith.index_cast %get3A_2491 : i32 to index
      %get3A_2493 = arith.index_cast %scan3A_2420 : i32 to index
      %get3A_2494 = arith.constant 0 : index
      %get3A_2495 = tpu.vector_load %arg9[%get3A_2492, %get3A_2493, %get3A_2494] {strides = array<i32>} : memref<26x128x16xf32, #tpu.memory_space<vmem>>, vector<1x1x16xf32>,
      %get3A_2496 = vector.shape_cast %get3A_2495 : vector<1x1x16xf32> to vector<16xf32>
      %add3A_2497 = arith.addf %add3A_2488, %get3A_2496 : vector<16xf32>
      %mul3A_2498 = arith.mulf %get3A_2496, %get3A_2496 : vector<16xf32>
      %add3A_2499 = arith.addf %add3A_2490, %mul3A_2498 : vector<16xf32>
      %get3A_2500 = arith.constant 9 : i32
      %get3A_2501 = arith.index_cast %get3A_2500 : i32 to index
      %get3A_2502 = arith.index_cast %scan3A_2420 : i32 to index
      %get3A_2503 = arith.constant 0 : index
      %get3A_2504 = tpu.vector_load %arg9[%get3A_2501, %get3A_2502, %get3A_2503] {strides = array<i32>} : memref<26x128x16xf32, #tpu.memory_space<vmem>>, vector<1x1x16xf32>,
      %get3A_2505 = vector.shape_cast %get3A_2504 : vector<1x1x16xf32> to vector<16xf32>
      %add3A_2506 = arith.addf %add3A_2497, %get3A_2505 : vector<16xf32>
      %mul3A_2507 = arith.mulf %get3A_2505, %get3A_2505 : vector<16xf32>
      %add3A_2508 = arith.addf %add3A_2499, %mul3A_2507 : vector<16xf32>
      %get3A_2509 = arith.constant 10 : i32
      %get3A_2510 = arith.index_cast %get3A_2509 : i32 to index
      %get3A_2511 = arith.index_cast %scan3A_2420 : i32 to index
      %get3A_2512 = arith.constant 0 : index
      %get3A_2513 = tpu.vector_load %arg9[%get3A_2510, %get3A_2511, %get3A_2512] {strides = array<i32>} : memref<26x128x16xf32, #tpu.memory_space<vmem>>, vector<1x1x16xf32>,
      %get3A_2514 = vector.shape_cast %get3A_2513 : vector<1x1x16xf32> to vector<16xf32>
      %add3A_2515 = arith.addf %add3A_2506, %get3A_2514 : vector<16xf32>
      %mul3A_2516 = arith.mulf %get3A_2514, %get3A_2514 : vector<16xf32>
      %add3A_2517 = arith.addf %add3A_2508, %mul3A_2516 : vector<16xf32>
      %get3A_2518 = arith.constant 11 : i32
      %get3A_2519 = arith.index_cast %get3A_2518 : i32 to index
      %get3A_2520 = arith.index_cast %scan3A_2420 : i32 to index
      %get3A_2521 = arith.constant 0 : index
      %get3A_2522 = tpu.vector_load %arg9[%get3A_2519, %get3A_2520, %get3A_2521] {strides = array<i32>} : memref<26x128x16xf32, #tpu.memory_space<vmem>>, vector<1x1x16xf32>,
      %get3A_2523 = vector.shape_cast %get3A_2522 : vector<1x1x16xf32> to vector<16xf32>
      %add3A_2524 = arith.addf %add3A_2515, %get3A_2523 : vector<16xf32>
      %mul3A_2525 = arith.mulf %get3A_2523, %get3A_2523 : vector<16xf32>
      %add3A_2526 = arith.addf %add3A_2517, %mul3A_2525 : vector<16xf32>
      %get3A_2527 = arith.constant 12 : i32
      %get3A_2528 = arith.index_cast %get3A_2527 : i32 to index
      %get3A_2529 = arith.index_cast %scan3A_2420 : i32 to index
      %get3A_2530 = arith.constant 0 : index
      %get3A_2531 = tpu.vector_load %arg9[%get3A_2528, %get3A_2529, %get3A_2530] {strides = array<i32>} : memref<26x128x16xf32, #tpu.memory_space<vmem>>, vector<1x1x16xf32>,
      %get3A_2532 = vector.shape_cast %get3A_2531 : vector<1x1x16xf32> to vector<16xf32>
      %add3A_2533 = arith.addf %add3A_2524, %get3A_2532 : vector<16xf32>
      %mul3A_2534 = arith.mulf %get3A_2532, %get3A_2532 : vector<16xf32>
      %add3A_2535 = arith.addf %add3A_2526, %mul3A_2534 : vector<16xf32>
      %get3A_2536 = arith.constant 13 : i32
      %get3A_2537 = arith.index_cast %get3A_2536 : i32 to index
      %get3A_2538 = arith.index_cast %scan3A_2420 : i32 to index
      %get3A_2539 = arith.constant 0 : index
      %get3A_2540 = tpu.vector_load %arg9[%get3A_2537, %get3A_2538, %get3A_2539] {strides = array<i32>} : memref<26x128x16xf32, #tpu.memory_space<vmem>>, vector<1x1x16xf32>,
      %get3A_2541 = vector.shape_cast %get3A_2540 : vector<1x1x16xf32> to vector<16xf32>
      %add3A_2542 = arith.addf %add3A_2533, %get3A_2541 : vector<16xf32>
      %mul3A_2543 = arith.mulf %get3A_2541, %get3A_2541 : vector<16xf32>
      %add3A_2544 = arith.addf %add3A_2535, %mul3A_2543 : vector<16xf32>
      %get3A_2545 = arith.constant 14 : i32
      %get3A_2546 = arith.index_cast %get3A_2545 : i32 to index
      %get3A_2547 = arith.index_cast %scan3A_2420 : i32 to index
      %get3A_2548 = arith.constant 0 : index
      %get3A_2549 = tpu.vector_load %arg9[%get3A_2546, %get3A_2547, %get3A_2548] {strides = array<i32>} : memref<26x128x16xf32, #tpu.memory_space<vmem>>, vector<1x1x16xf32>,
      %get3A_2550 = vector.shape_cast %get3A_2549 : vector<1x1x16xf32> to vector<16xf32>
      %add3A_2551 = arith.addf %add3A_2542, %get3A_2550 : vector<16xf32>
      %mul3A_2552 = arith.mulf %get3A_2550, %get3A_2550 : vector<16xf32>
      %add3A_2553 = arith.addf %add3A_2544, %mul3A_2552 : vector<16xf32>
      %get3A_2554 = arith.constant 15 : i32
      %get3A_2555 = arith.index_cast %get3A_2554 : i32 to index
      %get3A_2556 = arith.index_cast %scan3A_2420 : i32 to index
      %get3A_2557 = arith.constant 0 : index
      %get3A_2558 = tpu.vector_load %arg9[%get3A_2555, %get3A_2556, %get3A_2557] {strides = array<i32>} : memref<26x128x16xf32, #tpu.memory_space<vmem>>, vector<1x1x16xf32>,
      %get3A_2559 = vector.shape_cast %get3A_2558 : vector<1x1x16xf32> to vector<16xf32>
      %add3A_2560 = arith.addf %add3A_2551, %get3A_2559 : vector<16xf32>
      %mul3A_2561 = arith.mulf %get3A_2559, %get3A_2559 : vector<16xf32>
      %add3A_2562 = arith.addf %add3A_2553, %mul3A_2561 : vector<16xf32>
      %get3A_2563 = arith.constant 16 : i32
      %get3A_2564 = arith.index_cast %get3A_2563 : i32 to index
      %get3A_2565 = arith.index_cast %scan3A_2420 : i32 to index
      %get3A_2566 = arith.constant 0 : index
      %get3A_2567 = tpu.vector_load %arg9[%get3A_2564, %get3A_2565, %get3A_2566] {strides = array<i32>} : memref<26x128x16xf32, #tpu.memory_space<vmem>>, vector<1x1x16xf32>,
      %get3A_2568 = vector.shape_cast %get3A_2567 : vector<1x1x16xf32> to vector<16xf32>
      %add3A_2569 = arith.addf %add3A_2560, %get3A_2568 : vector<16xf32>
      %mul3A_2570 = arith.mulf %get3A_2568, %get3A_2568 : vector<16xf32>
      %add3A_2571 = arith.addf %add3A_2562, %mul3A_2570 : vector<16xf32>
      %get3A_2572 = arith.constant 17 : i32
      %get3A_2573 = arith.index_cast %get3A_2572 : i32 to index
      %get3A_2574 = arith.index_cast %scan3A_2420 : i32 to index
      %get3A_2575 = arith.constant 0 : index
      %get3A_2576 = tpu.vector_load %arg9[%get3A_2573, %get3A_2574, %get3A_2575] {strides = array<i32>} : memref<26x128x16xf32, #tpu.memory_space<vmem>>, vector<1x1x16xf32>,
      %get3A_2577 = vector.shape_cast %get3A_2576 : vector<1x1x16xf32> to vector<16xf32>
      %add3A_2578 = arith.addf %add3A_2569, %get3A_2577 : vector<16xf32>
      %mul3A_2579 = arith.mulf %get3A_2577, %get3A_2577 : vector<16xf32>
      %add3A_2580 = arith.addf %add3A_2571, %mul3A_2579 : vector<16xf32>
      %get3A_2581 = arith.constant 18 : i32
      %get3A_2582 = arith.index_cast %get3A_2581 : i32 to index
      %get3A_2583 = arith.index_cast %scan3A_2420 : i32 to index
      %get3A_2584 = arith.constant 0 : index
      %get3A_2585 = tpu.vector_load %arg9[%get3A_2582, %get3A_2583, %get3A_2584] {strides = array<i32>} : memref<26x128x16xf32, #tpu.memory_space<vmem>>, vector<1x1x16xf32>,
      %get3A_2586 = vector.shape_cast %get3A_2585 : vector<1x1x16xf32> to vector<16xf32>
      %add3A_2587 = arith.addf %add3A_2578, %get3A_2586 : vector<16xf32>
      %mul3A_2588 = arith.mulf %get3A_2586, %get3A_2586 : vector<16xf32>
      %add3A_2589 = arith.addf %add3A_2580, %mul3A_2588 : vector<16xf32>
      %get3A_2590 = arith.constant 19 : i32
      %get3A_2591 = arith.index_cast %get3A_2590 : i32 to index
      %get3A_2592 = arith.index_cast %scan3A_2420 : i32 to index
      %get3A_2593 = arith.constant 0 : index
      %get3A_2594 = tpu.vector_load %arg9[%get3A_2591, %get3A_2592, %get3A_2593] {strides = array<i32>} : memref<26x128x16xf32, #tpu.memory_space<vmem>>, vector<1x1x16xf32>,
      %get3A_2595 = vector.shape_cast %get3A_2594 : vector<1x1x16xf32> to vector<16xf32>
      %add3A_2596 = arith.addf %add3A_2587, %get3A_2595 : vector<16xf32>
      %mul3A_2597 = arith.mulf %get3A_2595, %get3A_2595 : vector<16xf32>
      %add3A_2598 = arith.addf %add3A_2589, %mul3A_2597 : vector<16xf32>
      %get3A_2599 = arith.constant 20 : i32
      %get3A_2600 = arith.index_cast %get3A_2599 : i32 to index
      %get3A_2601 = arith.index_cast %scan3A_2420 : i32 to index
      %get3A_2602 = arith.constant 0 : index
      %get3A_2603 = tpu.vector_load %arg9[%get3A_2600, %get3A_2601, %get3A_2602] {strides = array<i32>} : memref<26x128x16xf32, #tpu.memory_space<vmem>>, vector<1x1x16xf32>,
      %get3A_2604 = vector.shape_cast %get3A_2603 : vector<1x1x16xf32> to vector<16xf32>
      %add3A_2605 = arith.addf %add3A_2596, %get3A_2604 : vector<16xf32>
      %mul3A_2606 = arith.mulf %get3A_2604, %get3A_2604 : vector<16xf32>
      %add3A_2607 = arith.addf %add3A_2598, %mul3A_2606 : vector<16xf32>
      %get3A_2608 = arith.constant 21 : i32
      %get3A_2609 = arith.index_cast %get3A_2608 : i32 to index
      %get3A_2610 = arith.index_cast %scan3A_2420 : i32 to index
      %get3A_2611 = arith.constant 0 : index
      %get3A_2612 = tpu.vector_load %arg9[%get3A_2609, %get3A_2610, %get3A_2611] {strides = array<i32>} : memref<26x128x16xf32, #tpu.memory_space<vmem>>, vector<1x1x16xf32>,
      %get3A_2613 = vector.shape_cast %get3A_2612 : vector<1x1x16xf32> to vector<16xf32>
      %add3A_2614 = arith.addf %add3A_2605, %get3A_2613 : vector<16xf32>
      %mul3A_2615 = arith.mulf %get3A_2613, %get3A_2613 : vector<16xf32>
      %add3A_2616 = arith.addf %add3A_2607, %mul3A_2615 : vector<16xf32>
      %get3A_2617 = arith.constant 22 : i32
      %get3A_2618 = arith.index_cast %get3A_2617 : i32 to index
      %get3A_2619 = arith.index_cast %scan3A_2420 : i32 to index
      %get3A_2620 = arith.constant 0 : index
      %get3A_2621 = tpu.vector_load %arg9[%get3A_2618, %get3A_2619, %get3A_2620] {strides = array<i32>} : memref<26x128x16xf32, #tpu.memory_space<vmem>>, vector<1x1x16xf32>,
      %get3A_2622 = vector.shape_cast %get3A_2621 : vector<1x1x16xf32> to vector<16xf32>
      %add3A_2623 = arith.addf %add3A_2614, %get3A_2622 : vector<16xf32>
      %mul3A_2624 = arith.mulf %get3A_2622, %get3A_2622 : vector<16xf32>
      %add3A_2625 = arith.addf %add3A_2616, %mul3A_2624 : vector<16xf32>
      %get3A_2626 = arith.constant 23 : i32
      %get3A_2627 = arith.index_cast %get3A_2626 : i32 to index
      %get3A_2628 = arith.index_cast %scan3A_2420 : i32 to index
      %get3A_2629 = arith.constant 0 : index
      %get3A_2630 = tpu.vector_load %arg9[%get3A_2627, %get3A_2628, %get3A_2629] {strides = array<i32>} : memref<26x128x16xf32, #tpu.memory_space<vmem>>, vector<1x1x16xf32>,
      %get3A_2631 = vector.shape_cast %get3A_2630 : vector<1x1x16xf32> to vector<16xf32>
      %add3A_2632 = arith.addf %add3A_2623, %get3A_2631 : vector<16xf32>
      %mul3A_2633 = arith.mulf %get3A_2631, %get3A_2631 : vector<16xf32>
      %add3A_2634 = arith.addf %add3A_2625, %mul3A_2633 : vector<16xf32>
      %get3A_2635 = arith.constant 24 : i32
      %get3A_2636 = arith.index_cast %get3A_2635 : i32 to index
      %get3A_2637 = arith.index_cast %scan3A_2420 : i32 to index
      %get3A_2638 = arith.constant 0 : index
      %get3A_2639 = tpu.vector_load %arg9[%get3A_2636, %get3A_2637, %get3A_2638] {strides = array<i32>} : memref<26x128x16xf32, #tpu.memory_space<vmem>>, vector<1x1x16xf32>,
      %get3A_2640 = vector.shape_cast %get3A_2639 : vector<1x1x16xf32> to vector<16xf32>
      %add3A_2641 = arith.addf %add3A_2632, %get3A_2640 : vector<16xf32>
      %mul3A_2642 = arith.mulf %get3A_2640, %get3A_2640 : vector<16xf32>
      %add3A_2643 = arith.addf %add3A_2634, %mul3A_2642 : vector<16xf32>
      %get3A_2644 = arith.constant 25 : i32
      %get3A_2645 = arith.index_cast %get3A_2644 : i32 to index
      %get3A_2646 = arith.index_cast %scan3A_2420 : i32 to index
      %get3A_2647 = arith.constant 0 : index
      %get3A_2648 = tpu.vector_load %arg9[%get3A_2645, %get3A_2646, %get3A_2647] {strides = array<i32>} : memref<26x128x16xf32, #tpu.memory_space<vmem>>, vector<1x1x16xf32>,
      %get3A_2649 = vector.shape_cast %get3A_2648 : vector<1x1x16xf32> to vector<16xf32>
      %add3A_2650 = arith.addf %add3A_2641, %get3A_2649 : vector<16xf32>
      %mul3A_2651 = arith.mulf %get3A_2649, %get3A_2649 : vector<16xf32>
      %add3A_2652 = arith.addf %add3A_2643, %mul3A_2651 : vector<16xf32>
      %swap3A_2653 = arith.index_cast %scan3A_2420 : i32 to index
      %swap3A_2654 = arith.constant 0 : index
      %swap3A_2655 = tpu.vector_load %arg11[%swap3A_2653, %swap3A_2654] {strides = array<i32>} : memref<128x16xf32, #tpu.memory_space<vmem>>, vector<1x16xf32>,
      %swap3A_2656 = vector.shape_cast %swap3A_2655 : vector<1x16xf32> to vector<16xf32>
      %swap3A_2657 = vector.shape_cast %add3A_2650 : vector<16xf32> to vector<1x16xf32>
      tpu.vector_store %arg11[%swap3A_2653, %swap3A_2654], %swap3A_2657 {strides = array<i32>} : memref<128x16xf32, #tpu.memory_space<vmem>>, vector<1x16xf32>,
      %swap3A_2658 = arith.index_cast %scan3A_2420 : i32 to index
      %swap3A_2659 = arith.constant 0 : index
      %swap3A_2660 = tpu.vector_load %arg12[%swap3A_2658, %swap3A_2659] {strides = array<i32>} : memref<128x16xf32, #tpu.memory_space<vmem>>, vector<1x16xf32>,
      %swap3A_2661 = vector.shape_cast %swap3A_2660 : vector<1x16xf32> to vector<16xf32>
      %swap3A_2662 = vector.shape_cast %add3A_2652 : vector<16xf32> to vector<1x16xf32>
      tpu.vector_store %arg12[%swap3A_2658, %swap3A_2659], %swap3A_2662 {strides = array<i32>} : memref<128x16xf32, #tpu.memory_space<vmem>>, vector<1x16xf32>,
    }
    %scan3A_1149 = arith.constant 128 : i32
    %get3A = arith.constant 0 : i32
    %get3A_1150 = arith.index_cast %get3A : i32 to index
    %get3A_1151 = arith.constant 0 : index
    %get3A_1152 = tpu.vector_load %arg10[%get3A_1150, %get3A_1151] {strides = array<i32>} : memref<26x128xf32, #tpu.memory_space<vmem>>, vector<1x16xf32>,
    %get3A_1153 = vector.shape_cast %get3A_1152 : vector<1x16xf32> to vector<16xf32>
    %get3A_1154 = arith.constant 1 : i32
    %get3A_1155 = arith.index_cast %get3A_1154 : i32 to index
    %get3A_1156 = arith.constant 0 : index
    %get3A_1157 = tpu.vector_load %arg10[%get3A_1155, %get3A_1156] {strides = array<i32>} : memref<26x128xf32, #tpu.memory_space<vmem>>, vector<1x16xf32>,
    %get3A_1158 = vector.shape_cast %get3A_1157 : vector<1x16xf32> to vector<16xf32>
    %add3A_1159 = arith.addf %get3A_1153, %get3A_1158 : vector<16xf32>
    %get3A_1160 = arith.constant 2 : i32
    %get3A_1161 = arith.index_cast %get3A_1160 : i32 to index
    %get3A_1162 = arith.constant 0 : index
    %get3A_1163 = tpu.vector_load %arg10[%get3A_1161, %get3A_1162] {strides = array<i32>} : memref<26x128xf32, #tpu.memory_space<vmem>>, vector<1x16xf32>,
    %get3A_1164 = vector.shape_cast %get3A_1163 : vector<1x16xf32> to vector<16xf32>
    %add3A_1165 = arith.addf %add3A_1159, %get3A_1164 : vector<16xf32>
    %get3A_1166 = arith.constant 3 : i32
    %get3A_1167 = arith.index_cast %get3A_1166 : i32 to index
    %get3A_1168 = arith.constant 0 : index
    %get3A_1169 = tpu.vector_load %arg10[%get3A_1167, %get3A_1168] {strides = array<i32>} : memref<26x128xf32, #tpu.memory_space<vmem>>, vector<1x16xf32>,
    %get3A_1170 = vector.shape_cast %get3A_1169 : vector<1x16xf32> to vector<16xf32>
    %add3A_1171 = arith.addf %add3A_1165, %get3A_1170 : vector<16xf32>
    %get3A_1172 = arith.constant 4 : i32
    %get3A_1173 = arith.index_cast %get3A_1172 : i32 to index
    %get3A_1174 = arith.constant 0 : index
    %get3A_1175 = tpu.vector_load %arg10[%get3A_1173, %get3A_1174] {strides = array<i32>} : memref<26x128xf32, #tpu.memory_space<vmem>>, vector<1x16xf32>,
    %get3A_1176 = vector.shape_cast %get3A_1175 : vector<1x16xf32> to vector<16xf32>
    %add3A_1177 = arith.addf %add3A_1171, %get3A_1176 : vector<16xf32>
    %get3A_1178 = arith.constant 5 : i32
    %get3A_1179 = arith.index_cast %get3A_1178 : i32 to index
    %get3A_1180 = arith.constant 0 : index
    %get3A_1181 = tpu.vector_load %arg10[%get3A_1179, %get3A_1180] {strides = array<i32>} : memref<26x128xf32, #tpu.memory_space<vmem>>, vector<1x16xf32>,
    %get3A_1182 = vector.shape_cast %get3A_1181 : vector<1x16xf32> to vector<16xf32>
    %add3A_1183 = arith.addf %add3A_1177, %get3A_1182 : vector<16xf32>
    %get3A_1184 = arith.constant 6 : i32
    %get3A_1185 = arith.index_cast %get3A_1184 : i32 to index
    %get3A_1186 = arith.constant 0 : index
    %get3A_1187 = tpu.vector_load %arg10[%get3A_1185, %get3A_1186] {strides = array<i32>} : memref<26x128xf32, #tpu.memory_space<vmem>>, vector<1x16xf32>,
    %get3A_1188 = vector.shape_cast %get3A_1187 : vector<1x16xf32> to vector<16xf32>
    %add3A_1189 = arith.addf %add3A_1183, %get3A_1188 : vector<16xf32>
    %get3A_1190 = arith.constant 7 : i32
    %get3A_1191 = arith.index_cast %get3A_1190 : i32 to index
    %get3A_1192 = arith.constant 0 : index
    %get3A_1193 = tpu.vector_load %arg10[%get3A_1191, %get3A_1192] {strides = array<i32>} : memref<26x128xf32, #tpu.memory_space<vmem>>, vector<1x16xf32>,
    %get3A_1194 = vector.shape_cast %get3A_1193 : vector<1x16xf32> to vector<16xf32>
    %add3A_1195 = arith.addf %add3A_1189, %get3A_1194 : vector<16xf32>
    %get3A_1196 = arith.constant 8 : i32
    %get3A_1197 = arith.index_cast %get3A_1196 : i32 to index
    %get3A_1198 = arith.constant 0 : index
    %get3A_1199 = tpu.vector_load %arg10[%get3A_1197, %get3A_1198] {strides = array<i32>} : memref<26x128xf32, #tpu.memory_space<vmem>>, vector<1x16xf32>,
    %get3A_1200 = vector.shape_cast %get3A_1199 : vector<1x16xf32> to vector<16xf32>
    %add3A_1201 = arith.addf %add3A_1195, %get3A_1200 : vector<16xf32>
    %get3A_1202 = arith.constant 9 : i32
    %get3A_1203 = arith.index_cast %get3A_1202 : i32 to index
    %get3A_1204 = arith.constant 0 : index
    %get3A_1205 = tpu.vector_load %arg10[%get3A_1203, %get3A_1204] {strides = array<i32>} : memref<26x128xf32, #tpu.memory_space<vmem>>, vector<1x16xf32>,
    %get3A_1206 = vector.shape_cast %get3A_1205 : vector<1x16xf32> to vector<16xf32>
    %add3A_1207 = arith.addf %add3A_1201, %get3A_1206 : vector<16xf32>
    %get3A_1208 = arith.constant 10 : i32
    %get3A_1209 = arith.index_cast %get3A_1208 : i32 to index
    %get3A_1210 = arith.constant 0 : index
    %get3A_1211 = tpu.vector_load %arg10[%get3A_1209, %get3A_1210] {strides = array<i32>} : memref<26x128xf32, #tpu.memory_space<vmem>>, vector<1x16xf32>,
    %get3A_1212 = vector.shape_cast %get3A_1211 : vector<1x16xf32> to vector<16xf32>
    %add3A_1213 = arith.addf %add3A_1207, %get3A_1212 : vector<16xf32>
    %get3A_1214 = arith.constant 11 : i32
    %get3A_1215 = arith.index_cast %get3A_1214 : i32 to index
    %get3A_1216 = arith.constant 0 : index
    %get3A_1217 = tpu.vector_load %arg10[%get3A_1215, %get3A_1216] {strides = array<i32>} : memref<26x128xf32, #tpu.memory_space<vmem>>, vector<1x16xf32>,
    %get3A_1218 = vector.shape_cast %get3A_1217 : vector<1x16xf32> to vector<16xf32>
    %add3A_1219 = arith.addf %add3A_1213, %get3A_1218 : vector<16xf32>
    %get3A_1220 = arith.constant 12 : i32
    %get3A_1221 = arith.index_cast %get3A_1220 : i32 to index
    %get3A_1222 = arith.constant 0 : index
    %get3A_1223 = tpu.vector_load %arg10[%get3A_1221, %get3A_1222] {strides = array<i32>} : memref<26x128xf32, #tpu.memory_space<vmem>>, vector<1x16xf32>,
    %get3A_1224 = vector.shape_cast %get3A_1223 : vector<1x16xf32> to vector<16xf32>
    %add3A_1225 = arith.addf %add3A_1219, %get3A_1224 : vector<16xf32>
    %get3A_1226 = arith.constant 13 : i32
    %get3A_1227 = arith.index_cast %get3A_1226 : i32 to index
    %get3A_1228 = arith.constant 0 : index
    %get3A_1229 = tpu.vector_load %arg10[%get3A_1227, %get3A_1228] {strides = array<i32>} : memref<26x128xf32, #tpu.memory_space<vmem>>, vector<1x16xf32>,
    %get3A_1230 = vector.shape_cast %get3A_1229 : vector<1x16xf32> to vector<16xf32>
    %add3A_1231 = arith.addf %add3A_1225, %get3A_1230 : vector<16xf32>
    %get3A_1232 = arith.constant 14 : i32
    %get3A_1233 = arith.index_cast %get3A_1232 : i32 to index
    %get3A_1234 = arith.constant 0 : index
    %get3A_1235 = tpu.vector_load %arg10[%get3A_1233, %get3A_1234] {strides = array<i32>} : memref<26x128xf32, #tpu.memory_space<vmem>>, vector<1x16xf32>,
    %get3A_1236 = vector.shape_cast %get3A_1235 : vector<1x16xf32> to vector<16xf32>
    %add3A_1237 = arith.addf %add3A_1231, %get3A_1236 : vector<16xf32>
    %get3A_1238 = arith.constant 15 : i32
    %get3A_1239 = arith.index_cast %get3A_1238 : i32 to index
    %get3A_1240 = arith.constant 0 : index
    %get3A_1241 = tpu.vector_load %arg10[%get3A_1239, %get3A_1240] {strides = array<i32>} : memref<26x128xf32, #tpu.memory_space<vmem>>, vector<1x16xf32>,
    %get3A_1242 = vector.shape_cast %get3A_1241 : vector<1x16xf32> to vector<16xf32>
    %add3A_1243 = arith.addf %add3A_1237, %get3A_1242 : vector<16xf32>
    %get3A_1244 = arith.constant 16 : i32
    %get3A_1245 = arith.index_cast %get3A_1244 : i32 to index
    %get3A_1246 = arith.constant 0 : index
    %get3A_1247 = tpu.vector_load %arg10[%get3A_1245, %get3A_1246] {strides = array<i32>} : memref<26x128xf32, #tpu.memory_space<vmem>>, vector<1x16xf32>,
    %get3A_1248 = vector.shape_cast %get3A_1247 : vector<1x16xf32> to vector<16xf32>
    %add3A_1249 = arith.addf %add3A_1243, %get3A_1248 : vector<16xf32>
    %get3A_1250 = arith.constant 17 : i32
    %get3A_1251 = arith.index_cast %get3A_1250 : i32 to index
    %get3A_1252 = arith.constant 0 : index
    %get3A_1253 = tpu.vector_load %arg10[%get3A_1251, %get3A_1252] {strides = array<i32>} : memref<26x128xf32, #tpu.memory_space<vmem>>, vector<1x16xf32>,
    %get3A_1254 = vector.shape_cast %get3A_1253 : vector<1x16xf32> to vector<16xf32>
    %add3A_1255 = arith.addf %add3A_1249, %get3A_1254 : vector<16xf32>
    %get3A_1256 = arith.constant 18 : i32
    %get3A_1257 = arith.index_cast %get3A_1256 : i32 to index
    %get3A_1258 = arith.constant 0 : index
    %get3A_1259 = tpu.vector_load %arg10[%get3A_1257, %get3A_1258] {strides = array<i32>} : memref<26x128xf32, #tpu.memory_space<vmem>>, vector<1x16xf32>,
    %get3A_1260 = vector.shape_cast %get3A_1259 : vector<1x16xf32> to vector<16xf32>
    %add3A_1261 = arith.addf %add3A_1255, %get3A_1260 : vector<16xf32>
    %get3A_1262 = arith.constant 19 : i32
    %get3A_1263 = arith.index_cast %get3A_1262 : i32 to index
    %get3A_1264 = arith.constant 0 : index
    %get3A_1265 = tpu.vector_load %arg10[%get3A_1263, %get3A_1264] {strides = array<i32>} : memref<26x128xf32, #tpu.memory_space<vmem>>, vector<1x16xf32>,
    %get3A_1266 = vector.shape_cast %get3A_1265 : vector<1x16xf32> to vector<16xf32>
    %add3A_1267 = arith.addf %add3A_1261, %get3A_1266 : vector<16xf32>
    %get3A_1268 = arith.constant 20 : i32
    %get3A_1269 = arith.index_cast %get3A_1268 : i32 to index
    %get3A_1270 = arith.constant 0 : index
    %get3A_1271 = tpu.vector_load %arg10[%get3A_1269, %get3A_1270] {strides = array<i32>} : memref<26x128xf32, #tpu.memory_space<vmem>>, vector<1x16xf32>,
    %get3A_1272 = vector.shape_cast %get3A_1271 : vector<1x16xf32> to vector<16xf32>
    %add3A_1273 = arith.addf %add3A_1267, %get3A_1272 : vector<16xf32>
    %get3A_1274 = arith.constant 21 : i32
    %get3A_1275 = arith.index_cast %get3A_1274 : i32 to index
    %get3A_1276 = arith.constant 0 : index
    %get3A_1277 = tpu.vector_load %arg10[%get3A_1275, %get3A_1276] {strides = array<i32>} : memref<26x128xf32, #tpu.memory_space<vmem>>, vector<1x16xf32>,
    %get3A_1278 = vector.shape_cast %get3A_1277 : vector<1x16xf32> to vector<16xf32>
    %add3A_1279 = arith.addf %add3A_1273, %get3A_1278 : vector<16xf32>
    %get3A_1280 = arith.constant 22 : i32
    %get3A_1281 = arith.index_cast %get3A_1280 : i32 to index
    %get3A_1282 = arith.constant 0 : index
    %get3A_1283 = tpu.vector_load %arg10[%get3A_1281, %get3A_1282] {strides = array<i32>} : memref<26x128xf32, #tpu.memory_space<vmem>>, vector<1x16xf32>,
    %get3A_1284 = vector.shape_cast %get3A_1283 : vector<1x16xf32> to vector<16xf32>
    %add3A_1285 = arith.addf %add3A_1279, %get3A_1284 : vector<16xf32>
    %get3A_1286 = arith.constant 23 : i32
    %get3A_1287 = arith.index_cast %get3A_1286 : i32 to index
    %get3A_1288 = arith.constant 0 : index
    %get3A_1289 = tpu.vector_load %arg10[%get3A_1287, %get3A_1288] {strides = array<i32>} : memref<26x128xf32, #tpu.memory_space<vmem>>, vector<1x16xf32>,
    %get3A_1290 = vector.shape_cast %get3A_1289 : vector<1x16xf32> to vector<16xf32>
    %add3A_1291 = arith.addf %add3A_1285, %get3A_1290 : vector<16xf32>
    %get3A_1292 = arith.constant 24 : i32
    %get3A_1293 = arith.index_cast %get3A_1292 : i32 to index
    %get3A_1294 = arith.constant 0 : index
    %get3A_1295 = tpu.vector_load %arg10[%get3A_1293, %get3A_1294] {strides = array<i32>} : memref<26x128xf32, #tpu.memory_space<vmem>>, vector<1x16xf32>,
    %get3A_1296 = vector.shape_cast %get3A_1295 : vector<1x16xf32> to vector<16xf32>
    %add3A_1297 = arith.addf %add3A_1291, %get3A_1296 : vector<16xf32>
    %get3A_1298 = arith.constant 25 : i32
    %get3A_1299 = arith.index_cast %get3A_1298 : i32 to index
    %get3A_1300 = arith.constant 0 : index
    %get3A_1301 = tpu.vector_load %arg10[%get3A_1299, %get3A_1300] {strides = array<i32>} : memref<26x128xf32, #tpu.memory_space<vmem>>, vector<1x16xf32>,
    %get3A_1302 = vector.shape_cast %get3A_1301 : vector<1x16xf32> to vector<16xf32>
    %add3A_1303 = arith.addf %add3A_1297, %get3A_1302 : vector<16xf32>
    %swap3A = arith.constant 0 : index
    %swap3A_1304 = tpu.vector_load %arg13[%swap3A] {strides = array<i32>} : memref<128xf32, #tpu.memory_space<vmem>>, vector<16xf32>,
    %swap3A_1305 = vector.shape_cast %swap3A_1304 : vector<16xf32> to vector<16xf32>
    %swap3A_1306 = vector.shape_cast %add3A_1303 : vector<16xf32> to vector<16xf32>
    tpu.vector_store %arg13[%swap3A], %swap3A_1306 {strides = array<i32>} : memref<128xf32, #tpu.memory_space<vmem>>, vector<16xf32>,
    %get3A_1307 = arith.constant 0 : i32
    %get3A_1308 = arith.index_cast %get3A_1307 : i32 to index
    %get3A_1309 = arith.constant 16 : index
    %get3A_1310 = tpu.vector_load %arg10[%get3A_1308, %get3A_1309] {strides = array<i32>} : memref<26x128xf32, #tpu.memory_space<vmem>>, vector<1x16xf32>,
    %get3A_1311 = vector.shape_cast %get3A_1310 : vector<1x16xf32> to vector<16xf32>
    %get3A_1312 = arith.constant 1 : i32
    %get3A_1313 = arith.index_cast %get3A_1312 : i32 to index
    %get3A_1314 = arith.constant 16 : index
    %get3A_1315 = tpu.vector_load %arg10[%get3A_1313, %get3A_1314] {strides = array<i32>} : memref<26x128xf32, #tpu.memory_space<vmem>>, vector<1x16xf32>,
    %get3A_1316 = vector.shape_cast %get3A_1315 : vector<1x16xf32> to vector<16xf32>
    %add3A_1317 = arith.addf %get3A_1311, %get3A_1316 : vector<16xf32>
    %get3A_1318 = arith.constant 2 : i32
    %get3A_1319 = arith.index_cast %get3A_1318 : i32 to index
    %get3A_1320 = arith.constant 16 : index
    %get3A_1321 = tpu.vector_load %arg10[%get3A_1319, %get3A_1320] {strides = array<i32>} : memref<26x128xf32, #tpu.memory_space<vmem>>, vector<1x16xf32>,
    %get3A_1322 = vector.shape_cast %get3A_1321 : vector<1x16xf32> to vector<16xf32>
    %add3A_1323 = arith.addf %add3A_1317, %get3A_1322 : vector<16xf32>
    %get3A_1324 = arith.constant 3 : i32
    %get3A_1325 = arith.index_cast %get3A_1324 : i32 to index
    %get3A_1326 = arith.constant 16 : index
    %get3A_1327 = tpu.vector_load %arg10[%get3A_1325, %get3A_1326] {strides = array<i32>} : memref<26x128xf32, #tpu.memory_space<vmem>>, vector<1x16xf32>,
    %get3A_1328 = vector.shape_cast %get3A_1327 : vector<1x16xf32> to vector<16xf32>
    %add3A_1329 = arith.addf %add3A_1323, %get3A_1328 : vector<16xf32>
    %get3A_1330 = arith.constant 4 : i32
    %get3A_1331 = arith.index_cast %get3A_1330 : i32 to index
    %get3A_1332 = arith.constant 16 : index
    %get3A_1333 = tpu.vector_load %arg10[%get3A_1331, %get3A_1332] {strides = array<i32>} : memref<26x128xf32, #tpu.memory_space<vmem>>, vector<1x16xf32>,
    %get3A_1334 = vector.shape_cast %get3A_1333 : vector<1x16xf32> to vector<16xf32>
    %add3A_1335 = arith.addf %add3A_1329, %get3A_1334 : vector<16xf32>
    %get3A_1336 = arith.constant 5 : i32
    %get3A_1337 = arith.index_cast %get3A_1336 : i32 to index
    %get3A_1338 = arith.constant 16 : index
    %get3A_1339 = tpu.vector_load %arg10[%get3A_1337, %get3A_1338] {strides = array<i32>} : memref<26x128xf32, #tpu.memory_space<vmem>>, vector<1x16xf32>,
    %get3A_1340 = vector.shape_cast %get3A_1339 : vector<1x16xf32> to vector<16xf32>
    %add3A_1341 = arith.addf %add3A_1335, %get3A_1340 : vector<16xf32>
    %get3A_1342 = arith.constant 6 : i32
    %get3A_1343 = arith.index_cast %get3A_1342 : i32 to index
    %get3A_1344 = arith.constant 16 : index
    %get3A_1345 = tpu.vector_load %arg10[%get3A_1343, %get3A_1344] {strides = array<i32>} : memref<26x128xf32, #tpu.memory_space<vmem>>, vector<1x16xf32>,
    %get3A_1346 = vector.shape_cast %get3A_1345 : vector<1x16xf32> to vector<16xf32>
    %add3A_1347 = arith.addf %add3A_1341, %get3A_1346 : vector<16xf32>
    %get3A_1348 = arith.constant 7 : i32
    %get3A_1349 = arith.index_cast %get3A_1348 : i32 to index
    %get3A_1350 = arith.constant 16 : index
    %get3A_1351 = tpu.vector_load %arg10[%get3A_1349, %get3A_1350] {strides = array<i32>} : memref<26x128xf32, #tpu.memory_space<vmem>>, vector<1x16xf32>,
    %get3A_1352 = vector.shape_cast %get3A_1351 : vector<1x16xf32> to vector<16xf32>
    %add3A_1353 = arith.addf %add3A_1347, %get3A_1352 : vector<16xf32>
    %get3A_1354 = arith.constant 8 : i32
    %get3A_1355 = arith.index_cast %get3A_1354 : i32 to index
    %get3A_1356 = arith.constant 16 : index
    %get3A_1357 = tpu.vector_load %arg10[%get3A_1355, %get3A_1356] {strides = array<i32>} : memref<26x128xf32, #tpu.memory_space<vmem>>, vector<1x16xf32>,
    %get3A_1358 = vector.shape_cast %get3A_1357 : vector<1x16xf32> to vector<16xf32>
    %add3A_1359 = arith.addf %add3A_1353, %get3A_1358 : vector<16xf32>
    %get3A_1360 = arith.constant 9 : i32
    %get3A_1361 = arith.index_cast %get3A_1360 : i32 to index
    %get3A_1362 = arith.constant 16 : index
    %get3A_1363 = tpu.vector_load %arg10[%get3A_1361, %get3A_1362] {strides = array<i32>} : memref<26x128xf32, #tpu.memory_space<vmem>>, vector<1x16xf32>,
    %get3A_1364 = vector.shape_cast %get3A_1363 : vector<1x16xf32> to vector<16xf32>
    %add3A_1365 = arith.addf %add3A_1359, %get3A_1364 : vector<16xf32>
    %get3A_1366 = arith.constant 10 : i32
    %get3A_1367 = arith.index_cast %get3A_1366 : i32 to index
    %get3A_1368 = arith.constant 16 : index
    %get3A_1369 = tpu.vector_load %arg10[%get3A_1367, %get3A_1368] {strides = array<i32>} : memref<26x128xf32, #tpu.memory_space<vmem>>, vector<1x16xf32>,
    %get3A_1370 = vector.shape_cast %get3A_1369 : vector<1x16xf32> to vector<16xf32>
    %add3A_1371 = arith.addf %add3A_1365, %get3A_1370 : vector<16xf32>
    %get3A_1372 = arith.constant 11 : i32
    %get3A_1373 = arith.index_cast %get3A_1372 : i32 to index
    %get3A_1374 = arith.constant 16 : index
    %get3A_1375 = tpu.vector_load %arg10[%get3A_1373, %get3A_1374] {strides = array<i32>} : memref<26x128xf32, #tpu.memory_space<vmem>>, vector<1x16xf32>,
    %get3A_1376 = vector.shape_cast %get3A_1375 : vector<1x16xf32> to vector<16xf32>
    %add3A_1377 = arith.addf %add3A_1371, %get3A_1376 : vector<16xf32>
    %get3A_1378 = arith.constant 12 : i32
    %get3A_1379 = arith.index_cast %get3A_1378 : i32 to index
    %get3A_1380 = arith.constant 16 : index
    %get3A_1381 = tpu.vector_load %arg10[%get3A_1379, %get3A_1380] {strides = array<i32>} : memref<26x128xf32, #tpu.memory_space<vmem>>, vector<1x16xf32>,
    %get3A_1382 = vector.shape_cast %get3A_1381 : vector<1x16xf32> to vector<16xf32>
    %add3A_1383 = arith.addf %add3A_1377, %get3A_1382 : vector<16xf32>
    %get3A_1384 = arith.constant 13 : i32
    %get3A_1385 = arith.index_cast %get3A_1384 : i32 to index
    %get3A_1386 = arith.constant 16 : index
    %get3A_1387 = tpu.vector_load %arg10[%get3A_1385, %get3A_1386] {strides = array<i32>} : memref<26x128xf32, #tpu.memory_space<vmem>>, vector<1x16xf32>,
    %get3A_1388 = vector.shape_cast %get3A_1387 : vector<1x16xf32> to vector<16xf32>
    %add3A_1389 = arith.addf %add3A_1383, %get3A_1388 : vector<16xf32>
    %get3A_1390 = arith.constant 14 : i32
    %get3A_1391 = arith.index_cast %get3A_1390 : i32 to index
    %get3A_1392 = arith.constant 16 : index
    %get3A_1393 = tpu.vector_load %arg10[%get3A_1391, %get3A_1392] {strides = array<i32>} : memref<26x128xf32, #tpu.memory_space<vmem>>, vector<1x16xf32>,
    %get3A_1394 = vector.shape_cast %get3A_1393 : vector<1x16xf32> to vector<16xf32>
    %add3A_1395 = arith.addf %add3A_1389, %get3A_1394 : vector<16xf32>
    %get3A_1396 = arith.constant 15 : i32
    %get3A_1397 = arith.index_cast %get3A_1396 : i32 to index
    %get3A_1398 = arith.constant 16 : index
    %get3A_1399 = tpu.vector_load %arg10[%get3A_1397, %get3A_1398] {strides = array<i32>} : memref<26x128xf32, #tpu.memory_space<vmem>>, vector<1x16xf32>,
    %get3A_1400 = vector.shape_cast %get3A_1399 : vector<1x16xf32> to vector<16xf32>
    %add3A_1401 = arith.addf %add3A_1395, %get3A_1400 : vector<16xf32>
    %get3A_1402 = arith.constant 16 : i32
    %get3A_1403 = arith.index_cast %get3A_1402 : i32 to index
    %get3A_1404 = arith.constant 16 : index
    %get3A_1405 = tpu.vector_load %arg10[%get3A_1403, %get3A_1404] {strides = array<i32>} : memref<26x128xf32, #tpu.memory_space<vmem>>, vector<1x16xf32>,
    %get3A_1406 = vector.shape_cast %get3A_1405 : vector<1x16xf32> to vector<16xf32>
    %add3A_1407 = arith.addf %add3A_1401, %get3A_1406 : vector<16xf32>
    %get3A_1408 = arith.constant 17 : i32
    %get3A_1409 = arith.index_cast %get3A_1408 : i32 to index
    %get3A_1410 = arith.constant 16 : index
    %get3A_1411 = tpu.vector_load %arg10[%get3A_1409, %get3A_1410] {strides = array<i32>} : memref<26x128xf32, #tpu.memory_space<vmem>>, vector<1x16xf32>,
    %get3A_1412 = vector.shape_cast %get3A_1411 : vector<1x16xf32> to vector<16xf32>
    %add3A_1413 = arith.addf %add3A_1407, %get3A_1412 : vector<16xf32>
    %get3A_1414 = arith.constant 18 : i32
    %get3A_1415 = arith.index_cast %get3A_1414 : i32 to index
    %get3A_1416 = arith.constant 16 : index
    %get3A_1417 = tpu.vector_load %arg10[%get3A_1415, %get3A_1416] {strides = array<i32>} : memref<26x128xf32, #tpu.memory_space<vmem>>, vector<1x16xf32>,
    %get3A_1418 = vector.shape_cast %get3A_1417 : vector<1x16xf32> to vector<16xf32>
    %add3A_1419 = arith.addf %add3A_1413, %get3A_1418 : vector<16xf32>
    %get3A_1420 = arith.constant 19 : i32
    %get3A_1421 = arith.index_cast %get3A_1420 : i32 to index
    %get3A_1422 = arith.constant 16 : index
    %get3A_1423 = tpu.vector_load %arg10[%get3A_1421, %get3A_1422] {strides = array<i32>} : memref<26x128xf32, #tpu.memory_space<vmem>>, vector<1x16xf32>,
    %get3A_1424 = vector.shape_cast %get3A_1423 : vector<1x16xf32> to vector<16xf32>
    %add3A_1425 = arith.addf %add3A_1419, %get3A_1424 : vector<16xf32>
    %get3A_1426 = arith.constant 20 : i32
    %get3A_1427 = arith.index_cast %get3A_1426 : i32 to index
    %get3A_1428 = arith.constant 16 : index
    %get3A_1429 = tpu.vector_load %arg10[%get3A_1427, %get3A_1428] {strides = array<i32>} : memref<26x128xf32, #tpu.memory_space<vmem>>, vector<1x16xf32>,
    %get3A_1430 = vector.shape_cast %get3A_1429 : vector<1x16xf32> to vector<16xf32>
    %add3A_1431 = arith.addf %add3A_1425, %get3A_1430 : vector<16xf32>
    %get3A_1432 = arith.constant 21 : i32
    %get3A_1433 = arith.index_cast %get3A_1432 : i32 to index
    %get3A_1434 = arith.constant 16 : index
    %get3A_1435 = tpu.vector_load %arg10[%get3A_1433, %get3A_1434] {strides = array<i32>} : memref<26x128xf32, #tpu.memory_space<vmem>>, vector<1x16xf32>,
    %get3A_1436 = vector.shape_cast %get3A_1435 : vector<1x16xf32> to vector<16xf32>
    %add3A_1437 = arith.addf %add3A_1431, %get3A_1436 : vector<16xf32>
    %get3A_1438 = arith.constant 22 : i32
    %get3A_1439 = arith.index_cast %get3A_1438 : i32 to index
    %get3A_1440 = arith.constant 16 : index
    %get3A_1441 = tpu.vector_load %arg10[%get3A_1439, %get3A_1440] {strides = array<i32>} : memref<26x128xf32, #tpu.memory_space<vmem>>, vector<1x16xf32>,
    %get3A_1442 = vector.shape_cast %get3A_1441 : vector<1x16xf32> to vector<16xf32>
    %add3A_1443 = arith.addf %add3A_1437, %get3A_1442 : vector<16xf32>
    %get3A_1444 = arith.constant 23 : i32
    %get3A_1445 = arith.index_cast %get3A_1444 : i32 to index
    %get3A_1446 = arith.constant 16 : index
    %get3A_1447 = tpu.vector_load %arg10[%get3A_1445, %get3A_1446] {strides = array<i32>} : memref<26x128xf32, #tpu.memory_space<vmem>>, vector<1x16xf32>,
    %get3A_1448 = vector.shape_cast %get3A_1447 : vector<1x16xf32> to vector<16xf32>
    %add3A_1449 = arith.addf %add3A_1443, %get3A_1448 : vector<16xf32>
    %get3A_1450 = arith.constant 24 : i32
    %get3A_1451 = arith.index_cast %get3A_1450 : i32 to index
    %get3A_1452 = arith.constant 16 : index
    %get3A_1453 = tpu.vector_load %arg10[%get3A_1451, %get3A_1452] {strides = array<i32>} : memref<26x128xf32, #tpu.memory_space<vmem>>, vector<1x16xf32>,
    %get3A_1454 = vector.shape_cast %get3A_1453 : vector<1x16xf32> to vector<16xf32>
    %add3A_1455 = arith.addf %add3A_1449, %get3A_1454 : vector<16xf32>
    %get3A_1456 = arith.constant 25 : i32
    %get3A_1457 = arith.index_cast %get3A_1456 : i32 to index
    %get3A_1458 = arith.constant 16 : index
    %get3A_1459 = tpu.vector_load %arg10[%get3A_1457, %get3A_1458] {strides = array<i32>} : memref<26x128xf32, #tpu.memory_space<vmem>>, vector<1x16xf32>,
    %get3A_1460 = vector.shape_cast %get3A_1459 : vector<1x16xf32> to vector<16xf32>
    %add3A_1461 = arith.addf %add3A_1455, %get3A_1460 : vector<16xf32>
    %swap3A_1462 = arith.constant 16 : index
    %swap3A_1463 = tpu.vector_load %arg13[%swap3A_1462] {strides = array<i32>} : memref<128xf32, #tpu.memory_space<vmem>>, vector<16xf32>,
    %swap3A_1464 = vector.shape_cast %swap3A_1463 : vector<16xf32> to vector<16xf32>
    %swap3A_1465 = vector.shape_cast %add3A_1461 : vector<16xf32> to vector<16xf32>
    tpu.vector_store %arg13[%swap3A_1462], %swap3A_1465 {strides = array<i32>} : memref<128xf32, #tpu.memory_space<vmem>>, vector<16xf32>,
    %get3A_1466 = arith.constant 0 : i32
    %get3A_1467 = arith.index_cast %get3A_1466 : i32 to index
    %get3A_1468 = arith.constant 32 : index
    %get3A_1469 = tpu.vector_load %arg10[%get3A_1467, %get3A_1468] {strides = array<i32>} : memref<26x128xf32, #tpu.memory_space<vmem>>, vector<1x16xf32>,
    %get3A_1470 = vector.shape_cast %get3A_1469 : vector<1x16xf32> to vector<16xf32>
    %get3A_1471 = arith.constant 1 : i32
    %get3A_1472 = arith.index_cast %get3A_1471 : i32 to index
    %get3A_1473 = arith.constant 32 : index
    %get3A_1474 = tpu.vector_load %arg10[%get3A_1472, %get3A_1473] {strides = array<i32>} : memref<26x128xf32, #tpu.memory_space<vmem>>, vector<1x16xf32>,
    %get3A_1475 = vector.shape_cast %get3A_1474 : vector<1x16xf32> to vector<16xf32>
    %add3A_1476 = arith.addf %get3A_1470, %get3A_1475 : vector<16xf32>
    %get3A_1477 = arith.constant 2 : i32
    %get3A_1478 = arith.index_cast %get3A_1477 : i32 to index
    %get3A_1479 = arith.constant 32 : index
    %get3A_1480 = tpu.vector_load %arg10[%get3A_1478, %get3A_1479] {strides = array<i32>} : memref<26x128xf32, #tpu.memory_space<vmem>>, vector<1x16xf32>,
    %get3A_1481 = vector.shape_cast %get3A_1480 : vector<1x16xf32> to vector<16xf32>
    %add3A_1482 = arith.addf %add3A_1476, %get3A_1481 : vector<16xf32>
    %get3A_1483 = arith.constant 3 : i32
    %get3A_1484 = arith.index_cast %get3A_1483 : i32 to index
    %get3A_1485 = arith.constant 32 : index
    %get3A_1486 = tpu.vector_load %arg10[%get3A_1484, %get3A_1485] {strides = array<i32>} : memref<26x128xf32, #tpu.memory_space<vmem>>, vector<1x16xf32>,
    %get3A_1487 = vector.shape_cast %get3A_1486 : vector<1x16xf32> to vector<16xf32>
    %add3A_1488 = arith.addf %add3A_1482, %get3A_1487 : vector<16xf32>
    %get3A_1489 = arith.constant 4 : i32
    %get3A_1490 = arith.index_cast %get3A_1489 : i32 to index
    %get3A_1491 = arith.constant 32 : index
    %get3A_1492 = tpu.vector_load %arg10[%get3A_1490, %get3A_1491] {strides = array<i32>} : memref<26x128xf32, #tpu.memory_space<vmem>>, vector<1x16xf32>,
    %get3A_1493 = vector.shape_cast %get3A_1492 : vector<1x16xf32> to vector<16xf32>
    %add3A_1494 = arith.addf %add3A_1488, %get3A_1493 : vector<16xf32>
    %get3A_1495 = arith.constant 5 : i32
    %get3A_1496 = arith.index_cast %get3A_1495 : i32 to index
    %get3A_1497 = arith.constant 32 : index
    %get3A_1498 = tpu.vector_load %arg10[%get3A_1496, %get3A_1497] {strides = array<i32>} : memref<26x128xf32, #tpu.memory_space<vmem>>, vector<1x16xf32>,
    %get3A_1499 = vector.shape_cast %get3A_1498 : vector<1x16xf32> to vector<16xf32>
    %add3A_1500 = arith.addf %add3A_1494, %get3A_1499 : vector<16xf32>
    %get3A_1501 = arith.constant 6 : i32
    %get3A_1502 = arith.index_cast %get3A_1501 : i32 to index
    %get3A_1503 = arith.constant 32 : index
    %get3A_1504 = tpu.vector_load %arg10[%get3A_1502, %get3A_1503] {strides = array<i32>} : memref<26x128xf32, #tpu.memory_space<vmem>>, vector<1x16xf32>,
    %get3A_1505 = vector.shape_cast %get3A_1504 : vector<1x16xf32> to vector<16xf32>
    %add3A_1506 = arith.addf %add3A_1500, %get3A_1505 : vector<16xf32>
    %get3A_1507 = arith.constant 7 : i32
    %get3A_1508 = arith.index_cast %get3A_1507 : i32 to index
    %get3A_1509 = arith.constant 32 : index
    %get3A_1510 = tpu.vector_load %arg10[%get3A_1508, %get3A_1509] {strides = array<i32>} : memref<26x128xf32, #tpu.memory_space<vmem>>, vector<1x16xf32>,
    %get3A_1511 = vector.shape_cast %get3A_1510 : vector<1x16xf32> to vector<16xf32>
    %add3A_1512 = arith.addf %add3A_1506, %get3A_1511 : vector<16xf32>
    %get3A_1513 = arith.constant 8 : i32
    %get3A_1514 = arith.index_cast %get3A_1513 : i32 to index
    %get3A_1515 = arith.constant 32 : index
    %get3A_1516 = tpu.vector_load %arg10[%get3A_1514, %get3A_1515] {strides = array<i32>} : memref<26x128xf32, #tpu.memory_space<vmem>>, vector<1x16xf32>,
    %get3A_1517 = vector.shape_cast %get3A_1516 : vector<1x16xf32> to vector<16xf32>
    %add3A_1518 = arith.addf %add3A_1512, %get3A_1517 : vector<16xf32>
    %get3A_1519 = arith.constant 9 : i32
    %get3A_1520 = arith.index_cast %get3A_1519 : i32 to index
    %get3A_1521 = arith.constant 32 : index
    %get3A_1522 = tpu.vector_load %arg10[%get3A_1520, %get3A_1521] {strides = array<i32>} : memref<26x128xf32, #tpu.memory_space<vmem>>, vector<1x16xf32>,
    %get3A_1523 = vector.shape_cast %get3A_1522 : vector<1x16xf32> to vector<16xf32>
    %add3A_1524 = arith.addf %add3A_1518, %get3A_1523 : vector<16xf32>
    %get3A_1525 = arith.constant 10 : i32
    %get3A_1526 = arith.index_cast %get3A_1525 : i32 to index
    %get3A_1527 = arith.constant 32 : index
    %get3A_1528 = tpu.vector_load %arg10[%get3A_1526, %get3A_1527] {strides = array<i32>} : memref<26x128xf32, #tpu.memory_space<vmem>>, vector<1x16xf32>,
    %get3A_1529 = vector.shape_cast %get3A_1528 : vector<1x16xf32> to vector<16xf32>
    %add3A_1530 = arith.addf %add3A_1524, %get3A_1529 : vector<16xf32>
    %get3A_1531 = arith.constant 11 : i32
    %get3A_1532 = arith.index_cast %get3A_1531 : i32 to index
    %get3A_1533 = arith.constant 32 : index
    %get3A_1534 = tpu.vector_load %arg10[%get3A_1532, %get3A_1533] {strides = array<i32>} : memref<26x128xf32, #tpu.memory_space<vmem>>, vector<1x16xf32>,
    %get3A_1535 = vector.shape_cast %get3A_1534 : vector<1x16xf32> to vector<16xf32>
    %add3A_1536 = arith.addf %add3A_1530, %get3A_1535 : vector<16xf32>
    %get3A_1537 = arith.constant 12 : i32
    %get3A_1538 = arith.index_cast %get3A_1537 : i32 to index
    %get3A_1539 = arith.constant 32 : index
    %get3A_1540 = tpu.vector_load %arg10[%get3A_1538, %get3A_1539] {strides = array<i32>} : memref<26x128xf32, #tpu.memory_space<vmem>>, vector<1x16xf32>,
    %get3A_1541 = vector.shape_cast %get3A_1540 : vector<1x16xf32> to vector<16xf32>
    %add3A_1542 = arith.addf %add3A_1536, %get3A_1541 : vector<16xf32>
    %get3A_1543 = arith.constant 13 : i32
    %get3A_1544 = arith.index_cast %get3A_1543 : i32 to index
    %get3A_1545 = arith.constant 32 : index
    %get3A_1546 = tpu.vector_load %arg10[%get3A_1544, %get3A_1545] {strides = array<i32>} : memref<26x128xf32, #tpu.memory_space<vmem>>, vector<1x16xf32>,
    %get3A_1547 = vector.shape_cast %get3A_1546 : vector<1x16xf32> to vector<16xf32>
    %add3A_1548 = arith.addf %add3A_1542, %get3A_1547 : vector<16xf32>
    %get3A_1549 = arith.constant 14 : i32
    %get3A_1550 = arith.index_cast %get3A_1549 : i32 to index
    %get3A_1551 = arith.constant 32 : index
    %get3A_1552 = tpu.vector_load %arg10[%get3A_1550, %get3A_1551] {strides = array<i32>} : memref<26x128xf32, #tpu.memory_space<vmem>>, vector<1x16xf32>,
    %get3A_1553 = vector.shape_cast %get3A_1552 : vector<1x16xf32> to vector<16xf32>
    %add3A_1554 = arith.addf %add3A_1548, %get3A_1553 : vector<16xf32>
    %get3A_1555 = arith.constant 15 : i32
    %get3A_1556 = arith.index_cast %get3A_1555 : i32 to index
    %get3A_1557 = arith.constant 32 : index
    %get3A_1558 = tpu.vector_load %arg10[%get3A_1556, %get3A_1557] {strides = array<i32>} : memref<26x128xf32, #tpu.memory_space<vmem>>, vector<1x16xf32>,
    %get3A_1559 = vector.shape_cast %get3A_1558 : vector<1x16xf32> to vector<16xf32>
    %add3A_1560 = arith.addf %add3A_1554, %get3A_1559 : vector<16xf32>
    %get3A_1561 = arith.constant 16 : i32
    %get3A_1562 = arith.index_cast %get3A_1561 : i32 to index
    %get3A_1563 = arith.constant 32 : index
    %get3A_1564 = tpu.vector_load %arg10[%get3A_1562, %get3A_1563] {strides = array<i32>} : memref<26x128xf32, #tpu.memory_space<vmem>>, vector<1x16xf32>,
    %get3A_1565 = vector.shape_cast %get3A_1564 : vector<1x16xf32> to vector<16xf32>
    %add3A_1566 = arith.addf %add3A_1560, %get3A_1565 : vector<16xf32>
    %get3A_1567 = arith.constant 17 : i32
    %get3A_1568 = arith.index_cast %get3A_1567 : i32 to index
    %get3A_1569 = arith.constant 32 : index
    %get3A_1570 = tpu.vector_load %arg10[%get3A_1568, %get3A_1569] {strides = array<i32>} : memref<26x128xf32, #tpu.memory_space<vmem>>, vector<1x16xf32>,
    %get3A_1571 = vector.shape_cast %get3A_1570 : vector<1x16xf32> to vector<16xf32>
    %add3A_1572 = arith.addf %add3A_1566, %get3A_1571 : vector<16xf32>
    %get3A_1573 = arith.constant 18 : i32
    %get3A_1574 = arith.index_cast %get3A_1573 : i32 to index
    %get3A_1575 = arith.constant 32 : index
    %get3A_1576 = tpu.vector_load %arg10[%get3A_1574, %get3A_1575] {strides = array<i32>} : memref<26x128xf32, #tpu.memory_space<vmem>>, vector<1x16xf32>,
    %get3A_1577 = vector.shape_cast %get3A_1576 : vector<1x16xf32> to vector<16xf32>
    %add3A_1578 = arith.addf %add3A_1572, %get3A_1577 : vector<16xf32>
    %get3A_1579 = arith.constant 19 : i32
    %get3A_1580 = arith.index_cast %get3A_1579 : i32 to index
    %get3A_1581 = arith.constant 32 : index
    %get3A_1582 = tpu.vector_load %arg10[%get3A_1580, %get3A_1581] {strides = array<i32>} : memref<26x128xf32, #tpu.memory_space<vmem>>, vector<1x16xf32>,
    %get3A_1583 = vector.shape_cast %get3A_1582 : vector<1x16xf32> to vector<16xf32>
    %add3A_1584 = arith.addf %add3A_1578, %get3A_1583 : vector<16xf32>
    %get3A_1585 = arith.constant 20 : i32
    %get3A_1586 = arith.index_cast %get3A_1585 : i32 to index
    %get3A_1587 = arith.constant 32 : index
    %get3A_1588 = tpu.vector_load %arg10[%get3A_1586, %get3A_1587] {strides = array<i32>} : memref<26x128xf32, #tpu.memory_space<vmem>>, vector<1x16xf32>,
    %get3A_1589 = vector.shape_cast %get3A_1588 : vector<1x16xf32> to vector<16xf32>
    %add3A_1590 = arith.addf %add3A_1584, %get3A_1589 : vector<16xf32>
    %get3A_1591 = arith.constant 21 : i32
    %get3A_1592 = arith.index_cast %get3A_1591 : i32 to index
    %get3A_1593 = arith.constant 32 : index
    %get3A_1594 = tpu.vector_load %arg10[%get3A_1592, %get3A_1593] {strides = array<i32>} : memref<26x128xf32, #tpu.memory_space<vmem>>, vector<1x16xf32>,
    %get3A_1595 = vector.shape_cast %get3A_1594 : vector<1x16xf32> to vector<16xf32>
    %add3A_1596 = arith.addf %add3A_1590, %get3A_1595 : vector<16xf32>
    %get3A_1597 = arith.constant 22 : i32
    %get3A_1598 = arith.index_cast %get3A_1597 : i32 to index
    %get3A_1599 = arith.constant 32 : index
    %get3A_1600 = tpu.vector_load %arg10[%get3A_1598, %get3A_1599] {strides = array<i32>} : memref<26x128xf32, #tpu.memory_space<vmem>>, vector<1x16xf32>,
    %get3A_1601 = vector.shape_cast %get3A_1600 : vector<1x16xf32> to vector<16xf32>
    %add3A_1602 = arith.addf %add3A_1596, %get3A_1601 : vector<16xf32>
    %get3A_1603 = arith.constant 23 : i32
    %get3A_1604 = arith.index_cast %get3A_1603 : i32 to index
    %get3A_1605 = arith.constant 32 : index
    %get3A_1606 = tpu.vector_load %arg10[%get3A_1604, %get3A_1605] {strides = array<i32>} : memref<26x128xf32, #tpu.memory_space<vmem>>, vector<1x16xf32>,
    %get3A_1607 = vector.shape_cast %get3A_1606 : vector<1x16xf32> to vector<16xf32>
    %add3A_1608 = arith.addf %add3A_1602, %get3A_1607 : vector<16xf32>
    %get3A_1609 = arith.constant 24 : i32
    %get3A_1610 = arith.index_cast %get3A_1609 : i32 to index
    %get3A_1611 = arith.constant 32 : index
    %get3A_1612 = tpu.vector_load %arg10[%get3A_1610, %get3A_1611] {strides = array<i32>} : memref<26x128xf32, #tpu.memory_space<vmem>>, vector<1x16xf32>,
    %get3A_1613 = vector.shape_cast %get3A_1612 : vector<1x16xf32> to vector<16xf32>
    %add3A_1614 = arith.addf %add3A_1608, %get3A_1613 : vector<16xf32>
    %get3A_1615 = arith.constant 25 : i32
    %get3A_1616 = arith.index_cast %get3A_1615 : i32 to index
    %get3A_1617 = arith.constant 32 : index
    %get3A_1618 = tpu.vector_load %arg10[%get3A_1616, %get3A_1617] {strides = array<i32>} : memref<26x128xf32, #tpu.memory_space<vmem>>, vector<1x16xf32>,
    %get3A_1619 = vector.shape_cast %get3A_1618 : vector<1x16xf32> to vector<16xf32>
    %add3A_1620 = arith.addf %add3A_1614, %get3A_1619 : vector<16xf32>
    %swap3A_1621 = arith.constant 32 : index
    %swap3A_1622 = tpu.vector_load %arg13[%swap3A_1621] {strides = array<i32>} : memref<128xf32, #tpu.memory_space<vmem>>, vector<16xf32>,
    %swap3A_1623 = vector.shape_cast %swap3A_1622 : vector<16xf32> to vector<16xf32>
    %swap3A_1624 = vector.shape_cast %add3A_1620 : vector<16xf32> to vector<16xf32>
    tpu.vector_store %arg13[%swap3A_1621], %swap3A_1624 {strides = array<i32>} : memref<128xf32, #tpu.memory_space<vmem>>, vector<16xf32>,
    %get3A_1625 = arith.constant 0 : i32
    %get3A_1626 = arith.index_cast %get3A_1625 : i32 to index
    %get3A_1627 = arith.constant 48 : index
    %get3A_1628 = tpu.vector_load %arg10[%get3A_1626, %get3A_1627] {strides = array<i32>} : memref<26x128xf32, #tpu.memory_space<vmem>>, vector<1x16xf32>,
    %get3A_1629 = vector.shape_cast %get3A_1628 : vector<1x16xf32> to vector<16xf32>
    %get3A_1630 = arith.constant 1 : i32
    %get3A_1631 = arith.index_cast %get3A_1630 : i32 to index
    %get3A_1632 = arith.constant 48 : index
    %get3A_1633 = tpu.vector_load %arg10[%get3A_1631, %get3A_1632] {strides = array<i32>} : memref<26x128xf32, #tpu.memory_space<vmem>>, vector<1x16xf32>,
    %get3A_1634 = vector.shape_cast %get3A_1633 : vector<1x16xf32> to vector<16xf32>
    %add3A_1635 = arith.addf %get3A_1629, %get3A_1634 : vector<16xf32>
    %get3A_1636 = arith.constant 2 : i32
    %get3A_1637 = arith.index_cast %get3A_1636 : i32 to index
    %get3A_1638 = arith.constant 48 : index
    %get3A_1639 = tpu.vector_load %arg10[%get3A_1637, %get3A_1638] {strides = array<i32>} : memref<26x128xf32, #tpu.memory_space<vmem>>, vector<1x16xf32>,
    %get3A_1640 = vector.shape_cast %get3A_1639 : vector<1x16xf32> to vector<16xf32>
    %add3A_1641 = arith.addf %add3A_1635, %get3A_1640 : vector<16xf32>
    %get3A_1642 = arith.constant 3 : i32
    %get3A_1643 = arith.index_cast %get3A_1642 : i32 to index
    %get3A_1644 = arith.constant 48 : index
    %get3A_1645 = tpu.vector_load %arg10[%get3A_1643, %get3A_1644] {strides = array<i32>} : memref<26x128xf32, #tpu.memory_space<vmem>>, vector<1x16xf32>,
    %get3A_1646 = vector.shape_cast %get3A_1645 : vector<1x16xf32> to vector<16xf32>
    %add3A_1647 = arith.addf %add3A_1641, %get3A_1646 : vector<16xf32>
    %get3A_1648 = arith.constant 4 : i32
    %get3A_1649 = arith.index_cast %get3A_1648 : i32 to index
    %get3A_1650 = arith.constant 48 : index
    %get3A_1651 = tpu.vector_load %arg10[%get3A_1649, %get3A_1650] {strides = array<i32>} : memref<26x128xf32, #tpu.memory_space<vmem>>, vector<1x16xf32>,
    %get3A_1652 = vector.shape_cast %get3A_1651 : vector<1x16xf32> to vector<16xf32>
    %add3A_1653 = arith.addf %add3A_1647, %get3A_1652 : vector<16xf32>
    %get3A_1654 = arith.constant 5 : i32
    %get3A_1655 = arith.index_cast %get3A_1654 : i32 to index
    %get3A_1656 = arith.constant 48 : index
    %get3A_1657 = tpu.vector_load %arg10[%get3A_1655, %get3A_1656] {strides = array<i32>} : memref<26x128xf32, #tpu.memory_space<vmem>>, vector<1x16xf32>,
    %get3A_1658 = vector.shape_cast %get3A_1657 : vector<1x16xf32> to vector<16xf32>
    %add3A_1659 = arith.addf %add3A_1653, %get3A_1658 : vector<16xf32>
    %get3A_1660 = arith.constant 6 : i32
    %get3A_1661 = arith.index_cast %get3A_1660 : i32 to index
    %get3A_1662 = arith.constant 48 : index
    %get3A_1663 = tpu.vector_load %arg10[%get3A_1661, %get3A_1662] {strides = array<i32>} : memref<26x128xf32, #tpu.memory_space<vmem>>, vector<1x16xf32>,
    %get3A_1664 = vector.shape_cast %get3A_1663 : vector<1x16xf32> to vector<16xf32>
    %add3A_1665 = arith.addf %add3A_1659, %get3A_1664 : vector<16xf32>
    %get3A_1666 = arith.constant 7 : i32
    %get3A_1667 = arith.index_cast %get3A_1666 : i32 to index
    %get3A_1668 = arith.constant 48 : index
    %get3A_1669 = tpu.vector_load %arg10[%get3A_1667, %get3A_1668] {strides = array<i32>} : memref<26x128xf32, #tpu.memory_space<vmem>>, vector<1x16xf32>,
    %get3A_1670 = vector.shape_cast %get3A_1669 : vector<1x16xf32> to vector<16xf32>
    %add3A_1671 = arith.addf %add3A_1665, %get3A_1670 : vector<16xf32>
    %get3A_1672 = arith.constant 8 : i32
    %get3A_1673 = arith.index_cast %get3A_1672 : i32 to index
    %get3A_1674 = arith.constant 48 : index
    %get3A_1675 = tpu.vector_load %arg10[%get3A_1673, %get3A_1674] {strides = array<i32>} : memref<26x128xf32, #tpu.memory_space<vmem>>, vector<1x16xf32>,
    %get3A_1676 = vector.shape_cast %get3A_1675 : vector<1x16xf32> to vector<16xf32>
    %add3A_1677 = arith.addf %add3A_1671, %get3A_1676 : vector<16xf32>
    %get3A_1678 = arith.constant 9 : i32
    %get3A_1679 = arith.index_cast %get3A_1678 : i32 to index
    %get3A_1680 = arith.constant 48 : index
    %get3A_1681 = tpu.vector_load %arg10[%get3A_1679, %get3A_1680] {strides = array<i32>} : memref<26x128xf32, #tpu.memory_space<vmem>>, vector<1x16xf32>,
    %get3A_1682 = vector.shape_cast %get3A_1681 : vector<1x16xf32> to vector<16xf32>
    %add3A_1683 = arith.addf %add3A_1677, %get3A_1682 : vector<16xf32>
    %get3A_1684 = arith.constant 10 : i32
    %get3A_1685 = arith.index_cast %get3A_1684 : i32 to index
    %get3A_1686 = arith.constant 48 : index
    %get3A_1687 = tpu.vector_load %arg10[%get3A_1685, %get3A_1686] {strides = array<i32>} : memref<26x128xf32, #tpu.memory_space<vmem>>, vector<1x16xf32>,
    %get3A_1688 = vector.shape_cast %get3A_1687 : vector<1x16xf32> to vector<16xf32>
    %add3A_1689 = arith.addf %add3A_1683, %get3A_1688 : vector<16xf32>
    %get3A_1690 = arith.constant 11 : i32
    %get3A_1691 = arith.index_cast %get3A_1690 : i32 to index
    %get3A_1692 = arith.constant 48 : index
    %get3A_1693 = tpu.vector_load %arg10[%get3A_1691, %get3A_1692] {strides = array<i32>} : memref<26x128xf32, #tpu.memory_space<vmem>>, vector<1x16xf32>,
    %get3A_1694 = vector.shape_cast %get3A_1693 : vector<1x16xf32> to vector<16xf32>
    %add3A_1695 = arith.addf %add3A_1689, %get3A_1694 : vector<16xf32>
    %get3A_1696 = arith.constant 12 : i32
    %get3A_1697 = arith.index_cast %get3A_1696 : i32 to index
    %get3A_1698 = arith.constant 48 : index
    %get3A_1699 = tpu.vector_load %arg10[%get3A_1697, %get3A_1698] {strides = array<i32>} : memref<26x128xf32, #tpu.memory_space<vmem>>, vector<1x16xf32>,
    %get3A_1700 = vector.shape_cast %get3A_1699 : vector<1x16xf32> to vector<16xf32>
    %add3A_1701 = arith.addf %add3A_1695, %get3A_1700 : vector<16xf32>
    %get3A_1702 = arith.constant 13 : i32
    %get3A_1703 = arith.index_cast %get3A_1702 : i32 to index
    %get3A_1704 = arith.constant 48 : index
    %get3A_1705 = tpu.vector_load %arg10[%get3A_1703, %get3A_1704] {strides = array<i32>} : memref<26x128xf32, #tpu.memory_space<vmem>>, vector<1x16xf32>,
    %get3A_1706 = vector.shape_cast %get3A_1705 : vector<1x16xf32> to vector<16xf32>
    %add3A_1707 = arith.addf %add3A_1701, %get3A_1706 : vector<16xf32>
    %get3A_1708 = arith.constant 14 : i32
    %get3A_1709 = arith.index_cast %get3A_1708 : i32 to index
    %get3A_1710 = arith.constant 48 : index
    %get3A_1711 = tpu.vector_load %arg10[%get3A_1709, %get3A_1710] {strides = array<i32>} : memref<26x128xf32, #tpu.memory_space<vmem>>, vector<1x16xf32>,
    %get3A_1712 = vector.shape_cast %get3A_1711 : vector<1x16xf32> to vector<16xf32>
    %add3A_1713 = arith.addf %add3A_1707, %get3A_1712 : vector<16xf32>
    %get3A_1714 = arith.constant 15 : i32
    %get3A_1715 = arith.index_cast %get3A_1714 : i32 to index
    %get3A_1716 = arith.constant 48 : index
    %get3A_1717 = tpu.vector_load %arg10[%get3A_1715, %get3A_1716] {strides = array<i32>} : memref<26x128xf32, #tpu.memory_space<vmem>>, vector<1x16xf32>,
    %get3A_1718 = vector.shape_cast %get3A_1717 : vector<1x16xf32> to vector<16xf32>
    %add3A_1719 = arith.addf %add3A_1713, %get3A_1718 : vector<16xf32>
    %get3A_1720 = arith.constant 16 : i32
    %get3A_1721 = arith.index_cast %get3A_1720 : i32 to index
    %get3A_1722 = arith.constant 48 : index
    %get3A_1723 = tpu.vector_load %arg10[%get3A_1721, %get3A_1722] {strides = array<i32>} : memref<26x128xf32, #tpu.memory_space<vmem>>, vector<1x16xf32>,
    %get3A_1724 = vector.shape_cast %get3A_1723 : vector<1x16xf32> to vector<16xf32>
    %add3A_1725 = arith.addf %add3A_1719, %get3A_1724 : vector<16xf32>
    %get3A_1726 = arith.constant 17 : i32
    %get3A_1727 = arith.index_cast %get3A_1726 : i32 to index
    %get3A_1728 = arith.constant 48 : index
    %get3A_1729 = tpu.vector_load %arg10[%get3A_1727, %get3A_1728] {strides = array<i32>} : memref<26x128xf32, #tpu.memory_space<vmem>>, vector<1x16xf32>,
    %get3A_1730 = vector.shape_cast %get3A_1729 : vector<1x16xf32> to vector<16xf32>
    %add3A_1731 = arith.addf %add3A_1725, %get3A_1730 : vector<16xf32>
    %get3A_1732 = arith.constant 18 : i32
    %get3A_1733 = arith.index_cast %get3A_1732 : i32 to index
    %get3A_1734 = arith.constant 48 : index
    %get3A_1735 = tpu.vector_load %arg10[%get3A_1733, %get3A_1734] {strides = array<i32>} : memref<26x128xf32, #tpu.memory_space<vmem>>, vector<1x16xf32>,
    %get3A_1736 = vector.shape_cast %get3A_1735 : vector<1x16xf32> to vector<16xf32>
    %add3A_1737 = arith.addf %add3A_1731, %get3A_1736 : vector<16xf32>
    %get3A_1738 = arith.constant 19 : i32
    %get3A_1739 = arith.index_cast %get3A_1738 : i32 to index
    %get3A_1740 = arith.constant 48 : index
    %get3A_1741 = tpu.vector_load %arg10[%get3A_1739, %get3A_1740] {strides = array<i32>} : memref<26x128xf32, #tpu.memory_space<vmem>>, vector<1x16xf32>,
    %get3A_1742 = vector.shape_cast %get3A_1741 : vector<1x16xf32> to vector<16xf32>
    %add3A_1743 = arith.addf %add3A_1737, %get3A_1742 : vector<16xf32>
    %get3A_1744 = arith.constant 20 : i32
    %get3A_1745 = arith.index_cast %get3A_1744 : i32 to index
    %get3A_1746 = arith.constant 48 : index
    %get3A_1747 = tpu.vector_load %arg10[%get3A_1745, %get3A_1746] {strides = array<i32>} : memref<26x128xf32, #tpu.memory_space<vmem>>, vector<1x16xf32>,
    %get3A_1748 = vector.shape_cast %get3A_1747 : vector<1x16xf32> to vector<16xf32>
    %add3A_1749 = arith.addf %add3A_1743, %get3A_1748 : vector<16xf32>
    %get3A_1750 = arith.constant 21 : i32
    %get3A_1751 = arith.index_cast %get3A_1750 : i32 to index
    %get3A_1752 = arith.constant 48 : index
    %get3A_1753 = tpu.vector_load %arg10[%get3A_1751, %get3A_1752] {strides = array<i32>} : memref<26x128xf32, #tpu.memory_space<vmem>>, vector<1x16xf32>,
    %get3A_1754 = vector.shape_cast %get3A_1753 : vector<1x16xf32> to vector<16xf32>
    %add3A_1755 = arith.addf %add3A_1749, %get3A_1754 : vector<16xf32>
    %get3A_1756 = arith.constant 22 : i32
    %get3A_1757 = arith.index_cast %get3A_1756 : i32 to index
    %get3A_1758 = arith.constant 48 : index
    %get3A_1759 = tpu.vector_load %arg10[%get3A_1757, %get3A_1758] {strides = array<i32>} : memref<26x128xf32, #tpu.memory_space<vmem>>, vector<1x16xf32>,
    %get3A_1760 = vector.shape_cast %get3A_1759 : vector<1x16xf32> to vector<16xf32>
    %add3A_1761 = arith.addf %add3A_1755, %get3A_1760 : vector<16xf32>
    %get3A_1762 = arith.constant 23 : i32
    %get3A_1763 = arith.index_cast %get3A_1762 : i32 to index
    %get3A_1764 = arith.constant 48 : index
    %get3A_1765 = tpu.vector_load %arg10[%get3A_1763, %get3A_1764] {strides = array<i32>} : memref<26x128xf32, #tpu.memory_space<vmem>>, vector<1x16xf32>,
    %get3A_1766 = vector.shape_cast %get3A_1765 : vector<1x16xf32> to vector<16xf32>
    %add3A_1767 = arith.addf %add3A_1761, %get3A_1766 : vector<16xf32>
    %get3A_1768 = arith.constant 24 : i32
    %get3A_1769 = arith.index_cast %get3A_1768 : i32 to index
    %get3A_1770 = arith.constant 48 : index
    %get3A_1771 = tpu.vector_load %arg10[%get3A_1769, %get3A_1770] {strides = array<i32>} : memref<26x128xf32, #tpu.memory_space<vmem>>, vector<1x16xf32>,
    %get3A_1772 = vector.shape_cast %get3A_1771 : vector<1x16xf32> to vector<16xf32>
    %add3A_1773 = arith.addf %add3A_1767, %get3A_1772 : vector<16xf32>
    %get3A_1774 = arith.constant 25 : i32
    %get3A_1775 = arith.index_cast %get3A_1774 : i32 to index
    %get3A_1776 = arith.constant 48 : index
    %get3A_1777 = tpu.vector_load %arg10[%get3A_1775, %get3A_1776] {strides = array<i32>} : memref<26x128xf32, #tpu.memory_space<vmem>>, vector<1x16xf32>,
    %get3A_1778 = vector.shape_cast %get3A_1777 : vector<1x16xf32> to vector<16xf32>
    %add3A_1779 = arith.addf %add3A_1773, %get3A_1778 : vector<16xf32>
    %swap3A_1780 = arith.constant 48 : index
    %swap3A_1781 = tpu.vector_load %arg13[%swap3A_1780] {strides = array<i32>} : memref<128xf32, #tpu.memory_space<vmem>>, vector<16xf32>,
    %swap3A_1782 = vector.shape_cast %swap3A_1781 : vector<16xf32> to vector<16xf32>
    %swap3A_1783 = vector.shape_cast %add3A_1779 : vector<16xf32> to vector<16xf32>
    tpu.vector_store %arg13[%swap3A_1780], %swap3A_1783 {strides = array<i32>} : memref<128xf32, #tpu.memory_space<vmem>>, vector<16xf32>,
    %get3A_1784 = arith.constant 0 : i32
    %get3A_1785 = arith.index_cast %get3A_1784 : i32 to index
    %get3A_1786 = arith.constant 64 : index
    %get3A_1787 = tpu.vector_load %arg10[%get3A_1785, %get3A_1786] {strides = array<i32>} : memref<26x128xf32, #tpu.memory_space<vmem>>, vector<1x16xf32>,
    %get3A_1788 = vector.shape_cast %get3A_1787 : vector<1x16xf32> to vector<16xf32>
    %get3A_1789 = arith.constant 1 : i32
    %get3A_1790 = arith.index_cast %get3A_1789 : i32 to index
    %get3A_1791 = arith.constant 64 : index
    %get3A_1792 = tpu.vector_load %arg10[%get3A_1790, %get3A_1791] {strides = array<i32>} : memref<26x128xf32, #tpu.memory_space<vmem>>, vector<1x16xf32>,
    %get3A_1793 = vector.shape_cast %get3A_1792 : vector<1x16xf32> to vector<16xf32>
    %add3A_1794 = arith.addf %get3A_1788, %get3A_1793 : vector<16xf32>
    %get3A_1795 = arith.constant 2 : i32
    %get3A_1796 = arith.index_cast %get3A_1795 : i32 to index
    %get3A_1797 = arith.constant 64 : index
    %get3A_1798 = tpu.vector_load %arg10[%get3A_1796, %get3A_1797] {strides = array<i32>} : memref<26x128xf32, #tpu.memory_space<vmem>>, vector<1x16xf32>,
    %get3A_1799 = vector.shape_cast %get3A_1798 : vector<1x16xf32> to vector<16xf32>
    %add3A_1800 = arith.addf %add3A_1794, %get3A_1799 : vector<16xf32>
    %get3A_1801 = arith.constant 3 : i32
    %get3A_1802 = arith.index_cast %get3A_1801 : i32 to index
    %get3A_1803 = arith.constant 64 : index
    %get3A_1804 = tpu.vector_load %arg10[%get3A_1802, %get3A_1803] {strides = array<i32>} : memref<26x128xf32, #tpu.memory_space<vmem>>, vector<1x16xf32>,
    %get3A_1805 = vector.shape_cast %get3A_1804 : vector<1x16xf32> to vector<16xf32>
    %add3A_1806 = arith.addf %add3A_1800, %get3A_1805 : vector<16xf32>
    %get3A_1807 = arith.constant 4 : i32
    %get3A_1808 = arith.index_cast %get3A_1807 : i32 to index
    %get3A_1809 = arith.constant 64 : index
    %get3A_1810 = tpu.vector_load %arg10[%get3A_1808, %get3A_1809] {strides = array<i32>} : memref<26x128xf32, #tpu.memory_space<vmem>>, vector<1x16xf32>,
    %get3A_1811 = vector.shape_cast %get3A_1810 : vector<1x16xf32> to vector<16xf32>
    %add3A_1812 = arith.addf %add3A_1806, %get3A_1811 : vector<16xf32>
    %get3A_1813 = arith.constant 5 : i32
    %get3A_1814 = arith.index_cast %get3A_1813 : i32 to index
    %get3A_1815 = arith.constant 64 : index
    %get3A_1816 = tpu.vector_load %arg10[%get3A_1814, %get3A_1815] {strides = array<i32>} : memref<26x128xf32, #tpu.memory_space<vmem>>, vector<1x16xf32>,
    %get3A_1817 = vector.shape_cast %get3A_1816 : vector<1x16xf32> to vector<16xf32>
    %add3A_1818 = arith.addf %add3A_1812, %get3A_1817 : vector<16xf32>
    %get3A_1819 = arith.constant 6 : i32
    %get3A_1820 = arith.index_cast %get3A_1819 : i32 to index
    %get3A_1821 = arith.constant 64 : index
    %get3A_1822 = tpu.vector_load %arg10[%get3A_1820, %get3A_1821] {strides = array<i32>} : memref<26x128xf32, #tpu.memory_space<vmem>>, vector<1x16xf32>,
    %get3A_1823 = vector.shape_cast %get3A_1822 : vector<1x16xf32> to vector<16xf32>
    %add3A_1824 = arith.addf %add3A_1818, %get3A_1823 : vector<16xf32>
    %get3A_1825 = arith.constant 7 : i32
    %get3A_1826 = arith.index_cast %get3A_1825 : i32 to index
    %get3A_1827 = arith.constant 64 : index
    %get3A_1828 = tpu.vector_load %arg10[%get3A_1826, %get3A_1827] {strides = array<i32>} : memref<26x128xf32, #tpu.memory_space<vmem>>, vector<1x16xf32>,
    %get3A_1829 = vector.shape_cast %get3A_1828 : vector<1x16xf32> to vector<16xf32>
    %add3A_1830 = arith.addf %add3A_1824, %get3A_1829 : vector<16xf32>
    %get3A_1831 = arith.constant 8 : i32
    %get3A_1832 = arith.index_cast %get3A_1831 : i32 to index
    %get3A_1833 = arith.constant 64 : index
    %get3A_1834 = tpu.vector_load %arg10[%get3A_1832, %get3A_1833] {strides = array<i32>} : memref<26x128xf32, #tpu.memory_space<vmem>>, vector<1x16xf32>,
    %get3A_1835 = vector.shape_cast %get3A_1834 : vector<1x16xf32> to vector<16xf32>
    %add3A_1836 = arith.addf %add3A_1830, %get3A_1835 : vector<16xf32>
    %get3A_1837 = arith.constant 9 : i32
    %get3A_1838 = arith.index_cast %get3A_1837 : i32 to index
    %get3A_1839 = arith.constant 64 : index
    %get3A_1840 = tpu.vector_load %arg10[%get3A_1838, %get3A_1839] {strides = array<i32>} : memref<26x128xf32, #tpu.memory_space<vmem>>, vector<1x16xf32>,
    %get3A_1841 = vector.shape_cast %get3A_1840 : vector<1x16xf32> to vector<16xf32>
    %add3A_1842 = arith.addf %add3A_1836, %get3A_1841 : vector<16xf32>
    %get3A_1843 = arith.constant 10 : i32
    %get3A_1844 = arith.index_cast %get3A_1843 : i32 to index
    %get3A_1845 = arith.constant 64 : index
    %get3A_1846 = tpu.vector_load %arg10[%get3A_1844, %get3A_1845] {strides = array<i32>} : memref<26x128xf32, #tpu.memory_space<vmem>>, vector<1x16xf32>,
    %get3A_1847 = vector.shape_cast %get3A_1846 : vector<1x16xf32> to vector<16xf32>
    %add3A_1848 = arith.addf %add3A_1842, %get3A_1847 : vector<16xf32>
    %get3A_1849 = arith.constant 11 : i32
    %get3A_1850 = arith.index_cast %get3A_1849 : i32 to index
    %get3A_1851 = arith.constant 64 : index
    %get3A_1852 = tpu.vector_load %arg10[%get3A_1850, %get3A_1851] {strides = array<i32>} : memref<26x128xf32, #tpu.memory_space<vmem>>, vector<1x16xf32>,
    %get3A_1853 = vector.shape_cast %get3A_1852 : vector<1x16xf32> to vector<16xf32>
    %add3A_1854 = arith.addf %add3A_1848, %get3A_1853 : vector<16xf32>
    %get3A_1855 = arith.constant 12 : i32
    %get3A_1856 = arith.index_cast %get3A_1855 : i32 to index
    %get3A_1857 = arith.constant 64 : index
    %get3A_1858 = tpu.vector_load %arg10[%get3A_1856, %get3A_1857] {strides = array<i32>} : memref<26x128xf32, #tpu.memory_space<vmem>>, vector<1x16xf32>,
    %get3A_1859 = vector.shape_cast %get3A_1858 : vector<1x16xf32> to vector<16xf32>
    %add3A_1860 = arith.addf %add3A_1854, %get3A_1859 : vector<16xf32>
    %get3A_1861 = arith.constant 13 : i32
    %get3A_1862 = arith.index_cast %get3A_1861 : i32 to index
    %get3A_1863 = arith.constant 64 : index
    %get3A_1864 = tpu.vector_load %arg10[%get3A_1862, %get3A_1863] {strides = array<i32>} : memref<26x128xf32, #tpu.memory_space<vmem>>, vector<1x16xf32>,
    %get3A_1865 = vector.shape_cast %get3A_1864 : vector<1x16xf32> to vector<16xf32>
    %add3A_1866 = arith.addf %add3A_1860, %get3A_1865 : vector<16xf32>
    %get3A_1867 = arith.constant 14 : i32
    %get3A_1868 = arith.index_cast %get3A_1867 : i32 to index
    %get3A_1869 = arith.constant 64 : index
    %get3A_1870 = tpu.vector_load %arg10[%get3A_1868, %get3A_1869] {strides = array<i32>} : memref<26x128xf32, #tpu.memory_space<vmem>>, vector<1x16xf32>,
    %get3A_1871 = vector.shape_cast %get3A_1870 : vector<1x16xf32> to vector<16xf32>
    %add3A_1872 = arith.addf %add3A_1866, %get3A_1871 : vector<16xf32>
    %get3A_1873 = arith.constant 15 : i32
    %get3A_1874 = arith.index_cast %get3A_1873 : i32 to index
    %get3A_1875 = arith.constant 64 : index
    %get3A_1876 = tpu.vector_load %arg10[%get3A_1874, %get3A_1875] {strides = array<i32>} : memref<26x128xf32, #tpu.memory_space<vmem>>, vector<1x16xf32>,
    %get3A_1877 = vector.shape_cast %get3A_1876 : vector<1x16xf32> to vector<16xf32>
    %add3A_1878 = arith.addf %add3A_1872, %get3A_1877 : vector<16xf32>
    %get3A_1879 = arith.constant 16 : i32
    %get3A_1880 = arith.index_cast %get3A_1879 : i32 to index
    %get3A_1881 = arith.constant 64 : index
    %get3A_1882 = tpu.vector_load %arg10[%get3A_1880, %get3A_1881] {strides = array<i32>} : memref<26x128xf32, #tpu.memory_space<vmem>>, vector<1x16xf32>,
    %get3A_1883 = vector.shape_cast %get3A_1882 : vector<1x16xf32> to vector<16xf32>
    %add3A_1884 = arith.addf %add3A_1878, %get3A_1883 : vector<16xf32>
    %get3A_1885 = arith.constant 17 : i32
    %get3A_1886 = arith.index_cast %get3A_1885 : i32 to index
    %get3A_1887 = arith.constant 64 : index
    %get3A_1888 = tpu.vector_load %arg10[%get3A_1886, %get3A_1887] {strides = array<i32>} : memref<26x128xf32, #tpu.memory_space<vmem>>, vector<1x16xf32>,
    %get3A_1889 = vector.shape_cast %get3A_1888 : vector<1x16xf32> to vector<16xf32>
    %add3A_1890 = arith.addf %add3A_1884, %get3A_1889 : vector<16xf32>
    %get3A_1891 = arith.constant 18 : i32
    %get3A_1892 = arith.index_cast %get3A_1891 : i32 to index
    %get3A_1893 = arith.constant 64 : index
    %get3A_1894 = tpu.vector_load %arg10[%get3A_1892, %get3A_1893] {strides = array<i32>} : memref<26x128xf32, #tpu.memory_space<vmem>>, vector<1x16xf32>,
    %get3A_1895 = vector.shape_cast %get3A_1894 : vector<1x16xf32> to vector<16xf32>
    %add3A_1896 = arith.addf %add3A_1890, %get3A_1895 : vector<16xf32>
    %get3A_1897 = arith.constant 19 : i32
    %get3A_1898 = arith.index_cast %get3A_1897 : i32 to index
    %get3A_1899 = arith.constant 64 : index
    %get3A_1900 = tpu.vector_load %arg10[%get3A_1898, %get3A_1899] {strides = array<i32>} : memref<26x128xf32, #tpu.memory_space<vmem>>, vector<1x16xf32>,
    %get3A_1901 = vector.shape_cast %get3A_1900 : vector<1x16xf32> to vector<16xf32>
    %add3A_1902 = arith.addf %add3A_1896, %get3A_1901 : vector<16xf32>
    %get3A_1903 = arith.constant 20 : i32
    %get3A_1904 = arith.index_cast %get3A_1903 : i32 to index
    %get3A_1905 = arith.constant 64 : index
    %get3A_1906 = tpu.vector_load %arg10[%get3A_1904, %get3A_1905] {strides = array<i32>} : memref<26x128xf32, #tpu.memory_space<vmem>>, vector<1x16xf32>,
    %get3A_1907 = vector.shape_cast %get3A_1906 : vector<1x16xf32> to vector<16xf32>
    %add3A_1908 = arith.addf %add3A_1902, %get3A_1907 : vector<16xf32>
    %get3A_1909 = arith.constant 21 : i32
    %get3A_1910 = arith.index_cast %get3A_1909 : i32 to index
    %get3A_1911 = arith.constant 64 : index
    %get3A_1912 = tpu.vector_load %arg10[%get3A_1910, %get3A_1911] {strides = array<i32>} : memref<26x128xf32, #tpu.memory_space<vmem>>, vector<1x16xf32>,
    %get3A_1913 = vector.shape_cast %get3A_1912 : vector<1x16xf32> to vector<16xf32>
    %add3A_1914 = arith.addf %add3A_1908, %get3A_1913 : vector<16xf32>
    %get3A_1915 = arith.constant 22 : i32
    %get3A_1916 = arith.index_cast %get3A_1915 : i32 to index
    %get3A_1917 = arith.constant 64 : index
    %get3A_1918 = tpu.vector_load %arg10[%get3A_1916, %get3A_1917] {strides = array<i32>} : memref<26x128xf32, #tpu.memory_space<vmem>>, vector<1x16xf32>,
    %get3A_1919 = vector.shape_cast %get3A_1918 : vector<1x16xf32> to vector<16xf32>
    %add3A_1920 = arith.addf %add3A_1914, %get3A_1919 : vector<16xf32>
    %get3A_1921 = arith.constant 23 : i32
    %get3A_1922 = arith.index_cast %get3A_1921 : i32 to index
    %get3A_1923 = arith.constant 64 : index
    %get3A_1924 = tpu.vector_load %arg10[%get3A_1922, %get3A_1923] {strides = array<i32>} : memref<26x128xf32, #tpu.memory_space<vmem>>, vector<1x16xf32>,
    %get3A_1925 = vector.shape_cast %get3A_1924 : vector<1x16xf32> to vector<16xf32>
    %add3A_1926 = arith.addf %add3A_1920, %get3A_1925 : vector<16xf32>
    %get3A_1927 = arith.constant 24 : i32
    %get3A_1928 = arith.index_cast %get3A_1927 : i32 to index
    %get3A_1929 = arith.constant 64 : index
    %get3A_1930 = tpu.vector_load %arg10[%get3A_1928, %get3A_1929] {strides = array<i32>} : memref<26x128xf32, #tpu.memory_space<vmem>>, vector<1x16xf32>,
    %get3A_1931 = vector.shape_cast %get3A_1930 : vector<1x16xf32> to vector<16xf32>
    %add3A_1932 = arith.addf %add3A_1926, %get3A_1931 : vector<16xf32>
    %get3A_1933 = arith.constant 25 : i32
    %get3A_1934 = arith.index_cast %get3A_1933 : i32 to index
    %get3A_1935 = arith.constant 64 : index
    %get3A_1936 = tpu.vector_load %arg10[%get3A_1934, %get3A_1935] {strides = array<i32>} : memref<26x128xf32, #tpu.memory_space<vmem>>, vector<1x16xf32>,
    %get3A_1937 = vector.shape_cast %get3A_1936 : vector<1x16xf32> to vector<16xf32>
    %add3A_1938 = arith.addf %add3A_1932, %get3A_1937 : vector<16xf32>
    %swap3A_1939 = arith.constant 64 : index
    %swap3A_1940 = tpu.vector_load %arg13[%swap3A_1939] {strides = array<i32>} : memref<128xf32, #tpu.memory_space<vmem>>, vector<16xf32>,
    %swap3A_1941 = vector.shape_cast %swap3A_1940 : vector<16xf32> to vector<16xf32>
    %swap3A_1942 = vector.shape_cast %add3A_1938 : vector<16xf32> to vector<16xf32>
    tpu.vector_store %arg13[%swap3A_1939], %swap3A_1942 {strides = array<i32>} : memref<128xf32, #tpu.memory_space<vmem>>, vector<16xf32>,
    %get3A_1943 = arith.constant 0 : i32
    %get3A_1944 = arith.index_cast %get3A_1943 : i32 to index
    %get3A_1945 = arith.constant 80 : index
    %get3A_1946 = tpu.vector_load %arg10[%get3A_1944, %get3A_1945] {strides = array<i32>} : memref<26x128xf32, #tpu.memory_space<vmem>>, vector<1x16xf32>,
    %get3A_1947 = vector.shape_cast %get3A_1946 : vector<1x16xf32> to vector<16xf32>
    %get3A_1948 = arith.constant 1 : i32
    %get3A_1949 = arith.index_cast %get3A_1948 : i32 to index
    %get3A_1950 = arith.constant 80 : index
    %get3A_1951 = tpu.vector_load %arg10[%get3A_1949, %get3A_1950] {strides = array<i32>} : memref<26x128xf32, #tpu.memory_space<vmem>>, vector<1x16xf32>,
    %get3A_1952 = vector.shape_cast %get3A_1951 : vector<1x16xf32> to vector<16xf32>
    %add3A_1953 = arith.addf %get3A_1947, %get3A_1952 : vector<16xf32>
    %get3A_1954 = arith.constant 2 : i32
    %get3A_1955 = arith.index_cast %get3A_1954 : i32 to index
    %get3A_1956 = arith.constant 80 : index
    %get3A_1957 = tpu.vector_load %arg10[%get3A_1955, %get3A_1956] {strides = array<i32>} : memref<26x128xf32, #tpu.memory_space<vmem>>, vector<1x16xf32>,
    %get3A_1958 = vector.shape_cast %get3A_1957 : vector<1x16xf32> to vector<16xf32>
    %add3A_1959 = arith.addf %add3A_1953, %get3A_1958 : vector<16xf32>
    %get3A_1960 = arith.constant 3 : i32
    %get3A_1961 = arith.index_cast %get3A_1960 : i32 to index
    %get3A_1962 = arith.constant 80 : index
    %get3A_1963 = tpu.vector_load %arg10[%get3A_1961, %get3A_1962] {strides = array<i32>} : memref<26x128xf32, #tpu.memory_space<vmem>>, vector<1x16xf32>,
    %get3A_1964 = vector.shape_cast %get3A_1963 : vector<1x16xf32> to vector<16xf32>
    %add3A_1965 = arith.addf %add3A_1959, %get3A_1964 : vector<16xf32>
    %get3A_1966 = arith.constant 4 : i32
    %get3A_1967 = arith.index_cast %get3A_1966 : i32 to index
    %get3A_1968 = arith.constant 80 : index
    %get3A_1969 = tpu.vector_load %arg10[%get3A_1967, %get3A_1968] {strides = array<i32>} : memref<26x128xf32, #tpu.memory_space<vmem>>, vector<1x16xf32>,
    %get3A_1970 = vector.shape_cast %get3A_1969 : vector<1x16xf32> to vector<16xf32>
    %add3A_1971 = arith.addf %add3A_1965, %get3A_1970 : vector<16xf32>
    %get3A_1972 = arith.constant 5 : i32
    %get3A_1973 = arith.index_cast %get3A_1972 : i32 to index
    %get3A_1974 = arith.constant 80 : index
    %get3A_1975 = tpu.vector_load %arg10[%get3A_1973, %get3A_1974] {strides = array<i32>} : memref<26x128xf32, #tpu.memory_space<vmem>>, vector<1x16xf32>,
    %get3A_1976 = vector.shape_cast %get3A_1975 : vector<1x16xf32> to vector<16xf32>
    %add3A_1977 = arith.addf %add3A_1971, %get3A_1976 : vector<16xf32>
    %get3A_1978 = arith.constant 6 : i32
    %get3A_1979 = arith.index_cast %get3A_1978 : i32 to index
    %get3A_1980 = arith.constant 80 : index
    %get3A_1981 = tpu.vector_load %arg10[%get3A_1979, %get3A_1980] {strides = array<i32>} : memref<26x128xf32, #tpu.memory_space<vmem>>, vector<1x16xf32>,
    %get3A_1982 = vector.shape_cast %get3A_1981 : vector<1x16xf32> to vector<16xf32>
    %add3A_1983 = arith.addf %add3A_1977, %get3A_1982 : vector<16xf32>
    %get3A_1984 = arith.constant 7 : i32
    %get3A_1985 = arith.index_cast %get3A_1984 : i32 to index
    %get3A_1986 = arith.constant 80 : index
    %get3A_1987 = tpu.vector_load %arg10[%get3A_1985, %get3A_1986] {strides = array<i32>} : memref<26x128xf32, #tpu.memory_space<vmem>>, vector<1x16xf32>,
    %get3A_1988 = vector.shape_cast %get3A_1987 : vector<1x16xf32> to vector<16xf32>
    %add3A_1989 = arith.addf %add3A_1983, %get3A_1988 : vector<16xf32>
    %get3A_1990 = arith.constant 8 : i32
    %get3A_1991 = arith.index_cast %get3A_1990 : i32 to index
    %get3A_1992 = arith.constant 80 : index
    %get3A_1993 = tpu.vector_load %arg10[%get3A_1991, %get3A_1992] {strides = array<i32>} : memref<26x128xf32, #tpu.memory_space<vmem>>, vector<1x16xf32>,
    %get3A_1994 = vector.shape_cast %get3A_1993 : vector<1x16xf32> to vector<16xf32>
    %add3A_1995 = arith.addf %add3A_1989, %get3A_1994 : vector<16xf32>
    %get3A_1996 = arith.constant 9 : i32
    %get3A_1997 = arith.index_cast %get3A_1996 : i32 to index
    %get3A_1998 = arith.constant 80 : index
    %get3A_1999 = tpu.vector_load %arg10[%get3A_1997, %get3A_1998] {strides = array<i32>} : memref<26x128xf32, #tpu.memory_space<vmem>>, vector<1x16xf32>,
    %get3A_2000 = vector.shape_cast %get3A_1999 : vector<1x16xf32> to vector<16xf32>
    %add3A_2001 = arith.addf %add3A_1995, %get3A_2000 : vector<16xf32>
    %get3A_2002 = arith.constant 10 : i32
    %get3A_2003 = arith.index_cast %get3A_2002 : i32 to index
    %get3A_2004 = arith.constant 80 : index
    %get3A_2005 = tpu.vector_load %arg10[%get3A_2003, %get3A_2004] {strides = array<i32>} : memref<26x128xf32, #tpu.memory_space<vmem>>, vector<1x16xf32>,
    %get3A_2006 = vector.shape_cast %get3A_2005 : vector<1x16xf32> to vector<16xf32>
    %add3A_2007 = arith.addf %add3A_2001, %get3A_2006 : vector<16xf32>
    %get3A_2008 = arith.constant 11 : i32
    %get3A_2009 = arith.index_cast %get3A_2008 : i32 to index
    %get3A_2010 = arith.constant 80 : index
    %get3A_2011 = tpu.vector_load %arg10[%get3A_2009, %get3A_2010] {strides = array<i32>} : memref<26x128xf32, #tpu.memory_space<vmem>>, vector<1x16xf32>,
    %get3A_2012 = vector.shape_cast %get3A_2011 : vector<1x16xf32> to vector<16xf32>
    %add3A_2013 = arith.addf %add3A_2007, %get3A_2012 : vector<16xf32>
    %get3A_2014 = arith.constant 12 : i32
    %get3A_2015 = arith.index_cast %get3A_2014 : i32 to index
    %get3A_2016 = arith.constant 80 : index
    %get3A_2017 = tpu.vector_load %arg10[%get3A_2015, %get3A_2016] {strides = array<i32>} : memref<26x128xf32, #tpu.memory_space<vmem>>, vector<1x16xf32>,
    %get3A_2018 = vector.shape_cast %get3A_2017 : vector<1x16xf32> to vector<16xf32>
    %add3A_2019 = arith.addf %add3A_2013, %get3A_2018 : vector<16xf32>
    %get3A_2020 = arith.constant 13 : i32
    %get3A_2021 = arith.index_cast %get3A_2020 : i32 to index
    %get3A_2022 = arith.constant 80 : index
    %get3A_2023 = tpu.vector_load %arg10[%get3A_2021, %get3A_2022] {strides = array<i32>} : memref<26x128xf32, #tpu.memory_space<vmem>>, vector<1x16xf32>,
    %get3A_2024 = vector.shape_cast %get3A_2023 : vector<1x16xf32> to vector<16xf32>
    %add3A_2025 = arith.addf %add3A_2019, %get3A_2024 : vector<16xf32>
    %get3A_2026 = arith.constant 14 : i32
    %get3A_2027 = arith.index_cast %get3A_2026 : i32 to index
    %get3A_2028 = arith.constant 80 : index
    %get3A_2029 = tpu.vector_load %arg10[%get3A_2027, %get3A_2028] {strides = array<i32>} : memref<26x128xf32, #tpu.memory_space<vmem>>, vector<1x16xf32>,
    %get3A_2030 = vector.shape_cast %get3A_2029 : vector<1x16xf32> to vector<16xf32>
    %add3A_2031 = arith.addf %add3A_2025, %get3A_2030 : vector<16xf32>
    %get3A_2032 = arith.constant 15 : i32
    %get3A_2033 = arith.index_cast %get3A_2032 : i32 to index
    %get3A_2034 = arith.constant 80 : index
    %get3A_2035 = tpu.vector_load %arg10[%get3A_2033, %get3A_2034] {strides = array<i32>} : memref<26x128xf32, #tpu.memory_space<vmem>>, vector<1x16xf32>,
    %get3A_2036 = vector.shape_cast %get3A_2035 : vector<1x16xf32> to vector<16xf32>
    %add3A_2037 = arith.addf %add3A_2031, %get3A_2036 : vector<16xf32>
    %get3A_2038 = arith.constant 16 : i32
    %get3A_2039 = arith.index_cast %get3A_2038 : i32 to index
    %get3A_2040 = arith.constant 80 : index
    %get3A_2041 = tpu.vector_load %arg10[%get3A_2039, %get3A_2040] {strides = array<i32>} : memref<26x128xf32, #tpu.memory_space<vmem>>, vector<1x16xf32>,
    %get3A_2042 = vector.shape_cast %get3A_2041 : vector<1x16xf32> to vector<16xf32>
    %add3A_2043 = arith.addf %add3A_2037, %get3A_2042 : vector<16xf32>
    %get3A_2044 = arith.constant 17 : i32
    %get3A_2045 = arith.index_cast %get3A_2044 : i32 to index
    %get3A_2046 = arith.constant 80 : index
    %get3A_2047 = tpu.vector_load %arg10[%get3A_2045, %get3A_2046] {strides = array<i32>} : memref<26x128xf32, #tpu.memory_space<vmem>>, vector<1x16xf32>,
    %get3A_2048 = vector.shape_cast %get3A_2047 : vector<1x16xf32> to vector<16xf32>
    %add3A_2049 = arith.addf %add3A_2043, %get3A_2048 : vector<16xf32>
    %get3A_2050 = arith.constant 18 : i32
    %get3A_2051 = arith.index_cast %get3A_2050 : i32 to index
    %get3A_2052 = arith.constant 80 : index
    %get3A_2053 = tpu.vector_load %arg10[%get3A_2051, %get3A_2052] {strides = array<i32>} : memref<26x128xf32, #tpu.memory_space<vmem>>, vector<1x16xf32>,
    %get3A_2054 = vector.shape_cast %get3A_2053 : vector<1x16xf32> to vector<16xf32>
    %add3A_2055 = arith.addf %add3A_2049, %get3A_2054 : vector<16xf32>
    %get3A_2056 = arith.constant 19 : i32
    %get3A_2057 = arith.index_cast %get3A_2056 : i32 to index
    %get3A_2058 = arith.constant 80 : index
    %get3A_2059 = tpu.vector_load %arg10[%get3A_2057, %get3A_2058] {strides = array<i32>} : memref<26x128xf32, #tpu.memory_space<vmem>>, vector<1x16xf32>,
    %get3A_2060 = vector.shape_cast %get3A_2059 : vector<1x16xf32> to vector<16xf32>
    %add3A_2061 = arith.addf %add3A_2055, %get3A_2060 : vector<16xf32>
    %get3A_2062 = arith.constant 20 : i32
    %get3A_2063 = arith.index_cast %get3A_2062 : i32 to index
    %get3A_2064 = arith.constant 80 : index
    %get3A_2065 = tpu.vector_load %arg10[%get3A_2063, %get3A_2064] {strides = array<i32>} : memref<26x128xf32, #tpu.memory_space<vmem>>, vector<1x16xf32>,
    %get3A_2066 = vector.shape_cast %get3A_2065 : vector<1x16xf32> to vector<16xf32>
    %add3A_2067 = arith.addf %add3A_2061, %get3A_2066 : vector<16xf32>
    %get3A_2068 = arith.constant 21 : i32
    %get3A_2069 = arith.index_cast %get3A_2068 : i32 to index
    %get3A_2070 = arith.constant 80 : index
    %get3A_2071 = tpu.vector_load %arg10[%get3A_2069, %get3A_2070] {strides = array<i32>} : memref<26x128xf32, #tpu.memory_space<vmem>>, vector<1x16xf32>,
    %get3A_2072 = vector.shape_cast %get3A_2071 : vector<1x16xf32> to vector<16xf32>
    %add3A_2073 = arith.addf %add3A_2067, %get3A_2072 : vector<16xf32>
    %get3A_2074 = arith.constant 22 : i32
    %get3A_2075 = arith.index_cast %get3A_2074 : i32 to index
    %get3A_2076 = arith.constant 80 : index
    %get3A_2077 = tpu.vector_load %arg10[%get3A_2075, %get3A_2076] {strides = array<i32>} : memref<26x128xf32, #tpu.memory_space<vmem>>, vector<1x16xf32>,
    %get3A_2078 = vector.shape_cast %get3A_2077 : vector<1x16xf32> to vector<16xf32>
    %add3A_2079 = arith.addf %add3A_2073, %get3A_2078 : vector<16xf32>
    %get3A_2080 = arith.constant 23 : i32
    %get3A_2081 = arith.index_cast %get3A_2080 : i32 to index
    %get3A_2082 = arith.constant 80 : index
    %get3A_2083 = tpu.vector_load %arg10[%get3A_2081, %get3A_2082] {strides = array<i32>} : memref<26x128xf32, #tpu.memory_space<vmem>>, vector<1x16xf32>,
    %get3A_2084 = vector.shape_cast %get3A_2083 : vector<1x16xf32> to vector<16xf32>
    %add3A_2085 = arith.addf %add3A_2079, %get3A_2084 : vector<16xf32>
    %get3A_2086 = arith.constant 24 : i32
    %get3A_2087 = arith.index_cast %get3A_2086 : i32 to index
    %get3A_2088 = arith.constant 80 : index
    %get3A_2089 = tpu.vector_load %arg10[%get3A_2087, %get3A_2088] {strides = array<i32>} : memref<26x128xf32, #tpu.memory_space<vmem>>, vector<1x16xf32>,
    %get3A_2090 = vector.shape_cast %get3A_2089 : vector<1x16xf32> to vector<16xf32>
    %add3A_2091 = arith.addf %add3A_2085, %get3A_2090 : vector<16xf32>
    %get3A_2092 = arith.constant 25 : i32
    %get3A_2093 = arith.index_cast %get3A_2092 : i32 to index
    %get3A_2094 = arith.constant 80 : index
    %get3A_2095 = tpu.vector_load %arg10[%get3A_2093, %get3A_2094] {strides = array<i32>} : memref<26x128xf32, #tpu.memory_space<vmem>>, vector<1x16xf32>,
    %get3A_2096 = vector.shape_cast %get3A_2095 : vector<1x16xf32> to vector<16xf32>
    %add3A_2097 = arith.addf %add3A_2091, %get3A_2096 : vector<16xf32>
    %swap3A_2098 = arith.constant 80 : index
    %swap3A_2099 = tpu.vector_load %arg13[%swap3A_2098] {strides = array<i32>} : memref<128xf32, #tpu.memory_space<vmem>>, vector<16xf32>,
    %swap3A_2100 = vector.shape_cast %swap3A_2099 : vector<16xf32> to vector<16xf32>
    %swap3A_2101 = vector.shape_cast %add3A_2097 : vector<16xf32> to vector<16xf32>
    tpu.vector_store %arg13[%swap3A_2098], %swap3A_2101 {strides = array<i32>} : memref<128xf32, #tpu.memory_space<vmem>>, vector<16xf32>,
    %get3A_2102 = arith.constant 0 : i32
    %get3A_2103 = arith.index_cast %get3A_2102 : i32 to index
    %get3A_2104 = arith.constant 96 : index
    %get3A_2105 = tpu.vector_load %arg10[%get3A_2103, %get3A_2104] {strides = array<i32>} : memref<26x128xf32, #tpu.memory_space<vmem>>, vector<1x16xf32>,
    %get3A_2106 = vector.shape_cast %get3A_2105 : vector<1x16xf32> to vector<16xf32>
    %get3A_2107 = arith.constant 1 : i32
    %get3A_2108 = arith.index_cast %get3A_2107 : i32 to index
    %get3A_2109 = arith.constant 96 : index
    %get3A_2110 = tpu.vector_load %arg10[%get3A_2108, %get3A_2109] {strides = array<i32>} : memref<26x128xf32, #tpu.memory_space<vmem>>, vector<1x16xf32>,
    %get3A_2111 = vector.shape_cast %get3A_2110 : vector<1x16xf32> to vector<16xf32>
    %add3A_2112 = arith.addf %get3A_2106, %get3A_2111 : vector<16xf32>
    %get3A_2113 = arith.constant 2 : i32
    %get3A_2114 = arith.index_cast %get3A_2113 : i32 to index
    %get3A_2115 = arith.constant 96 : index
    %get3A_2116 = tpu.vector_load %arg10[%get3A_2114, %get3A_2115] {strides = array<i32>} : memref<26x128xf32, #tpu.memory_space<vmem>>, vector<1x16xf32>,
    %get3A_2117 = vector.shape_cast %get3A_2116 : vector<1x16xf32> to vector<16xf32>
    %add3A_2118 = arith.addf %add3A_2112, %get3A_2117 : vector<16xf32>
    %get3A_2119 = arith.constant 3 : i32
    %get3A_2120 = arith.index_cast %get3A_2119 : i32 to index
    %get3A_2121 = arith.constant 96 : index
    %get3A_2122 = tpu.vector_load %arg10[%get3A_2120, %get3A_2121] {strides = array<i32>} : memref<26x128xf32, #tpu.memory_space<vmem>>, vector<1x16xf32>,
    %get3A_2123 = vector.shape_cast %get3A_2122 : vector<1x16xf32> to vector<16xf32>
    %add3A_2124 = arith.addf %add3A_2118, %get3A_2123 : vector<16xf32>
    %get3A_2125 = arith.constant 4 : i32
    %get3A_2126 = arith.index_cast %get3A_2125 : i32 to index
    %get3A_2127 = arith.constant 96 : index
    %get3A_2128 = tpu.vector_load %arg10[%get3A_2126, %get3A_2127] {strides = array<i32>} : memref<26x128xf32, #tpu.memory_space<vmem>>, vector<1x16xf32>,
    %get3A_2129 = vector.shape_cast %get3A_2128 : vector<1x16xf32> to vector<16xf32>
    %add3A_2130 = arith.addf %add3A_2124, %get3A_2129 : vector<16xf32>
    %get3A_2131 = arith.constant 5 : i32
    %get3A_2132 = arith.index_cast %get3A_2131 : i32 to index
    %get3A_2133 = arith.constant 96 : index
    %get3A_2134 = tpu.vector_load %arg10[%get3A_2132, %get3A_2133] {strides = array<i32>} : memref<26x128xf32, #tpu.memory_space<vmem>>, vector<1x16xf32>,
    %get3A_2135 = vector.shape_cast %get3A_2134 : vector<1x16xf32> to vector<16xf32>
    %add3A_2136 = arith.addf %add3A_2130, %get3A_2135 : vector<16xf32>
    %get3A_2137 = arith.constant 6 : i32
    %get3A_2138 = arith.index_cast %get3A_2137 : i32 to index
    %get3A_2139 = arith.constant 96 : index
    %get3A_2140 = tpu.vector_load %arg10[%get3A_2138, %get3A_2139] {strides = array<i32>} : memref<26x128xf32, #tpu.memory_space<vmem>>, vector<1x16xf32>,
    %get3A_2141 = vector.shape_cast %get3A_2140 : vector<1x16xf32> to vector<16xf32>
    %add3A_2142 = arith.addf %add3A_2136, %get3A_2141 : vector<16xf32>
    %get3A_2143 = arith.constant 7 : i32
    %get3A_2144 = arith.index_cast %get3A_2143 : i32 to index
    %get3A_2145 = arith.constant 96 : index
    %get3A_2146 = tpu.vector_load %arg10[%get3A_2144, %get3A_2145] {strides = array<i32>} : memref<26x128xf32, #tpu.memory_space<vmem>>, vector<1x16xf32>,
    %get3A_2147 = vector.shape_cast %get3A_2146 : vector<1x16xf32> to vector<16xf32>
    %add3A_2148 = arith.addf %add3A_2142, %get3A_2147 : vector<16xf32>
    %get3A_2149 = arith.constant 8 : i32
    %get3A_2150 = arith.index_cast %get3A_2149 : i32 to index
    %get3A_2151 = arith.constant 96 : index
    %get3A_2152 = tpu.vector_load %arg10[%get3A_2150, %get3A_2151] {strides = array<i32>} : memref<26x128xf32, #tpu.memory_space<vmem>>, vector<1x16xf32>,
    %get3A_2153 = vector.shape_cast %get3A_2152 : vector<1x16xf32> to vector<16xf32>
    %add3A_2154 = arith.addf %add3A_2148, %get3A_2153 : vector<16xf32>
    %get3A_2155 = arith.constant 9 : i32
    %get3A_2156 = arith.index_cast %get3A_2155 : i32 to index
    %get3A_2157 = arith.constant 96 : index
    %get3A_2158 = tpu.vector_load %arg10[%get3A_2156, %get3A_2157] {strides = array<i32>} : memref<26x128xf32, #tpu.memory_space<vmem>>, vector<1x16xf32>,
    %get3A_2159 = vector.shape_cast %get3A_2158 : vector<1x16xf32> to vector<16xf32>
    %add3A_2160 = arith.addf %add3A_2154, %get3A_2159 : vector<16xf32>
    %get3A_2161 = arith.constant 10 : i32
    %get3A_2162 = arith.index_cast %get3A_2161 : i32 to index
    %get3A_2163 = arith.constant 96 : index
    %get3A_2164 = tpu.vector_load %arg10[%get3A_2162, %get3A_2163] {strides = array<i32>} : memref<26x128xf32, #tpu.memory_space<vmem>>, vector<1x16xf32>,
    %get3A_2165 = vector.shape_cast %get3A_2164 : vector<1x16xf32> to vector<16xf32>
    %add3A_2166 = arith.addf %add3A_2160, %get3A_2165 : vector<16xf32>
    %get3A_2167 = arith.constant 11 : i32
    %get3A_2168 = arith.index_cast %get3A_2167 : i32 to index
    %get3A_2169 = arith.constant 96 : index
    %get3A_2170 = tpu.vector_load %arg10[%get3A_2168, %get3A_2169] {strides = array<i32>} : memref<26x128xf32, #tpu.memory_space<vmem>>, vector<1x16xf32>,
    %get3A_2171 = vector.shape_cast %get3A_2170 : vector<1x16xf32> to vector<16xf32>
    %add3A_2172 = arith.addf %add3A_2166, %get3A_2171 : vector<16xf32>
    %get3A_2173 = arith.constant 12 : i32
    %get3A_2174 = arith.index_cast %get3A_2173 : i32 to index
    %get3A_2175 = arith.constant 96 : index
    %get3A_2176 = tpu.vector_load %arg10[%get3A_2174, %get3A_2175] {strides = array<i32>} : memref<26x128xf32, #tpu.memory_space<vmem>>, vector<1x16xf32>,
    %get3A_2177 = vector.shape_cast %get3A_2176 : vector<1x16xf32> to vector<16xf32>
    %add3A_2178 = arith.addf %add3A_2172, %get3A_2177 : vector<16xf32>
    %get3A_2179 = arith.constant 13 : i32
    %get3A_2180 = arith.index_cast %get3A_2179 : i32 to index
    %get3A_2181 = arith.constant 96 : index
    %get3A_2182 = tpu.vector_load %arg10[%get3A_2180, %get3A_2181] {strides = array<i32>} : memref<26x128xf32, #tpu.memory_space<vmem>>, vector<1x16xf32>,
    %get3A_2183 = vector.shape_cast %get3A_2182 : vector<1x16xf32> to vector<16xf32>
    %add3A_2184 = arith.addf %add3A_2178, %get3A_2183 : vector<16xf32>
    %get3A_2185 = arith.constant 14 : i32
    %get3A_2186 = arith.index_cast %get3A_2185 : i32 to index
    %get3A_2187 = arith.constant 96 : index
    %get3A_2188 = tpu.vector_load %arg10[%get3A_2186, %get3A_2187] {strides = array<i32>} : memref<26x128xf32, #tpu.memory_space<vmem>>, vector<1x16xf32>,
    %get3A_2189 = vector.shape_cast %get3A_2188 : vector<1x16xf32> to vector<16xf32>
    %add3A_2190 = arith.addf %add3A_2184, %get3A_2189 : vector<16xf32>
    %get3A_2191 = arith.constant 15 : i32
    %get3A_2192 = arith.index_cast %get3A_2191 : i32 to index
    %get3A_2193 = arith.constant 96 : index
    %get3A_2194 = tpu.vector_load %arg10[%get3A_2192, %get3A_2193] {strides = array<i32>} : memref<26x128xf32, #tpu.memory_space<vmem>>, vector<1x16xf32>,
    %get3A_2195 = vector.shape_cast %get3A_2194 : vector<1x16xf32> to vector<16xf32>
    %add3A_2196 = arith.addf %add3A_2190, %get3A_2195 : vector<16xf32>
    %get3A_2197 = arith.constant 16 : i32
    %get3A_2198 = arith.index_cast %get3A_2197 : i32 to index
    %get3A_2199 = arith.constant 96 : index
    %get3A_2200 = tpu.vector_load %arg10[%get3A_2198, %get3A_2199] {strides = array<i32>} : memref<26x128xf32, #tpu.memory_space<vmem>>, vector<1x16xf32>,
    %get3A_2201 = vector.shape_cast %get3A_2200 : vector<1x16xf32> to vector<16xf32>
    %add3A_2202 = arith.addf %add3A_2196, %get3A_2201 : vector<16xf32>
    %get3A_2203 = arith.constant 17 : i32
    %get3A_2204 = arith.index_cast %get3A_2203 : i32 to index
    %get3A_2205 = arith.constant 96 : index
    %get3A_2206 = tpu.vector_load %arg10[%get3A_2204, %get3A_2205] {strides = array<i32>} : memref<26x128xf32, #tpu.memory_space<vmem>>, vector<1x16xf32>,
    %get3A_2207 = vector.shape_cast %get3A_2206 : vector<1x16xf32> to vector<16xf32>
    %add3A_2208 = arith.addf %add3A_2202, %get3A_2207 : vector<16xf32>
    %get3A_2209 = arith.constant 18 : i32
    %get3A_2210 = arith.index_cast %get3A_2209 : i32 to index
    %get3A_2211 = arith.constant 96 : index
    %get3A_2212 = tpu.vector_load %arg10[%get3A_2210, %get3A_2211] {strides = array<i32>} : memref<26x128xf32, #tpu.memory_space<vmem>>, vector<1x16xf32>,
    %get3A_2213 = vector.shape_cast %get3A_2212 : vector<1x16xf32> to vector<16xf32>
    %add3A_2214 = arith.addf %add3A_2208, %get3A_2213 : vector<16xf32>
    %get3A_2215 = arith.constant 19 : i32
    %get3A_2216 = arith.index_cast %get3A_2215 : i32 to index
    %get3A_2217 = arith.constant 96 : index
    %get3A_2218 = tpu.vector_load %arg10[%get3A_2216, %get3A_2217] {strides = array<i32>} : memref<26x128xf32, #tpu.memory_space<vmem>>, vector<1x16xf32>,
    %get3A_2219 = vector.shape_cast %get3A_2218 : vector<1x16xf32> to vector<16xf32>
    %add3A_2220 = arith.addf %add3A_2214, %get3A_2219 : vector<16xf32>
    %get3A_2221 = arith.constant 20 : i32
    %get3A_2222 = arith.index_cast %get3A_2221 : i32 to index
    %get3A_2223 = arith.constant 96 : index
    %get3A_2224 = tpu.vector_load %arg10[%get3A_2222, %get3A_2223] {strides = array<i32>} : memref<26x128xf32, #tpu.memory_space<vmem>>, vector<1x16xf32>,
    %get3A_2225 = vector.shape_cast %get3A_2224 : vector<1x16xf32> to vector<16xf32>
    %add3A_2226 = arith.addf %add3A_2220, %get3A_2225 : vector<16xf32>
    %get3A_2227 = arith.constant 21 : i32
    %get3A_2228 = arith.index_cast %get3A_2227 : i32 to index
    %get3A_2229 = arith.constant 96 : index
    %get3A_2230 = tpu.vector_load %arg10[%get3A_2228, %get3A_2229] {strides = array<i32>} : memref<26x128xf32, #tpu.memory_space<vmem>>, vector<1x16xf32>,
    %get3A_2231 = vector.shape_cast %get3A_2230 : vector<1x16xf32> to vector<16xf32>
    %add3A_2232 = arith.addf %add3A_2226, %get3A_2231 : vector<16xf32>
    %get3A_2233 = arith.constant 22 : i32
    %get3A_2234 = arith.index_cast %get3A_2233 : i32 to index
    %get3A_2235 = arith.constant 96 : index
    %get3A_2236 = tpu.vector_load %arg10[%get3A_2234, %get3A_2235] {strides = array<i32>} : memref<26x128xf32, #tpu.memory_space<vmem>>, vector<1x16xf32>,
    %get3A_2237 = vector.shape_cast %get3A_2236 : vector<1x16xf32> to vector<16xf32>
    %add3A_2238 = arith.addf %add3A_2232, %get3A_2237 : vector<16xf32>
    %get3A_2239 = arith.constant 23 : i32
    %get3A_2240 = arith.index_cast %get3A_2239 : i32 to index
    %get3A_2241 = arith.constant 96 : index
    %get3A_2242 = tpu.vector_load %arg10[%get3A_2240, %get3A_2241] {strides = array<i32>} : memref<26x128xf32, #tpu.memory_space<vmem>>, vector<1x16xf32>,
    %get3A_2243 = vector.shape_cast %get3A_2242 : vector<1x16xf32> to vector<16xf32>
    %add3A_2244 = arith.addf %add3A_2238, %get3A_2243 : vector<16xf32>
    %get3A_2245 = arith.constant 24 : i32
    %get3A_2246 = arith.index_cast %get3A_2245 : i32 to index
    %get3A_2247 = arith.constant 96 : index
    %get3A_2248 = tpu.vector_load %arg10[%get3A_2246, %get3A_2247] {strides = array<i32>} : memref<26x128xf32, #tpu.memory_space<vmem>>, vector<1x16xf32>,
    %get3A_2249 = vector.shape_cast %get3A_2248 : vector<1x16xf32> to vector<16xf32>
    %add3A_2250 = arith.addf %add3A_2244, %get3A_2249 : vector<16xf32>
    %get3A_2251 = arith.constant 25 : i32
    %get3A_2252 = arith.index_cast %get3A_2251 : i32 to index
    %get3A_2253 = arith.constant 96 : index
    %get3A_2254 = tpu.vector_load %arg10[%get3A_2252, %get3A_2253] {strides = array<i32>} : memref<26x128xf32, #tpu.memory_space<vmem>>, vector<1x16xf32>,
    %get3A_2255 = vector.shape_cast %get3A_2254 : vector<1x16xf32> to vector<16xf32>
    %add3A_2256 = arith.addf %add3A_2250, %get3A_2255 : vector<16xf32>
    %swap3A_2257 = arith.constant 96 : index
    %swap3A_2258 = tpu.vector_load %arg13[%swap3A_2257] {strides = array<i32>} : memref<128xf32, #tpu.memory_space<vmem>>, vector<16xf32>,
    %swap3A_2259 = vector.shape_cast %swap3A_2258 : vector<16xf32> to vector<16xf32>
    %swap3A_2260 = vector.shape_cast %add3A_2256 : vector<16xf32> to vector<16xf32>
    tpu.vector_store %arg13[%swap3A_2257], %swap3A_2260 {strides = array<i32>} : memref<128xf32, #tpu.memory_space<vmem>>, vector<16xf32>,
    %get3A_2261 = arith.constant 0 : i32
    %get3A_2262 = arith.index_cast %get3A_2261 : i32 to index
    %get3A_2263 = arith.constant 112 : index
    %get3A_2264 = tpu.vector_load %arg10[%get3A_2262, %get3A_2263] {strides = array<i32>} : memref<26x128xf32, #tpu.memory_space<vmem>>, vector<1x16xf32>,
    %get3A_2265 = vector.shape_cast %get3A_2264 : vector<1x16xf32> to vector<16xf32>
    %get3A_2266 = arith.constant 1 : i32
    %get3A_2267 = arith.index_cast %get3A_2266 : i32 to index
    %get3A_2268 = arith.constant 112 : index
    %get3A_2269 = tpu.vector_load %arg10[%get3A_2267, %get3A_2268] {strides = array<i32>} : memref<26x128xf32, #tpu.memory_space<vmem>>, vector<1x16xf32>,
    %get3A_2270 = vector.shape_cast %get3A_2269 : vector<1x16xf32> to vector<16xf32>
    %add3A_2271 = arith.addf %get3A_2265, %get3A_2270 : vector<16xf32>
    %get3A_2272 = arith.constant 2 : i32
    %get3A_2273 = arith.index_cast %get3A_2272 : i32 to index
    %get3A_2274 = arith.constant 112 : index
    %get3A_2275 = tpu.vector_load %arg10[%get3A_2273, %get3A_2274] {strides = array<i32>} : memref<26x128xf32, #tpu.memory_space<vmem>>, vector<1x16xf32>,
    %get3A_2276 = vector.shape_cast %get3A_2275 : vector<1x16xf32> to vector<16xf32>
    %add3A_2277 = arith.addf %add3A_2271, %get3A_2276 : vector<16xf32>
    %get3A_2278 = arith.constant 3 : i32
    %get3A_2279 = arith.index_cast %get3A_2278 : i32 to index
    %get3A_2280 = arith.constant 112 : index
    %get3A_2281 = tpu.vector_load %arg10[%get3A_2279, %get3A_2280] {strides = array<i32>} : memref<26x128xf32, #tpu.memory_space<vmem>>, vector<1x16xf32>,
    %get3A_2282 = vector.shape_cast %get3A_2281 : vector<1x16xf32> to vector<16xf32>
    %add3A_2283 = arith.addf %add3A_2277, %get3A_2282 : vector<16xf32>
    %get3A_2284 = arith.constant 4 : i32
    %get3A_2285 = arith.index_cast %get3A_2284 : i32 to index
    %get3A_2286 = arith.constant 112 : index
    %get3A_2287 = tpu.vector_load %arg10[%get3A_2285, %get3A_2286] {strides = array<i32>} : memref<26x128xf32, #tpu.memory_space<vmem>>, vector<1x16xf32>,
    %get3A_2288 = vector.shape_cast %get3A_2287 : vector<1x16xf32> to vector<16xf32>
    %add3A_2289 = arith.addf %add3A_2283, %get3A_2288 : vector<16xf32>
    %get3A_2290 = arith.constant 5 : i32
    %get3A_2291 = arith.index_cast %get3A_2290 : i32 to index
    %get3A_2292 = arith.constant 112 : index
    %get3A_2293 = tpu.vector_load %arg10[%get3A_2291, %get3A_2292] {strides = array<i32>} : memref<26x128xf32, #tpu.memory_space<vmem>>, vector<1x16xf32>,
    %get3A_2294 = vector.shape_cast %get3A_2293 : vector<1x16xf32> to vector<16xf32>
    %add3A_2295 = arith.addf %add3A_2289, %get3A_2294 : vector<16xf32>
    %get3A_2296 = arith.constant 6 : i32
    %get3A_2297 = arith.index_cast %get3A_2296 : i32 to index
    %get3A_2298 = arith.constant 112 : index
    %get3A_2299 = tpu.vector_load %arg10[%get3A_2297, %get3A_2298] {strides = array<i32>} : memref<26x128xf32, #tpu.memory_space<vmem>>, vector<1x16xf32>,
    %get3A_2300 = vector.shape_cast %get3A_2299 : vector<1x16xf32> to vector<16xf32>
    %add3A_2301 = arith.addf %add3A_2295, %get3A_2300 : vector<16xf32>
    %get3A_2302 = arith.constant 7 : i32
    %get3A_2303 = arith.index_cast %get3A_2302 : i32 to index
    %get3A_2304 = arith.constant 112 : index
    %get3A_2305 = tpu.vector_load %arg10[%get3A_2303, %get3A_2304] {strides = array<i32>} : memref<26x128xf32, #tpu.memory_space<vmem>>, vector<1x16xf32>,
    %get3A_2306 = vector.shape_cast %get3A_2305 : vector<1x16xf32> to vector<16xf32>
    %add3A_2307 = arith.addf %add3A_2301, %get3A_2306 : vector<16xf32>
    %get3A_2308 = arith.constant 8 : i32
    %get3A_2309 = arith.index_cast %get3A_2308 : i32 to index
    %get3A_2310 = arith.constant 112 : index
    %get3A_2311 = tpu.vector_load %arg10[%get3A_2309, %get3A_2310] {strides = array<i32>} : memref<26x128xf32, #tpu.memory_space<vmem>>, vector<1x16xf32>,
    %get3A_2312 = vector.shape_cast %get3A_2311 : vector<1x16xf32> to vector<16xf32>
    %add3A_2313 = arith.addf %add3A_2307, %get3A_2312 : vector<16xf32>
    %get3A_2314 = arith.constant 9 : i32
    %get3A_2315 = arith.index_cast %get3A_2314 : i32 to index
    %get3A_2316 = arith.constant 112 : index
    %get3A_2317 = tpu.vector_load %arg10[%get3A_2315, %get3A_2316] {strides = array<i32>} : memref<26x128xf32, #tpu.memory_space<vmem>>, vector<1x16xf32>,
    %get3A_2318 = vector.shape_cast %get3A_2317 : vector<1x16xf32> to vector<16xf32>
    %add3A_2319 = arith.addf %add3A_2313, %get3A_2318 : vector<16xf32>
    %get3A_2320 = arith.constant 10 : i32
    %get3A_2321 = arith.index_cast %get3A_2320 : i32 to index
    %get3A_2322 = arith.constant 112 : index
    %get3A_2323 = tpu.vector_load %arg10[%get3A_2321, %get3A_2322] {strides = array<i32>} : memref<26x128xf32, #tpu.memory_space<vmem>>, vector<1x16xf32>,
    %get3A_2324 = vector.shape_cast %get3A_2323 : vector<1x16xf32> to vector<16xf32>
    %add3A_2325 = arith.addf %add3A_2319, %get3A_2324 : vector<16xf32>
    %get3A_2326 = arith.constant 11 : i32
    %get3A_2327 = arith.index_cast %get3A_2326 : i32 to index
    %get3A_2328 = arith.constant 112 : index
    %get3A_2329 = tpu.vector_load %arg10[%get3A_2327, %get3A_2328] {strides = array<i32>} : memref<26x128xf32, #tpu.memory_space<vmem>>, vector<1x16xf32>,
    %get3A_2330 = vector.shape_cast %get3A_2329 : vector<1x16xf32> to vector<16xf32>
    %add3A_2331 = arith.addf %add3A_2325, %get3A_2330 : vector<16xf32>
    %get3A_2332 = arith.constant 12 : i32
    %get3A_2333 = arith.index_cast %get3A_2332 : i32 to index
    %get3A_2334 = arith.constant 112 : index
    %get3A_2335 = tpu.vector_load %arg10[%get3A_2333, %get3A_2334] {strides = array<i32>} : memref<26x128xf32, #tpu.memory_space<vmem>>, vector<1x16xf32>,
    %get3A_2336 = vector.shape_cast %get3A_2335 : vector<1x16xf32> to vector<16xf32>
    %add3A_2337 = arith.addf %add3A_2331, %get3A_2336 : vector<16xf32>
    %get3A_2338 = arith.constant 13 : i32
    %get3A_2339 = arith.index_cast %get3A_2338 : i32 to index
    %get3A_2340 = arith.constant 112 : index
    %get3A_2341 = tpu.vector_load %arg10[%get3A_2339, %get3A_2340] {strides = array<i32>} : memref<26x128xf32, #tpu.memory_space<vmem>>, vector<1x16xf32>,
    %get3A_2342 = vector.shape_cast %get3A_2341 : vector<1x16xf32> to vector<16xf32>
    %add3A_2343 = arith.addf %add3A_2337, %get3A_2342 : vector<16xf32>
    %get3A_2344 = arith.constant 14 : i32
    %get3A_2345 = arith.index_cast %get3A_2344 : i32 to index
    %get3A_2346 = arith.constant 112 : index
    %get3A_2347 = tpu.vector_load %arg10[%get3A_2345, %get3A_2346] {strides = array<i32>} : memref<26x128xf32, #tpu.memory_space<vmem>>, vector<1x16xf32>,
    %get3A_2348 = vector.shape_cast %get3A_2347 : vector<1x16xf32> to vector<16xf32>
    %add3A_2349 = arith.addf %add3A_2343, %get3A_2348 : vector<16xf32>
    %get3A_2350 = arith.constant 15 : i32
    %get3A_2351 = arith.index_cast %get3A_2350 : i32 to index
    %get3A_2352 = arith.constant 112 : index
    %get3A_2353 = tpu.vector_load %arg10[%get3A_2351, %get3A_2352] {strides = array<i32>} : memref<26x128xf32, #tpu.memory_space<vmem>>, vector<1x16xf32>,
    %get3A_2354 = vector.shape_cast %get3A_2353 : vector<1x16xf32> to vector<16xf32>
    %add3A_2355 = arith.addf %add3A_2349, %get3A_2354 : vector<16xf32>
    %get3A_2356 = arith.constant 16 : i32
    %get3A_2357 = arith.index_cast %get3A_2356 : i32 to index
    %get3A_2358 = arith.constant 112 : index
    %get3A_2359 = tpu.vector_load %arg10[%get3A_2357, %get3A_2358] {strides = array<i32>} : memref<26x128xf32, #tpu.memory_space<vmem>>, vector<1x16xf32>,
    %get3A_2360 = vector.shape_cast %get3A_2359 : vector<1x16xf32> to vector<16xf32>
    %add3A_2361 = arith.addf %add3A_2355, %get3A_2360 : vector<16xf32>
    %get3A_2362 = arith.constant 17 : i32
    %get3A_2363 = arith.index_cast %get3A_2362 : i32 to index
    %get3A_2364 = arith.constant 112 : index
    %get3A_2365 = tpu.vector_load %arg10[%get3A_2363, %get3A_2364] {strides = array<i32>} : memref<26x128xf32, #tpu.memory_space<vmem>>, vector<1x16xf32>,
    %get3A_2366 = vector.shape_cast %get3A_2365 : vector<1x16xf32> to vector<16xf32>
    %add3A_2367 = arith.addf %add3A_2361, %get3A_2366 : vector<16xf32>
    %get3A_2368 = arith.constant 18 : i32
    %get3A_2369 = arith.index_cast %get3A_2368 : i32 to index
    %get3A_2370 = arith.constant 112 : index
    %get3A_2371 = tpu.vector_load %arg10[%get3A_2369, %get3A_2370] {strides = array<i32>} : memref<26x128xf32, #tpu.memory_space<vmem>>, vector<1x16xf32>,
    %get3A_2372 = vector.shape_cast %get3A_2371 : vector<1x16xf32> to vector<16xf32>
    %add3A_2373 = arith.addf %add3A_2367, %get3A_2372 : vector<16xf32>
    %get3A_2374 = arith.constant 19 : i32
    %get3A_2375 = arith.index_cast %get3A_2374 : i32 to index
    %get3A_2376 = arith.constant 112 : index
    %get3A_2377 = tpu.vector_load %arg10[%get3A_2375, %get3A_2376] {strides = array<i32>} : memref<26x128xf32, #tpu.memory_space<vmem>>, vector<1x16xf32>,
    %get3A_2378 = vector.shape_cast %get3A_2377 : vector<1x16xf32> to vector<16xf32>
    %add3A_2379 = arith.addf %add3A_2373, %get3A_2378 : vector<16xf32>
    %get3A_2380 = arith.constant 20 : i32
    %get3A_2381 = arith.index_cast %get3A_2380 : i32 to index
    %get3A_2382 = arith.constant 112 : index
    %get3A_2383 = tpu.vector_load %arg10[%get3A_2381, %get3A_2382] {strides = array<i32>} : memref<26x128xf32, #tpu.memory_space<vmem>>, vector<1x16xf32>,
    %get3A_2384 = vector.shape_cast %get3A_2383 : vector<1x16xf32> to vector<16xf32>
    %add3A_2385 = arith.addf %add3A_2379, %get3A_2384 : vector<16xf32>
    %get3A_2386 = arith.constant 21 : i32
    %get3A_2387 = arith.index_cast %get3A_2386 : i32 to index
    %get3A_2388 = arith.constant 112 : index
    %get3A_2389 = tpu.vector_load %arg10[%get3A_2387, %get3A_2388] {strides = array<i32>} : memref<26x128xf32, #tpu.memory_space<vmem>>, vector<1x16xf32>,
    %get3A_2390 = vector.shape_cast %get3A_2389 : vector<1x16xf32> to vector<16xf32>
    %add3A_2391 = arith.addf %add3A_2385, %get3A_2390 : vector<16xf32>
    %get3A_2392 = arith.constant 22 : i32
    %get3A_2393 = arith.index_cast %get3A_2392 : i32 to index
    %get3A_2394 = arith.constant 112 : index
    %get3A_2395 = tpu.vector_load %arg10[%get3A_2393, %get3A_2394] {strides = array<i32>} : memref<26x128xf32, #tpu.memory_space<vmem>>, vector<1x16xf32>,
    %get3A_2396 = vector.shape_cast %get3A_2395 : vector<1x16xf32> to vector<16xf32>
    %add3A_2397 = arith.addf %add3A_2391, %get3A_2396 : vector<16xf32>
    %get3A_2398 = arith.constant 23 : i32
    %get3A_2399 = arith.index_cast %get3A_2398 : i32 to index
    %get3A_2400 = arith.constant 112 : index
    %get3A_2401 = tpu.vector_load %arg10[%get3A_2399, %get3A_2400] {strides = array<i32>} : memref<26x128xf32, #tpu.memory_space<vmem>>, vector<1x16xf32>,
    %get3A_2402 = vector.shape_cast %get3A_2401 : vector<1x16xf32> to vector<16xf32>
    %add3A_2403 = arith.addf %add3A_2397, %get3A_2402 : vector<16xf32>
    %get3A_2404 = arith.constant 24 : i32
    %get3A_2405 = arith.index_cast %get3A_2404 : i32 to index
    %get3A_2406 = arith.constant 112 : index
    %get3A_2407 = tpu.vector_load %arg10[%get3A_2405, %get3A_2406] {strides = array<i32>} : memref<26x128xf32, #tpu.memory_space<vmem>>, vector<1x16xf32>,
    %get3A_2408 = vector.shape_cast %get3A_2407 : vector<1x16xf32> to vector<16xf32>
    %add3A_2409 = arith.addf %add3A_2403, %get3A_2408 : vector<16xf32>
    %get3A_2410 = arith.constant 25 : i32
    %get3A_2411 = arith.index_cast %get3A_2410 : i32 to index
    %get3A_2412 = arith.constant 112 : index
    %get3A_2413 = tpu.vector_load %arg10[%get3A_2411, %get3A_2412] {strides = array<i32>} : memref<26x128xf32, #tpu.memory_space<vmem>>, vector<1x16xf32>,
    %get3A_2414 = vector.shape_cast %get3A_2413 : vector<1x16xf32> to vector<16xf32>
    %add3A_2415 = arith.addf %add3A_2409, %get3A_2414 : vector<16xf32>
    %swap3A_2416 = arith.constant 112 : index
    %swap3A_2417 = tpu.vector_load %arg13[%swap3A_2416] {strides = array<i32>} : memref<128xf32, #tpu.memory_space<vmem>>, vector<16xf32>,
    %swap3A_2418 = vector.shape_cast %swap3A_2417 : vector<16xf32> to vector<16xf32>
    %swap3A_2419 = vector.shape_cast %add3A_2415 : vector<16xf32> to vector<16xf32>
    tpu.vector_store %arg13[%swap3A_2416], %swap3A_2419 {strides = array<i32>} : memref<128xf32, #tpu.memory_space<vmem>>, vector<16xf32>,
    "tpu.region"() ({
      %run_scoped3A = tpu.sem_alloc : memref<!tpu.dma_semaphore, #tpu.memory_space<semaphore_mem>>
      %dma_start3A_2420 = arith.constant 0 : i32
      %dma_start3A_2421 = tpu.memref_slice %arg5[%mul3A_2, %dma_start3A_2420] : memref<4096x16xf32, #tpu.memory_space<hbm>> -> memref<128x16xf32, #tpu.memory_space<hbm>>
      %dma_start3A_2422 = arith.constant 0 : i32
      %dma_start3A_2423 = tpu.memref_slice %arg5[%mul3A_2, %dma_start3A_2422] : memref<4096x16xf32, #tpu.memory_space<hbm>> -> memref<128x16xf32, #tpu.memory_space<hbm>>
      tpu.enqueue_dma source(%arg11 : memref<128x16xf32, #tpu.memory_space<vmem>>) target(%dma_start3A_2423 : memref<128x16xf32, #tpu.memory_space<hbm>>) target_semaphore(%run_scoped3A : memref<!tpu.dma_semaphore, #tpu.memory_space<semaphore_mem>>)
      %dma_wait3A_2424 = arith.constant 0 : i32
      %dma_wait3A_2425 = tpu.memref_slice %arg5[%mul3A_2, %dma_wait3A_2424] : memref<4096x16xf32, #tpu.memory_space<hbm>> -> memref<128x16xf32, #tpu.memory_space<hbm>>
      %dma_wait3A_2426 = arith.constant 0 : i32
      %dma_wait3A_2427 = tpu.memref_slice %arg5[%mul3A_2, %dma_wait3A_2426] : memref<4096x16xf32, #tpu.memory_space<hbm>> -> memref<128x16xf32, #tpu.memory_space<hbm>>
      tpu.wait_dma2 semaphore(%run_scoped3A : memref<!tpu.dma_semaphore, #tpu.memory_space<semaphore_mem>>) src(%arg11 : memref<128x16xf32, #tpu.memory_space<vmem>>) dst(%dma_wait3A_2427 : memref<128x16xf32, #tpu.memory_space<hbm>>)
      tpu.yield
    }) : () -> ()
    "tpu.region"() ({
      %run_scoped3A = tpu.sem_alloc : memref<!tpu.dma_semaphore, #tpu.memory_space<semaphore_mem>>
      %dma_start3A_2420 = arith.constant 0 : i32
      %dma_start3A_2421 = tpu.memref_slice %arg6[%mul3A_2, %dma_start3A_2420] : memref<4096x16xf32, #tpu.memory_space<hbm>> -> memref<128x16xf32, #tpu.memory_space<hbm>>
      %dma_start3A_2422 = arith.constant 0 : i32
      %dma_start3A_2423 = tpu.memref_slice %arg6[%mul3A_2, %dma_start3A_2422] : memref<4096x16xf32, #tpu.memory_space<hbm>> -> memref<128x16xf32, #tpu.memory_space<hbm>>
      tpu.enqueue_dma source(%arg12 : memref<128x16xf32, #tpu.memory_space<vmem>>) target(%dma_start3A_2423 : memref<128x16xf32, #tpu.memory_space<hbm>>) target_semaphore(%run_scoped3A : memref<!tpu.dma_semaphore, #tpu.memory_space<semaphore_mem>>)
      %dma_wait3A_2424 = arith.constant 0 : i32
      %dma_wait3A_2425 = tpu.memref_slice %arg6[%mul3A_2, %dma_wait3A_2424] : memref<4096x16xf32, #tpu.memory_space<hbm>> -> memref<128x16xf32, #tpu.memory_space<hbm>>
      %dma_wait3A_2426 = arith.constant 0 : i32
      %dma_wait3A_2427 = tpu.memref_slice %arg6[%mul3A_2, %dma_wait3A_2426] : memref<4096x16xf32, #tpu.memory_space<hbm>> -> memref<128x16xf32, #tpu.memory_space<hbm>>
      tpu.wait_dma2 semaphore(%run_scoped3A : memref<!tpu.dma_semaphore, #tpu.memory_space<semaphore_mem>>) src(%arg12 : memref<128x16xf32, #tpu.memory_space<vmem>>) dst(%dma_wait3A_2427 : memref<128x16xf32, #tpu.memory_space<hbm>>)
      tpu.yield
    }) : () -> ()
    "tpu.region"() ({
      %run_scoped3A = tpu.sem_alloc : memref<!tpu.dma_semaphore, #tpu.memory_space<semaphore_mem>>
      %dma_start3A_2420 = tpu.memref_slice %arg7[%mul3A_2] : memref<4096xf32, #tpu.memory_space<hbm>> -> memref<128xf32, #tpu.memory_space<hbm>>
      %dma_start3A_2421 = tpu.memref_slice %arg7[%mul3A_2] : memref<4096xf32, #tpu.memory_space<hbm>> -> memref<128xf32, #tpu.memory_space<hbm>>
      tpu.enqueue_dma source(%arg13 : memref<128xf32, #tpu.memory_space<vmem>>) target(%dma_start3A_2421 : memref<128xf32, #tpu.memory_space<hbm>>) target_semaphore(%run_scoped3A : memref<!tpu.dma_semaphore, #tpu.memory_space<semaphore_mem>>)
      %dma_wait3A_2422 = tpu.memref_slice %arg7[%mul3A_2] : memref<4096xf32, #tpu.memory_space<hbm>> -> memref<128xf32, #tpu.memory_space<hbm>>
      %dma_wait3A_2423 = tpu.memref_slice %arg7[%mul3A_2] : memref<4096xf32, #tpu.memory_space<hbm>> -> memref<128xf32, #tpu.memory_space<hbm>>
      tpu.wait_dma2 semaphore(%run_scoped3A : memref<!tpu.dma_semaphore, #tpu.memory_space<semaphore_mem>>) src(%arg13 : memref<128xf32, #tpu.memory_space<vmem>>) dst(%dma_wait3A_2423 : memref<128xf32, #tpu.memory_space<hbm>>)
      tpu.yield
    }) : () -> ()
    return
  }
}

module attributes {stable_mosaic.version = 14 : i64} {
  func.func @body(%arg0: memref<4096x16xf32, #tpu.memory_space<vmem>>, %arg1: memref<4096x16xf32, #tpu.memory_space<vmem>>, %arg2: memref<4096x1xf32, #tpu.memory_space<vmem>>, %arg3: memref<4096x13xf32, #tpu.memory_space<vmem>>, %arg4: memref<1x13xf32, #tpu.memory_space<vmem>>, %arg5: memref<13x16xf32, #tpu.memory_space<vmem>>, %arg6: memref<1x1xf32, #tpu.memory_space<vmem>>, %arg7: memref<4096x1xf32, #tpu.memory_space<vmem>>) attributes {dimension_semantics = [], scalar_prefetch = 0 : i64, scratch_operands = 0 : i64, tpu.core_type = #tpu.core_type<tc>} {
    %get3A = arith.constant 0 : index
    %get3A_0 = arith.constant 0 : index
    %get3A_1 = vector.load %arg3[%get3A, %get3A_0] : memref<4096x13xf32, #tpu.memory_space<vmem>>, vector<4096x13xf32>
    %get3A_2 = arith.constant 0 : index
    %get3A_3 = arith.constant 0 : index
    %get3A_4 = vector.load %arg5[%get3A_2, %get3A_3] : memref<13x16xf32, #tpu.memory_space<vmem>>, vector<13x16xf32>
    %get3A_5 = arith.constant 0 : index
    %get3A_6 = arith.constant 0 : index
    %get3A_7 = vector.load %arg0[%get3A_5, %get3A_6] : memref<4096x16xf32, #tpu.memory_space<vmem>>, vector<4096x16xf32>
    %dot_general3A = arith.constant dense<0.000000e+00> : vector<4096x16xf32>
    %dot_general3A_8 = tpu.matmul %get3A_1, %get3A_4, %dot_general3A {dimension_numbers = #tpu.dot_dimension_numbers<[1], [0], [0], [1], [0, 0, 1, 1], [], []>, transpose_lhs_hint = false} : vector<4096x13xf32>, vector<13x16xf32>, vector<4096x16xf32> -> vector<4096x16xf32>
    %add3A = arith.addf %get3A_7, %dot_general3A_8 : vector<4096x16xf32>
    %get3A_9 = arith.constant 0 : index
    %get3A_10 = arith.constant 0 : index
    %get3A_11 = vector.load %arg1[%get3A_9, %get3A_10] : memref<4096x16xf32, #tpu.memory_space<vmem>>, vector<4096x16xf32>
    %mul3A = arith.mulf %get3A_1, %get3A_1 : vector<4096x13xf32>
    %mul3A_12 = arith.mulf %get3A_4, %get3A_4 : vector<13x16xf32>
    %dot_general3A_13 = arith.constant dense<0.000000e+00> : vector<4096x16xf32>
    %dot_general3A_14 = tpu.matmul %mul3A, %mul3A_12, %dot_general3A_13 {dimension_numbers = #tpu.dot_dimension_numbers<[1], [0], [0], [1], [0, 0, 1, 1], [], []>, transpose_lhs_hint = false} : vector<4096x13xf32>, vector<13x16xf32>, vector<4096x16xf32> -> vector<4096x16xf32>
    %add3A_15 = arith.addf %get3A_11, %dot_general3A_14 : vector<4096x16xf32>
    %get3A_16 = arith.constant 0 : index
    %get3A_17 = arith.constant 0 : index
    %get3A_18 = vector.load %arg2[%get3A_16, %get3A_17] : memref<4096x1xf32, #tpu.memory_space<vmem>>, vector<4096x1xf32>
    %get3A_19 = arith.constant 0 : index
    %get3A_20 = arith.constant 0 : index
    %get3A_21 = vector.load %arg4[%get3A_19, %get3A_20] : memref<1x13xf32, #tpu.memory_space<vmem>>, vector<1x13xf32>
    %mul3A_22 = vector.broadcast %get3A_21 : vector<1x13xf32> to vector<4096x13xf32>
    %mul3A_23 = arith.mulf %get3A_1, %mul3A_22 : vector<4096x13xf32>
    %reduce_sum3A = arith.constant dense<0.000000e+00> : vector<4096xf32>
    %reduce_sum3A_24 = vector.multi_reduction <add>, %mul3A_23, %reduce_sum3A [1] : vector<4096x13xf32> to vector<4096xf32>
    %broadcast_in_dim3A = vector.shape_cast %reduce_sum3A_24 : vector<4096xf32> to vector<4096x1xf32>
    %add3A_25 = arith.addf %get3A_18, %broadcast_in_dim3A : vector<4096x1xf32>
    %mul3A_26 = arith.mulf %add3A, %add3A : vector<4096x16xf32>
    %sub3A = arith.subf %mul3A_26, %add3A_15 : vector<4096x16xf32>
    %reduce_sum3A_27 = arith.constant dense<0.000000e+00> : vector<4096xf32>
    %reduce_sum3A_28 = vector.multi_reduction <add>, %sub3A, %reduce_sum3A_27 [1] : vector<4096x16xf32> to vector<4096xf32>
    %broadcast_in_dim3A_29 = vector.shape_cast %reduce_sum3A_28 : vector<4096xf32> to vector<4096x1xf32>
    %mul3A_30 = arith.constant 5.000000e-01 : f32
    %mul3A_31 = vector.broadcast %mul3A_30 : f32 to vector<4096x1xf32>
    %mul3A_32 = arith.mulf %mul3A_31, %broadcast_in_dim3A_29 : vector<4096x1xf32>
    %add3A_33 = arith.addf %add3A_25, %mul3A_32 : vector<4096x1xf32>
    %get3A_34 = arith.constant 0 : index
    %get3A_35 = arith.constant 0 : index
    %get3A_36 = vector.load %arg6[%get3A_34, %get3A_35] : memref<1x1xf32, #tpu.memory_space<vmem>>, vector<1x1xf32>
    %get3A_37 = vector.extract %get3A_36[0, 0] : f32 from vector<1x1xf32>
    %add3A_38 = vector.broadcast %get3A_37 : f32 to vector<4096x1xf32>
    %add3A_39 = arith.addf %add3A_33, %add3A_38 : vector<4096x1xf32>
    %logistic3A = arith.negf %add3A_39 : vector<4096x1xf32>
    %logistic3A_40 = math.exp %logistic3A : vector<4096x1xf32>
    %logistic3A_41 = arith.constant 1.000000e+00 : f32
    %logistic3A_42 = vector.broadcast %logistic3A_41 : f32 to vector<4096x1xf32>
    %logistic3A_43 = arith.addf %logistic3A_42, %logistic3A_40 : vector<4096x1xf32>
    %logistic3A_44 = arith.divf %logistic3A_42, %logistic3A_43 : vector<4096x1xf32>
    %swap3A = arith.constant 0 : index
    %swap3A_45 = arith.constant 0 : index
    %swap3A_46 = vector.load %arg7[%swap3A, %swap3A_45] : memref<4096x1xf32, #tpu.memory_space<vmem>>, vector<4096x1xf32>
    tpu.vector_store %arg7[%swap3A, %swap3A_45], %logistic3A_44 {strides = array<i32>} : memref<4096x1xf32, #tpu.memory_space<vmem>>, vector<4096x1xf32>,
    return
  }
}

</mosaic_0001>

<sc_bundles>
// kernel: kernel.4.cloned.1.call-start
scs
__scs_entry_jumppad:
0x0: {  	(pc) =	sbr.rel $0x88, $3  }
0x1: {  	(tag) =	ssettag $0x0;
	lr =	simm.s32 $0x1  }
0x2: {  	[smem:$0x3F9A] =	sst lr;
	_ =	strace $0xD0000000  }
0x3: {  	_ = 	snop  }
0x4: {  	_ = 	snop  }
0x5: {  	_ = 	snop  }
0x6: {  	_ = 	snop  }
0x7: {  	_ = 	snop  }
__scs_overlays_trampoline_lowered:
0x8: {  	[smem:$0x3FA9] =	sst s0  }
0x9: {  	[smem:$0x3FAA] =	sst s1  }
0xa: {  	[smem:$0x3FAB] =	sst s2  }
0xb: {  	[smem:$0x3FAC] =	sst s3  }
0xc: {  	[smem:$0x3FAD] =	sst s4  }
0xd: {  	[smem:$0x3FAE] =	sst s5  }
0xe: {  	[smem:$0x3FAF] =	sst s6  }
0xf: {  	[smem:$0x3FB0] =	sst s7  }
0x10: {  	[smem:$0x3FB1] =	sst s8  }
0x11: {  	[smem:$0x3FB2] =	sst s9;
	s0 =	simm.s32 @!p0 $0x0  }
0x12: {  	s1 =	sld [smem:$0x3F98];
	s0 =	simm.s32 @p0 $0x1  }
0x13: {  	[smem:$0x3FB3] =	sst s0;
	s0 =	simm.s32 @!p1 $0x0  }
0x14: {  	s2 =	sld [smem:$0x3F97];
	s0 =	simm.s32 @p1 $0x1  }
0x15: {  	[smem:$0x3FB4] =	sst s0;
	s0 =	simm.s32 @!p2 $0x0  }
0x16: {  	s3 =	sld [smem:$0x3FDB];
	s0 =	simm.s32 @p2 $0x1  }
0x17: {  	s4 =	simm.s32 $0x1BF5;
	[smem:$0x3FB6] =	sst s0  }
0x18: {  	s0 =	sld [smem:$0x3F99];
	_ =	swait.ge [sflag:s4], $0x0  }
0x19: {  	s7 =	sld [smem:$0x3F9A]  }
0x1a: {  	s8 =	sadd.s32 $0xFFFFE003, lr  }
0x1b: {  	s9 =	sadd.s32 $0xFFFFFEF7, lr;
	s5 =	simm.s32 $0xFFFFFFFF;
	p2 =	slt.u32 s8, $0xFFFFF086  }
0x1c: {  	p1 =	slt.u32 s9, $0xF7A;
	s5 =	simm.s32 @!p2 $0x0  }
0x1d: {  	s5 =	simm.s32 @p1 $0x1;
	p0 =	seq.s32 s7, s2  }
0x1e: {  	s7 =	smul.u32 @!p0 $0xF7A, s2;
	p2 =	seq.s32 @!p0 s5, $0x0  }
0x1f: {  	s9 =	smul.u32 $0xF7A, s1;
	s8 =	simm.s32 @!p0 $0x1BF5;
	p2 =	por !p2, p0  }
0x20: {  	[sflag:s8] =	ssyncset.s32 @!p0 $0xFFFFF086;
	s6 =	sadd.s32 @!p0 s3, s7;
	s7 =	simm.s32 @!p0 $0x108  }
0x21: {  	s3 =	sadd.s32 s3, s9;
	s6 =	sadd.s32 @!p0 $0x88, s6;
	s7 =	simm.s32 @p2 $0x1082  }
0x22: {  	[simem:s7], [sflag:s8] =	dma.local @!p0 [hbm:s6], $0xF7A  }
0x23: {  	s9 =	sor.u32 $0xD0000000, s2;
	s6 =	simm.s32 $0x108;
	_ =	swait.ge @!p0 [sflag:s8], $0x0  }
0x24: {  	s3 =	sadd.s32 $0x88, s3;
	s6 =	simm.s32 @!p1 $0x1082;
	[sflag:s4] =	ssyncset.s32 $0xFFFFF086  }
0x25: {  	[simem:s6], [sflag:s4] =	dma.local [hbm:s3], $0xF7A  }
0x26: {  	[smem:$0x3F9A] =	sst s1;
	(tag) =	ssettag s2;
	_ =	strace s9  }
0x27: {  	s1 =	sld [smem:$0x3FAA]  }
0x28: {  	s2 =	sld [smem:$0x3FAB]  }
0x29: {  	s4 =	sld [smem:$0x3FAD]  }
0x2a: {  	p0 =	seq.s32 s5, $0x0;
	s5 =	sld [smem:$0x3FAE]  }
0x2b: {  	s6 =	sld [smem:$0x3FAF]  }
0x2c: {  	s7 =	sld [smem:$0x3FB0]  }
0x2d: {  	s3 =	simm.s32 $0x108;
	s8 =	sld [smem:$0x3FB1]  }
0x2e: {  	s3 =	simm.s32 @!p0 $0x1082;
	s9 =	sld [smem:$0x3FB2]  }
0x2f: {  	lr =	sadd.s32 s0, s3;
	s0 =	sld [smem:$0x3FA9]  }
0x30: {  	s3 =	sld [smem:$0x3FAC]  }
0x31: {  	[smem:$0x3FB5] =	sst s10  }
0x32: {  	s10 =	sld [smem:$0x3FB3];
	_ =	sdelay $0x3  }
0x33: {  	p0 =	seq.s32 s10, $0x1;
	s10 =	sld [smem:$0x3FB5];
	_ =	sdelay $0x3  }
0x34: {  	[smem:$0x3FB5] =	sst s10  }
0x35: {  	s10 =	sld [smem:$0x3FB4];
	_ =	sdelay $0x3  }
0x36: {  	p1 =	seq.s32 s10, $0x1;
	s10 =	sld [smem:$0x3FB5];
	_ =	sdelay $0x3  }
0x37: {  	[smem:$0x3FB5] =	sst s10  }
0x38: {  	s10 =	sld [smem:$0x3FB6]  }
0x39: {  	_ = 	snop;
	(pc) =	sbr.ind lr, $3  }
0x3a: {  	_ = 	snop  }
0x3b: {  	_ = 	snop  }
0x3c: {  	p2 =	seq.s32 s10, $0x1;
	s10 =	sld [smem:$0x3FB5]  }
0x3d: {  	_ =	shalt  }
0x3e: {  	_ =	shalt  }
0x3f: {  	_ =	shalt  }
0x40: {  	_ =	shalt  }
0x41: {  	_ =	shalt  }
0x42: {  	_ =	shalt  }
0x43: {  	_ =	shalt  }
0x44: {  	_ =	shalt  }
0x45: {  	_ =	shalt  }
0x46: {  	_ =	shalt  }
0x47: {  	_ =	shalt  }
0x48: {  	_ =	shalt  }
0x49: {  	_ =	shalt  }
0x4a: {  	_ =	shalt  }
0x4b: {  	_ =	shalt  }
0x4c: {  	_ =	shalt  }
0x4d: {  	_ =	shalt  }
0x4e: {  	_ =	shalt  }
0x4f: {  	_ =	shalt  }
0x50: {  	_ =	shalt  }
0x51: {  	_ =	shalt  }
0x52: {  	_ =	shalt  }
0x53: {  	_ =	shalt  }
0x54: {  	_ =	shalt  }
0x55: {  	_ =	shalt  }
0x56: {  	_ =	shalt  }
0x57: {  	_ =	shalt  }
0x58: {  	_ =	shalt  }
0x59: {  	_ =	shalt  }
0x5a: {  	_ =	shalt  }
0x5b: {  	_ =	shalt  }
0x5c: {  	_ =	shalt  }
0x5d: {  	_ =	shalt  }
0x5e: {  	_ =	shalt  }
0x5f: {  	_ =	shalt  }
0x60: {  	_ =	shalt  }
0x61: {  	_ =	shalt  }
0x62: {  	_ =	shalt  }
0x63: {  	_ =	shalt  }
0x64: {  	_ =	shalt  }
0x65: {  	_ =	shalt  }
0x66: {  	_ =	shalt  }
0x67: {  	_ =	shalt  }
0x68: {  	_ =	shalt  }
0x69: {  	_ =	shalt  }
0x6a: {  	_ =	shalt  }
0x6b: {  	_ =	shalt  }
0x6c: {  	_ =	shalt  }
0x6d: {  	_ =	shalt  }
0x6e: {  	_ =	shalt  }
0x6f: {  	_ =	shalt  }
0x70: {  	_ =	shalt  }
0x71: {  	_ =	shalt  }
0x72: {  	_ =	shalt  }
0x73: {  	_ =	shalt  }
0x74: {  	_ =	shalt  }
0x75: {  	_ =	shalt  }
0x76: {  	_ =	shalt  }
0x77: {  	_ =	shalt  }
0x78: {  	_ =	shalt  }
0x79: {  	_ =	shalt  }
0x7a: {  	_ =	shalt  }
0x7b: {  	_ =	shalt  }
0x7c: {  	_ =	shalt  }
0x7d: {  	_ =	shalt  }
0x7e: {  	_ =	shalt  }
0x7f: {  	_ =	shalt  }
0x80: {  	_ =	shalt  }
0x81: {  	_ =	shalt  }
0x82: {  	_ =	shalt  }
0x83: {  	_ =	shalt  }
0x84: {  	_ =	shalt  }
0x85: {  	_ =	shalt  }
0x86: {  	_ =	shalt  }
0x87: {  	_ =	shalt  }
.Lfunc_end0:
.L_simem_size_0:
called_computation_lowered:
.L_overlay_start_0:
0x88: {  	s2 =	sld [smem:$0x3FD9]  }
0x89: {  	s3 =	sld [smem:$0x3FFE];
	_ =	sdelay $0x1  }
0x8a: {  	s1 =	srdreg.scid  }
0x8b: {  	s0 =	sand.u32 $0x1, s1  }
0x8c: {  	s17 =	sshll.u32 s0, $0xA;
	s2 =	sadd.s32 s3, s2  }
0x8d: {  	s2 =	sadd.s32 s2, s17  }
0x8e: {  	[smem:$0x3FC1] =	sst s2  }
0x8f: {  	_ = 	snop  }
0x90: {  	s2 =	sld [smem:$0x3FD0];
	(tm) =	ssettm $0x1  }
0x91: {  	s18 =	sld [smem:$0x3FFB];
	_ =	sdelay $0x3  }
0x92: {  	_ =	strace s18  }
0x93: {  	s3 =	sld [smem:$0x3FFC];
	_ =	sdelay $0x3  }
0x94: {  	_ =	strace s3  }
0x95: {  	s3 =	sld [smem:$0x3FFD];
	_ =	sdelay $0x3  }
0x96: {  	_ =	strace s3  }
0x97: {  	_ =	strace $0x8FFFFFFF  }
0x98: {  	s19 =	sld [smem:$0x3FDB];
	_ =	sdelay $0x1  }
0x99: {  	s4 =	simm.s32 $_scs_section_size  }
0x9a: {  	s5 =	simm.s32 $_size__tile_overlayer_lowered;
	s6 =	simm.s32 $_tile_overlayer_lowered  }
0x9b: {  	s22 =	simm.s32 $0x1BFF;
	s21 =	sshll.u32 s6, $0x1;
	s3 =	sadd.s32 s4, s19  }
0x9c: {  	s7 =	simm.s32 $0x0;
	s20 =	sshll.u32 s5, $0x1;
	s5 =	sadd.s32 s21, s3  }
0x9d: {  	[timem:s7], [sflag:s22] =	dma.local [hbm:s5], s20  }
0x9e: {  	_ =	swait.ge [sflag:s22], s20  }
0x9f: {  	s4 =	ssub.s32 $0x0, s20;
	[sflag:s22] =	ssyncset.done $0x0  }
0xa0: {  	[sflag:s22] =	ssyncadd.s32 s4;
	_ =	sdelay $0x1  }
0xa1: {  	s23 =	simm.s32 $0x1B8B  }
0xa2: {  	_ =	swait.ge [sflag:s23], $0x1  }
0xa3: {  	[sflag:s23] =	ssyncset.done $0x0  }
0xa4: {  	s25 =	simm.s32 $0x1B8E;
	s24 =	sld [smem:$0x3FFE];
	[sflag:s23] =	ssyncadd.s32 $0xFFFFFFFF  }
0xa5: {  	s26 =	simm.s32 $execute0_lowered;
	[smem:$0x3FD2] =	sst s25  }
0xa6: {  	s5 =	sshll.u32 s26, $0x1;
	_ =	strace $0x80000046;
	[dreg:$0x1] =	wrdreg $0xFFFFFFFF  }
0xa7: {  	s28 =	simm.s32 $_size_execute0_lowered;
	s3 =	sadd.s32 s3, s5;
	[dreg:$0x0] =	wrdreg $0x0  }
0xa8: {  	s5 =	sshll.u32 s28, $0x1;
	[dreg:$0x2] =	wrdreg s3  }
0xa9: {  	[dreg:$0x3] =	wrdreg s5  }
0xaa: {  	[dreg:$0x4] =	wrdreg $0xC0  }
0xab: {  	_ =	task [dreg:s7], $0x5FFFF  }
0xac: {  	[dreg:$0x1] =	wrdreg $0xFFFFFFFF  }
0xad: {  	[dreg:$0x0] =	wrdreg $0x60  }
0xae: {  	[dreg:$0x2] =	wrdreg s24  }
0xaf: {  	[dreg:$0x3] =	wrdreg s2  }
0xb0: {  	[dreg:$0x4] =	wrdreg $0x9  }
0xb1: {  	_ =	task.clear_ibuf [dreg:s7], $0x5FFFF;
	_ =	strace $0x90000046  }
0xb2: {  	s29 =	simm.s32 $0x9;
	_ =	strace $0x80000048  }
0xb3: {  	_ =	swait.ge [sflag:s29], $0x1  }
0xb4: {  	[sflag:s29] =	ssyncadd.s32 $0xFFFFFFFF  }
0xb5: {  	_ =	strace $0x90000048  }
0xb6: {  	_ =	sfence  }
0xb7: {  	s30 =	sld [smem:$0x0];
	_ =	sdelay $0x2  }
0xb8: {  	s31 =	sshll.u32 s1, $0xD;
	s1 =	sshrl.u32 s1, $0x2  }
0xb9: {  	s3 =	sand.u32 $0x4000, s31;
	s1 =	sadd.s32 s1, s30  }
0xba: {  	s0 =	sor.u32 s3, s0;
	s1 =	sshll.u32 s1, $0x11  }
0xbb: {  	s0 =	sor.u32 s1, s0  }
0xbc: {  	s0 =	sadd.s32 $0x8F2B, s0  }
0xbd: {  	[sflag:s0] =	ssyncadd.remote.s32 $0x1  }
0xbe: {  	_ =	sfence.sel $0xFFFF  }
0xbf: {  	[dreg:$0x0] =	wrdreg $0xFFFFFFFF;
	(pc) =	sbr.abs _section_cstart, $3  }
0xc0: {  	[dreg:$0x1] =	wrdreg $0xFFFFFFFF  }
0xc1: {  	_ =	task.clear_ibuf [dreg:s7], $0x2FFFF;
	_ =	strace $0x9FFFFFFF  }
0xc2: {  	(tm) =	ssettm $0x7FFFFFFF  }
0xc3: {  	_ =	shalt  }
tec
execute0_lowered:
.L_overlay_start_1:
0x0: {  	(tag) =	ssettag $0x1  }
0x1: {  	s0 =	srdreg.scid  }
0x2: {  	s2 =	stileid.u32;
	s1 =	rddreg [dreg:$0x0]  }
0x3: {  	s5 =	rddreg [dreg:$0x1];
	s10 =	simm.s32 $0x3;
	s11 =	simm.s32 $0x80  }
0x4: {  	s13 =	simm.s32 $0x400;
	s17 =	simm.s32 $0x480;
	s21 =	simm.s32 $0x500  }
0x5: {  	s31 =	simm.s32 $0x600;
	s14 =	simm.s32 $0x680;
	s20 =	simm.s32 $0x700  }
0x6: {  	s28 =	simm.s32 $0x780;
	s12 =	simm.s32 $0x800;
	s23 =	simm.s32 $0x880  }
0x7: {  	s24 =	simm.s32 $0x980;
	s18 =	simm.s32 $0xA00;
	s30 =	simm.s32 $0xA80  }
0x8: {  	s15 =	simm.s32 $0xB00;
	s16 =	simm.s32 $0xB80;
	s19 =	simm.s32 $0xC00  }
0x9: {  	s22 =	simm.s32 $0xC80;
	s0 =	sand.u32 $0x1, s0;
	s2 =	sshll.u32 s2, $0x1  }
0xa: {  	s25 =	simm.s32 $0x0;
	s4 =	sadd.s32 $0xF43200, s1;
	s6 =	sor.u32 s0, s2  }
0xb: {  	s2 =	simm.s32 $0x0;
	s0 =	ssub.s32 $0x2, s0;
	s3 =	smul.u32 $0x1A0, s6  }
0xc: {  	[smem:$0x7FF] =	sst s2;
	s8 =	sshll.u32 s6, $0x8;
	s9 =	sshrl.u32 s0, $0x1  }
0xd: {  	s6 =	sshll.u32 s6, $0x4;
	_ =	strace $0x80000047;
	s0 =	ssub.s32 s0, s9  }
0xe: {  	s29 =	sadd.s32 s5, s6;
	s5 =	simm.s32 $0x1;
	s7 =	sadd.s32 s3, s1  }
0xf: {  	s3 =	sadd.s32 $0x4200, s1;
	[dreg:$0x6] =	wrdreg s29;
	s0 =	smax.u32 s0, $0x1  }
0x10: {  	s1 =	sadd.s32 s8, s1;
	s7 =	sadd.s32 $0xE00, s7;
	[dreg:$0x7] =	wrdreg s0  }
0x11: {  	s6 =	simm.s32 $0x2;
	s26 =	sadd.s32 $0x24C00, s1;
	[dreg:$0x3] =	wrdreg s7  }
0x12: {  	s1 =	sadd.s32 $0x22C00, s1;
	s0 =	simm.s32 $0x900;
	[dreg:$0x4] =	wrdreg s26  }
0x13: {  	[dreg:$0x5] =	wrdreg s1;
	s1 =	simm.s32 $0x380;
	s26 =	simm.s32 $0x580  }
.LBB2_1:
0x14: {  	s7 =	rddreg [dreg:$0x3]  }
0x15: {  	[tilespmem:s2], [sflag:$0x3] =	stream.linear.gather [hbm4b:s7+s2], $0xD00, $0x38;
	[tilespmem:$0xFA80] =	vst v63  }
0x16: {  	_ =	swait.ge [sflag:s10], $0xD00  }
0x17: {  	[sflag:s10] =	ssyncset.done $0x0  }
0x18: {  	s9 =	simm.s32 $0xD00;
	[sflag:s10] =	ssyncadd.s32 $0xFFFFF300  }
0x19: {  	[tilespmem:s9], [sflag:$0x1] =	stream.indirect.gather [hbm4b:s4+s11], $0x10, s2, s11, $0xb8;
	[tilespmem:$0xFA80] =	vst v63  }
0x1a: {  	s8 =	simm.s32 $0xDD00  }
0x1b: {  	[tilespmem:s8], [sflag:$0x2] =	stream.indirect.gather [hbm4b:s3+s11], $0x1, s2, s11, $0xb8;
	[tilespmem:$0xFA80] =	vst v63  }
0x1c: {  	s9 =	simm.s32 $0x1500  }
0x1d: {  	[tilespmem:s9], [sflag:$0x1] =	stream.indirect.gather [hbm4b:s4+s11], $0x10, s11, s11, $0xb8;
	[tilespmem:$0xFA80] =	vst v63  }
0x1e: {  	s8 =	simm.s32 $0xDD80  }
0x1f: {  	[tilespmem:s8], [sflag:$0x2] =	stream.indirect.gather [hbm4b:s3+s11], $0x1, s11, s11, $0xb8;
	[tilespmem:$0xFA80] =	vst v63  }
0x20: {  	s7 =	simm.s32 $0x100;
	s8 =	simm.s32 $0x1D00  }
0x21: {  	[tilespmem:s8], [sflag:$0x1] =	stream.indirect.gather [hbm4b:s4+s11], $0x10, s7, s11, $0xb8;
	[tilespmem:$0xFA80] =	vst v63  }
0x22: {  	s9 =	simm.s32 $0xDE00  }
0x23: {  	[tilespmem:s9], [sflag:$0x2] =	stream.indirect.gather [hbm4b:s3+s11], $0x1, s7, s11, $0xb8;
	[tilespmem:$0xFA80] =	vst v63  }
0x24: {  	s7 =	simm.s32 $0x180;
	s9 =	simm.s32 $0x2500  }
0x25: {  	[tilespmem:s9], [sflag:$0x1] =	stream.indirect.gather [hbm4b:s4+s11], $0x10, s7, s11, $0xb8;
	[tilespmem:$0xFA80] =	vst v63  }
0x26: {  	s9 =	simm.s32 $0xDE80  }
0x27: {  	[tilespmem:s9], [sflag:$0x2] =	stream.indirect.gather [hbm4b:s3+s11], $0x1, s7, s11, $0xb8;
	[tilespmem:$0xFA80] =	vst v63  }
0x28: {  	s7 =	simm.s32 $0x200;
	s9 =	simm.s32 $0x2D00  }
0x29: {  	[tilespmem:s9], [sflag:$0x1] =	stream.indirect.gather [hbm4b:s4+s11], $0x10, s7, s11, $0xb8;
	[tilespmem:$0xFA80] =	vst v63  }
0x2a: {  	s9 =	simm.s32 $0xDF00  }
0x2b: {  	[tilespmem:s9], [sflag:$0x2] =	stream.indirect.gather [hbm4b:s3+s11], $0x1, s7, s11, $0xb8;
	[tilespmem:$0xFA80] =	vst v63  }
0x2c: {  	s7 =	simm.s32 $0x280;
	s9 =	simm.s32 $0x3500  }
0x2d: {  	[tilespmem:s9], [sflag:$0x1] =	stream.indirect.gather [hbm4b:s4+s11], $0x10, s7, s11, $0xb8;
	[tilespmem:$0xFA80] =	vst v63  }
0x2e: {  	s9 =	simm.s32 $0xDF80  }
0x2f: {  	[tilespmem:s9], [sflag:$0x2] =	stream.indirect.gather [hbm4b:s3+s11], $0x1, s7, s11, $0xb8;
	[tilespmem:$0xFA80] =	vst v63  }
0x30: {  	s7 =	simm.s32 $0x300;
	s9 =	simm.s32 $0x3D00  }
0x31: {  	[tilespmem:s9], [sflag:$0x1] =	stream.indirect.gather [hbm4b:s4+s11], $0x10, s7, s11, $0xb8;
	[tilespmem:$0xFA80] =	vst v63  }
0x32: {  	s9 =	simm.s32 $0xE000  }
0x33: {  	[tilespmem:s9], [sflag:$0x2] =	stream.indirect.gather [hbm4b:s3+s11], $0x1, s7, s11, $0xb8;
	[tilespmem:$0xFA80] =	vst v63  }
0x34: {  	s8 =	simm.s32 $0x4500  }
0x35: {  	[tilespmem:s8], [sflag:$0x1] =	stream.indirect.gather [hbm4b:s4+s11], $0x10, s1, s11, $0xb8;
	[tilespmem:$0xFA80] =	vst v63  }
0x36: {  	s9 =	simm.s32 $0xE080  }
0x37: {  	[tilespmem:s9], [sflag:$0x2] =	stream.indirect.gather [hbm4b:s3+s11], $0x1, s1, s11, $0xb8;
	[tilespmem:$0xFA80] =	vst v63  }
0x38: {  	s8 =	simm.s32 $0x4D00  }
0x39: {  	[tilespmem:s8], [sflag:$0x1] =	stream.indirect.gather [hbm4b:s4+s11], $0x10, s13, s11, $0xb8;
	[tilespmem:$0xFA80] =	vst v63  }
0x3a: {  	s9 =	simm.s32 $0xE100  }
0x3b: {  	[tilespmem:s9], [sflag:$0x2] =	stream.indirect.gather [hbm4b:s3+s11], $0x1, s13, s11, $0xb8;
	[tilespmem:$0xFA80] =	vst v63  }
0x3c: {  	s8 =	simm.s32 $0x5500  }
0x3d: {  	[tilespmem:s8], [sflag:$0x1] =	stream.indirect.gather [hbm4b:s4+s11], $0x10, s17, s11, $0xb8;
	[tilespmem:$0xFA80] =	vst v63  }
0x3e: {  	s9 =	simm.s32 $0xE180  }
0x3f: {  	[tilespmem:s9], [sflag:$0x2] =	stream.indirect.gather [hbm4b:s3+s11], $0x1, s17, s11, $0xb8;
	[tilespmem:$0xFA80] =	vst v63  }
0x40: {  	s8 =	simm.s32 $0x5D00  }
0x41: {  	[tilespmem:s8], [sflag:$0x1] =	stream.indirect.gather [hbm4b:s4+s11], $0x10, s21, s11, $0xb8;
	[tilespmem:$0xFA80] =	vst v63  }
0x42: {  	s9 =	simm.s32 $0xE200  }
0x43: {  	[tilespmem:s9], [sflag:$0x2] =	stream.indirect.gather [hbm4b:s3+s11], $0x1, s21, s11, $0xb8;
	[tilespmem:$0xFA80] =	vst v63  }
0x44: {  	s8 =	simm.s32 $0x6500  }
0x45: {  	[tilespmem:s8], [sflag:$0x1] =	stream.indirect.gather [hbm4b:s4+s11], $0x10, s26, s11, $0xb8;
	[tilespmem:$0xFA80] =	vst v63  }
0x46: {  	s9 =	simm.s32 $0xE280  }
0x47: {  	[tilespmem:s9], [sflag:$0x2] =	stream.indirect.gather [hbm4b:s3+s11], $0x1, s26, s11, $0xb8;
	[tilespmem:$0xFA80] =	vst v63  }
0x48: {  	s8 =	simm.s32 $0x6D00  }
0x49: {  	[tilespmem:s8], [sflag:$0x1] =	stream.indirect.gather [hbm4b:s4+s11], $0x10, s31, s11, $0xb8;
	[tilespmem:$0xFA80] =	vst v63  }
0x4a: {  	s9 =	simm.s32 $0xE300  }
0x4b: {  	[tilespmem:s9], [sflag:$0x2] =	stream.indirect.gather [hbm4b:s3+s11], $0x1, s31, s11, $0xb8;
	[tilespmem:$0xFA80] =	vst v63  }
0x4c: {  	s8 =	simm.s32 $0x7500  }
0x4d: {  	[tilespmem:s8], [sflag:$0x1] =	stream.indirect.gather [hbm4b:s4+s11], $0x10, s14, s11, $0xb8;
	[tilespmem:$0xFA80] =	vst v63  }
0x4e: {  	s9 =	simm.s32 $0xE380  }
0x4f: {  	[tilespmem:s9], [sflag:$0x2] =	stream.indirect.gather [hbm4b:s3+s11], $0x1, s14, s11, $0xb8;
	[tilespmem:$0xFA80] =	vst v63  }
0x50: {  	s8 =	simm.s32 $0x7D00  }
0x51: {  	[tilespmem:s8], [sflag:$0x1] =	stream.indirect.gather [hbm4b:s4+s11], $0x10, s20, s11, $0xb8;
	[tilespmem:$0xFA80] =	vst v63  }
0x52: {  	s9 =	simm.s32 $0xE400  }
0x53: {  	[tilespmem:s9], [sflag:$0x2] =	stream.indirect.gather [hbm4b:s3+s11], $0x1, s20, s11, $0xb8;
	[tilespmem:$0xFA80] =	vst v63  }
0x54: {  	s8 =	simm.s32 $0x8500  }
0x55: {  	[tilespmem:s8], [sflag:$0x1] =	stream.indirect.gather [hbm4b:s4+s11], $0x10, s28, s11, $0xb8;
	[tilespmem:$0xFA80] =	vst v63  }
0x56: {  	s9 =	simm.s32 $0xE480  }
0x57: {  	[tilespmem:s9], [sflag:$0x2] =	stream.indirect.gather [hbm4b:s3+s11], $0x1, s28, s11, $0xb8;
	[tilespmem:$0xFA80] =	vst v63  }
0x58: {  	s8 =	simm.s32 $0x8D00  }
0x59: {  	[tilespmem:s8], [sflag:$0x1] =	stream.indirect.gather [hbm4b:s4+s11], $0x10, s12, s11, $0xb8;
	[tilespmem:$0xFA80] =	vst v63  }
0x5a: {  	s9 =	simm.s32 $0xE500  }
0x5b: {  	[tilespmem:s9], [sflag:$0x2] =	stream.indirect.gather [hbm4b:s3+s11], $0x1, s12, s11, $0xb8;
	[tilespmem:$0xFA80] =	vst v63  }
0x5c: {  	s8 =	simm.s32 $0x9500  }
0x5d: {  	[tilespmem:s8], [sflag:$0x1] =	stream.indirect.gather [hbm4b:s4+s11], $0x10, s23, s11, $0xb8;
	[tilespmem:$0xFA80] =	vst v63  }
0x5e: {  	s9 =	simm.s32 $0xE580  }
0x5f: {  	[tilespmem:s9], [sflag:$0x2] =	stream.indirect.gather [hbm4b:s3+s11], $0x1, s23, s11, $0xb8;
	[tilespmem:$0xFA80] =	vst v63  }
0x60: {  	s8 =	simm.s32 $0x9D00  }
0x61: {  	[tilespmem:s8], [sflag:$0x1] =	stream.indirect.gather [hbm4b:s4+s11], $0x10, s0, s11, $0xb8;
	[tilespmem:$0xFA80] =	vst v63  }
0x62: {  	s9 =	simm.s32 $0xE600  }
0x63: {  	[tilespmem:s9], [sflag:$0x2] =	stream.indirect.gather [hbm4b:s3+s11], $0x1, s0, s11, $0xb8;
	[tilespmem:$0xFA80] =	vst v63  }
0x64: {  	s8 =	simm.s32 $0xA500  }
0x65: {  	[tilespmem:s8], [sflag:$0x1] =	stream.indirect.gather [hbm4b:s4+s11], $0x10, s24, s11, $0xb8;
	[tilespmem:$0xFA80] =	vst v63  }
0x66: {  	s9 =	simm.s32 $0xE680  }
0x67: {  	[tilespmem:s9], [sflag:$0x2] =	stream.indirect.gather [hbm4b:s3+s11], $0x1, s24, s11, $0xb8;
	[tilespmem:$0xFA80] =	vst v63  }
0x68: {  	s8 =	simm.s32 $0xAD00  }
0x69: {  	[tilespmem:s8], [sflag:$0x1] =	stream.indirect.gather [hbm4b:s4+s11], $0x10, s18, s11, $0xb8;
	[tilespmem:$0xFA80] =	vst v63  }
0x6a: {  	s9 =	simm.s32 $0xE700  }
0x6b: {  	[tilespmem:s9], [sflag:$0x2] =	stream.indirect.gather [hbm4b:s3+s11], $0x1, s18, s11, $0xb8;
	[tilespmem:$0xFA80] =	vst v63  }
0x6c: {  	s8 =	simm.s32 $0xB500  }
0x6d: {  	[tilespmem:s8], [sflag:$0x1] =	stream.indirect.gather [hbm4b:s4+s11], $0x10, s30, s11, $0xb8;
	[tilespmem:$0xFA80] =	vst v63  }
0x6e: {  	s9 =	simm.s32 $0xE780  }
0x6f: {  	[tilespmem:s9], [sflag:$0x2] =	stream.indirect.gather [hbm4b:s3+s11], $0x1, s30, s11, $0xb8;
	[tilespmem:$0xFA80] =	vst v63  }
0x70: {  	s8 =	simm.s32 $0xBD00  }
0x71: {  	[tilespmem:s8], [sflag:$0x1] =	stream.indirect.gather [hbm4b:s4+s11], $0x10, s15, s11, $0xb8;
	[tilespmem:$0xFA80] =	vst v63  }
0x72: {  	s9 =	simm.s32 $0xE800  }
0x73: {  	[tilespmem:s9], [sflag:$0x2] =	stream.indirect.gather [hbm4b:s3+s11], $0x1, s15, s11, $0xb8;
	[tilespmem:$0xFA80] =	vst v63  }
0x74: {  	s8 =	simm.s32 $0xC500  }
0x75: {  	[tilespmem:s8], [sflag:$0x1] =	stream.indirect.gather [hbm4b:s4+s11], $0x10, s16, s11, $0xb8;
	[tilespmem:$0xFA80] =	vst v63  }
0x76: {  	s9 =	simm.s32 $0xE880  }
0x77: {  	[tilespmem:s9], [sflag:$0x2] =	stream.indirect.gather [hbm4b:s3+s11], $0x1, s16, s11, $0xb8;
	[tilespmem:$0xFA80] =	vst v63  }
0x78: {  	s8 =	simm.s32 $0xCD00  }
0x79: {  	[tilespmem:s8], [sflag:$0x1] =	stream.indirect.gather [hbm4b:s4+s11], $0x10, s19, s11, $0xb8;
	[tilespmem:$0xFA80] =	vst v63  }
0x7a: {  	s9 =	simm.s32 $0xE900  }
0x7b: {  	[tilespmem:s9], [sflag:$0x2] =	stream.indirect.gather [hbm4b:s3+s11], $0x1, s19, s11, $0xb8;
	[tilespmem:$0xFA80] =	vst v63  }
0x7c: {  	s8 =	simm.s32 $0xD500  }
0x7d: {  	[tilespmem:s8], [sflag:$0x1] =	stream.indirect.gather [hbm4b:s4+s11], $0x10, s22, s11, $0xb8;
	[tilespmem:$0xFA80] =	vst v63  }
0x7e: {  	s9 =	simm.s32 $0xE980  }
0x7f: {  	[tilespmem:s9], [sflag:$0x2] =	stream.indirect.gather [hbm4b:s3+s11], $0x1, s22, s11, $0xb8;
	[tilespmem:$0xFA80] =	vst v63  }
0x80: {  	_ =	swait.ge [sflag:s5], $0x800  }
0x81: {  	[sflag:s5] =	ssyncset.done $0x0  }
0x82: {  	[sflag:s5] =	ssyncadd.s32 $0xFFFFF800  }
0x83: {  	_ =	swait.ge [sflag:s6], $0x80  }
0x84: {  	[sflag:s6] =	ssyncset.done $0x0  }
0x85: {  	[sflag:s6] =	ssyncadd.s32 $0xFFFFFF80  }
0x86: {  	_ =	swait.ge [sflag:s5], $0x800  }
0x87: {  	[sflag:s5] =	ssyncset.done $0x0  }
0x88: {  	[sflag:s5] =	ssyncadd.s32 $0xFFFFF800  }
0x89: {  	_ =	swait.ge [sflag:s6], $0x80  }
0x8a: {  	[sflag:s6] =	ssyncset.done $0x0  }
0x8b: {  	[sflag:s6] =	ssyncadd.s32 $0xFFFFFF80  }
0x8c: {  	_ =	swait.ge [sflag:s5], $0x800  }
0x8d: {  	[sflag:s5] =	ssyncset.done $0x0  }
0x8e: {  	[sflag:s5] =	ssyncadd.s32 $0xFFFFF800  }
0x8f: {  	_ =	swait.ge [sflag:s6], $0x80  }
0x90: {  	[sflag:s6] =	ssyncset.done $0x0  }
0x91: {  	[sflag:s6] =	ssyncadd.s32 $0xFFFFFF80  }
0x92: {  	_ =	swait.ge [sflag:s5], $0x800  }
0x93: {  	[sflag:s5] =	ssyncset.done $0x0  }
0x94: {  	[sflag:s5] =	ssyncadd.s32 $0xFFFFF800  }
0x95: {  	_ =	swait.ge [sflag:s6], $0x80  }
0x96: {  	[sflag:s6] =	ssyncset.done $0x0  }
0x97: {  	[sflag:s6] =	ssyncadd.s32 $0xFFFFFF80  }
0x98: {  	_ =	swait.ge [sflag:s5], $0x800  }
0x99: {  	[sflag:s5] =	ssyncset.done $0x0  }
0x9a: {  	[sflag:s5] =	ssyncadd.s32 $0xFFFFF800  }
0x9b: {  	_ =	swait.ge [sflag:s6], $0x80  }
0x9c: {  	[sflag:s6] =	ssyncset.done $0x0  }
0x9d: {  	[sflag:s6] =	ssyncadd.s32 $0xFFFFFF80  }
0x9e: {  	_ =	swait.ge [sflag:s5], $0x800  }
0x9f: {  	[sflag:s5] =	ssyncset.done $0x0  }
0xa0: {  	[sflag:s5] =	ssyncadd.s32 $0xFFFFF800  }
0xa1: {  	_ =	swait.ge [sflag:s6], $0x80  }
0xa2: {  	[sflag:s6] =	ssyncset.done $0x0  }
0xa3: {  	[sflag:s6] =	ssyncadd.s32 $0xFFFFFF80  }
0xa4: {  	_ =	swait.ge [sflag:s5], $0x800  }
0xa5: {  	[sflag:s5] =	ssyncset.done $0x0  }
0xa6: {  	[sflag:s5] =	ssyncadd.s32 $0xFFFFF800  }
0xa7: {  	_ =	swait.ge [sflag:s6], $0x80  }
0xa8: {  	[sflag:s6] =	ssyncset.done $0x0  }
0xa9: {  	[sflag:s6] =	ssyncadd.s32 $0xFFFFFF80  }
0xaa: {  	_ =	swait.ge [sflag:s5], $0x800  }
0xab: {  	[sflag:s5] =	ssyncset.done $0x0  }
0xac: {  	[sflag:s5] =	ssyncadd.s32 $0xFFFFF800  }
0xad: {  	_ =	swait.ge [sflag:s6], $0x80  }
0xae: {  	[sflag:s6] =	ssyncset.done $0x0  }
0xaf: {  	[sflag:s6] =	ssyncadd.s32 $0xFFFFFF80  }
0xb0: {  	_ =	swait.ge [sflag:s5], $0x800  }
0xb1: {  	[sflag:s5] =	ssyncset.done $0x0  }
0xb2: {  	[sflag:s5] =	ssyncadd.s32 $0xFFFFF800  }
0xb3: {  	_ =	swait.ge [sflag:s6], $0x80  }
0xb4: {  	[sflag:s6] =	ssyncset.done $0x0  }
0xb5: {  	[sflag:s6] =	ssyncadd.s32 $0xFFFFFF80  }
0xb6: {  	_ =	swait.ge [sflag:s5], $0x800  }
0xb7: {  	[sflag:s5] =	ssyncset.done $0x0  }
0xb8: {  	[sflag:s5] =	ssyncadd.s32 $0xFFFFF800  }
0xb9: {  	_ =	swait.ge [sflag:s6], $0x80  }
0xba: {  	[sflag:s6] =	ssyncset.done $0x0  }
0xbb: {  	[sflag:s6] =	ssyncadd.s32 $0xFFFFFF80  }
0xbc: {  	_ =	swait.ge [sflag:s5], $0x800  }
0xbd: {  	[sflag:s5] =	ssyncset.done $0x0  }
0xbe: {  	[sflag:s5] =	ssyncadd.s32 $0xFFFFF800  }
0xbf: {  	_ =	swait.ge [sflag:s6], $0x80  }
0xc0: {  	[sflag:s6] =	ssyncset.done $0x0  }
0xc1: {  	[sflag:s6] =	ssyncadd.s32 $0xFFFFFF80  }
0xc2: {  	_ =	swait.ge [sflag:s5], $0x800  }
0xc3: {  	[sflag:s5] =	ssyncset.done $0x0  }
0xc4: {  	[sflag:s5] =	ssyncadd.s32 $0xFFFFF800  }
0xc5: {  	_ =	swait.ge [sflag:s6], $0x80  }
0xc6: {  	[sflag:s6] =	ssyncset.done $0x0  }
0xc7: {  	[sflag:s6] =	ssyncadd.s32 $0xFFFFFF80  }
0xc8: {  	_ =	swait.ge [sflag:s5], $0x800  }
0xc9: {  	[sflag:s5] =	ssyncset.done $0x0  }
0xca: {  	[sflag:s5] =	ssyncadd.s32 $0xFFFFF800  }
0xcb: {  	_ =	swait.ge [sflag:s6], $0x80  }
0xcc: {  	[sflag:s6] =	ssyncset.done $0x0  }
0xcd: {  	[sflag:s6] =	ssyncadd.s32 $0xFFFFFF80  }
0xce: {  	_ =	swait.ge [sflag:s5], $0x800  }
0xcf: {  	[sflag:s5] =	ssyncset.done $0x0  }
0xd0: {  	[sflag:s5] =	ssyncadd.s32 $0xFFFFF800  }
0xd1: {  	_ =	swait.ge [sflag:s6], $0x80  }
0xd2: {  	[sflag:s6] =	ssyncset.done $0x0  }
0xd3: {  	[sflag:s6] =	ssyncadd.s32 $0xFFFFFF80  }
0xd4: {  	_ =	swait.ge [sflag:s5], $0x800  }
0xd5: {  	[sflag:s5] =	ssyncset.done $0x0  }
0xd6: {  	[sflag:s5] =	ssyncadd.s32 $0xFFFFF800  }
0xd7: {  	_ =	swait.ge [sflag:s6], $0x80  }
0xd8: {  	[sflag:s6] =	ssyncset.done $0x0  }
0xd9: {  	[sflag:s6] =	ssyncadd.s32 $0xFFFFFF80  }
0xda: {  	_ =	swait.ge [sflag:s5], $0x800  }
0xdb: {  	[sflag:s5] =	ssyncset.done $0x0  }
0xdc: {  	[sflag:s5] =	ssyncadd.s32 $0xFFFFF800  }
0xdd: {  	_ =	swait.ge [sflag:s6], $0x80  }
0xde: {  	[sflag:s6] =	ssyncset.done $0x0  }
0xdf: {  	[sflag:s6] =	ssyncadd.s32 $0xFFFFFF80  }
0xe0: {  	_ =	swait.ge [sflag:s5], $0x800  }
0xe1: {  	[sflag:s5] =	ssyncset.done $0x0  }
0xe2: {  	[sflag:s5] =	ssyncadd.s32 $0xFFFFF800  }
0xe3: {  	_ =	swait.ge [sflag:s6], $0x80  }
0xe4: {  	[sflag:s6] =	ssyncset.done $0x0  }
0xe5: {  	[sflag:s6] =	ssyncadd.s32 $0xFFFFFF80  }
0xe6: {  	_ =	swait.ge [sflag:s5], $0x800  }
0xe7: {  	[sflag:s5] =	ssyncset.done $0x0  }
0xe8: {  	[sflag:s5] =	ssyncadd.s32 $0xFFFFF800  }
0xe9: {  	_ =	swait.ge [sflag:s6], $0x80  }
0xea: {  	[sflag:s6] =	ssyncset.done $0x0  }
0xeb: {  	[sflag:s6] =	ssyncadd.s32 $0xFFFFFF80  }
0xec: {  	_ =	swait.ge [sflag:s5], $0x800  }
0xed: {  	[sflag:s5] =	ssyncset.done $0x0  }
0xee: {  	[sflag:s5] =	ssyncadd.s32 $0xFFFFF800  }
0xef: {  	_ =	swait.ge [sflag:s6], $0x80  }
0xf0: {  	[sflag:s6] =	ssyncset.done $0x0  }
0xf1: {  	[sflag:s6] =	ssyncadd.s32 $0xFFFFFF80  }
0xf2: {  	_ =	swait.ge [sflag:s5], $0x800  }
0xf3: {  	[sflag:s5] =	ssyncset.done $0x0  }
0xf4: {  	[sflag:s5] =	ssyncadd.s32 $0xFFFFF800  }
0xf5: {  	_ =	swait.ge [sflag:s6], $0x80  }
0xf6: {  	[sflag:s6] =	ssyncset.done $0x0  }
0xf7: {  	[sflag:s6] =	ssyncadd.s32 $0xFFFFFF80  }
0xf8: {  	_ =	swait.ge [sflag:s5], $0x800  }
0xf9: {  	[sflag:s5] =	ssyncset.done $0x0  }
0xfa: {  	[sflag:s5] =	ssyncadd.s32 $0xFFFFF800  }
0xfb: {  	_ =	swait.ge [sflag:s6], $0x80  }
0xfc: {  	[sflag:s6] =	ssyncset.done $0x0  }
0xfd: {  	[sflag:s6] =	ssyncadd.s32 $0xFFFFFF80  }
0xfe: {  	_ =	swait.ge [sflag:s5], $0x800  }
0xff: {  	[sflag:s5] =	ssyncset.done $0x0  }
0x100: {  	[sflag:s5] =	ssyncadd.s32 $0xFFFFF800  }
0x101: {  	_ =	swait.ge [sflag:s6], $0x80  }
0x102: {  	[sflag:s6] =	ssyncset.done $0x0  }
0x103: {  	[sflag:s6] =	ssyncadd.s32 $0xFFFFFF80  }
0x104: {  	_ =	swait.ge [sflag:s5], $0x800  }
0x105: {  	[sflag:s5] =	ssyncset.done $0x0  }
0x106: {  	[sflag:s5] =	ssyncadd.s32 $0xFFFFF800  }
0x107: {  	_ =	swait.ge [sflag:s6], $0x80  }
0x108: {  	[sflag:s6] =	ssyncset.done $0x0  }
0x109: {  	[sflag:s6] =	ssyncadd.s32 $0xFFFFFF80  }
0x10a: {  	_ =	swait.ge [sflag:s5], $0x800  }
0x10b: {  	[sflag:s5] =	ssyncset.done $0x0  }
0x10c: {  	[sflag:s5] =	ssyncadd.s32 $0xFFFFF800  }
0x10d: {  	_ =	swait.ge [sflag:s6], $0x80  }
0x10e: {  	[sflag:s6] =	ssyncset.done $0x0  }
0x10f: {  	[sflag:s6] =	ssyncadd.s32 $0xFFFFFF80  }
0x110: {  	_ =	swait.ge [sflag:s5], $0x800  }
0x111: {  	[sflag:s5] =	ssyncset.done $0x0  }
0x112: {  	[sflag:s5] =	ssyncadd.s32 $0xFFFFF800  }
0x113: {  	_ =	swait.ge [sflag:s6], $0x80  }
0x114: {  	[sflag:s6] =	ssyncset.done $0x0  }
0x115: {  	[sflag:s6] =	ssyncadd.s32 $0xFFFFFF80  }
0x116: {  	_ =	swait.ge [sflag:s5], $0x800  }
0x117: {  	[sflag:s5] =	ssyncset.done $0x0  }
0x118: {  	[sflag:s5] =	ssyncadd.s32 $0xFFFFF800  }
0x119: {  	_ =	swait.ge [sflag:s6], $0x80  }
0x11a: {  	[sflag:s6] =	ssyncset.done $0x0  }
0x11b: {  	s8 =	simm.s32 $0x0;
	[sflag:s6] =	ssyncadd.s32 $0xFFFFFF80  }
0x11c: {  	v0 =	vld [tilespmem:s8+$0xD00]  }
0x11d: {  	v1 =	vld [tilespmem:s8+$0x1500];
	_ =	sdelay $0x1  }
0x11e: {  	v2 =	vld [tilespmem:s8+$0x1D00];
	_ =	sdelay $0x1  }
0x11f: {  	v3 =	vld [tilespmem:s8+$0x2500]  }
0x120: {  	v4 =	vmul.f32 v0, v0;
	v5 =	vmul.f32 v1, v1  }
0x121: {  	v0 =	vadd.f32 v1, v0;
	v1 =	vld [tilespmem:s8+$0x2D00]  }
0x122: {  	v4 =	vadd.f32 v5, v4;
	v5 =	vmul.f32 v2, v2  }
0x123: {  	v0 =	vadd.f32 v2, v0;
	v2 =	vld [tilespmem:s8+$0x3500]  }
0x124: {  	v4 =	vadd.f32 v5, v4;
	v5 =	vmul.f32 v3, v3  }
0x125: {  	v0 =	vadd.f32 v3, v0;
	v3 =	vld [tilespmem:s8+$0x3D00]  }
0x126: {  	v4 =	vadd.f32 v5, v4;
	v5 =	vmul.f32 v1, v1  }
0x127: {  	v0 =	vadd.f32 v1, v0;
	v1 =	vld [tilespmem:s8+$0x4500]  }
0x128: {  	v4 =	vadd.f32 v5, v4;
	v5 =	vmul.f32 v2, v2  }
0x129: {  	v0 =	vadd.f32 v2, v0;
	v2 =	vld [tilespmem:s8+$0x4D00]  }
0x12a: {  	v4 =	vadd.f32 v5, v4;
	v5 =	vmul.f32 v3, v3  }
0x12b: {  	v0 =	vadd.f32 v3, v0;
	v3 =	vld [tilespmem:s8+$0x5500]  }
0x12c: {  	v4 =	vadd.f32 v5, v4;
	v5 =	vmul.f32 v1, v1  }
0x12d: {  	v0 =	vadd.f32 v1, v0;
	v1 =	vld [tilespmem:s8+$0x5D00]  }
0x12e: {  	v4 =	vadd.f32 v5, v4;
	v5 =	vmul.f32 v2, v2  }
0x12f: {  	v0 =	vadd.f32 v2, v0;
	v2 =	vld [tilespmem:s8+$0x6500]  }
0x130: {  	v4 =	vadd.f32 v5, v4;
	v5 =	vmul.f32 v3, v3  }
0x131: {  	s7 =	simm.s32 $0x10;
	v0 =	vadd.f32 v3, v0;
	v3 =	vld [tilespmem:s8+$0x6D00]  }
0x132: {  	v7 =	vld [tilespmem:s7+$0xD00];
	v4 =	vadd.f32 v5, v4;
	v5 =	vmul.f32 v1, v1  }
0x133: {  	v0 =	vadd.f32 v1, v0;
	v1 =	vld [tilespmem:s8+$0x7500]  }
0x134: {  	v8 =	vld [tilespmem:s7+$0x1500];
	v4 =	vadd.f32 v5, v4;
	v5 =	vmul.f32 v2, v2  }
0x135: {  	v6 =	vld [tilespmem:s8+$0x7D00];
	v0 =	vadd.f32 v2, v0  }
0x136: {  	v9 =	vld [tilespmem:s7+$0x1D00];
	v2 =	vadd.f32 v5, v4;
	v4 =	vmul.f32 v3, v3  }
0x137: {  	v5 =	vld [tilespmem:s8+$0x8500];
	v0 =	vadd.f32 v3, v0  }
0x138: {  	v10 =	vld [tilespmem:s7+$0x2500];
	v3 =	vmul.f32 v1, v1;
	v2 =	vadd.f32 v4, v2  }
0x139: {  	v11 =	vmul.f32 v7, v7;
	v12 =	vmul.f32 v8, v8;
	v4 =	vld [tilespmem:s8+$0x8D00];
	v0 =	vadd.f32 v1, v0  }
0x13a: {  	v7 =	vadd.f32 v8, v7;
	v8 =	vld [tilespmem:s7+$0x2D00];
	v1 =	vmul.f32 v6, v6;
	v2 =	vadd.f32 v3, v2  }
0x13b: {  	v11 =	vadd.f32 v12, v11;
	v12 =	vmul.f32 v9, v9;
	v3 =	vld [tilespmem:s8+$0x9500];
	v0 =	vadd.f32 v6, v0  }
0x13c: {  	v7 =	vadd.f32 v9, v7;
	v9 =	vld [tilespmem:s7+$0x3500];
	v6 =	vmul.f32 v5, v5;
	v1 =	vadd.f32 v1, v2  }
0x13d: {  	v11 =	vadd.f32 v12, v11;
	v12 =	vmul.f32 v10, v10;
	v2 =	vld [tilespmem:s8+$0x9D00];
	v0 =	vadd.f32 v5, v0  }
0x13e: {  	v7 =	vadd.f32 v10, v7;
	v10 =	vld [tilespmem:s7+$0x3D00];
	v5 =	vmul.f32 v4, v4;
	v1 =	vadd.f32 v6, v1  }
0x13f: {  	v11 =	vadd.f32 v12, v11;
	v12 =	vmul.f32 v8, v8;
	v6 =	vld [tilespmem:s8+$0xA500];
	v0 =	vadd.f32 v4, v0  }
0x140: {  	v7 =	vadd.f32 v8, v7;
	v8 =	vld [tilespmem:s7+$0x4500];
	v4 =	vmul.f32 v3, v3;
	v1 =	vadd.f32 v5, v1  }
0x141: {  	v11 =	vadd.f32 v12, v11;
	v12 =	vmul.f32 v9, v9;
	v5 =	vld [tilespmem:s8+$0xAD00];
	v0 =	vadd.f32 v3, v0  }
0x142: {  	v7 =	vadd.f32 v9, v7;
	v9 =	vld [tilespmem:s7+$0x4D00];
	v3 =	vmul.f32 v2, v2;
	v1 =	vadd.f32 v4, v1  }
0x143: {  	v11 =	vadd.f32 v12, v11;
	v12 =	vmul.f32 v10, v10;
	v4 =	vld [tilespmem:s8+$0xB500];
	v0 =	vadd.f32 v2, v0  }
0x144: {  	v13 =	vld [tilespmem:s8+$0xBD00];
	v2 =	vmul.f32 v6, v6;
	v1 =	vadd.f32 v3, v1;
	v3 =	vadd.f32 v10, v7  }
0x145: {  	v7 =	vld [tilespmem:s7+$0x5500];
	v0 =	vadd.f32 v6, v0;
	v10 =	vadd.f32 v12, v11;
	v11 =	vmul.f32 v8, v8  }
0x146: {  	v12 =	vld [tilespmem:s8+$0xC500];
	v6 =	vmul.f32 v5, v5;
	v1 =	vadd.f32 v2, v1;
	v3 =	vadd.f32 v8, v3  }
0x147: {  	v8 =	vld [tilespmem:s7+$0x5D00];
	v0 =	vadd.f32 v5, v0;
	v10 =	vadd.f32 v11, v10  }
0x148: {  	v11 =	vmul.f32 v9, v9;
	v2 =	vld [tilespmem:s8+$0xCD00];
	v14 =	vmul.f32 v4, v4;
	v1 =	vadd.f32 v6, v1  }
0x149: {  	v5 =	vld [tilespmem:s7+$0x6500];
	v6 =	vadd.f32 v9, v3;
	v0 =	vadd.f32 v4, v0;
	v9 =	vmul.f32 v13, v13  }
0x14a: {  	v10 =	vadd.f32 v11, v10;
	v3 =	vld [tilespmem:s8+$0xD500];
	v11 =	vmul.f32 v7, v7;
	v1 =	vadd.f32 v14, v1  }
0x14b: {  	v4 =	vld [tilespmem:s7+$0x6D00];
	v6 =	vadd.f32 v7, v6;
	v7 =	vadd.f32 v13, v0;
	v13 =	vmul.f32 v12, v12  }
0x14c: {  	v0 =	vld [tilespmem:s7+$0x7D00];
	v11 =	vadd.f32 v11, v10;
	v14 =	vmul.f32 v8, v8;
	v15 =	vadd.f32 v9, v1  }
0x14d: {  	s9 =	simm.s32 $0x20;
	v8 =	vadd.f32 v8, v6;
	v6 =	vld [tilespmem:s7+$0x7500];
	v10 =	vadd.f32 v12, v7;
	v7 =	vmul.f32 v2, v2  }
0x14e: {  	s29 =	simm.s32 $0xC0;
	v1 =	vld [tilespmem:s9+$0xD00];
	v9 =	vadd.f32 v14, v11;
	v11 =	vmul.f32 v5, v5;
	v12 =	vadd.f32 v13, v15  }
.LBB2_2:
0x14f: {  	p0 =	sne.s32 s29, $0x1FC0;
	v13 =	vld [tilespmem:s9+$0x1500];
	v5 =	vadd.f32 v5, v8;
	v2 =	vadd.f32 v2, v10;
	v8 =	vmul.f32 v3, v3  }
0x150: {  	v9 =	vadd.f32 v11, v9;
	v10 =	vmul.f32 v4, v4;
	v11 =	vld [tilespmem:s7+$0x8500];
	v7 =	vadd.f32 v7, v12  }
0x151: {  	v12 =	vld [tilespmem:s9+$0x1D00];
	v4 =	vadd.f32 v4, v5;
	v2 =	vadd.f32 v3, v2  }
0x152: {  	v3 =	vadd.f32 v10, v9;
	v5 =	vmul.f32 v6, v6;
	v9 =	vld [tilespmem:s7+$0x8D00];
	v7 =	vadd.f32 v8, v7  }
0x153: {  	v8 =	vld [tilespmem:s9+$0x2500];
	v4 =	vadd.f32 v6, v4;
	v6 =	vmul.f32 v0, v0;
	[tilespmem:s8+$0xEA00] =	vst v2  }
0x154: {  	v2 =	vmul.f32 v1, v1;
	v10 =	vmul.f32 v13, v13;
	v3 =	vadd.f32 v5, v3;
	v5 =	vld [tilespmem:s7+$0x9500];
	[tilespmem:s8+$0xF200] =	vst v7;
	s8 =	smov.u32 s7;
	s7 =	smov.u32 s9  }
0x155: {  	v1 =	vadd.f32 v13, v1;
	v7 =	vld [tilespmem:s7+$0x2D00];
	v0 =	vadd.f32 v0, v4;
	v4 =	vmul.f32 v11, v11  }
0x156: {  	v2 =	vadd.f32 v10, v2;
	v10 =	vmul.f32 v12, v12;
	v3 =	vadd.f32 v6, v3;
	v6 =	vld [tilespmem:s8+$0x9D00]  }
0x157: {  	v1 =	vadd.f32 v12, v1;
	v12 =	vld [tilespmem:s7+$0x3500];
	v0 =	vadd.f32 v11, v0;
	v11 =	vmul.f32 v9, v9  }
0x158: {  	v2 =	vadd.f32 v10, v2;
	v10 =	vmul.f32 v8, v8;
	v3 =	vadd.f32 v4, v3;
	v4 =	vld [tilespmem:s8+$0xA500]  }
0x159: {  	v1 =	vadd.f32 v8, v1;
	v8 =	vld [tilespmem:s7+$0x3D00];
	v0 =	vadd.f32 v9, v0;
	v9 =	vmul.f32 v5, v5  }
0x15a: {  	v2 =	vadd.f32 v10, v2;
	v10 =	vmul.f32 v7, v7;
	v3 =	vadd.f32 v11, v3;
	v11 =	vld [tilespmem:s8+$0xAD00]  }
0x15b: {  	v1 =	vadd.f32 v7, v1;
	v7 =	vld [tilespmem:s7+$0x4500];
	v0 =	vadd.f32 v5, v0;
	v5 =	vmul.f32 v6, v6  }
0x15c: {  	v2 =	vadd.f32 v10, v2;
	v10 =	vmul.f32 v12, v12;
	v3 =	vadd.f32 v9, v3;
	v9 =	vld [tilespmem:s8+$0xB500]  }
0x15d: {  	v1 =	vadd.f32 v12, v1;
	v12 =	vld [tilespmem:s7+$0x4D00];
	v0 =	vadd.f32 v6, v0;
	v6 =	vmul.f32 v4, v4  }
0x15e: {  	v2 =	vadd.f32 v10, v2;
	v10 =	vmul.f32 v8, v8;
	v3 =	vadd.f32 v5, v3;
	v13 =	vld [tilespmem:s8+$0xBD00]  }
0x15f: {  	v1 =	vadd.f32 v8, v1;
	v8 =	vld [tilespmem:s7+$0x5500];
	v0 =	vadd.f32 v4, v0;
	v4 =	vmul.f32 v11, v11  }
0x160: {  	v2 =	vadd.f32 v10, v2;
	v5 =	vmul.f32 v7, v7;
	v3 =	vadd.f32 v6, v3;
	v10 =	vld [tilespmem:s8+$0xC500]  }
0x161: {  	v1 =	vadd.f32 v7, v1;
	v6 =	vld [tilespmem:s7+$0x5D00];
	v0 =	vadd.f32 v11, v0;
	v7 =	vmul.f32 v9, v9  }
0x162: {  	v11 =	vadd.f32 v5, v2;
	v14 =	vmul.f32 v12, v12;
	v3 =	vadd.f32 v4, v3;
	v2 =	vld [tilespmem:s8+$0xCD00]  }
0x163: {  	v1 =	vadd.f32 v12, v1;
	v5 =	vld [tilespmem:s7+$0x6500];
	v0 =	vadd.f32 v9, v0;
	v9 =	vmul.f32 v13, v13  }
.Ltmp0:
0x164: {  	v11 =	vadd.f32 v14, v11;
	v12 =	vmul.f32 v8, v8;
	v7 =	vadd.f32 v7, v3;
	v3 =	vld [tilespmem:s8+$0xD500];
	(pc) =	sbr.rel @p0 .LBB2_2-.Ltmp0, $4  }
0x165: {  	v1 =	vadd.f32 v8, v1;
	v4 =	vld [tilespmem:s7+$0x6D00];
	v13 =	vadd.f32 v13, v0;
	v14 =	vmul.f32 v10, v10  }
0x166: {  	v11 =	vadd.f32 v12, v11;
	v12 =	vmul.f32 v6, v6;
	v0 =	vld [tilespmem:s7+$0x7D00];
	v15 =	vadd.f32 v9, v7  }
0x167: {  	s9 =	sshra.s32 s29, $0x2;
	v8 =	vadd.f32 v6, v1;
	v6 =	vld [tilespmem:s7+$0x7500];
	v10 =	vadd.f32 v10, v13;
	v7 =	vmul.f32 v2, v2  }
0x168: {  	s29 =	sadd.s32 $0x40, s29;
	v1 =	vld [tilespmem:s9+$0xD00];
	v9 =	vadd.f32 v12, v11;
	v11 =	vmul.f32 v5, v5;
	v12 =	vadd.f32 v14, v15  }
0x169: {  	v13 =	vld [tilespmem:s9+$0x1500];
	v2 =	vadd.f32 v2, v10  }
0x16a: {  	v53 =	vld [tilespmem:s7+$0x8500];
	v5 =	vadd.f32 v5, v8;
	v14 =	vmul.f32 v3, v3;
	v7 =	vadd.f32 v7, v12  }
0x16b: {  	v54 =	vld [tilespmem:s9+$0x1D00];
	v9 =	vadd.f32 v11, v9;
	v56 =	vmul.f32 v4, v4;
	v2 =	vadd.f32 v3, v2  }
0x16c: {  	v55 =	vld [tilespmem:s7+$0x8D00];
	v58 =	vadd.f32 v4, v5;
	v59 =	vadd.f32 v14, v7  }
0x16d: {  	v57 =	vld [tilespmem:s9+$0x2500];
	v60 =	vadd.f32 v56, v9;
	v61 =	vmul.f32 v6, v6;
	[tilespmem:s8+$0xEA00] =	vst v2  }
0x16e: {  	v4 =	vadd.f32 v6, v58;
	v63 =	vmul.f32 v1, v1;
	v62 =	vld [tilespmem:s7+$0x9500];
	v14 =	vmul.f32 v13, v13;
	[tilespmem:s8+$0xF200] =	vst v59  }
0x16f: {  	v15 =	vmul.f32 v0, v0;
	v2 =	vadd.f32 v61, v60;
	v16 =	vadd.f32 v13, v1;
	v17 =	vld [tilespmem:s9+$0x2D00]  }
0x170: {  	v20 =	vmul.f32 v54, v54;
	v18 =	vadd.f32 v0, v4;
	v19 =	vadd.f32 v14, v63  }
0x171: {  	v21 =	vmul.f32 v53, v53;
	v22 =	vld [tilespmem:s9+$0x3500];
	v2 =	vadd.f32 v15, v2;
	v1 =	vadd.f32 v54, v16  }
0x172: {  	v24 =	vmul.f32 v57, v57;
	v23 =	vld [tilespmem:s7+$0x9D00];
	v0 =	vadd.f32 v53, v18;
	v4 =	vadd.f32 v20, v19  }
0x173: {  	v25 =	vmul.f32 v55, v55;
	v26 =	vld [tilespmem:s9+$0x3D00];
	v2 =	vadd.f32 v21, v2;
	v1 =	vadd.f32 v57, v1  }
0x174: {  	v27 =	vld [tilespmem:s7+$0xA500];
	v0 =	vadd.f32 v55, v0;
	v28 =	vadd.f32 v24, v4;
	v29 =	vmul.f32 v17, v17  }
0x175: {  	v31 =	vld [tilespmem:s9+$0x4500];
	v30 =	vmul.f32 v62, v62;
	v2 =	vadd.f32 v25, v2;
	v1 =	vadd.f32 v17, v1  }
0x176: {  	v32 =	vld [tilespmem:s7+$0xAD00];
	v33 =	vmul.f32 v22, v22;
	v0 =	vadd.f32 v62, v0;
	v3 =	vadd.f32 v29, v28  }
0x177: {  	v35 =	vld [tilespmem:s9+$0x4D00];
	v34 =	vmul.f32 v23, v23;
	v2 =	vadd.f32 v30, v2;
	v1 =	vadd.f32 v22, v1  }
0x178: {  	v36 =	vld [tilespmem:s7+$0xB500];
	v37 =	vmul.f32 v26, v26;
	v0 =	vadd.f32 v23, v0;
	v3 =	vadd.f32 v33, v3  }
0x179: {  	v39 =	vld [tilespmem:s9+$0x5500];
	v38 =	vmul.f32 v27, v27;
	v2 =	vadd.f32 v34, v2;
	v1 =	vadd.f32 v26, v1  }
0x17a: {  	v40 =	vld [tilespmem:s7+$0xBD00];
	v41 =	vmul.f32 v31, v31;
	v0 =	vadd.f32 v27, v0;
	v3 =	vadd.f32 v37, v3  }
0x17b: {  	v43 =	vld [tilespmem:s9+$0x5D00];
	v42 =	vmul.f32 v32, v32;
	v2 =	vadd.f32 v38, v2;
	v1 =	vadd.f32 v31, v1  }
0x17c: {  	v44 =	vld [tilespmem:s7+$0xC500];
	v45 =	vmul.f32 v35, v35;
	v0 =	vadd.f32 v32, v0;
	v3 =	vadd.f32 v41, v3  }
0x17d: {  	v47 =	vld [tilespmem:s9+$0x6500];
	v46 =	vmul.f32 v36, v36;
	v2 =	vadd.f32 v42, v2;
	v1 =	vadd.f32 v35, v1  }
0x17e: {  	v48 =	vld [tilespmem:s7+$0xCD00];
	v49 =	vmul.f32 v39, v39;
	v0 =	vadd.f32 v36, v0;
	v3 =	vadd.f32 v45, v3  }
0x17f: {  	v51 =	vld [tilespmem:s9+$0x6D00];
	v50 =	vmul.f32 v40, v40;
	v2 =	vadd.f32 v46, v2;
	v1 =	vadd.f32 v39, v1  }
0x180: {  	v52 =	vld [tilespmem:s7+$0xD500];
	v53 =	vmul.f32 v43, v43;
	v0 =	vadd.f32 v40, v0;
	v3 =	vadd.f32 v49, v3  }
0x181: {  	v55 =	vld [tilespmem:s9+$0x7500];
	v54 =	vmul.f32 v44, v44;
	v2 =	vadd.f32 v50, v2;
	v1 =	vadd.f32 v43, v1  }
0x182: {  	v56 =	vmul.f32 v47, v47;
	v0 =	vadd.f32 v44, v0;
	v3 =	vadd.f32 v53, v3  }
0x183: {  	v57 =	vld [tilespmem:s9+$0x7D00];
	v58 =	vmul.f32 v48, v48;
	v2 =	vadd.f32 v54, v2;
	v1 =	vadd.f32 v47, v1  }
0x184: {  	v59 =	vmul.f32 v51, v51;
	v0 =	vadd.f32 v48, v0;
	v3 =	vadd.f32 v56, v3  }
0x185: {  	v61 =	vld [tilespmem:s9+$0x8500];
	v60 =	vmul.f32 v52, v52;
	v2 =	vadd.f32 v58, v2;
	v1 =	vadd.f32 v51, v1  }
0x186: {  	v62 =	vmul.f32 v55, v55;
	v0 =	vadd.f32 v52, v0;
	v3 =	vadd.f32 v59, v3  }
0x187: {  	v63 =	vld [tilespmem:s9+$0x8D00];
	v1 =	vadd.f32 v55, v1  }
0x188: {  	v9 =	vmul.f32 v57, v57;
	v2 =	vadd.f32 v60, v2;
	[tilespmem:s7+$0xEA00] =	vst v0;
	v10 =	vadd.f32 v62, v3  }
0x189: {  	v12 =	vld [tilespmem:s9+$0x9500];
	v1 =	vadd.f32 v57, v1  }
0x18a: {  	v13 =	vmul.f32 v61, v61;
	[tilespmem:s7+$0xF200] =	vst v2;
	v0 =	vadd.f32 v9, v10  }
0x18b: {  	v14 =	vld [tilespmem:s9+$0x9D00];
	v1 =	vadd.f32 v61, v1  }
0x18c: {  	v15 =	vmul.f32 v63, v63;
	v0 =	vadd.f32 v13, v0  }
0x18d: {  	v16 =	vld [tilespmem:s9+$0xA500];
	v1 =	vadd.f32 v63, v1  }
0x18e: {  	v17 =	vmul.f32 v12, v12;
	v0 =	vadd.f32 v15, v0  }
0x18f: {  	v18 =	vld [tilespmem:s9+$0xAD00];
	v1 =	vadd.f32 v12, v1  }
0x190: {  	v19 =	vmul.f32 v14, v14;
	v0 =	vadd.f32 v17, v0  }
0x191: {  	v20 =	vld [tilespmem:s9+$0xB500];
	v1 =	vadd.f32 v14, v1  }
0x192: {  	v21 =	vmul.f32 v16, v16;
	v0 =	vadd.f32 v19, v0  }
0x193: {  	v22 =	vld [tilespmem:s9+$0xBD00];
	v1 =	vadd.f32 v16, v1  }
0x194: {  	v23 =	vmul.f32 v18, v18;
	v0 =	vadd.f32 v21, v0  }
0x195: {  	v24 =	vld [tilespmem:s9+$0xC500];
	v1 =	vadd.f32 v18, v1  }
0x196: {  	v25 =	vmul.f32 v20, v20;
	v0 =	vadd.f32 v23, v0  }
0x197: {  	v26 =	vld [tilespmem:s9+$0xCD00];
	v1 =	vadd.f32 v20, v1  }
0x198: {  	v27 =	vmul.f32 v22, v22;
	v0 =	vadd.f32 v25, v0  }
0x199: {  	v28 =	vld [tilespmem:s9+$0xD500];
	v1 =	vadd.f32 v22, v1  }
0x19a: {  	v29 =	vmul.f32 v24, v24;
	v0 =	vadd.f32 v27, v0  }
0x19b: {  	v1 =	vadd.f32 v24, v1  }
0x19c: {  	v30 =	vmul.f32 v26, v26;
	v0 =	vadd.f32 v29, v0  }
0x19d: {  	v1 =	vadd.f32 v26, v1  }
0x19e: {  	v31 =	vmul.f32 v28, v28;
	v0 =	vadd.f32 v30, v0  }
0x19f: {  	v1 =	vadd.f32 v28, v1  }
0x1a0: {  	v0 =	vadd.f32 v31, v0  }
0x1a1: {  	[tilespmem:s9+$0xEA00] =	vst v1  }
0x1a2: {  	[tilespmem:s9+$0xF200] =	vst v0  }
0x1a3: {  	v35 =	vld [tilespmem:$0xDD00]  }
0x1a4: {  	v33 =	vld [tilespmem:$0xDD80]  }
0x1a5: {  	v36 =	vld [tilespmem:$0xDE00]  }
0x1a6: {  	v40 =	vld [tilespmem:$0xDE80]  }
0x1a7: {  	v45 =	vld [tilespmem:$0xDF00]  }
0x1a8: {  	v49 =	vld [tilespmem:$0xDF80]  }
0x1a9: {  	v52 =	vld [tilespmem:$0xE000]  }
0x1aa: {  	v56 =	vld [tilespmem:$0xE080]  }
0x1ab: {  	v60 =	vld [tilespmem:$0xE100]  }
0x1ac: {  	v0 =	vld [tilespmem:$0xE180]  }
0x1ad: {  	v32 =	vld [tilespmem:$0xE200]  }
0x1ae: {  	v34 =	vld [tilespmem:$0xE280]  }
0x1af: {  	v37 =	vld [tilespmem:$0xE300]  }
0x1b0: {  	v38 =	vld [tilespmem:$0xE380]  }
0x1b1: {  	v39 =	vld [tilespmem:$0xE400]  }
0x1b2: {  	v41 =	vld [tilespmem:$0xE480]  }
0x1b3: {  	v42 =	vld [tilespmem:$0xE500]  }
0x1b4: {  	v43 =	vld [tilespmem:$0xE580]  }
0x1b5: {  	v44 =	vld [tilespmem:$0xE600]  }
0x1b6: {  	v46 =	vld [tilespmem:$0xE680]  }
0x1b7: {  	v47 =	vld [tilespmem:$0xE700]  }
0x1b8: {  	v48 =	vld [tilespmem:$0xE780]  }
0x1b9: {  	v50 =	vld [tilespmem:$0xE800]  }
0x1ba: {  	v51 =	vld [tilespmem:$0xE880]  }
0x1bb: {  	v53 =	vld [tilespmem:$0xE900]  }
0x1bc: {  	v54 =	vld [tilespmem:$0xE980]  }
0x1bd: {  	v26 =	vld [tilespmem:$0xDD10]  }
0x1be: {  	v28 =	vld [tilespmem:$0xDD90]  }
0x1bf: {  	v17 =	vld [tilespmem:$0xDE10]  }
0x1c0: {  	v21 =	vld [tilespmem:$0xDE90]  }
0x1c1: {  	v24 =	vld [tilespmem:$0xDF10]  }
0x1c2: {  	v29 =	vld [tilespmem:$0xDF90]  }
0x1c3: {  	v58 =	vld [tilespmem:$0xE310]  }
0x1c4: {  	v63 =	vld [tilespmem:$0xE390]  }
0x1c5: {  	v55 =	vld [tilespmem:$0xE410]  }
0x1c6: {  	v57 =	vld [tilespmem:$0xE490]  }
0x1c7: {  	v59 =	vld [tilespmem:$0xE510]  }
0x1c8: {  	v61 =	vld [tilespmem:$0xE590]  }
0x1c9: {  	v62 =	vld [tilespmem:$0xE610]  }
0x1ca: {  	v4 =	vld [tilespmem:$0xE690]  }
0x1cb: {  	v5 =	vld [tilespmem:$0xE710]  }
0x1cc: {  	v6 =	vld [tilespmem:$0xE790]  }
0x1cd: {  	v7 =	vld [tilespmem:$0xE810]  }
0x1ce: {  	v8 =	vld [tilespmem:$0xE890]  }
0x1cf: {  	v9 =	vld [tilespmem:$0xE910]  }
0x1d0: {  	v10 =	vld [tilespmem:$0xE990]  }
0x1d1: {  	v19 =	vld [tilespmem:$0xDD20]  }
0x1d2: {  	v12 =	vld [tilespmem:$0xDF20]  }
0x1d3: {  	v14 =	vld [tilespmem:$0xDFA0]  }
0x1d4: {  	v16 =	vld [tilespmem:$0xE020]  }
0x1d5: {  	v20 =	vld [tilespmem:$0xE0A0]  }
0x1d6: {  	v23 =	vld [tilespmem:$0xE120]  }
0x1d7: {  	v27 =	vld [tilespmem:$0xE1A0]  }
0x1d8: {  	v31 =	vld [tilespmem:$0xE220]  }
0x1d9: {  	v11 =	vld [tilespmem:$0xE620]  }
0x1da: {  	v13 =	vld [tilespmem:$0xE6A0]  }
0x1db: {  	v15 =	vld [tilespmem:$0xE720]  }
0x1dc: {  	v18 =	vld [tilespmem:$0xE7A0]  }
0x1dd: {  	v22 =	vld [tilespmem:$0xE820]  }
0x1de: {  	v25 =	vld [tilespmem:$0xE8A0]  }
0x1df: {  	v30 =	vld [tilespmem:$0xE920]  }
0x1e0: {  	v1 =	vld [tilespmem:$0xDD30]  }
0x1e1: {  	v2 =	vld [tilespmem:$0xDE30]  }
0x1e2: {  	v3 =	vld [tilespmem:$0xDEB0]  }
0x1e3: {  	[tilespmem:$0x1FC80] =	vst v32;
	v32 =	vld [tilespmem:$0xE010]  }
0x1e4: {  	[tilespmem:$0x1FCB0] =	vst v38;
	v38 =	vld [tilespmem:$0xE090]  }
0x1e5: {  	[tilespmem:$0x1FD00] =	vst v42;
	v42 =	vld [tilespmem:$0xE110]  }
0x1e6: {  	[tilespmem:$0x1FD60] =	vst v46;
	v46 =	vld [tilespmem:$0xE190]  }
0x1e7: {  	[tilespmem:$0x1FDF0] =	vst v50;
	v50 =	vld [tilespmem:$0xE210]  }
0x1e8: {  	[tilespmem:$0x1FEA0] =	vst v54;
	v54 =	vld [tilespmem:$0xE290]  }
0x1e9: {  	[tilespmem:$0x1FDE0] =	vst v6;
	v6 =	vld [tilespmem:$0xDDA0]  }
0x1ea: {  	[tilespmem:$0x1FE40] =	vst v8;
	v8 =	vld [tilespmem:$0xDE20]  }
0x1eb: {  	[tilespmem:$0x1FEC0] =	vst v10;
	v10 =	vld [tilespmem:$0xDEA0]  }
0x1ec: {  	[tilespmem:$0x1FCA0] =	vst v37;
	v37 =	vld [tilespmem:$0xE2A0]  }
0x1ed: {  	[tilespmem:$0x1FCE0] =	vst v41;
	v41 =	vld [tilespmem:$0xE320]  }
0x1ee: {  	[tilespmem:$0x1FD40] =	vst v44;
	v44 =	vld [tilespmem:$0xE3A0]  }
0x1ef: {  	[tilespmem:$0x1FDC0] =	vst v48;
	v48 =	vld [tilespmem:$0xE420]  }
0x1f0: {  	[tilespmem:$0x1FE60] =	vst v53;
	v53 =	vld [tilespmem:$0xE4A0]  }
0x1f1: {  	[tilespmem:$0x1FCF0] =	vst v57;
	v57 =	vld [tilespmem:$0xE520]  }
0x1f2: {  	[tilespmem:$0x1FD30] =	vst v61;
	v61 =	vld [tilespmem:$0xE5A0]  }
0x1f3: {  	[tilespmem:$0x1FC90] =	vst v34;
	v34 =	vld [tilespmem:$0xE9A0]  }
0x1f4: {  	[tilespmem:$0x1FC70] =	vst v0;
	v0 =	vld [tilespmem:$0xDDB0]  }
0x1f5: {  	[tilespmem:$0x1FD80] =	vst v4;
	v4 =	vld [tilespmem:$0xDF30]  }
0x1f6: {  	[tilespmem:$0x1FDB0] =	vst v5;
	v5 =	vld [tilespmem:$0xDFB0]  }
0x1f7: {  	[tilespmem:$0x1FE10] =	vst v7;
	v7 =	vld [tilespmem:$0xE030]  }
0x1f8: {  	[tilespmem:$0x1FE80] =	vst v9;
	v9 =	vld [tilespmem:$0xE0B0]  }
0x1f9: {  	[tilespmem:$0x1FD70] =	vst v11;
	v11 =	vld [tilespmem:$0xE130]  }
0x1fa: {  	[tilespmem:$0x1FDA0] =	vst v13;
	v13 =	vld [tilespmem:$0xE1B0]  }
0x1fb: {  	[tilespmem:$0x1FDD0] =	vst v15;
	v15 =	vld [tilespmem:$0xE230]  }
0x1fc: {  	[tilespmem:$0x1FE00] =	vst v18;
	v18 =	vld [tilespmem:$0xE2B0]  }
0x1fd: {  	[tilespmem:$0x1FE30] =	vst v22;
	v22 =	vld [tilespmem:$0xE330]  }
0x1fe: {  	[tilespmem:$0x1FE70] =	vst v25;
	v25 =	vld [tilespmem:$0xE3B0]  }
0x1ff: {  	[tilespmem:$0x1FEB0] =	vst v30;
	v30 =	vld [tilespmem:$0xE430]  }
0x200: {  	[tilespmem:$0x1FCC0] =	vst v39;
	v39 =	vld [tilespmem:$0xE530]  }
0x201: {  	[tilespmem:$0x1FD20] =	vst v43;
	v43 =	vld [tilespmem:$0xE5B0]  }
0x202: {  	[tilespmem:$0x1FD90] =	vst v47;
	v47 =	vld [tilespmem:$0xE630]  }
0x203: {  	[tilespmem:$0x1FE20] =	vst v51;
	v51 =	vld [tilespmem:$0xE6B0]  }
0x204: {  	[tilespmem:$0x1FCD0] =	vst v55;
	v55 =	vld [tilespmem:$0xE730]  }
0x205: {  	[tilespmem:$0x1FD10] =	vst v59;
	v59 =	vld [tilespmem:$0xE7B0]  }
0x206: {  	[tilespmem:$0x1FD50] =	vst v62;
	v62 =	vld [tilespmem:$0xE830];
	v35 =	vadd.f32 v33, v35  }
0x207: {  	v33 =	vld [tilespmem:$0xE0C0]  }
0x208: {  	v28 =	vadd.f32 v28, v26;
	v26 =	vld [tilespmem:$0xE140];
	v36 =	vadd.f32 v36, v35  }
0x209: {  	v35 =	vld [tilespmem:$0xE1C0]  }
0x20a: {  	v36 =	vadd.f32 v40, v36;
	v40 =	vld [tilespmem:$0xE2C0]  }
0x20b: {  	[tilespmem:$0x1FEE0] =	vst v34;
	v34 =	vld [tilespmem:$0xE4B0]  }
0x20c: {  	[tilespmem:$0x1FE50] =	vst v62;
	v62 =	vld [tilespmem:$0xE8B0]  }
0x20d: {  	v6 =	vadd.f32 v6, v19;
	v19 =	vld [tilespmem:$0xE240]  }
0x20e: {  	v0 =	vadd.f32 v0, v1;
	v1 =	vadd.f32 v45, v36;
	v36 =	vld [tilespmem:$0xE440]  }
0x20f: {  	v6 =	vadd.f32 v8, v6;
	v8 =	vld [tilespmem:$0xE640]  }
0x210: {  	v1 =	vadd.f32 v49, v1;
	v49 =	vld [tilespmem:$0xE540]  }
0x211: {  	[tilespmem:$0x1FF70] =	vst v40;
	v40 =	vld [tilespmem:$0xE4C0]  }
0x212: {  	v10 =	vadd.f32 v10, v6;
	v6 =	vld [tilespmem:$0xE5D0]  }
0x213: {  	[tilespmem:$0x1FE90] =	vst v62;
	v62 =	vld [tilespmem:$0xE930]  }
0x214: {  	v1 =	vadd.f32 v52, v1;
	v52 =	vld [tilespmem:$0xE840]  }
0x215: {  	v0 =	vadd.f32 v2, v0;
	v2 =	vadd.f32 v12, v10;
	v10 =	vld [tilespmem:$0xE6C0]  }
0x216: {  	v12 =	vld [tilespmem:$0xE740]  }
0x217: {  	[tilespmem:$0x1FF90] =	vst v36;
	v36 =	vld [tilespmem:$0x1FD40]  }
0x218: {  	v0 =	vadd.f32 v3, v0;
	v1 =	vadd.f32 v56, v1;
	v56 =	vld [tilespmem:$0xE7C0]  }
0x219: {  	[tilespmem:$0x1FFD0] =	vst v8;
	v8 =	vld [tilespmem:$0xE550]  }
0x21a: {  	v0 =	vadd.f32 v4, v0;
	v2 =	vadd.f32 v14, v2;
	v14 =	vld [tilespmem:$0x1FC70]  }
0x21b: {  	[tilespmem:$0x1FFB0] =	vst v49;
	v49 =	vld [tilespmem:$0xE8C0]  }
0x21c: {  	v0 =	vadd.f32 v5, v0;
	v5 =	vld [tilespmem:$0xE850]  }
0x21d: {  	[tilespmem:$0x1FFA0] =	vst v40;
	v40 =	vld [tilespmem:$0x1FD80]  }
0x21e: {  	v1 =	vadd.f32 v60, v1;
	v60 =	vld [tilespmem:$0x1FE70]  }
0x21f: {  	[tilespmem:$0x1FED0] =	vst v62;
	v62 =	vld [tilespmem:$0xE9B0]  }
0x220: {  	v2 =	vadd.f32 v16, v2;
	v16 =	vld [tilespmem:$0x1FC80]  }
0x221: {  	v0 =	vadd.f32 v7, v0;
	v7 =	vld [tilespmem:$0xE8D0]  }
0x222: {  	[tilespmem:$0x1FFE0] =	vst v10;
	v10 =	vld [tilespmem:$0xE4D0]  }
0x223: {  	[tilespmem:$0x1FFF0] =	vst v12;
	v12 =	vld [tilespmem:$0xE950]  }
0x224: {  	v2 =	vadd.f32 v20, v2;
	v20 =	vld [tilespmem:$0x1FC90]  }
0x225: {  	v0 =	vadd.f32 v9, v0;
	v9 =	vld [tilespmem:$0xE750]  }
0x226: {  	[tilespmem:$0x1FF10] =	vst v62;
	v62 =	vld [tilespmem:$0xDD40]  }
0x227: {  	v1 =	vadd.f32 v14, v1;
	v14 =	vld [tilespmem:$0xE6D0]  }
0x228: {  	v2 =	vadd.f32 v23, v2;
	v23 =	vld [tilespmem:$0x1FCB0]  }
0x229: {  	v0 =	vadd.f32 v11, v0;
	v11 =	vld [tilespmem:$0xE450]  }
0x22a: {  	v1 =	vadd.f32 v16, v1;
	v16 =	vld [tilespmem:$0xDD50]  }
0x22b: {  	[tilespmem:$0x1FEF0] =	vst v62;
	v62 =	vld [tilespmem:$0xDDC0]  }
0x22c: {  	v2 =	vadd.f32 v27, v2;
	v27 =	vld [tilespmem:$0x1FCD0]  }
0x22d: {  	v0 =	vadd.f32 v13, v0;
	v13 =	vld [tilespmem:$0xE7D0]  }
0x22e: {  	v1 =	vadd.f32 v20, v1;
	v20 =	vld [tilespmem:$0xDDD0]  }
0x22f: {  	v0 =	vadd.f32 v15, v0;
	v15 =	vld [tilespmem:$0xDE50]  }
0x230: {  	[tilespmem:$0x1FF00] =	vst v62;
	v62 =	vld [tilespmem:$0xDE40]  }
0x231: {  	v2 =	vadd.f32 v31, v2;
	v31 =	vld [tilespmem:$0x1FD10]  }
0x232: {  	v0 =	vadd.f32 v18, v0;
	v18 =	vld [tilespmem:$0xDF50]  }
0x233: {  	v2 =	vadd.f32 v37, v2;
	v37 =	vld [tilespmem:$0x1FD50]  }
0x234: {  	v0 =	vadd.f32 v22, v0;
	v22 =	vld [tilespmem:$0xE050]  }
0x235: {  	[tilespmem:$0x1FF20] =	vst v62;
	v62 =	vld [tilespmem:$0xDEC0]  }
0x236: {  	v2 =	vadd.f32 v41, v2;
	v41 =	vld [tilespmem:$0x1FD90]  }
0x237: {  	v0 =	vadd.f32 v25, v0;
	v25 =	vld [tilespmem:$0xE150]  }
0x238: {  	v2 =	vadd.f32 v44, v2;
	v44 =	vld [tilespmem:$0x1FDC0]  }
0x239: {  	v0 =	vadd.f32 v30, v0;
	v30 =	vld [tilespmem:$0x1FD00]  }
0x23a: {  	[tilespmem:$0x1FF30] =	vst v62;
	v62 =	vld [tilespmem:$0xDF40]  }
0x23b: {  	v2 =	vadd.f32 v48, v2;
	v48 =	vld [tilespmem:$0x1FDE0]  }
0x23c: {  	v0 =	vadd.f32 v34, v0;
	v34 =	vld [tilespmem:$0x1FD30]  }
0x23d: {  	v2 =	vadd.f32 v53, v2;
	v53 =	vld [tilespmem:$0x1FE10]  }
0x23e: {  	v0 =	vadd.f32 v39, v0;
	v39 =	vld [tilespmem:$0x1FD70]  }
0x23f: {  	[tilespmem:$0x1FF40] =	vst v62;
	v62 =	vld [tilespmem:$0xDFC0]  }
0x240: {  	v2 =	vadd.f32 v57, v2;
	v57 =	vld [tilespmem:$0x1FE40];
	v0 =	vadd.f32 v43, v0  }
0x241: {  	v43 =	vld [tilespmem:$0x1FDB0]  }
0x242: {  	v2 =	vadd.f32 v61, v2;
	v61 =	vld [tilespmem:$0x1FE80];
	v0 =	vadd.f32 v47, v0  }
0x243: {  	v47 =	vld [tilespmem:$0x1FDD0]  }
0x244: {  	v0 =	vadd.f32 v51, v0;
	[tilespmem:$0x1FF50] =	vst v62;
	v62 =	vld [tilespmem:$0xE040]  }
0x245: {  	v2 =	vadd.f32 v39, v2;
	v39 =	vld [tilespmem:$0xDD70]  }
0x246: {  	v51 =	vld [tilespmem:$0x1FE00];
	v0 =	vadd.f32 v55, v0  }
0x247: {  	v17 =	vadd.f32 v17, v28;
	v55 =	vld [tilespmem:$0x1FE30]  }
0x248: {  	v0 =	vadd.f32 v59, v0;
	v59 =	vld [tilespmem:$0x1FE60]  }
0x249: {  	[tilespmem:$0x1FF60] =	vst v62;
	v62 =	vadd.f32 v21, v17;
	v21 =	vld [tilespmem:$0xE3C0]  }
0x24a: {  	v17 =	vld [tilespmem:$0xE340]  }
0x24b: {  	v28 =	vadd.f32 v24, v62;
	v62 =	vld [tilespmem:$0xE5C0]  }
0x24c: {  	v24 =	vld [tilespmem:$0x1FCC0]  }
0x24d: {  	v45 =	vadd.f32 v29, v28;
	v28 =	vld [tilespmem:$0x1FCE0]  }
0x24e: {  	[tilespmem:$0x1FF80] =	vst v21;
	v21 =	vld [tilespmem:$0x1FCA0]  }
0x24f: {  	v29 =	vld [tilespmem:$0x1FCF0];
	v3 =	vadd.f32 v32, v45  }
0x250: {  	v32 =	vld [tilespmem:$0x1FD20]  }
0x251: {  	[tilespmem:$0x1FFC0] =	vst v62;
	v62 =	vld [tilespmem:$0x1FE90];
	v3 =	vadd.f32 v38, v3  }
0x252: {  	v38 =	vld [tilespmem:$0x1FD60]  }
0x253: {  	v3 =	vadd.f32 v42, v3;
	v1 =	vadd.f32 v21, v1;
	v21 =	vld [tilespmem:$0xDED0]  }
0x254: {  	v42 =	vld [tilespmem:$0x1FDA0]  }
0x255: {  	v3 =	vadd.f32 v46, v3;
	v46 =	vld [tilespmem:$0xE940];
	v1 =	vadd.f32 v23, v1  }
0x256: {  	v23 =	vld [tilespmem:$0xDFD0]  }
0x257: {  	v16 =	vadd.f32 v20, v16;
	v1 =	vadd.f32 v24, v1;
	v24 =	vld [tilespmem:$0xE0D0]  }
0x258: {  	v3 =	vadd.f32 v50, v3;
	v50 =	vld [tilespmem:$0x1FDF0]  }
0x259: {  	v15 =	vadd.f32 v15, v16;
	v2 =	vadd.f32 v42, v2;
	v42 =	vld [tilespmem:$0xE360]  }
0x25a: {  	v1 =	vadd.f32 v28, v1;
	v28 =	vld [tilespmem:$0xE250]  }
0x25b: {  	v15 =	vadd.f32 v21, v15;
	v3 =	vadd.f32 v54, v3;
	v54 =	vld [tilespmem:$0x1FE20]  }
0x25c: {  	v2 =	vadd.f32 v47, v2;
	v1 =	vadd.f32 v30, v1;
	v30 =	vld [tilespmem:$0xE2D0]  }
0x25d: {  	v3 =	vadd.f32 v58, v3;
	v58 =	vld [tilespmem:$0x1FE50]  }
0x25e: {  	v15 =	vadd.f32 v18, v15;
	v2 =	vadd.f32 v51, v2;
	v51 =	vld [tilespmem:$0x1FED0]  }
0x25f: {  	v3 =	vadd.f32 v63, v3;
	v1 =	vadd.f32 v32, v1;
	v32 =	vld [tilespmem:$0xE3D0]  }
0x260: {  	v2 =	vadd.f32 v55, v2;
	v55 =	vld [tilespmem:$0x1FEE0]  }
0x261: {  	v15 =	vadd.f32 v23, v15;
	v3 =	vadd.f32 v27, v3;
	v27 =	vld [tilespmem:$0xE1D0]  }
0x262: {  	v1 =	vadd.f32 v36, v1;
	v36 =	vld [tilespmem:$0xDDE0]  }
0x263: {  	v15 =	vadd.f32 v22, v15;
	v0 =	vadd.f32 v58, v0;
	v58 =	vld [tilespmem:$0x1FF00]  }
0x264: {  	v2 =	vadd.f32 v60, v2;
	v60 =	vld [tilespmem:$0x1FF10]  }
0x265: {  	v15 =	vadd.f32 v24, v15;
	v24 =	vld [tilespmem:$0x1FFB0]  }
0x266: {  	v3 =	vadd.f32 v29, v3;
	v29 =	vld [tilespmem:$0xE650]  }
0x267: {  	v63 =	vadd.f32 v62, v0;
	v62 =	vld [tilespmem:$0x1FF20]  }
0x268: {  	v1 =	vadd.f32 v38, v1;
	v15 =	vadd.f32 v25, v15;
	v25 =	vld [tilespmem:$0xE5F0]  }
0x269: {  	v3 =	vadd.f32 v31, v3;
	v31 =	vld [tilespmem:$0xE350]  }
0x26a: {  	v1 =	vadd.f32 v41, v1;
	v15 =	vadd.f32 v27, v15;
	v27 =	vld [tilespmem:$0xE660]  }
0x26b: {  	v3 =	vadd.f32 v34, v3;
	v34 =	vld [tilespmem:$0xDD60]  }
0x26c: {  	v1 =	vadd.f32 v44, v1;
	v44 =	vld [tilespmem:$0x1FEB0]  }
0x26d: {  	v15 =	vadd.f32 v28, v15;
	v28 =	vld [tilespmem:$0x1FFC0]  }
0x26e: {  	v3 =	vadd.f32 v37, v3;
	v1 =	vadd.f32 v50, v1;
	v50 =	vld [tilespmem:$0x1FEC0]  }
0x26f: {  	v15 =	vadd.f32 v30, v15;
	v30 =	vld [tilespmem:$0xE670]  }
0x270: {  	v3 =	vadd.f32 v40, v3;
	v1 =	vadd.f32 v54, v1;
	v54 =	vld [tilespmem:$0xDE60]  }
0x271: {  	v40 =	vld [tilespmem:$0xE2E0]  }
0x272: {  	v47 =	vadd.f32 v44, v2;
	v3 =	vadd.f32 v43, v3;
	v43 =	vld [tilespmem:$0x1FEA0]  }
0x273: {  	v1 =	vadd.f32 v59, v1;
	v59 =	vld [tilespmem:$0xDE70]  }
0x274: {  	v15 =	vadd.f32 v31, v15;
	v2 =	vadd.f32 v55, v47;
	v47 =	vld [tilespmem:$0xDF60]  }
0x275: {  	v34 =	vadd.f32 v36, v34;
	v55 =	vld [tilespmem:$0xE060]  }
0x276: {  	v15 =	vadd.f32 v32, v15;
	v32 =	vld [tilespmem:$0xE6E0];
	v3 =	vadd.f32 v48, v3  }
0x277: {  	v48 =	vld [tilespmem:$0xDDF0]  }
0x278: {  	v34 =	vadd.f32 v54, v34;
	v54 =	vld [tilespmem:$0xDFF0];
	v4 =	vadd.f32 v53, v3  }
0x279: {  	v53 =	vadd.f32 v51, v63;
	v63 =	vld [tilespmem:$0xDEF0]  }
0x27a: {  	v4 =	vadd.f32 v57, v4;
	v57 =	vld [tilespmem:$0x1FEF0]  }
0x27b: {  	v51 =	vld [tilespmem:$0xDFE0]  }
0x27c: {  	v44 =	vadd.f32 v48, v39;
	v48 =	vld [tilespmem:$0x1FF30]  }
0x27d: {  	v37 =	vadd.f32 v61, v4;
	v61 =	vld [tilespmem:$0xDEE0]  }
0x27e: {  	v39 =	vld [tilespmem:$0xE270];
	v4 =	vadd.f32 v43, v1  }
0x27f: {  	v1 =	vadd.f32 v60, v53;
	v53 =	vld [tilespmem:$0x1FF40];
	v41 =	vadd.f32 v58, v57  }
0x280: {  	v60 =	vld [tilespmem:$0x1FF60]  }
0x281: {  	v0 =	vadd.f32 v50, v37;
	v50 =	vld [tilespmem:$0xDF70];
	v37 =	vadd.f32 v62, v41  }
0x282: {  	v16 =	vadd.f32 v59, v44;
	v57 =	vld [tilespmem:$0x1FF50];
	v20 =	vadd.f32 v61, v34  }
0x283: {  	v43 =	vld [tilespmem:$0x1FF70];
	v37 =	vadd.f32 v48, v37  }
0x284: {  	v59 =	vld [tilespmem:$0xE0E0];
	v16 =	vadd.f32 v63, v16;
	v20 =	vadd.f32 v47, v20  }
0x285: {  	v58 =	vld [tilespmem:$0xE070];
	v37 =	vadd.f32 v53, v37  }
0x286: {  	v61 =	vld [tilespmem:$0xE0F0];
	v16 =	vadd.f32 v50, v16;
	v20 =	vadd.f32 v51, v20  }
0x287: {  	v62 =	vld [tilespmem:$0xE160];
	v36 =	vadd.f32 v57, v37  }
0x288: {  	v63 =	vld [tilespmem:$0xE170];
	v16 =	vadd.f32 v54, v16;
	v18 =	vadd.f32 v55, v20  }
0x289: {  	v34 =	vld [tilespmem:$0xE1E0];
	v36 =	vadd.f32 v60, v36  }
0x28a: {  	v16 =	vadd.f32 v58, v16;
	v37 =	vld [tilespmem:$0xE260];
	v18 =	vadd.f32 v59, v18  }
0x28b: {  	v33 =	vadd.f32 v33, v36;
	v36 =	vld [tilespmem:$0xE1F0]  }
0x28c: {  	v44 =	vld [tilespmem:$0xE370];
	v16 =	vadd.f32 v61, v16;
	v18 =	vadd.f32 v62, v18  }
0x28d: {  	v41 =	vld [tilespmem:$0xE2F0];
	v26 =	vadd.f32 v26, v33  }
0x28e: {  	v47 =	vld [tilespmem:$0xE3E0];
	v16 =	vadd.f32 v63, v16;
	v18 =	vadd.f32 v34, v18  }
0x28f: {  	v48 =	vld [tilespmem:$0xE3F0];
	v38 =	vadd.f32 v35, v26  }
0x290: {  	v50 =	vld [tilespmem:$0xE460];
	v18 =	vadd.f32 v37, v18;
	v16 =	vadd.f32 v36, v16  }
0x291: {  	v51 =	vld [tilespmem:$0x1FF80];
	v19 =	vadd.f32 v19, v38  }
0x292: {  	v53 =	vld [tilespmem:$0xE470];
	v18 =	vadd.f32 v40, v18;
	v16 =	vadd.f32 v39, v16  }
0x293: {  	v54 =	vld [tilespmem:$0xE4E0];
	v19 =	vadd.f32 v43, v19  }
0x294: {  	v55 =	vld [tilespmem:$0x1FF90];
	v18 =	vadd.f32 v42, v18;
	v16 =	vadd.f32 v41, v16  }
0x295: {  	v57 =	vld [tilespmem:$0xE4F0];
	v17 =	vadd.f32 v17, v19  }
0x296: {  	v60 =	vld [tilespmem:$0x1FFA0];
	v18 =	vadd.f32 v47, v18;
	v16 =	vadd.f32 v44, v16  }
0x297: {  	v11 =	vadd.f32 v11, v15;
	v59 =	vld [tilespmem:$0xE560];
	v17 =	vadd.f32 v51, v17  }
0x298: {  	v61 =	vld [tilespmem:$0xE570];
	v18 =	vadd.f32 v50, v18;
	v58 =	vadd.f32 v48, v16  }
0x299: {  	v10 =	vadd.f32 v10, v11;
	v63 =	vld [tilespmem:$0xE5E0];
	v17 =	vadd.f32 v55, v17  }
0x29a: {  	v3 =	vld [tilespmem:$0xE9D0];
	v18 =	vadd.f32 v54, v18;
	v62 =	vadd.f32 v53, v58  }
0x29b: {  	v8 =	vadd.f32 v8, v10;
	v33 =	vld [tilespmem:$0x1FFD0];
	v17 =	vadd.f32 v60, v17  }
0x29c: {  	v34 =	vld [tilespmem:$0xE6F0];
	v16 =	vadd.f32 v59, v18;
	v26 =	vadd.f32 v57, v62  }
0x29d: {  	v6 =	vadd.f32 v6, v8;
	v35 =	vld [tilespmem:$0xE760];
	v17 =	vadd.f32 v24, v17  }
0x29e: {  	v36 =	vld [tilespmem:$0x1FFE0];
	v15 =	vadd.f32 v63, v16;
	v31 =	vadd.f32 v61, v26  }
0x29f: {  	v6 =	vadd.f32 v29, v6;
	v37 =	vld [tilespmem:$0xE770];
	v17 =	vadd.f32 v28, v17  }
0x2a0: {  	v39 =	vld [tilespmem:$0x1FFF0];
	v11 =	vadd.f32 v27, v15;
	v8 =	vadd.f32 v25, v31  }
0x2a1: {  	v6 =	vadd.f32 v14, v6;
	v38 =	vld [tilespmem:$0xE7E0];
	v17 =	vadd.f32 v33, v17  }
0x2a2: {  	v40 =	vld [tilespmem:$0xE7F0];
	v10 =	vadd.f32 v32, v11;
	v8 =	vadd.f32 v30, v8  }
0x2a3: {  	v6 =	vadd.f32 v9, v6;
	v41 =	vld [tilespmem:$0xE860];
	v17 =	vadd.f32 v36, v17  }
0x2a4: {  	v43 =	vld [tilespmem:$0xE870];
	v10 =	vadd.f32 v35, v10;
	v8 =	vadd.f32 v34, v8  }
0x2a5: {  	v6 =	vadd.f32 v13, v6;
	v44 =	vld [tilespmem:$0xE8E0];
	v17 =	vadd.f32 v39, v17  }
0x2a6: {  	v51 =	vld [tilespmem:$0xE960];
	v10 =	vadd.f32 v38, v10;
	v8 =	vadd.f32 v37, v8  }
0x2a7: {  	v5 =	vadd.f32 v5, v6;
	v48 =	vld [tilespmem:$0xE8F0];
	v42 =	vadd.f32 v56, v17  }
0x2a8: {  	v54 =	vld [tilespmem:$0xE9E0];
	v9 =	vadd.f32 v41, v10;
	v50 =	vadd.f32 v40, v8  }
0x2a9: {  	v5 =	vadd.f32 v7, v5;
	v53 =	vld [tilespmem:$0xE970];
	v47 =	vadd.f32 v52, v42  }
0x2aa: {  	v45 =	vld [tilespmem:$0xE9C0];
	v9 =	vadd.f32 v44, v9;
	v6 =	vadd.f32 v43, v50  }
0x2ab: {  	[tilespmem:$0xFA20] =	vst v2;
	v57 =	vadd.f32 v12, v5;
	v56 =	vld [tilespmem:$0xE9F0];
	v52 =	vadd.f32 v49, v47  }
0x2ac: {  	[tilespmem:$0xFA00] =	vst v4;
	v60 =	vadd.f32 v51, v9;
	v58 =	vadd.f32 v48, v6  }
0x2ad: {  	[tilespmem:$0xFA10] =	vst v0;
	v0 =	vadd.f32 v3, v57;
	v55 =	vadd.f32 v46, v52  }
0x2ae: {  	[tilespmem:$0xFA30] =	vst v1;
	v62 =	vadd.f32 v54, v60;
	v61 =	vadd.f32 v53, v58  }
0x2af: {  	[tilespmem:$0xFA50] =	vst v0;
	v59 =	vadd.f32 v45, v55  }
0x2b0: {  	[tilespmem:$0xFA60] =	vst v62;
	v63 =	vadd.f32 v56, v61  }
0x2b1: {  	[tilespmem:$0xFA40] =	vst v59  }
0x2b2: {  	s29 =	simm.s32 $0xEA00;
	s9 =	rddreg [dreg:$0x4];
	[tilespmem:$0xFA70] =	vst v63  }
0x2b3: {  	[hbm4b:s9+s2] =	stream.linear.scatter [tilespmem:s29], [sflag:$0x3], $0x800, $0x38;
	[tilespmem:$0xFA80] =	vst v63  }
0x2b4: {  	_ =	swait.ge [sflag:s10], $0x800  }
0x2b5: {  	[sflag:s10] =	ssyncset.done $0x0  }
0x2b6: {  	s29 =	simm.s32 $0xF200;
	s9 =	rddreg [dreg:$0x5];
	[sflag:s10] =	ssyncadd.s32 $0xFFFFF800  }
0x2b7: {  	[hbm4b:s9+s2] =	stream.linear.scatter [tilespmem:s29], [sflag:$0x3], $0x800, $0x38;
	[tilespmem:$0xFA80] =	vst v63  }
0x2b8: {  	_ =	swait.ge [sflag:s10], $0x800  }
0x2b9: {  	[sflag:s10] =	ssyncset.done $0x0  }
0x2ba: {  	s9 =	simm.s32 $0xFA00;
	s8 =	rddreg [dreg:$0x6];
	[sflag:s10] =	ssyncadd.s32 $0xFFFFF800  }
0x2bb: {  	[hbm4b:s8+s2] =	stream.linear.scatter [tilespmem:s9], [sflag:$0x3], $0x80, $0x38;
	[tilespmem:$0xFA80] =	vst v63  }
0x2bc: {  	_ =	swait.ge [sflag:s10], $0x80  }
0x2bd: {  	s25 =	sadd.s32 $0x1, s25;
	s29 =	rddreg [dreg:$0x7]  }
0x2be: {  	p0 =	sne.s32 s25, s29  }
.Ltmp1:
0x2bf: {  	_ = 	snop;
	(pc) =	sbr.rel @p0 .LBB2_1-.Ltmp1, $3  }
0x2c0: {  	_ =	sdelay $0x1  }
0x2c1: {  	[sflag:s10] =	ssyncset.done $0x0  }
0x2c2: {  	[sflag:s10] =	ssyncadd.s32 $0xFFFFFF80  }
0x2c3: {  	_ =	sfence.sel $0x180000  }
0x2c4: {  	[bflag:$0x0] =	sbarrier.arrive $0xFFFF  }
0x2c5: {  	_ =	strace $0x90000047  }
0x2c6: {  	s0 =	stileid.u32;
	[bflag:$0x2] =	sbarrier.arrive $0xFFFF  }
0x2c7: {  	p0 =	sne.s32 s0, $0x0;
	s0 =	rddreg [dreg:$0x2]  }
0x2c8: {  	s0 =	sadd.s32 @!p0 $0x100000, s0  }
0x2c9: {  	[sflag:s0] =	ssyncadd.tile.s32 @!p0 $0x1;
	_ =	shalt  }
.Lfunc_end2:
_tile_overlayer_lowered:
.L_overlay_start_2:
0x2ca: {  	(tag) =	ssettag $0x2  }
0x2cb: {  	s0 =	rddreg [dreg:$0x0];
	s2 =	stileid.u32  }
0x2cc: {  	s1 =	rddreg [dreg:$0x1];
	p0 =	sne.s32 s2, $0x0  }
0x2cd: {  	s3 =	rddreg [dreg:$0x2];
	[bflag:$0x3] =	sbarrier.arrive $0xFFFF;
	s2 =	simm.s32 @!p0 $0x1C03  }
0x2ce: {  	[timem:s3], [sflag:s2] =	dma.local @!p0 [hbm:s0], s1  }
0x2cf: {  	s0 =	simm.s32 @!p0 $0x3  }
0x2d0: {  	_ =	swait.ge @!p0 [sflag:s0], s1  }
0x2d1: {  	s1 =	ssub.s32 @!p0 $0x0, s1;
	[sflag:s0] =	ssyncset.done @!p0 $0x0  }
0x2d2: {  	[sflag:s0] =	ssyncadd.s32 @!p0 s1  }
0x2d3: {  	[bflag:$0x3] =	sbarrier.arrive $0xFFFF  }
0x2d4: {  	_ =	shalt  }

</sc_bundles>
